<compile_context>
chip_gen: v7x
topology: tpu7x:2x2x1
jax: 0.10.2.dev20260603
libtpu: 0.0.44.dev20260713+nightly
codegen_flags: <defaults>
</compile_context>

<pallas_src>
import functools
import math

import jax
import jax.numpy as jnp
from jax import lax
from jax.experimental import pallas as pl
from jax.experimental.pallas import tpu as pltpu
from jax.experimental.pallas import tpu_sc as plsc

BE = 3200
KC = 256
NC = 2
NS = 16
NW = NC * NS
ZR = 80


def _p1_body(hV_ref, Ws_ref, b1_ref, Wdw_ref, U_ref, Wd_ref):
    hV = hV_ref[...]
    U_ref[...] = (
        jnp.dot(hV, Ws_ref[...], preferred_element_type=jnp.float32) + b1_ref[...])
    Wd_ref[...] = jnp.dot(hV, Wdw_ref[...], preferred_element_type=jnp.float32)


def _p3_body(hE_ref, G_ref, B1e_ref, B2_ref, b2_ref, B3p_ref,
             b3p_ref, Wv_ref, bv_ref, S_ref, eexp_ref, ev_ref):
    hE = hE_ref[...]
    G = G_ref[...].reshape(hE.shape[0], hE.shape[1])
    t = jnp.maximum(
        G + jnp.dot(hE, B1e_ref[...], preferred_element_type=jnp.float32),
        0.0)
    t = jnp.maximum(
        jnp.dot(t, B2_ref[...], preferred_element_type=jnp.float32) + b2_ref[...],
        0.0)
    l8 = jax.lax.dot_general(
        B3p_ref[...], t, (((0,), (1,)), ((), ())),
        preferred_element_type=jnp.float32) + b3p_ref[...]
    e8 = jnp.exp(l8)
    eexp = jax.lax.dot_general(
        e8, S_ref[...], (((0,), (0,)), ((), ())),
        preferred_element_type=jnp.float32)
    eexp_ref[...] = eexp
    x = jnp.dot(hE, Wv_ref[...], preferred_element_type=jnp.float32) + bv_ref[...]
    V = x * 0.5 * (1.0 + jax.lax.erf(x * (1.0 / math.sqrt(2.0))))
    ev_ref[...] = V * eexp


def _p5_body(num_ref, sexp_ref, hV_ref, Wo_ref, gw_ref, gb_ref, out_ref):
    hv = num_ref[...] / (sexp_ref[...] + 1e-30)
    gate = jax.nn.sigmoid(
        jnp.dot(hv, gw_ref[...], preferred_element_type=jnp.float32) + gb_ref[...])
    out_ref[...] = hV_ref[...] + jnp.dot(
        hv, Wo_ref[...], preferred_element_type=jnp.float32) * gate


def _make_p2(E, N, H):
    mesh = plsc.VectorSubcoreMesh(
        core_axis_name="c", subcore_axis_name="s", num_cores=NC, num_subcores=NS)
    nchunk = E // KC
    iters = (nchunk + NW - 1) // NW
    nv = KC * H // 16

    @functools.partial(
        pl.kernel, mesh=mesh,
        out_type=jax.ShapeDtypeStruct((E * H,), jnp.float32),
        scratch_types=[
            pltpu.VMEM((KC,), jnp.int32),
            pltpu.VMEM((KC,), jnp.int32),
            pltpu.VMEM((KC, H), jnp.float32),
            pltpu.VMEM((KC, H), jnp.float32),
            pltpu.VMEM((KC * H,), jnp.float32),
            pltpu.SemaphoreType.DMA,
            pltpu.SemaphoreType.DMA,
        ])
    def p2(U_hbm, Wd_hbm, src_hbm, dst_hbm, G_hbm, sidx, didx,
           bufU, bufW, bufS, sem1, sem2):
        wid = lax.axis_index("s") * NC + lax.axis_index("c")

        def chunk_body(i, carry):
            cid = wid + i * NW

            @pl.when(cid < nchunk)
            def _():
                base = pl.multiple_of(cid * KC, 8)
                pltpu.sync_copy(src_hbm.at[pl.ds(base, KC)], sidx)
                pltpu.sync_copy(dst_hbm.at[pl.ds(base, KC)], didx)
                c1 = pltpu.async_copy(U_hbm.at[sidx], bufU, sem1)
                c2 = pltpu.async_copy(Wd_hbm.at[didx], bufW, sem2)
                c1.wait()
                c2.wait()

                def add_body(k, _):
                    ro = pl.multiple_of(k * H, 16)
                    for m in range(H // 16):
                        sl = pl.ds(m * 16, 16)
                        bufS[pl.ds(ro + m * 16, 16)] = bufU[k, sl] + bufW[k, sl]
                    return 0

                lax.fori_loop(0, KC, add_body, 0)
                pltpu.sync_copy(
                    bufS, G_hbm.at[pl.ds(pl.multiple_of(base * H, 8), KC * H)])

            return carry

        lax.fori_loop(0, iters, chunk_body, 0)

    return p2


def _make_p4(E, N, H, resume):
    mesh = plsc.VectorSubcoreMesh(
        core_axis_name="c", subcore_axis_name="s", num_cores=NC, num_subcores=NS)
    K4 = next(k for k in (320, KC) if E % k == 0)
    nchunk = E // K4
    iters = (nchunk + NS - 1) // NS
    nzch = N // ZR
    ziters = (nzch + NS - 1) // NS

    @functools.partial(
        pl.kernel, mesh=mesh,
        out_type=(jax.ShapeDtypeStruct((N, H), jnp.float32),
                  jax.ShapeDtypeStruct((N, H), jnp.float32)),
        scratch_types=[
            pltpu.VMEM((K4,), jnp.int32),
            pltpu.VMEM((K4, H), jnp.float32),
            pltpu.VMEM_SHARED((N, H), jnp.float32),
        ])
    def p4(ev_hbm, eexp_hbm, src_hbm, init0_hbm, init1_hbm, num_hbm, sexp_hbm,
           sidx, vbuf, sh):
        c = lax.axis_index("c")
        t = lax.axis_index("s")

        if not resume:
            pltpu.sync_copy(init0_hbm.at[pl.ds(0, KC)], vbuf.at[pl.ds(0, KC)])
        for q in range(ziters):
            zid = t + q * NS

            @pl.when(zid < nzch)
            def _():
                r0 = pl.multiple_of(zid * ZR, 8)
                if resume:
                    @pl.when(c == 0)
                    def _():
                        pltpu.sync_copy(init0_hbm.at[pl.ds(r0, ZR)],
                                        vbuf.at[pl.ds(0, ZR)])

                    @pl.when(c == 1)
                    def _():
                        pltpu.sync_copy(init1_hbm.at[pl.ds(r0, ZR)],
                                        vbuf.at[pl.ds(0, ZR)])

                pltpu.sync_copy(vbuf.at[pl.ds(0, ZR)], sh.at[pl.ds(r0, ZR)])

        plsc.subcore_barrier()

        def chunk_body(i, carry):
            cid = t + i * NS

            @pl.when(cid < nchunk)
            def _():
                base = pl.multiple_of(cid * K4, 8)
                pltpu.sync_copy(src_hbm.at[pl.ds(base, K4)], sidx)

                @pl.when(c == 0)
                def _():
                    pltpu.sync_copy(ev_hbm.at[pl.ds(base, K4)], vbuf)

                @pl.when(c == 1)
                def _():
                    pltpu.sync_copy(eexp_hbm.at[pl.ds(base, K4)], vbuf)

                pltpu.sync_copy(vbuf, sh.at[sidx], add=True)

            return carry

        lax.fori_loop(0, iters, chunk_body, 0)
        plsc.subcore_barrier()

        for q in range(ziters):
            zid = t + q * NS

            @pl.when(zid < nzch)
            def _():
                r0 = pl.multiple_of(zid * ZR, 8)
                pltpu.sync_copy(sh.at[pl.ds(r0, ZR)], vbuf.at[pl.ds(0, ZR)])

                @pl.when(c == 0)
                def _():
                    pltpu.sync_copy(vbuf.at[pl.ds(0, ZR)],
                                    num_hbm.at[pl.ds(r0, ZR)])

                @pl.when(c == 1)
                def _():
                    pltpu.sync_copy(vbuf.at[pl.ds(0, ZR)],
                                    sexp_hbm.at[pl.ds(r0, ZR)])

    return p4


def kernel(h_V, h_E, edge_idx, Wv_w, Wv_b, B1_w, B1_b, B2_w, B2_b, B3_w,
           B3_b, Wo_w, gate_w, gate_b):
    N, NUM_V = h_V.shape
    E, NUM_E = h_E.shape
    H = Wv_w.shape[1]
    NH = B3_w.shape[1]
    D = H // NH
    scale = 1.0 / math.sqrt(D)

    src = edge_idx[0]
    dst = edge_idx[1]

    B3p = jnp.pad(B3_w * scale, ((0, 0), (0, 8 - NH)))
    b3p = jnp.concatenate([B3_b * scale, jnp.full((8 - NH,), -1e30, jnp.float32)])
    b3p = b3p.reshape(8, 1)
    S = jnp.repeat(jnp.eye(NH, dtype=jnp.float32), D, axis=1)
    S = jnp.pad(S, ((0, 8 - NH), (0, 0)))

    U, Wd = pl.pallas_call(
        _p1_body,
        out_shape=[jax.ShapeDtypeStruct((N, H), jnp.float32),
                   jax.ShapeDtypeStruct((N, H), jnp.float32)],
    )(h_V, B1_w[:NUM_V], B1_b.reshape(1, H), B1_w[NUM_V + NUM_E:])

    B1e = B1_w[NUM_V:NUM_V + NUM_E]
    weights = (B1e, B2_w, B2_b.reshape(1, H), B3p, b3p, Wv_w,
               Wv_b.reshape(1, H), S)

    def p3_call(G, off, nblk_i):
        Ei = nblk_i * BE
        return pl.pallas_call(
            _p3_body,
            grid=(nblk_i,),
            in_specs=[
                pl.BlockSpec((BE, NUM_E), lambda i: (i + off, 0)),
                pl.BlockSpec((BE * H,), lambda i: (i,)),
                pl.BlockSpec((NUM_E, H), lambda i: (0, 0)),
                pl.BlockSpec((H, H), lambda i: (0, 0)),
                pl.BlockSpec((1, H), lambda i: (0, 0)),
                pl.BlockSpec((H, 8), lambda i: (0, 0)),
                pl.BlockSpec((8, 1), lambda i: (0, 0)),
                pl.BlockSpec((NUM_E, H), lambda i: (0, 0)),
                pl.BlockSpec((1, H), lambda i: (0, 0)),
                pl.BlockSpec((8, H), lambda i: (0, 0)),
            ],
            out_specs=[
                pl.BlockSpec((BE, H), lambda i: (i, 0)),
                pl.BlockSpec((BE, H), lambda i: (i, 0)),
            ],
            out_shape=[
                jax.ShapeDtypeStruct((Ei, H), jnp.float32),
                jax.ShapeDtypeStruct((Ei, H), jnp.float32),
            ],
        )(h_E, G, *weights)

    nblk = E // BE
    nb_splits = [nblk // 2, nblk - nblk // 2]
    zero_blk = jnp.zeros((KC, H), jnp.float32)

    p2_cache, p4_cache = {}, {}
    Gflats, spans = [], []
    off = 0
    for nb in nb_splits:
        Ei = nb * BE
        e0 = off * BE
        spans.append((e0, Ei, nb, off))
        if Ei not in p2_cache:
            p2_cache[Ei] = _make_p2(Ei, N, H)
        Gflats.append(p2_cache[Ei](U, Wd, src[e0:e0 + Ei], dst[e0:e0 + Ei]))
        off += nb

    evs = [p3_call(G_i, off_i, nb_i)
           for G_i, (_, _, nb_i, off_i) in zip(Gflats, spans)]

    num = sexp = None
    for i, ((e0, Ei, _, _), (eexp_i, ev_i)) in enumerate(zip(spans, evs)):
        resume = i > 0
        key = (Ei, resume)
        if key not in p4_cache:
            p4_cache[key] = _make_p4(Ei, N, H, resume=resume)
        init0 = zero_blk if not resume else num
        init1 = zero_blk if not resume else sexp
        num, sexp = p4_cache[key](ev_i, eexp_i, src[e0:e0 + Ei], init0, init1)

    out = pl.pallas_call(
        _p5_body,
        out_shape=jax.ShapeDtypeStruct((N, NUM_V), jnp.float32),
    )(num, sexp, h_V, Wo_w, gate_w, gate_b.reshape(1, NUM_V))
    return out

# --- scband reference (transcript-rebuilt; emitter-appended) ---
"""Pipeline reference for scband-pi-fold-attn-15496242004734 (READ-ONLY COPY).

The authoritative reference and input builder live on the scoring server;
editing this copy changes nothing except your own understanding.
"""

import jax, jax.numpy as jnp
import numpy as np

N = 10000
E = 320000
H = 128
NUM_V = 128
NUM_E = 128
NH = 4
D = H // NH


def _linear_params(key, fan_in, fan_out, bias=True):
    k1, k2 = jax.random.split(key)
    W = jax.random.normal(k1, (fan_in, fan_out), dtype=jnp.float32) / np.sqrt(fan_in)
    if bias:
        b = jax.random.normal(k2, (fan_out,), dtype=jnp.float32) * 0.01
        return W, b
    return W, None


def setup_inputs(seed: int = 0) -> dict:
    key = jax.random.key(seed)
    ks = jax.random.split(key, 12)
    inp = {}
    inp['h_V'] = jax.random.normal(ks[0], (N, NUM_V), dtype=jnp.float32)
    inp['h_E'] = jax.random.normal(ks[1], (E, NUM_E), dtype=jnp.float32)
    inp['edge_idx'] = jax.random.randint(ks[2], (2, E), 0, N, dtype=jnp.int32)
    Wv_w, Wv_b = _linear_params(ks[3], NUM_E, H)
    B1_w, B1_b = _linear_params(ks[4], 2 * NUM_V + NUM_E, H)
    B2_w, B2_b = _linear_params(ks[5], H, H)
    B3_w, B3_b = _linear_params(ks[6], H, NH)
    Wo_w, _ = _linear_params(ks[7], H, NUM_V, bias=False)
    gate_w, gate_b = _linear_params(ks[8], H, NUM_V)
    inp.update(dict(Wv_w=Wv_w, Wv_b=Wv_b, B1_w=B1_w, B1_b=B1_b, B2_w=B2_w, B2_b=B2_b, B3_w=B3_w, B3_b=B3_b, Wo_w=Wo_w, gate_w=gate_w, gate_b=gate_b))
    return inp


def reference(h_V, h_E, edge_idx, Wv_w, Wv_b, B1_w, B1_b, B2_w, B2_b, B3_w, B3_b, Wo_w, gate_w, gate_b):
    src = edge_idx[0]
    dst = edge_idx[1]
    h_V_skip = h_V
    Ecnt = h_E.shape[0]
    num_nodes = h_V.shape[0]
    # Bias MLP over concatenated edge features (gather on src/dst)
    feats = jnp.concatenate([h_V[src], h_E, h_V[dst]], axis=-1)
    w = jax.nn.relu(feats @ B1_w + B1_b)
    w = jax.nn.relu(w @ B2_w + B2_b)
    w = (w @ B3_w + B3_b).reshape(Ecnt, NH, 1)
    attend_logits = w / np.sqrt(D)
    # Values from edge features
    V = jax.nn.gelu(h_E @ Wv_w + Wv_b, approximate=False).reshape(-1, NH, D)
    # scatter_softmax over src index
    m = jax.ops.segment_max(attend_logits, src, num_segments=num_nodes)
    ex = jnp.exp(attend_logits - m[src])
    s = jax.ops.segment_sum(ex, src, num_segments=num_nodes)
    attend = ex / (s[src] + 1e-16)
    # scatter_sum of attend * V
    hv = jax.ops.segment_sum(attend * V, src, num_segments=num_nodes).reshape(num_nodes, -1)
    h_V_gate = jax.nn.sigmoid(hv @ gate_w + gate_b)
    dh = (hv @ Wo_w) * h_V_gate
    return h_V_skip + dh

if __name__ == "__main__":
    import jax
    _d = setup_inputs()
    print(jax.jit(kernel)(*tuple(_d.values())))

</pallas_src>

<mosaic_0001>
#map = affine_map<(d0, d1) -> (0, 0)>
#map1 = affine_map<(d0, d1) -> (0)>
module attributes {stable_mosaic.version = 14 : i64} {
  func.func @p4(%arg0: i32, %arg1: i32, %arg2: memref<160000x128xf32, #tpu.memory_space<hbm>>, %arg3: memref<160000x128xf32, #tpu.memory_space<hbm>>, %arg4: memref<160000xi32, #tpu.memory_space<hbm>>, %arg5: memref<10000x128xf32, #tpu.memory_space<hbm>>, %arg6: memref<10000x128xf32, #tpu.memory_space<hbm>>, %arg7: memref<10000x128xf32, #tpu.memory_space<hbm>>, %arg8: memref<10000x128xf32, #tpu.memory_space<hbm>>, %arg9: memref<320xi32, #tpu.memory_space<vmem>>, %arg10: memref<320x128xf32, #tpu.memory_space<vmem>>, %arg11: memref<10000x128xf32, #tpu.memory_space<vmem_shared>>) attributes {dimension_semantics = [#tpu.dimension_semantics<core_parallel>, #tpu.dimension_semantics<subcore_parallel>], iteration_bounds = array<i64: 2, 16>, scalar_prefetch = 0 : i64, scratch_operands = 3 : i64, tpu.core_type = #tpu.core_type<sc_vector_subcore>, window_params = [{transform_indices = #map}, {transform_indices = #map}, {transform_indices = #map1}, {transform_indices = #map}, {transform_indices = #map}, {transform_indices = #map}, {transform_indices = #map}]} {
    %add3A = arith.constant 0 : i32
    %add3A_0 = arith.addi %arg1, %add3A : i32
    %lt3A = arith.constant 125 : i32
    %lt3A_1 = arith.cmpi slt, %add3A_0, %lt3A : i32
    %convert_element_type3A = arith.extui %lt3A_1 : i1 to i32
    %cond3A = arith.constant 0 : i32
    %cond3A_2 = arith.cmpi ne, %convert_element_type3A, %cond3A : i32
    scf.if %cond3A_2 {
      %mul3A = arith.constant 80 : i32
      %mul3A_114 = arith.muli %add3A_0, %mul3A : i32
      %multiple_of3A = tpu.assume_multiple %mul3A_114, 8 : i32
      %eq3A = arith.constant 0 : i32
      %eq3A_115 = arith.cmpi eq, %arg0, %eq3A : i32
      %convert_element_type3A_116 = arith.extui %eq3A_115 : i1 to i32
      %cond3A_117 = arith.constant 0 : i32
      %cond3A_118 = arith.cmpi ne, %convert_element_type3A_116, %cond3A_117 : i32
      scf.if %cond3A_118 {
        "tpu.region"() ({
          %run_scoped3A = tpu.sem_alloc : memref<!tpu.dma_semaphore, #tpu.memory_space<semaphore_mem>>
          %dma_start3A = arith.constant 0 : i32
          %dma_start3A_124 = arith.constant 0 : i32
          %dma_start3A_125 = tpu.memref_slice %arg10[%dma_start3A, %dma_start3A_124] : memref<320x128xf32, #tpu.memory_space<vmem>> -> memref<80x128xf32, #tpu.memory_space<vmem>>
          %dma_start3A_126 = arith.constant 0 : i32
          %dma_start3A_127 = tpu.memref_slice %arg5[%multiple_of3A, %dma_start3A_126] : memref<10000x128xf32, #tpu.memory_space<hbm>> -> memref<80x128xf32, #tpu.memory_space<hbm>>
          %dma_start3A_128 = arith.constant 0 : i32
          %dma_start3A_129 = arith.constant 0 : i32
          %dma_start3A_130 = tpu.memref_slice %arg10[%dma_start3A_128, %dma_start3A_129] : memref<320x128xf32, #tpu.memory_space<vmem>> -> memref<80x128xf32, #tpu.memory_space<vmem>>
          %dma_start3A_131 = arith.constant 0 : i32
          %dma_start3A_132 = tpu.memref_slice %arg5[%multiple_of3A, %dma_start3A_131] : memref<10000x128xf32, #tpu.memory_space<hbm>> -> memref<80x128xf32, #tpu.memory_space<hbm>>
          tpu.enqueue_dma source(%dma_start3A_132 : memref<80x128xf32, #tpu.memory_space<hbm>>) target(%dma_start3A_130 : memref<80x128xf32, #tpu.memory_space<vmem>>) target_semaphore(%run_scoped3A : memref<!tpu.dma_semaphore, #tpu.memory_space<semaphore_mem>>)
          %dma_wait3A = arith.constant 0 : i32
          %dma_wait3A_133 = arith.constant 0 : i32
          %dma_wait3A_134 = tpu.memref_slice %arg10[%dma_wait3A, %dma_wait3A_133] : memref<320x128xf32, #tpu.memory_space<vmem>> -> memref<80x128xf32, #tpu.memory_space<vmem>>
          %dma_wait3A_135 = arith.constant 0 : i32
          %dma_wait3A_136 = tpu.memref_slice %arg5[%multiple_of3A, %dma_wait3A_135] : memref<10000x128xf32, #tpu.memory_space<hbm>> -> memref<80x128xf32, #tpu.memory_space<hbm>>
          %dma_wait3A_137 = arith.constant 0 : i32
          %dma_wait3A_138 = arith.constant 0 : i32
          %dma_wait3A_139 = tpu.memref_slice %arg10[%dma_wait3A_137, %dma_wait3A_138] : memref<320x128xf32, #tpu.memory_space<vmem>> -> memref<80x128xf32, #tpu.memory_space<vmem>>
          %dma_wait3A_140 = arith.constant 0 : i32
          %dma_wait3A_141 = tpu.memref_slice %arg5[%multiple_of3A, %dma_wait3A_140] : memref<10000x128xf32, #tpu.memory_space<hbm>> -> memref<80x128xf32, #tpu.memory_space<hbm>>
          tpu.wait_dma2 semaphore(%run_scoped3A : memref<!tpu.dma_semaphore, #tpu.memory_space<semaphore_mem>>) src(%dma_wait3A_141 : memref<80x128xf32, #tpu.memory_space<hbm>>) dst(%dma_wait3A_139 : memref<80x128xf32, #tpu.memory_space<vmem>>)
          tpu.yield
        }) : () -> ()
      } else {
      }
      %eq3A_119 = arith.constant 1 : i32
      %eq3A_120 = arith.cmpi eq, %arg0, %eq3A_119 : i32
      %convert_element_type3A_121 = arith.extui %eq3A_120 : i1 to i32
      %cond3A_122 = arith.constant 0 : i32
      %cond3A_123 = arith.cmpi ne, %convert_element_type3A_121, %cond3A_122 : i32
      scf.if %cond3A_123 {
        "tpu.region"() ({
          %run_scoped3A = tpu.sem_alloc : memref<!tpu.dma_semaphore, #tpu.memory_space<semaphore_mem>>
          %dma_start3A = arith.constant 0 : i32
          %dma_start3A_124 = arith.constant 0 : i32
          %dma_start3A_125 = tpu.memref_slice %arg10[%dma_start3A, %dma_start3A_124] : memref<320x128xf32, #tpu.memory_space<vmem>> -> memref<80x128xf32, #tpu.memory_space<vmem>>
          %dma_start3A_126 = arith.constant 0 : i32
          %dma_start3A_127 = tpu.memref_slice %arg6[%multiple_of3A, %dma_start3A_126] : memref<10000x128xf32, #tpu.memory_space<hbm>> -> memref<80x128xf32, #tpu.memory_space<hbm>>
          %dma_start3A_128 = arith.constant 0 : i32
          %dma_start3A_129 = arith.constant 0 : i32
          %dma_start3A_130 = tpu.memref_slice %arg10[%dma_start3A_128, %dma_start3A_129] : memref<320x128xf32, #tpu.memory_space<vmem>> -> memref<80x128xf32, #tpu.memory_space<vmem>>
          %dma_start3A_131 = arith.constant 0 : i32
          %dma_start3A_132 = tpu.memref_slice %arg6[%multiple_of3A, %dma_start3A_131] : memref<10000x128xf32, #tpu.memory_space<hbm>> -> memref<80x128xf32, #tpu.memory_space<hbm>>
          tpu.enqueue_dma source(%dma_start3A_132 : memref<80x128xf32, #tpu.memory_space<hbm>>) target(%dma_start3A_130 : memref<80x128xf32, #tpu.memory_space<vmem>>) target_semaphore(%run_scoped3A : memref<!tpu.dma_semaphore, #tpu.memory_space<semaphore_mem>>)
          %dma_wait3A = arith.constant 0 : i32
          %dma_wait3A_133 = arith.constant 0 : i32
          %dma_wait3A_134 = tpu.memref_slice %arg10[%dma_wait3A, %dma_wait3A_133] : memref<320x128xf32, #tpu.memory_space<vmem>> -> memref<80x128xf32, #tpu.memory_space<vmem>>
          %dma_wait3A_135 = arith.constant 0 : i32
          %dma_wait3A_136 = tpu.memref_slice %arg6[%multiple_of3A, %dma_wait3A_135] : memref<10000x128xf32, #tpu.memory_space<hbm>> -> memref<80x128xf32, #tpu.memory_space<hbm>>
          %dma_wait3A_137 = arith.constant 0 : i32
          %dma_wait3A_138 = arith.constant 0 : i32
          %dma_wait3A_139 = tpu.memref_slice %arg10[%dma_wait3A_137, %dma_wait3A_138] : memref<320x128xf32, #tpu.memory_space<vmem>> -> memref<80x128xf32, #tpu.memory_space<vmem>>
          %dma_wait3A_140 = arith.constant 0 : i32
          %dma_wait3A_141 = tpu.memref_slice %arg6[%multiple_of3A, %dma_wait3A_140] : memref<10000x128xf32, #tpu.memory_space<hbm>> -> memref<80x128xf32, #tpu.memory_space<hbm>>
          tpu.wait_dma2 semaphore(%run_scoped3A : memref<!tpu.dma_semaphore, #tpu.memory_space<semaphore_mem>>) src(%dma_wait3A_141 : memref<80x128xf32, #tpu.memory_space<hbm>>) dst(%dma_wait3A_139 : memref<80x128xf32, #tpu.memory_space<vmem>>)
          tpu.yield
        }) : () -> ()
      } else {
      }
      "tpu.region"() ({
        %run_scoped3A = tpu.sem_alloc : memref<!tpu.dma_semaphore, #tpu.memory_space<semaphore_mem>>
        %dma_start3A = arith.constant 0 : i32
        %dma_start3A_124 = arith.constant 0 : i32
        %dma_start3A_125 = tpu.memref_slice %arg10[%dma_start3A, %dma_start3A_124] : memref<320x128xf32, #tpu.memory_space<vmem>> -> memref<80x128xf32, #tpu.memory_space<vmem>>
        %dma_start3A_126 = arith.constant 0 : i32
        %dma_start3A_127 = tpu.memref_slice %arg11[%multiple_of3A, %dma_start3A_126] : memref<10000x128xf32, #tpu.memory_space<vmem_shared>> -> memref<80x128xf32, #tpu.memory_space<vmem_shared>>
        %dma_start3A_128 = arith.constant 0 : i32
        %dma_start3A_129 = tpu.memref_slice %arg11[%multiple_of3A, %dma_start3A_128] : memref<10000x128xf32, #tpu.memory_space<vmem_shared>> -> memref<80x128xf32, #tpu.memory_space<vmem_shared>>
        %dma_start3A_130 = arith.constant 0 : i32
        %dma_start3A_131 = arith.constant 0 : i32
        %dma_start3A_132 = tpu.memref_slice %arg10[%dma_start3A_130, %dma_start3A_131] : memref<320x128xf32, #tpu.memory_space<vmem>> -> memref<80x128xf32, #tpu.memory_space<vmem>>
        tpu.enqueue_dma source(%dma_start3A_132 : memref<80x128xf32, #tpu.memory_space<vmem>>) target(%dma_start3A_129 : memref<80x128xf32, #tpu.memory_space<vmem_shared>>) target_semaphore(%run_scoped3A : memref<!tpu.dma_semaphore, #tpu.memory_space<semaphore_mem>>)
        %dma_wait3A = arith.constant 0 : i32
        %dma_wait3A_133 = arith.constant 0 : i32
        %dma_wait3A_134 = tpu.memref_slice %arg10[%dma_wait3A, %dma_wait3A_133] : memref<320x128xf32, #tpu.memory_space<vmem>> -> memref<80x128xf32, #tpu.memory_space<vmem>>
        %dma_wait3A_135 = arith.constant 0 : i32
        %dma_wait3A_136 = tpu.memref_slice %arg11[%multiple_of3A, %dma_wait3A_135] : memref<10000x128xf32, #tpu.memory_space<vmem_shared>> -> memref<80x128xf32, #tpu.memory_space<vmem_shared>>
        %dma_wait3A_137 = arith.constant 0 : i32
        %dma_wait3A_138 = tpu.memref_slice %arg11[%multiple_of3A, %dma_wait3A_137] : memref<10000x128xf32, #tpu.memory_space<vmem_shared>> -> memref<80x128xf32, #tpu.memory_space<vmem_shared>>
        %dma_wait3A_139 = arith.constant 0 : i32
        %dma_wait3A_140 = arith.constant 0 : i32
        %dma_wait3A_141 = tpu.memref_slice %arg10[%dma_wait3A_139, %dma_wait3A_140] : memref<320x128xf32, #tpu.memory_space<vmem>> -> memref<80x128xf32, #tpu.memory_space<vmem>>
        tpu.wait_dma2 semaphore(%run_scoped3A : memref<!tpu.dma_semaphore, #tpu.memory_space<semaphore_mem>>) src(%dma_wait3A_141 : memref<80x128xf32, #tpu.memory_space<vmem>>) dst(%dma_wait3A_138 : memref<80x128xf32, #tpu.memory_space<vmem_shared>>)
        tpu.yield
      }) : () -> ()
    } else {
    }
    %add3A_3 = arith.constant 16 : i32
    %add3A_4 = arith.addi %arg1, %add3A_3 : i32
    %lt3A_5 = arith.constant 125 : i32
    %lt3A_6 = arith.cmpi slt, %add3A_4, %lt3A_5 : i32
    %convert_element_type3A_7 = arith.extui %lt3A_6 : i1 to i32
    %cond3A_8 = arith.constant 0 : i32
    %cond3A_9 = arith.cmpi ne, %convert_element_type3A_7, %cond3A_8 : i32
    scf.if %cond3A_9 {
      %mul3A = arith.constant 80 : i32
      %mul3A_114 = arith.muli %add3A_4, %mul3A : i32
      %multiple_of3A = tpu.assume_multiple %mul3A_114, 8 : i32
      %eq3A = arith.constant 0 : i32
      %eq3A_115 = arith.cmpi eq, %arg0, %eq3A : i32
      %convert_element_type3A_116 = arith.extui %eq3A_115 : i1 to i32
      %cond3A_117 = arith.constant 0 : i32
      %cond3A_118 = arith.cmpi ne, %convert_element_type3A_116, %cond3A_117 : i32
      scf.if %cond3A_118 {
        "tpu.region"() ({
          %run_scoped3A = tpu.sem_alloc : memref<!tpu.dma_semaphore, #tpu.memory_space<semaphore_mem>>
          %dma_start3A = arith.constant 0 : i32
          %dma_start3A_124 = arith.constant 0 : i32
          %dma_start3A_125 = tpu.memref_slice %arg10[%dma_start3A, %dma_start3A_124] : memref<320x128xf32, #tpu.memory_space<vmem>> -> memref<80x128xf32, #tpu.memory_space<vmem>>
          %dma_start3A_126 = arith.constant 0 : i32
          %dma_start3A_127 = tpu.memref_slice %arg5[%multiple_of3A, %dma_start3A_126] : memref<10000x128xf32, #tpu.memory_space<hbm>> -> memref<80x128xf32, #tpu.memory_space<hbm>>
          %dma_start3A_128 = arith.constant 0 : i32
          %dma_start3A_129 = arith.constant 0 : i32
          %dma_start3A_130 = tpu.memref_slice %arg10[%dma_start3A_128, %dma_start3A_129] : memref<320x128xf32, #tpu.memory_space<vmem>> -> memref<80x128xf32, #tpu.memory_space<vmem>>
          %dma_start3A_131 = arith.constant 0 : i32
          %dma_start3A_132 = tpu.memref_slice %arg5[%multiple_of3A, %dma_start3A_131] : memref<10000x128xf32, #tpu.memory_space<hbm>> -> memref<80x128xf32, #tpu.memory_space<hbm>>
          tpu.enqueue_dma source(%dma_start3A_132 : memref<80x128xf32, #tpu.memory_space<hbm>>) target(%dma_start3A_130 : memref<80x128xf32, #tpu.memory_space<vmem>>) target_semaphore(%run_scoped3A : memref<!tpu.dma_semaphore, #tpu.memory_space<semaphore_mem>>)
          %dma_wait3A = arith.constant 0 : i32
          %dma_wait3A_133 = arith.constant 0 : i32
          %dma_wait3A_134 = tpu.memref_slice %arg10[%dma_wait3A, %dma_wait3A_133] : memref<320x128xf32, #tpu.memory_space<vmem>> -> memref<80x128xf32, #tpu.memory_space<vmem>>
          %dma_wait3A_135 = arith.constant 0 : i32
          %dma_wait3A_136 = tpu.memref_slice %arg5[%multiple_of3A, %dma_wait3A_135] : memref<10000x128xf32, #tpu.memory_space<hbm>> -> memref<80x128xf32, #tpu.memory_space<hbm>>
          %dma_wait3A_137 = arith.constant 0 : i32
          %dma_wait3A_138 = arith.constant 0 : i32
          %dma_wait3A_139 = tpu.memref_slice %arg10[%dma_wait3A_137, %dma_wait3A_138] : memref<320x128xf32, #tpu.memory_space<vmem>> -> memref<80x128xf32, #tpu.memory_space<vmem>>
          %dma_wait3A_140 = arith.constant 0 : i32
          %dma_wait3A_141 = tpu.memref_slice %arg5[%multiple_of3A, %dma_wait3A_140] : memref<10000x128xf32, #tpu.memory_space<hbm>> -> memref<80x128xf32, #tpu.memory_space<hbm>>
          tpu.wait_dma2 semaphore(%run_scoped3A : memref<!tpu.dma_semaphore, #tpu.memory_space<semaphore_mem>>) src(%dma_wait3A_141 : memref<80x128xf32, #tpu.memory_space<hbm>>) dst(%dma_wait3A_139 : memref<80x128xf32, #tpu.memory_space<vmem>>)
          tpu.yield
        }) : () -> ()
      } else {
      }
      %eq3A_119 = arith.constant 1 : i32
      %eq3A_120 = arith.cmpi eq, %arg0, %eq3A_119 : i32
      %convert_element_type3A_121 = arith.extui %eq3A_120 : i1 to i32
      %cond3A_122 = arith.constant 0 : i32
      %cond3A_123 = arith.cmpi ne, %convert_element_type3A_121, %cond3A_122 : i32
      scf.if %cond3A_123 {
        "tpu.region"() ({
          %run_scoped3A = tpu.sem_alloc : memref<!tpu.dma_semaphore, #tpu.memory_space<semaphore_mem>>
          %dma_start3A = arith.constant 0 : i32
          %dma_start3A_124 = arith.constant 0 : i32
          %dma_start3A_125 = tpu.memref_slice %arg10[%dma_start3A, %dma_start3A_124] : memref<320x128xf32, #tpu.memory_space<vmem>> -> memref<80x128xf32, #tpu.memory_space<vmem>>
          %dma_start3A_126 = arith.constant 0 : i32
          %dma_start3A_127 = tpu.memref_slice %arg6[%multiple_of3A, %dma_start3A_126] : memref<10000x128xf32, #tpu.memory_space<hbm>> -> memref<80x128xf32, #tpu.memory_space<hbm>>
          %dma_start3A_128 = arith.constant 0 : i32
          %dma_start3A_129 = arith.constant 0 : i32
          %dma_start3A_130 = tpu.memref_slice %arg10[%dma_start3A_128, %dma_start3A_129] : memref<320x128xf32, #tpu.memory_space<vmem>> -> memref<80x128xf32, #tpu.memory_space<vmem>>
          %dma_start3A_131 = arith.constant 0 : i32
          %dma_start3A_132 = tpu.memref_slice %arg6[%multiple_of3A, %dma_start3A_131] : memref<10000x128xf32, #tpu.memory_space<hbm>> -> memref<80x128xf32, #tpu.memory_space<hbm>>
          tpu.enqueue_dma source(%dma_start3A_132 : memref<80x128xf32, #tpu.memory_space<hbm>>) target(%dma_start3A_130 : memref<80x128xf32, #tpu.memory_space<vmem>>) target_semaphore(%run_scoped3A : memref<!tpu.dma_semaphore, #tpu.memory_space<semaphore_mem>>)
          %dma_wait3A = arith.constant 0 : i32
          %dma_wait3A_133 = arith.constant 0 : i32
          %dma_wait3A_134 = tpu.memref_slice %arg10[%dma_wait3A, %dma_wait3A_133] : memref<320x128xf32, #tpu.memory_space<vmem>> -> memref<80x128xf32, #tpu.memory_space<vmem>>
          %dma_wait3A_135 = arith.constant 0 : i32
          %dma_wait3A_136 = tpu.memref_slice %arg6[%multiple_of3A, %dma_wait3A_135] : memref<10000x128xf32, #tpu.memory_space<hbm>> -> memref<80x128xf32, #tpu.memory_space<hbm>>
          %dma_wait3A_137 = arith.constant 0 : i32
          %dma_wait3A_138 = arith.constant 0 : i32
          %dma_wait3A_139 = tpu.memref_slice %arg10[%dma_wait3A_137, %dma_wait3A_138] : memref<320x128xf32, #tpu.memory_space<vmem>> -> memref<80x128xf32, #tpu.memory_space<vmem>>
          %dma_wait3A_140 = arith.constant 0 : i32
          %dma_wait3A_141 = tpu.memref_slice %arg6[%multiple_of3A, %dma_wait3A_140] : memref<10000x128xf32, #tpu.memory_space<hbm>> -> memref<80x128xf32, #tpu.memory_space<hbm>>
          tpu.wait_dma2 semaphore(%run_scoped3A : memref<!tpu.dma_semaphore, #tpu.memory_space<semaphore_mem>>) src(%dma_wait3A_141 : memref<80x128xf32, #tpu.memory_space<hbm>>) dst(%dma_wait3A_139 : memref<80x128xf32, #tpu.memory_space<vmem>>)
          tpu.yield
        }) : () -> ()
      } else {
      }
      "tpu.region"() ({
        %run_scoped3A = tpu.sem_alloc : memref<!tpu.dma_semaphore, #tpu.memory_space<semaphore_mem>>
        %dma_start3A = arith.constant 0 : i32
        %dma_start3A_124 = arith.constant 0 : i32
        %dma_start3A_125 = tpu.memref_slice %arg10[%dma_start3A, %dma_start3A_124] : memref<320x128xf32, #tpu.memory_space<vmem>> -> memref<80x128xf32, #tpu.memory_space<vmem>>
        %dma_start3A_126 = arith.constant 0 : i32
        %dma_start3A_127 = tpu.memref_slice %arg11[%multiple_of3A, %dma_start3A_126] : memref<10000x128xf32, #tpu.memory_space<vmem_shared>> -> memref<80x128xf32, #tpu.memory_space<vmem_shared>>
        %dma_start3A_128 = arith.constant 0 : i32
        %dma_start3A_129 = tpu.memref_slice %arg11[%multiple_of3A, %dma_start3A_128] : memref<10000x128xf32, #tpu.memory_space<vmem_shared>> -> memref<80x128xf32, #tpu.memory_space<vmem_shared>>
        %dma_start3A_130 = arith.constant 0 : i32
        %dma_start3A_131 = arith.constant 0 : i32
        %dma_start3A_132 = tpu.memref_slice %arg10[%dma_start3A_130, %dma_start3A_131] : memref<320x128xf32, #tpu.memory_space<vmem>> -> memref<80x128xf32, #tpu.memory_space<vmem>>
        tpu.enqueue_dma source(%dma_start3A_132 : memref<80x128xf32, #tpu.memory_space<vmem>>) target(%dma_start3A_129 : memref<80x128xf32, #tpu.memory_space<vmem_shared>>) target_semaphore(%run_scoped3A : memref<!tpu.dma_semaphore, #tpu.memory_space<semaphore_mem>>)
        %dma_wait3A = arith.constant 0 : i32
        %dma_wait3A_133 = arith.constant 0 : i32
        %dma_wait3A_134 = tpu.memref_slice %arg10[%dma_wait3A, %dma_wait3A_133] : memref<320x128xf32, #tpu.memory_space<vmem>> -> memref<80x128xf32, #tpu.memory_space<vmem>>
        %dma_wait3A_135 = arith.constant 0 : i32
        %dma_wait3A_136 = tpu.memref_slice %arg11[%multiple_of3A, %dma_wait3A_135] : memref<10000x128xf32, #tpu.memory_space<vmem_shared>> -> memref<80x128xf32, #tpu.memory_space<vmem_shared>>
        %dma_wait3A_137 = arith.constant 0 : i32
        %dma_wait3A_138 = tpu.memref_slice %arg11[%multiple_of3A, %dma_wait3A_137] : memref<10000x128xf32, #tpu.memory_space<vmem_shared>> -> memref<80x128xf32, #tpu.memory_space<vmem_shared>>
        %dma_wait3A_139 = arith.constant 0 : i32
        %dma_wait3A_140 = arith.constant 0 : i32
        %dma_wait3A_141 = tpu.memref_slice %arg10[%dma_wait3A_139, %dma_wait3A_140] : memref<320x128xf32, #tpu.memory_space<vmem>> -> memref<80x128xf32, #tpu.memory_space<vmem>>
        tpu.wait_dma2 semaphore(%run_scoped3A : memref<!tpu.dma_semaphore, #tpu.memory_space<semaphore_mem>>) src(%dma_wait3A_141 : memref<80x128xf32, #tpu.memory_space<vmem>>) dst(%dma_wait3A_138 : memref<80x128xf32, #tpu.memory_space<vmem_shared>>)
        tpu.yield
      }) : () -> ()
    } else {
    }
    %add3A_10 = arith.constant 32 : i32
    %add3A_11 = arith.addi %arg1, %add3A_10 : i32
    %lt3A_12 = arith.constant 125 : i32
    %lt3A_13 = arith.cmpi slt, %add3A_11, %lt3A_12 : i32
    %convert_element_type3A_14 = arith.extui %lt3A_13 : i1 to i32
    %cond3A_15 = arith.constant 0 : i32
    %cond3A_16 = arith.cmpi ne, %convert_element_type3A_14, %cond3A_15 : i32
    scf.if %cond3A_16 {
      %mul3A = arith.constant 80 : i32
      %mul3A_114 = arith.muli %add3A_11, %mul3A : i32
      %multiple_of3A = tpu.assume_multiple %mul3A_114, 8 : i32
      %eq3A = arith.constant 0 : i32
      %eq3A_115 = arith.cmpi eq, %arg0, %eq3A : i32
      %convert_element_type3A_116 = arith.extui %eq3A_115 : i1 to i32
      %cond3A_117 = arith.constant 0 : i32
      %cond3A_118 = arith.cmpi ne, %convert_element_type3A_116, %cond3A_117 : i32
      scf.if %cond3A_118 {
        "tpu.region"() ({
          %run_scoped3A = tpu.sem_alloc : memref<!tpu.dma_semaphore, #tpu.memory_space<semaphore_mem>>
          %dma_start3A = arith.constant 0 : i32
          %dma_start3A_124 = arith.constant 0 : i32
          %dma_start3A_125 = tpu.memref_slice %arg10[%dma_start3A, %dma_start3A_124] : memref<320x128xf32, #tpu.memory_space<vmem>> -> memref<80x128xf32, #tpu.memory_space<vmem>>
          %dma_start3A_126 = arith.constant 0 : i32
          %dma_start3A_127 = tpu.memref_slice %arg5[%multiple_of3A, %dma_start3A_126] : memref<10000x128xf32, #tpu.memory_space<hbm>> -> memref<80x128xf32, #tpu.memory_space<hbm>>
          %dma_start3A_128 = arith.constant 0 : i32
          %dma_start3A_129 = arith.constant 0 : i32
          %dma_start3A_130 = tpu.memref_slice %arg10[%dma_start3A_128, %dma_start3A_129] : memref<320x128xf32, #tpu.memory_space<vmem>> -> memref<80x128xf32, #tpu.memory_space<vmem>>
          %dma_start3A_131 = arith.constant 0 : i32
          %dma_start3A_132 = tpu.memref_slice %arg5[%multiple_of3A, %dma_start3A_131] : memref<10000x128xf32, #tpu.memory_space<hbm>> -> memref<80x128xf32, #tpu.memory_space<hbm>>
          tpu.enqueue_dma source(%dma_start3A_132 : memref<80x128xf32, #tpu.memory_space<hbm>>) target(%dma_start3A_130 : memref<80x128xf32, #tpu.memory_space<vmem>>) target_semaphore(%run_scoped3A : memref<!tpu.dma_semaphore, #tpu.memory_space<semaphore_mem>>)
          %dma_wait3A = arith.constant 0 : i32
          %dma_wait3A_133 = arith.constant 0 : i32
          %dma_wait3A_134 = tpu.memref_slice %arg10[%dma_wait3A, %dma_wait3A_133] : memref<320x128xf32, #tpu.memory_space<vmem>> -> memref<80x128xf32, #tpu.memory_space<vmem>>
          %dma_wait3A_135 = arith.constant 0 : i32
          %dma_wait3A_136 = tpu.memref_slice %arg5[%multiple_of3A, %dma_wait3A_135] : memref<10000x128xf32, #tpu.memory_space<hbm>> -> memref<80x128xf32, #tpu.memory_space<hbm>>
          %dma_wait3A_137 = arith.constant 0 : i32
          %dma_wait3A_138 = arith.constant 0 : i32
          %dma_wait3A_139 = tpu.memref_slice %arg10[%dma_wait3A_137, %dma_wait3A_138] : memref<320x128xf32, #tpu.memory_space<vmem>> -> memref<80x128xf32, #tpu.memory_space<vmem>>
          %dma_wait3A_140 = arith.constant 0 : i32
          %dma_wait3A_141 = tpu.memref_slice %arg5[%multiple_of3A, %dma_wait3A_140] : memref<10000x128xf32, #tpu.memory_space<hbm>> -> memref<80x128xf32, #tpu.memory_space<hbm>>
          tpu.wait_dma2 semaphore(%run_scoped3A : memref<!tpu.dma_semaphore, #tpu.memory_space<semaphore_mem>>) src(%dma_wait3A_141 : memref<80x128xf32, #tpu.memory_space<hbm>>) dst(%dma_wait3A_139 : memref<80x128xf32, #tpu.memory_space<vmem>>)
          tpu.yield
        }) : () -> ()
      } else {
      }
      %eq3A_119 = arith.constant 1 : i32
      %eq3A_120 = arith.cmpi eq, %arg0, %eq3A_119 : i32
      %convert_element_type3A_121 = arith.extui %eq3A_120 : i1 to i32
      %cond3A_122 = arith.constant 0 : i32
      %cond3A_123 = arith.cmpi ne, %convert_element_type3A_121, %cond3A_122 : i32
      scf.if %cond3A_123 {
        "tpu.region"() ({
          %run_scoped3A = tpu.sem_alloc : memref<!tpu.dma_semaphore, #tpu.memory_space<semaphore_mem>>
          %dma_start3A = arith.constant 0 : i32
          %dma_start3A_124 = arith.constant 0 : i32
          %dma_start3A_125 = tpu.memref_slice %arg10[%dma_start3A, %dma_start3A_124] : memref<320x128xf32, #tpu.memory_space<vmem>> -> memref<80x128xf32, #tpu.memory_space<vmem>>
          %dma_start3A_126 = arith.constant 0 : i32
          %dma_start3A_127 = tpu.memref_slice %arg6[%multiple_of3A, %dma_start3A_126] : memref<10000x128xf32, #tpu.memory_space<hbm>> -> memref<80x128xf32, #tpu.memory_space<hbm>>
          %dma_start3A_128 = arith.constant 0 : i32
          %dma_start3A_129 = arith.constant 0 : i32
          %dma_start3A_130 = tpu.memref_slice %arg10[%dma_start3A_128, %dma_start3A_129] : memref<320x128xf32, #tpu.memory_space<vmem>> -> memref<80x128xf32, #tpu.memory_space<vmem>>
          %dma_start3A_131 = arith.constant 0 : i32
          %dma_start3A_132 = tpu.memref_slice %arg6[%multiple_of3A, %dma_start3A_131] : memref<10000x128xf32, #tpu.memory_space<hbm>> -> memref<80x128xf32, #tpu.memory_space<hbm>>
          tpu.enqueue_dma source(%dma_start3A_132 : memref<80x128xf32, #tpu.memory_space<hbm>>) target(%dma_start3A_130 : memref<80x128xf32, #tpu.memory_space<vmem>>) target_semaphore(%run_scoped3A : memref<!tpu.dma_semaphore, #tpu.memory_space<semaphore_mem>>)
          %dma_wait3A = arith.constant 0 : i32
          %dma_wait3A_133 = arith.constant 0 : i32
          %dma_wait3A_134 = tpu.memref_slice %arg10[%dma_wait3A, %dma_wait3A_133] : memref<320x128xf32, #tpu.memory_space<vmem>> -> memref<80x128xf32, #tpu.memory_space<vmem>>
          %dma_wait3A_135 = arith.constant 0 : i32
          %dma_wait3A_136 = tpu.memref_slice %arg6[%multiple_of3A, %dma_wait3A_135] : memref<10000x128xf32, #tpu.memory_space<hbm>> -> memref<80x128xf32, #tpu.memory_space<hbm>>
          %dma_wait3A_137 = arith.constant 0 : i32
          %dma_wait3A_138 = arith.constant 0 : i32
          %dma_wait3A_139 = tpu.memref_slice %arg10[%dma_wait3A_137, %dma_wait3A_138] : memref<320x128xf32, #tpu.memory_space<vmem>> -> memref<80x128xf32, #tpu.memory_space<vmem>>
          %dma_wait3A_140 = arith.constant 0 : i32
          %dma_wait3A_141 = tpu.memref_slice %arg6[%multiple_of3A, %dma_wait3A_140] : memref<10000x128xf32, #tpu.memory_space<hbm>> -> memref<80x128xf32, #tpu.memory_space<hbm>>
          tpu.wait_dma2 semaphore(%run_scoped3A : memref<!tpu.dma_semaphore, #tpu.memory_space<semaphore_mem>>) src(%dma_wait3A_141 : memref<80x128xf32, #tpu.memory_space<hbm>>) dst(%dma_wait3A_139 : memref<80x128xf32, #tpu.memory_space<vmem>>)
          tpu.yield
        }) : () -> ()
      } else {
      }
      "tpu.region"() ({
        %run_scoped3A = tpu.sem_alloc : memref<!tpu.dma_semaphore, #tpu.memory_space<semaphore_mem>>
        %dma_start3A = arith.constant 0 : i32
        %dma_start3A_124 = arith.constant 0 : i32
        %dma_start3A_125 = tpu.memref_slice %arg10[%dma_start3A, %dma_start3A_124] : memref<320x128xf32, #tpu.memory_space<vmem>> -> memref<80x128xf32, #tpu.memory_space<vmem>>
        %dma_start3A_126 = arith.constant 0 : i32
        %dma_start3A_127 = tpu.memref_slice %arg11[%multiple_of3A, %dma_start3A_126] : memref<10000x128xf32, #tpu.memory_space<vmem_shared>> -> memref<80x128xf32, #tpu.memory_space<vmem_shared>>
        %dma_start3A_128 = arith.constant 0 : i32
        %dma_start3A_129 = tpu.memref_slice %arg11[%multiple_of3A, %dma_start3A_128] : memref<10000x128xf32, #tpu.memory_space<vmem_shared>> -> memref<80x128xf32, #tpu.memory_space<vmem_shared>>
        %dma_start3A_130 = arith.constant 0 : i32
        %dma_start3A_131 = arith.constant 0 : i32
        %dma_start3A_132 = tpu.memref_slice %arg10[%dma_start3A_130, %dma_start3A_131] : memref<320x128xf32, #tpu.memory_space<vmem>> -> memref<80x128xf32, #tpu.memory_space<vmem>>
        tpu.enqueue_dma source(%dma_start3A_132 : memref<80x128xf32, #tpu.memory_space<vmem>>) target(%dma_start3A_129 : memref<80x128xf32, #tpu.memory_space<vmem_shared>>) target_semaphore(%run_scoped3A : memref<!tpu.dma_semaphore, #tpu.memory_space<semaphore_mem>>)
        %dma_wait3A = arith.constant 0 : i32
        %dma_wait3A_133 = arith.constant 0 : i32
        %dma_wait3A_134 = tpu.memref_slice %arg10[%dma_wait3A, %dma_wait3A_133] : memref<320x128xf32, #tpu.memory_space<vmem>> -> memref<80x128xf32, #tpu.memory_space<vmem>>
        %dma_wait3A_135 = arith.constant 0 : i32
        %dma_wait3A_136 = tpu.memref_slice %arg11[%multiple_of3A, %dma_wait3A_135] : memref<10000x128xf32, #tpu.memory_space<vmem_shared>> -> memref<80x128xf32, #tpu.memory_space<vmem_shared>>
        %dma_wait3A_137 = arith.constant 0 : i32
        %dma_wait3A_138 = tpu.memref_slice %arg11[%multiple_of3A, %dma_wait3A_137] : memref<10000x128xf32, #tpu.memory_space<vmem_shared>> -> memref<80x128xf32, #tpu.memory_space<vmem_shared>>
        %dma_wait3A_139 = arith.constant 0 : i32
        %dma_wait3A_140 = arith.constant 0 : i32
        %dma_wait3A_141 = tpu.memref_slice %arg10[%dma_wait3A_139, %dma_wait3A_140] : memref<320x128xf32, #tpu.memory_space<vmem>> -> memref<80x128xf32, #tpu.memory_space<vmem>>
        tpu.wait_dma2 semaphore(%run_scoped3A : memref<!tpu.dma_semaphore, #tpu.memory_space<semaphore_mem>>) src(%dma_wait3A_141 : memref<80x128xf32, #tpu.memory_space<vmem>>) dst(%dma_wait3A_138 : memref<80x128xf32, #tpu.memory_space<vmem_shared>>)
        tpu.yield
      }) : () -> ()
    } else {
    }
    %add3A_17 = arith.constant 48 : i32
    %add3A_18 = arith.addi %arg1, %add3A_17 : i32
    %lt3A_19 = arith.constant 125 : i32
    %lt3A_20 = arith.cmpi slt, %add3A_18, %lt3A_19 : i32
    %convert_element_type3A_21 = arith.extui %lt3A_20 : i1 to i32
    %cond3A_22 = arith.constant 0 : i32
    %cond3A_23 = arith.cmpi ne, %convert_element_type3A_21, %cond3A_22 : i32
    scf.if %cond3A_23 {
      %mul3A = arith.constant 80 : i32
      %mul3A_114 = arith.muli %add3A_18, %mul3A : i32
      %multiple_of3A = tpu.assume_multiple %mul3A_114, 8 : i32
      %eq3A = arith.constant 0 : i32
      %eq3A_115 = arith.cmpi eq, %arg0, %eq3A : i32
      %convert_element_type3A_116 = arith.extui %eq3A_115 : i1 to i32
      %cond3A_117 = arith.constant 0 : i32
      %cond3A_118 = arith.cmpi ne, %convert_element_type3A_116, %cond3A_117 : i32
      scf.if %cond3A_118 {
        "tpu.region"() ({
          %run_scoped3A = tpu.sem_alloc : memref<!tpu.dma_semaphore, #tpu.memory_space<semaphore_mem>>
          %dma_start3A = arith.constant 0 : i32
          %dma_start3A_124 = arith.constant 0 : i32
          %dma_start3A_125 = tpu.memref_slice %arg10[%dma_start3A, %dma_start3A_124] : memref<320x128xf32, #tpu.memory_space<vmem>> -> memref<80x128xf32, #tpu.memory_space<vmem>>
          %dma_start3A_126 = arith.constant 0 : i32
          %dma_start3A_127 = tpu.memref_slice %arg5[%multiple_of3A, %dma_start3A_126] : memref<10000x128xf32, #tpu.memory_space<hbm>> -> memref<80x128xf32, #tpu.memory_space<hbm>>
          %dma_start3A_128 = arith.constant 0 : i32
          %dma_start3A_129 = arith.constant 0 : i32
          %dma_start3A_130 = tpu.memref_slice %arg10[%dma_start3A_128, %dma_start3A_129] : memref<320x128xf32, #tpu.memory_space<vmem>> -> memref<80x128xf32, #tpu.memory_space<vmem>>
          %dma_start3A_131 = arith.constant 0 : i32
          %dma_start3A_132 = tpu.memref_slice %arg5[%multiple_of3A, %dma_start3A_131] : memref<10000x128xf32, #tpu.memory_space<hbm>> -> memref<80x128xf32, #tpu.memory_space<hbm>>
          tpu.enqueue_dma source(%dma_start3A_132 : memref<80x128xf32, #tpu.memory_space<hbm>>) target(%dma_start3A_130 : memref<80x128xf32, #tpu.memory_space<vmem>>) target_semaphore(%run_scoped3A : memref<!tpu.dma_semaphore, #tpu.memory_space<semaphore_mem>>)
          %dma_wait3A = arith.constant 0 : i32
          %dma_wait3A_133 = arith.constant 0 : i32
          %dma_wait3A_134 = tpu.memref_slice %arg10[%dma_wait3A, %dma_wait3A_133] : memref<320x128xf32, #tpu.memory_space<vmem>> -> memref<80x128xf32, #tpu.memory_space<vmem>>
          %dma_wait3A_135 = arith.constant 0 : i32
          %dma_wait3A_136 = tpu.memref_slice %arg5[%multiple_of3A, %dma_wait3A_135] : memref<10000x128xf32, #tpu.memory_space<hbm>> -> memref<80x128xf32, #tpu.memory_space<hbm>>
          %dma_wait3A_137 = arith.constant 0 : i32
          %dma_wait3A_138 = arith.constant 0 : i32
          %dma_wait3A_139 = tpu.memref_slice %arg10[%dma_wait3A_137, %dma_wait3A_138] : memref<320x128xf32, #tpu.memory_space<vmem>> -> memref<80x128xf32, #tpu.memory_space<vmem>>
          %dma_wait3A_140 = arith.constant 0 : i32
          %dma_wait3A_141 = tpu.memref_slice %arg5[%multiple_of3A, %dma_wait3A_140] : memref<10000x128xf32, #tpu.memory_space<hbm>> -> memref<80x128xf32, #tpu.memory_space<hbm>>
          tpu.wait_dma2 semaphore(%run_scoped3A : memref<!tpu.dma_semaphore, #tpu.memory_space<semaphore_mem>>) src(%dma_wait3A_141 : memref<80x128xf32, #tpu.memory_space<hbm>>) dst(%dma_wait3A_139 : memref<80x128xf32, #tpu.memory_space<vmem>>)
          tpu.yield
        }) : () -> ()
      } else {
      }
      %eq3A_119 = arith.constant 1 : i32
      %eq3A_120 = arith.cmpi eq, %arg0, %eq3A_119 : i32
      %convert_element_type3A_121 = arith.extui %eq3A_120 : i1 to i32
      %cond3A_122 = arith.constant 0 : i32
      %cond3A_123 = arith.cmpi ne, %convert_element_type3A_121, %cond3A_122 : i32
      scf.if %cond3A_123 {
        "tpu.region"() ({
          %run_scoped3A = tpu.sem_alloc : memref<!tpu.dma_semaphore, #tpu.memory_space<semaphore_mem>>
          %dma_start3A = arith.constant 0 : i32
          %dma_start3A_124 = arith.constant 0 : i32
          %dma_start3A_125 = tpu.memref_slice %arg10[%dma_start3A, %dma_start3A_124] : memref<320x128xf32, #tpu.memory_space<vmem>> -> memref<80x128xf32, #tpu.memory_space<vmem>>
          %dma_start3A_126 = arith.constant 0 : i32
          %dma_start3A_127 = tpu.memref_slice %arg6[%multiple_of3A, %dma_start3A_126] : memref<10000x128xf32, #tpu.memory_space<hbm>> -> memref<80x128xf32, #tpu.memory_space<hbm>>
          %dma_start3A_128 = arith.constant 0 : i32
          %dma_start3A_129 = arith.constant 0 : i32
          %dma_start3A_130 = tpu.memref_slice %arg10[%dma_start3A_128, %dma_start3A_129] : memref<320x128xf32, #tpu.memory_space<vmem>> -> memref<80x128xf32, #tpu.memory_space<vmem>>
          %dma_start3A_131 = arith.constant 0 : i32
          %dma_start3A_132 = tpu.memref_slice %arg6[%multiple_of3A, %dma_start3A_131] : memref<10000x128xf32, #tpu.memory_space<hbm>> -> memref<80x128xf32, #tpu.memory_space<hbm>>
          tpu.enqueue_dma source(%dma_start3A_132 : memref<80x128xf32, #tpu.memory_space<hbm>>) target(%dma_start3A_130 : memref<80x128xf32, #tpu.memory_space<vmem>>) target_semaphore(%run_scoped3A : memref<!tpu.dma_semaphore, #tpu.memory_space<semaphore_mem>>)
          %dma_wait3A = arith.constant 0 : i32
          %dma_wait3A_133 = arith.constant 0 : i32
          %dma_wait3A_134 = tpu.memref_slice %arg10[%dma_wait3A, %dma_wait3A_133] : memref<320x128xf32, #tpu.memory_space<vmem>> -> memref<80x128xf32, #tpu.memory_space<vmem>>
          %dma_wait3A_135 = arith.constant 0 : i32
          %dma_wait3A_136 = tpu.memref_slice %arg6[%multiple_of3A, %dma_wait3A_135] : memref<10000x128xf32, #tpu.memory_space<hbm>> -> memref<80x128xf32, #tpu.memory_space<hbm>>
          %dma_wait3A_137 = arith.constant 0 : i32
          %dma_wait3A_138 = arith.constant 0 : i32
          %dma_wait3A_139 = tpu.memref_slice %arg10[%dma_wait3A_137, %dma_wait3A_138] : memref<320x128xf32, #tpu.memory_space<vmem>> -> memref<80x128xf32, #tpu.memory_space<vmem>>
          %dma_wait3A_140 = arith.constant 0 : i32
          %dma_wait3A_141 = tpu.memref_slice %arg6[%multiple_of3A, %dma_wait3A_140] : memref<10000x128xf32, #tpu.memory_space<hbm>> -> memref<80x128xf32, #tpu.memory_space<hbm>>
          tpu.wait_dma2 semaphore(%run_scoped3A : memref<!tpu.dma_semaphore, #tpu.memory_space<semaphore_mem>>) src(%dma_wait3A_141 : memref<80x128xf32, #tpu.memory_space<hbm>>) dst(%dma_wait3A_139 : memref<80x128xf32, #tpu.memory_space<vmem>>)
          tpu.yield
        }) : () -> ()
      } else {
      }
      "tpu.region"() ({
        %run_scoped3A = tpu.sem_alloc : memref<!tpu.dma_semaphore, #tpu.memory_space<semaphore_mem>>
        %dma_start3A = arith.constant 0 : i32
        %dma_start3A_124 = arith.constant 0 : i32
        %dma_start3A_125 = tpu.memref_slice %arg10[%dma_start3A, %dma_start3A_124] : memref<320x128xf32, #tpu.memory_space<vmem>> -> memref<80x128xf32, #tpu.memory_space<vmem>>
        %dma_start3A_126 = arith.constant 0 : i32
        %dma_start3A_127 = tpu.memref_slice %arg11[%multiple_of3A, %dma_start3A_126] : memref<10000x128xf32, #tpu.memory_space<vmem_shared>> -> memref<80x128xf32, #tpu.memory_space<vmem_shared>>
        %dma_start3A_128 = arith.constant 0 : i32
        %dma_start3A_129 = tpu.memref_slice %arg11[%multiple_of3A, %dma_start3A_128] : memref<10000x128xf32, #tpu.memory_space<vmem_shared>> -> memref<80x128xf32, #tpu.memory_space<vmem_shared>>
        %dma_start3A_130 = arith.constant 0 : i32
        %dma_start3A_131 = arith.constant 0 : i32
        %dma_start3A_132 = tpu.memref_slice %arg10[%dma_start3A_130, %dma_start3A_131] : memref<320x128xf32, #tpu.memory_space<vmem>> -> memref<80x128xf32, #tpu.memory_space<vmem>>
        tpu.enqueue_dma source(%dma_start3A_132 : memref<80x128xf32, #tpu.memory_space<vmem>>) target(%dma_start3A_129 : memref<80x128xf32, #tpu.memory_space<vmem_shared>>) target_semaphore(%run_scoped3A : memref<!tpu.dma_semaphore, #tpu.memory_space<semaphore_mem>>)
        %dma_wait3A = arith.constant 0 : i32
        %dma_wait3A_133 = arith.constant 0 : i32
        %dma_wait3A_134 = tpu.memref_slice %arg10[%dma_wait3A, %dma_wait3A_133] : memref<320x128xf32, #tpu.memory_space<vmem>> -> memref<80x128xf32, #tpu.memory_space<vmem>>
        %dma_wait3A_135 = arith.constant 0 : i32
        %dma_wait3A_136 = tpu.memref_slice %arg11[%multiple_of3A, %dma_wait3A_135] : memref<10000x128xf32, #tpu.memory_space<vmem_shared>> -> memref<80x128xf32, #tpu.memory_space<vmem_shared>>
        %dma_wait3A_137 = arith.constant 0 : i32
        %dma_wait3A_138 = tpu.memref_slice %arg11[%multiple_of3A, %dma_wait3A_137] : memref<10000x128xf32, #tpu.memory_space<vmem_shared>> -> memref<80x128xf32, #tpu.memory_space<vmem_shared>>
        %dma_wait3A_139 = arith.constant 0 : i32
        %dma_wait3A_140 = arith.constant 0 : i32
        %dma_wait3A_141 = tpu.memref_slice %arg10[%dma_wait3A_139, %dma_wait3A_140] : memref<320x128xf32, #tpu.memory_space<vmem>> -> memref<80x128xf32, #tpu.memory_space<vmem>>
        tpu.wait_dma2 semaphore(%run_scoped3A : memref<!tpu.dma_semaphore, #tpu.memory_space<semaphore_mem>>) src(%dma_wait3A_141 : memref<80x128xf32, #tpu.memory_space<vmem>>) dst(%dma_wait3A_138 : memref<80x128xf32, #tpu.memory_space<vmem_shared>>)
        tpu.yield
      }) : () -> ()
    } else {
    }
    %add3A_24 = arith.constant 64 : i32
    %add3A_25 = arith.addi %arg1, %add3A_24 : i32
    %lt3A_26 = arith.constant 125 : i32
    %lt3A_27 = arith.cmpi slt, %add3A_25, %lt3A_26 : i32
    %convert_element_type3A_28 = arith.extui %lt3A_27 : i1 to i32
    %cond3A_29 = arith.constant 0 : i32
    %cond3A_30 = arith.cmpi ne, %convert_element_type3A_28, %cond3A_29 : i32
    scf.if %cond3A_30 {
      %mul3A = arith.constant 80 : i32
      %mul3A_114 = arith.muli %add3A_25, %mul3A : i32
      %multiple_of3A = tpu.assume_multiple %mul3A_114, 8 : i32
      %eq3A = arith.constant 0 : i32
      %eq3A_115 = arith.cmpi eq, %arg0, %eq3A : i32
      %convert_element_type3A_116 = arith.extui %eq3A_115 : i1 to i32
      %cond3A_117 = arith.constant 0 : i32
      %cond3A_118 = arith.cmpi ne, %convert_element_type3A_116, %cond3A_117 : i32
      scf.if %cond3A_118 {
        "tpu.region"() ({
          %run_scoped3A = tpu.sem_alloc : memref<!tpu.dma_semaphore, #tpu.memory_space<semaphore_mem>>
          %dma_start3A = arith.constant 0 : i32
          %dma_start3A_124 = arith.constant 0 : i32
          %dma_start3A_125 = tpu.memref_slice %arg10[%dma_start3A, %dma_start3A_124] : memref<320x128xf32, #tpu.memory_space<vmem>> -> memref<80x128xf32, #tpu.memory_space<vmem>>
          %dma_start3A_126 = arith.constant 0 : i32
          %dma_start3A_127 = tpu.memref_slice %arg5[%multiple_of3A, %dma_start3A_126] : memref<10000x128xf32, #tpu.memory_space<hbm>> -> memref<80x128xf32, #tpu.memory_space<hbm>>
          %dma_start3A_128 = arith.constant 0 : i32
          %dma_start3A_129 = arith.constant 0 : i32
          %dma_start3A_130 = tpu.memref_slice %arg10[%dma_start3A_128, %dma_start3A_129] : memref<320x128xf32, #tpu.memory_space<vmem>> -> memref<80x128xf32, #tpu.memory_space<vmem>>
          %dma_start3A_131 = arith.constant 0 : i32
          %dma_start3A_132 = tpu.memref_slice %arg5[%multiple_of3A, %dma_start3A_131] : memref<10000x128xf32, #tpu.memory_space<hbm>> -> memref<80x128xf32, #tpu.memory_space<hbm>>
          tpu.enqueue_dma source(%dma_start3A_132 : memref<80x128xf32, #tpu.memory_space<hbm>>) target(%dma_start3A_130 : memref<80x128xf32, #tpu.memory_space<vmem>>) target_semaphore(%run_scoped3A : memref<!tpu.dma_semaphore, #tpu.memory_space<semaphore_mem>>)
          %dma_wait3A = arith.constant 0 : i32
          %dma_wait3A_133 = arith.constant 0 : i32
          %dma_wait3A_134 = tpu.memref_slice %arg10[%dma_wait3A, %dma_wait3A_133] : memref<320x128xf32, #tpu.memory_space<vmem>> -> memref<80x128xf32, #tpu.memory_space<vmem>>
          %dma_wait3A_135 = arith.constant 0 : i32
          %dma_wait3A_136 = tpu.memref_slice %arg5[%multiple_of3A, %dma_wait3A_135] : memref<10000x128xf32, #tpu.memory_space<hbm>> -> memref<80x128xf32, #tpu.memory_space<hbm>>
          %dma_wait3A_137 = arith.constant 0 : i32
          %dma_wait3A_138 = arith.constant 0 : i32
          %dma_wait3A_139 = tpu.memref_slice %arg10[%dma_wait3A_137, %dma_wait3A_138] : memref<320x128xf32, #tpu.memory_space<vmem>> -> memref<80x128xf32, #tpu.memory_space<vmem>>
          %dma_wait3A_140 = arith.constant 0 : i32
          %dma_wait3A_141 = tpu.memref_slice %arg5[%multiple_of3A, %dma_wait3A_140] : memref<10000x128xf32, #tpu.memory_space<hbm>> -> memref<80x128xf32, #tpu.memory_space<hbm>>
          tpu.wait_dma2 semaphore(%run_scoped3A : memref<!tpu.dma_semaphore, #tpu.memory_space<semaphore_mem>>) src(%dma_wait3A_141 : memref<80x128xf32, #tpu.memory_space<hbm>>) dst(%dma_wait3A_139 : memref<80x128xf32, #tpu.memory_space<vmem>>)
          tpu.yield
        }) : () -> ()
      } else {
      }
      %eq3A_119 = arith.constant 1 : i32
      %eq3A_120 = arith.cmpi eq, %arg0, %eq3A_119 : i32
      %convert_element_type3A_121 = arith.extui %eq3A_120 : i1 to i32
      %cond3A_122 = arith.constant 0 : i32
      %cond3A_123 = arith.cmpi ne, %convert_element_type3A_121, %cond3A_122 : i32
      scf.if %cond3A_123 {
        "tpu.region"() ({
          %run_scoped3A = tpu.sem_alloc : memref<!tpu.dma_semaphore, #tpu.memory_space<semaphore_mem>>
          %dma_start3A = arith.constant 0 : i32
          %dma_start3A_124 = arith.constant 0 : i32
          %dma_start3A_125 = tpu.memref_slice %arg10[%dma_start3A, %dma_start3A_124] : memref<320x128xf32, #tpu.memory_space<vmem>> -> memref<80x128xf32, #tpu.memory_space<vmem>>
          %dma_start3A_126 = arith.constant 0 : i32
          %dma_start3A_127 = tpu.memref_slice %arg6[%multiple_of3A, %dma_start3A_126] : memref<10000x128xf32, #tpu.memory_space<hbm>> -> memref<80x128xf32, #tpu.memory_space<hbm>>
          %dma_start3A_128 = arith.constant 0 : i32
          %dma_start3A_129 = arith.constant 0 : i32
          %dma_start3A_130 = tpu.memref_slice %arg10[%dma_start3A_128, %dma_start3A_129] : memref<320x128xf32, #tpu.memory_space<vmem>> -> memref<80x128xf32, #tpu.memory_space<vmem>>
          %dma_start3A_131 = arith.constant 0 : i32
          %dma_start3A_132 = tpu.memref_slice %arg6[%multiple_of3A, %dma_start3A_131] : memref<10000x128xf32, #tpu.memory_space<hbm>> -> memref<80x128xf32, #tpu.memory_space<hbm>>
          tpu.enqueue_dma source(%dma_start3A_132 : memref<80x128xf32, #tpu.memory_space<hbm>>) target(%dma_start3A_130 : memref<80x128xf32, #tpu.memory_space<vmem>>) target_semaphore(%run_scoped3A : memref<!tpu.dma_semaphore, #tpu.memory_space<semaphore_mem>>)
          %dma_wait3A = arith.constant 0 : i32
          %dma_wait3A_133 = arith.constant 0 : i32
          %dma_wait3A_134 = tpu.memref_slice %arg10[%dma_wait3A, %dma_wait3A_133] : memref<320x128xf32, #tpu.memory_space<vmem>> -> memref<80x128xf32, #tpu.memory_space<vmem>>
          %dma_wait3A_135 = arith.constant 0 : i32
          %dma_wait3A_136 = tpu.memref_slice %arg6[%multiple_of3A, %dma_wait3A_135] : memref<10000x128xf32, #tpu.memory_space<hbm>> -> memref<80x128xf32, #tpu.memory_space<hbm>>
          %dma_wait3A_137 = arith.constant 0 : i32
          %dma_wait3A_138 = arith.constant 0 : i32
          %dma_wait3A_139 = tpu.memref_slice %arg10[%dma_wait3A_137, %dma_wait3A_138] : memref<320x128xf32, #tpu.memory_space<vmem>> -> memref<80x128xf32, #tpu.memory_space<vmem>>
          %dma_wait3A_140 = arith.constant 0 : i32
          %dma_wait3A_141 = tpu.memref_slice %arg6[%multiple_of3A, %dma_wait3A_140] : memref<10000x128xf32, #tpu.memory_space<hbm>> -> memref<80x128xf32, #tpu.memory_space<hbm>>
          tpu.wait_dma2 semaphore(%run_scoped3A : memref<!tpu.dma_semaphore, #tpu.memory_space<semaphore_mem>>) src(%dma_wait3A_141 : memref<80x128xf32, #tpu.memory_space<hbm>>) dst(%dma_wait3A_139 : memref<80x128xf32, #tpu.memory_space<vmem>>)
          tpu.yield
        }) : () -> ()
      } else {
      }
      "tpu.region"() ({
        %run_scoped3A = tpu.sem_alloc : memref<!tpu.dma_semaphore, #tpu.memory_space<semaphore_mem>>
        %dma_start3A = arith.constant 0 : i32
        %dma_start3A_124 = arith.constant 0 : i32
        %dma_start3A_125 = tpu.memref_slice %arg10[%dma_start3A, %dma_start3A_124] : memref<320x128xf32, #tpu.memory_space<vmem>> -> memref<80x128xf32, #tpu.memory_space<vmem>>
        %dma_start3A_126 = arith.constant 0 : i32
        %dma_start3A_127 = tpu.memref_slice %arg11[%multiple_of3A, %dma_start3A_126] : memref<10000x128xf32, #tpu.memory_space<vmem_shared>> -> memref<80x128xf32, #tpu.memory_space<vmem_shared>>
        %dma_start3A_128 = arith.constant 0 : i32
        %dma_start3A_129 = tpu.memref_slice %arg11[%multiple_of3A, %dma_start3A_128] : memref<10000x128xf32, #tpu.memory_space<vmem_shared>> -> memref<80x128xf32, #tpu.memory_space<vmem_shared>>
        %dma_start3A_130 = arith.constant 0 : i32
        %dma_start3A_131 = arith.constant 0 : i32
        %dma_start3A_132 = tpu.memref_slice %arg10[%dma_start3A_130, %dma_start3A_131] : memref<320x128xf32, #tpu.memory_space<vmem>> -> memref<80x128xf32, #tpu.memory_space<vmem>>
        tpu.enqueue_dma source(%dma_start3A_132 : memref<80x128xf32, #tpu.memory_space<vmem>>) target(%dma_start3A_129 : memref<80x128xf32, #tpu.memory_space<vmem_shared>>) target_semaphore(%run_scoped3A : memref<!tpu.dma_semaphore, #tpu.memory_space<semaphore_mem>>)
        %dma_wait3A = arith.constant 0 : i32
        %dma_wait3A_133 = arith.constant 0 : i32
        %dma_wait3A_134 = tpu.memref_slice %arg10[%dma_wait3A, %dma_wait3A_133] : memref<320x128xf32, #tpu.memory_space<vmem>> -> memref<80x128xf32, #tpu.memory_space<vmem>>
        %dma_wait3A_135 = arith.constant 0 : i32
        %dma_wait3A_136 = tpu.memref_slice %arg11[%multiple_of3A, %dma_wait3A_135] : memref<10000x128xf32, #tpu.memory_space<vmem_shared>> -> memref<80x128xf32, #tpu.memory_space<vmem_shared>>
        %dma_wait3A_137 = arith.constant 0 : i32
        %dma_wait3A_138 = tpu.memref_slice %arg11[%multiple_of3A, %dma_wait3A_137] : memref<10000x128xf32, #tpu.memory_space<vmem_shared>> -> memref<80x128xf32, #tpu.memory_space<vmem_shared>>
        %dma_wait3A_139 = arith.constant 0 : i32
        %dma_wait3A_140 = arith.constant 0 : i32
        %dma_wait3A_141 = tpu.memref_slice %arg10[%dma_wait3A_139, %dma_wait3A_140] : memref<320x128xf32, #tpu.memory_space<vmem>> -> memref<80x128xf32, #tpu.memory_space<vmem>>
        tpu.wait_dma2 semaphore(%run_scoped3A : memref<!tpu.dma_semaphore, #tpu.memory_space<semaphore_mem>>) src(%dma_wait3A_141 : memref<80x128xf32, #tpu.memory_space<vmem>>) dst(%dma_wait3A_138 : memref<80x128xf32, #tpu.memory_space<vmem_shared>>)
        tpu.yield
      }) : () -> ()
    } else {
    }
    %add3A_31 = arith.constant 80 : i32
    %add3A_32 = arith.addi %arg1, %add3A_31 : i32
    %lt3A_33 = arith.constant 125 : i32
    %lt3A_34 = arith.cmpi slt, %add3A_32, %lt3A_33 : i32
    %convert_element_type3A_35 = arith.extui %lt3A_34 : i1 to i32
    %cond3A_36 = arith.constant 0 : i32
    %cond3A_37 = arith.cmpi ne, %convert_element_type3A_35, %cond3A_36 : i32
    scf.if %cond3A_37 {
      %mul3A = arith.constant 80 : i32
      %mul3A_114 = arith.muli %add3A_32, %mul3A : i32
      %multiple_of3A = tpu.assume_multiple %mul3A_114, 8 : i32
      %eq3A = arith.constant 0 : i32
      %eq3A_115 = arith.cmpi eq, %arg0, %eq3A : i32
      %convert_element_type3A_116 = arith.extui %eq3A_115 : i1 to i32
      %cond3A_117 = arith.constant 0 : i32
      %cond3A_118 = arith.cmpi ne, %convert_element_type3A_116, %cond3A_117 : i32
      scf.if %cond3A_118 {
        "tpu.region"() ({
          %run_scoped3A = tpu.sem_alloc : memref<!tpu.dma_semaphore, #tpu.memory_space<semaphore_mem>>
          %dma_start3A = arith.constant 0 : i32
          %dma_start3A_124 = arith.constant 0 : i32
          %dma_start3A_125 = tpu.memref_slice %arg10[%dma_start3A, %dma_start3A_124] : memref<320x128xf32, #tpu.memory_space<vmem>> -> memref<80x128xf32, #tpu.memory_space<vmem>>
          %dma_start3A_126 = arith.constant 0 : i32
          %dma_start3A_127 = tpu.memref_slice %arg5[%multiple_of3A, %dma_start3A_126] : memref<10000x128xf32, #tpu.memory_space<hbm>> -> memref<80x128xf32, #tpu.memory_space<hbm>>
          %dma_start3A_128 = arith.constant 0 : i32
          %dma_start3A_129 = arith.constant 0 : i32
          %dma_start3A_130 = tpu.memref_slice %arg10[%dma_start3A_128, %dma_start3A_129] : memref<320x128xf32, #tpu.memory_space<vmem>> -> memref<80x128xf32, #tpu.memory_space<vmem>>
          %dma_start3A_131 = arith.constant 0 : i32
          %dma_start3A_132 = tpu.memref_slice %arg5[%multiple_of3A, %dma_start3A_131] : memref<10000x128xf32, #tpu.memory_space<hbm>> -> memref<80x128xf32, #tpu.memory_space<hbm>>
          tpu.enqueue_dma source(%dma_start3A_132 : memref<80x128xf32, #tpu.memory_space<hbm>>) target(%dma_start3A_130 : memref<80x128xf32, #tpu.memory_space<vmem>>) target_semaphore(%run_scoped3A : memref<!tpu.dma_semaphore, #tpu.memory_space<semaphore_mem>>)
          %dma_wait3A = arith.constant 0 : i32
          %dma_wait3A_133 = arith.constant 0 : i32
          %dma_wait3A_134 = tpu.memref_slice %arg10[%dma_wait3A, %dma_wait3A_133] : memref<320x128xf32, #tpu.memory_space<vmem>> -> memref<80x128xf32, #tpu.memory_space<vmem>>
          %dma_wait3A_135 = arith.constant 0 : i32
          %dma_wait3A_136 = tpu.memref_slice %arg5[%multiple_of3A, %dma_wait3A_135] : memref<10000x128xf32, #tpu.memory_space<hbm>> -> memref<80x128xf32, #tpu.memory_space<hbm>>
          %dma_wait3A_137 = arith.constant 0 : i32
          %dma_wait3A_138 = arith.constant 0 : i32
          %dma_wait3A_139 = tpu.memref_slice %arg10[%dma_wait3A_137, %dma_wait3A_138] : memref<320x128xf32, #tpu.memory_space<vmem>> -> memref<80x128xf32, #tpu.memory_space<vmem>>
          %dma_wait3A_140 = arith.constant 0 : i32
          %dma_wait3A_141 = tpu.memref_slice %arg5[%multiple_of3A, %dma_wait3A_140] : memref<10000x128xf32, #tpu.memory_space<hbm>> -> memref<80x128xf32, #tpu.memory_space<hbm>>
          tpu.wait_dma2 semaphore(%run_scoped3A : memref<!tpu.dma_semaphore, #tpu.memory_space<semaphore_mem>>) src(%dma_wait3A_141 : memref<80x128xf32, #tpu.memory_space<hbm>>) dst(%dma_wait3A_139 : memref<80x128xf32, #tpu.memory_space<vmem>>)
          tpu.yield
        }) : () -> ()
      } else {
      }
      %eq3A_119 = arith.constant 1 : i32
      %eq3A_120 = arith.cmpi eq, %arg0, %eq3A_119 : i32
      %convert_element_type3A_121 = arith.extui %eq3A_120 : i1 to i32
      %cond3A_122 = arith.constant 0 : i32
      %cond3A_123 = arith.cmpi ne, %convert_element_type3A_121, %cond3A_122 : i32
      scf.if %cond3A_123 {
        "tpu.region"() ({
          %run_scoped3A = tpu.sem_alloc : memref<!tpu.dma_semaphore, #tpu.memory_space<semaphore_mem>>
          %dma_start3A = arith.constant 0 : i32
          %dma_start3A_124 = arith.constant 0 : i32
          %dma_start3A_125 = tpu.memref_slice %arg10[%dma_start3A, %dma_start3A_124] : memref<320x128xf32, #tpu.memory_space<vmem>> -> memref<80x128xf32, #tpu.memory_space<vmem>>
          %dma_start3A_126 = arith.constant 0 : i32
          %dma_start3A_127 = tpu.memref_slice %arg6[%multiple_of3A, %dma_start3A_126] : memref<10000x128xf32, #tpu.memory_space<hbm>> -> memref<80x128xf32, #tpu.memory_space<hbm>>
          %dma_start3A_128 = arith.constant 0 : i32
          %dma_start3A_129 = arith.constant 0 : i32
          %dma_start3A_130 = tpu.memref_slice %arg10[%dma_start3A_128, %dma_start3A_129] : memref<320x128xf32, #tpu.memory_space<vmem>> -> memref<80x128xf32, #tpu.memory_space<vmem>>
          %dma_start3A_131 = arith.constant 0 : i32
          %dma_start3A_132 = tpu.memref_slice %arg6[%multiple_of3A, %dma_start3A_131] : memref<10000x128xf32, #tpu.memory_space<hbm>> -> memref<80x128xf32, #tpu.memory_space<hbm>>
          tpu.enqueue_dma source(%dma_start3A_132 : memref<80x128xf32, #tpu.memory_space<hbm>>) target(%dma_start3A_130 : memref<80x128xf32, #tpu.memory_space<vmem>>) target_semaphore(%run_scoped3A : memref<!tpu.dma_semaphore, #tpu.memory_space<semaphore_mem>>)
          %dma_wait3A = arith.constant 0 : i32
          %dma_wait3A_133 = arith.constant 0 : i32
          %dma_wait3A_134 = tpu.memref_slice %arg10[%dma_wait3A, %dma_wait3A_133] : memref<320x128xf32, #tpu.memory_space<vmem>> -> memref<80x128xf32, #tpu.memory_space<vmem>>
          %dma_wait3A_135 = arith.constant 0 : i32
          %dma_wait3A_136 = tpu.memref_slice %arg6[%multiple_of3A, %dma_wait3A_135] : memref<10000x128xf32, #tpu.memory_space<hbm>> -> memref<80x128xf32, #tpu.memory_space<hbm>>
          %dma_wait3A_137 = arith.constant 0 : i32
          %dma_wait3A_138 = arith.constant 0 : i32
          %dma_wait3A_139 = tpu.memref_slice %arg10[%dma_wait3A_137, %dma_wait3A_138] : memref<320x128xf32, #tpu.memory_space<vmem>> -> memref<80x128xf32, #tpu.memory_space<vmem>>
          %dma_wait3A_140 = arith.constant 0 : i32
          %dma_wait3A_141 = tpu.memref_slice %arg6[%multiple_of3A, %dma_wait3A_140] : memref<10000x128xf32, #tpu.memory_space<hbm>> -> memref<80x128xf32, #tpu.memory_space<hbm>>
          tpu.wait_dma2 semaphore(%run_scoped3A : memref<!tpu.dma_semaphore, #tpu.memory_space<semaphore_mem>>) src(%dma_wait3A_141 : memref<80x128xf32, #tpu.memory_space<hbm>>) dst(%dma_wait3A_139 : memref<80x128xf32, #tpu.memory_space<vmem>>)
          tpu.yield
        }) : () -> ()
      } else {
      }
      "tpu.region"() ({
        %run_scoped3A = tpu.sem_alloc : memref<!tpu.dma_semaphore, #tpu.memory_space<semaphore_mem>>
        %dma_start3A = arith.constant 0 : i32
        %dma_start3A_124 = arith.constant 0 : i32
        %dma_start3A_125 = tpu.memref_slice %arg10[%dma_start3A, %dma_start3A_124] : memref<320x128xf32, #tpu.memory_space<vmem>> -> memref<80x128xf32, #tpu.memory_space<vmem>>
        %dma_start3A_126 = arith.constant 0 : i32
        %dma_start3A_127 = tpu.memref_slice %arg11[%multiple_of3A, %dma_start3A_126] : memref<10000x128xf32, #tpu.memory_space<vmem_shared>> -> memref<80x128xf32, #tpu.memory_space<vmem_shared>>
        %dma_start3A_128 = arith.constant 0 : i32
        %dma_start3A_129 = tpu.memref_slice %arg11[%multiple_of3A, %dma_start3A_128] : memref<10000x128xf32, #tpu.memory_space<vmem_shared>> -> memref<80x128xf32, #tpu.memory_space<vmem_shared>>
        %dma_start3A_130 = arith.constant 0 : i32
        %dma_start3A_131 = arith.constant 0 : i32
        %dma_start3A_132 = tpu.memref_slice %arg10[%dma_start3A_130, %dma_start3A_131] : memref<320x128xf32, #tpu.memory_space<vmem>> -> memref<80x128xf32, #tpu.memory_space<vmem>>
        tpu.enqueue_dma source(%dma_start3A_132 : memref<80x128xf32, #tpu.memory_space<vmem>>) target(%dma_start3A_129 : memref<80x128xf32, #tpu.memory_space<vmem_shared>>) target_semaphore(%run_scoped3A : memref<!tpu.dma_semaphore, #tpu.memory_space<semaphore_mem>>)
        %dma_wait3A = arith.constant 0 : i32
        %dma_wait3A_133 = arith.constant 0 : i32
        %dma_wait3A_134 = tpu.memref_slice %arg10[%dma_wait3A, %dma_wait3A_133] : memref<320x128xf32, #tpu.memory_space<vmem>> -> memref<80x128xf32, #tpu.memory_space<vmem>>
        %dma_wait3A_135 = arith.constant 0 : i32
        %dma_wait3A_136 = tpu.memref_slice %arg11[%multiple_of3A, %dma_wait3A_135] : memref<10000x128xf32, #tpu.memory_space<vmem_shared>> -> memref<80x128xf32, #tpu.memory_space<vmem_shared>>
        %dma_wait3A_137 = arith.constant 0 : i32
        %dma_wait3A_138 = tpu.memref_slice %arg11[%multiple_of3A, %dma_wait3A_137] : memref<10000x128xf32, #tpu.memory_space<vmem_shared>> -> memref<80x128xf32, #tpu.memory_space<vmem_shared>>
        %dma_wait3A_139 = arith.constant 0 : i32
        %dma_wait3A_140 = arith.constant 0 : i32
        %dma_wait3A_141 = tpu.memref_slice %arg10[%dma_wait3A_139, %dma_wait3A_140] : memref<320x128xf32, #tpu.memory_space<vmem>> -> memref<80x128xf32, #tpu.memory_space<vmem>>
        tpu.wait_dma2 semaphore(%run_scoped3A : memref<!tpu.dma_semaphore, #tpu.memory_space<semaphore_mem>>) src(%dma_wait3A_141 : memref<80x128xf32, #tpu.memory_space<vmem>>) dst(%dma_wait3A_138 : memref<80x128xf32, #tpu.memory_space<vmem_shared>>)
        tpu.yield
      }) : () -> ()
    } else {
    }
    %add3A_38 = arith.constant 96 : i32
    %add3A_39 = arith.addi %arg1, %add3A_38 : i32
    %lt3A_40 = arith.constant 125 : i32
    %lt3A_41 = arith.cmpi slt, %add3A_39, %lt3A_40 : i32
    %convert_element_type3A_42 = arith.extui %lt3A_41 : i1 to i32
    %cond3A_43 = arith.constant 0 : i32
    %cond3A_44 = arith.cmpi ne, %convert_element_type3A_42, %cond3A_43 : i32
    scf.if %cond3A_44 {
      %mul3A = arith.constant 80 : i32
      %mul3A_114 = arith.muli %add3A_39, %mul3A : i32
      %multiple_of3A = tpu.assume_multiple %mul3A_114, 8 : i32
      %eq3A = arith.constant 0 : i32
      %eq3A_115 = arith.cmpi eq, %arg0, %eq3A : i32
      %convert_element_type3A_116 = arith.extui %eq3A_115 : i1 to i32
      %cond3A_117 = arith.constant 0 : i32
      %cond3A_118 = arith.cmpi ne, %convert_element_type3A_116, %cond3A_117 : i32
      scf.if %cond3A_118 {
        "tpu.region"() ({
          %run_scoped3A = tpu.sem_alloc : memref<!tpu.dma_semaphore, #tpu.memory_space<semaphore_mem>>
          %dma_start3A = arith.constant 0 : i32
          %dma_start3A_124 = arith.constant 0 : i32
          %dma_start3A_125 = tpu.memref_slice %arg10[%dma_start3A, %dma_start3A_124] : memref<320x128xf32, #tpu.memory_space<vmem>> -> memref<80x128xf32, #tpu.memory_space<vmem>>
          %dma_start3A_126 = arith.constant 0 : i32
          %dma_start3A_127 = tpu.memref_slice %arg5[%multiple_of3A, %dma_start3A_126] : memref<10000x128xf32, #tpu.memory_space<hbm>> -> memref<80x128xf32, #tpu.memory_space<hbm>>
          %dma_start3A_128 = arith.constant 0 : i32
          %dma_start3A_129 = arith.constant 0 : i32
          %dma_start3A_130 = tpu.memref_slice %arg10[%dma_start3A_128, %dma_start3A_129] : memref<320x128xf32, #tpu.memory_space<vmem>> -> memref<80x128xf32, #tpu.memory_space<vmem>>
          %dma_start3A_131 = arith.constant 0 : i32
          %dma_start3A_132 = tpu.memref_slice %arg5[%multiple_of3A, %dma_start3A_131] : memref<10000x128xf32, #tpu.memory_space<hbm>> -> memref<80x128xf32, #tpu.memory_space<hbm>>
          tpu.enqueue_dma source(%dma_start3A_132 : memref<80x128xf32, #tpu.memory_space<hbm>>) target(%dma_start3A_130 : memref<80x128xf32, #tpu.memory_space<vmem>>) target_semaphore(%run_scoped3A : memref<!tpu.dma_semaphore, #tpu.memory_space<semaphore_mem>>)
          %dma_wait3A = arith.constant 0 : i32
          %dma_wait3A_133 = arith.constant 0 : i32
          %dma_wait3A_134 = tpu.memref_slice %arg10[%dma_wait3A, %dma_wait3A_133] : memref<320x128xf32, #tpu.memory_space<vmem>> -> memref<80x128xf32, #tpu.memory_space<vmem>>
          %dma_wait3A_135 = arith.constant 0 : i32
          %dma_wait3A_136 = tpu.memref_slice %arg5[%multiple_of3A, %dma_wait3A_135] : memref<10000x128xf32, #tpu.memory_space<hbm>> -> memref<80x128xf32, #tpu.memory_space<hbm>>
          %dma_wait3A_137 = arith.constant 0 : i32
          %dma_wait3A_138 = arith.constant 0 : i32
          %dma_wait3A_139 = tpu.memref_slice %arg10[%dma_wait3A_137, %dma_wait3A_138] : memref<320x128xf32, #tpu.memory_space<vmem>> -> memref<80x128xf32, #tpu.memory_space<vmem>>
          %dma_wait3A_140 = arith.constant 0 : i32
          %dma_wait3A_141 = tpu.memref_slice %arg5[%multiple_of3A, %dma_wait3A_140] : memref<10000x128xf32, #tpu.memory_space<hbm>> -> memref<80x128xf32, #tpu.memory_space<hbm>>
          tpu.wait_dma2 semaphore(%run_scoped3A : memref<!tpu.dma_semaphore, #tpu.memory_space<semaphore_mem>>) src(%dma_wait3A_141 : memref<80x128xf32, #tpu.memory_space<hbm>>) dst(%dma_wait3A_139 : memref<80x128xf32, #tpu.memory_space<vmem>>)
          tpu.yield
        }) : () -> ()
      } else {
      }
      %eq3A_119 = arith.constant 1 : i32
      %eq3A_120 = arith.cmpi eq, %arg0, %eq3A_119 : i32
      %convert_element_type3A_121 = arith.extui %eq3A_120 : i1 to i32
      %cond3A_122 = arith.constant 0 : i32
      %cond3A_123 = arith.cmpi ne, %convert_element_type3A_121, %cond3A_122 : i32
      scf.if %cond3A_123 {
        "tpu.region"() ({
          %run_scoped3A = tpu.sem_alloc : memref<!tpu.dma_semaphore, #tpu.memory_space<semaphore_mem>>
          %dma_start3A = arith.constant 0 : i32
          %dma_start3A_124 = arith.constant 0 : i32
          %dma_start3A_125 = tpu.memref_slice %arg10[%dma_start3A, %dma_start3A_124] : memref<320x128xf32, #tpu.memory_space<vmem>> -> memref<80x128xf32, #tpu.memory_space<vmem>>
          %dma_start3A_126 = arith.constant 0 : i32
          %dma_start3A_127 = tpu.memref_slice %arg6[%multiple_of3A, %dma_start3A_126] : memref<10000x128xf32, #tpu.memory_space<hbm>> -> memref<80x128xf32, #tpu.memory_space<hbm>>
          %dma_start3A_128 = arith.constant 0 : i32
          %dma_start3A_129 = arith.constant 0 : i32
          %dma_start3A_130 = tpu.memref_slice %arg10[%dma_start3A_128, %dma_start3A_129] : memref<320x128xf32, #tpu.memory_space<vmem>> -> memref<80x128xf32, #tpu.memory_space<vmem>>
          %dma_start3A_131 = arith.constant 0 : i32
          %dma_start3A_132 = tpu.memref_slice %arg6[%multiple_of3A, %dma_start3A_131] : memref<10000x128xf32, #tpu.memory_space<hbm>> -> memref<80x128xf32, #tpu.memory_space<hbm>>
          tpu.enqueue_dma source(%dma_start3A_132 : memref<80x128xf32, #tpu.memory_space<hbm>>) target(%dma_start3A_130 : memref<80x128xf32, #tpu.memory_space<vmem>>) target_semaphore(%run_scoped3A : memref<!tpu.dma_semaphore, #tpu.memory_space<semaphore_mem>>)
          %dma_wait3A = arith.constant 0 : i32
          %dma_wait3A_133 = arith.constant 0 : i32
          %dma_wait3A_134 = tpu.memref_slice %arg10[%dma_wait3A, %dma_wait3A_133] : memref<320x128xf32, #tpu.memory_space<vmem>> -> memref<80x128xf32, #tpu.memory_space<vmem>>
          %dma_wait3A_135 = arith.constant 0 : i32
          %dma_wait3A_136 = tpu.memref_slice %arg6[%multiple_of3A, %dma_wait3A_135] : memref<10000x128xf32, #tpu.memory_space<hbm>> -> memref<80x128xf32, #tpu.memory_space<hbm>>
          %dma_wait3A_137 = arith.constant 0 : i32
          %dma_wait3A_138 = arith.constant 0 : i32
          %dma_wait3A_139 = tpu.memref_slice %arg10[%dma_wait3A_137, %dma_wait3A_138] : memref<320x128xf32, #tpu.memory_space<vmem>> -> memref<80x128xf32, #tpu.memory_space<vmem>>
          %dma_wait3A_140 = arith.constant 0 : i32
          %dma_wait3A_141 = tpu.memref_slice %arg6[%multiple_of3A, %dma_wait3A_140] : memref<10000x128xf32, #tpu.memory_space<hbm>> -> memref<80x128xf32, #tpu.memory_space<hbm>>
          tpu.wait_dma2 semaphore(%run_scoped3A : memref<!tpu.dma_semaphore, #tpu.memory_space<semaphore_mem>>) src(%dma_wait3A_141 : memref<80x128xf32, #tpu.memory_space<hbm>>) dst(%dma_wait3A_139 : memref<80x128xf32, #tpu.memory_space<vmem>>)
          tpu.yield
        }) : () -> ()
      } else {
      }
      "tpu.region"() ({
        %run_scoped3A = tpu.sem_alloc : memref<!tpu.dma_semaphore, #tpu.memory_space<semaphore_mem>>
        %dma_start3A = arith.constant 0 : i32
        %dma_start3A_124 = arith.constant 0 : i32
        %dma_start3A_125 = tpu.memref_slice %arg10[%dma_start3A, %dma_start3A_124] : memref<320x128xf32, #tpu.memory_space<vmem>> -> memref<80x128xf32, #tpu.memory_space<vmem>>
        %dma_start3A_126 = arith.constant 0 : i32
        %dma_start3A_127 = tpu.memref_slice %arg11[%multiple_of3A, %dma_start3A_126] : memref<10000x128xf32, #tpu.memory_space<vmem_shared>> -> memref<80x128xf32, #tpu.memory_space<vmem_shared>>
        %dma_start3A_128 = arith.constant 0 : i32
        %dma_start3A_129 = tpu.memref_slice %arg11[%multiple_of3A, %dma_start3A_128] : memref<10000x128xf32, #tpu.memory_space<vmem_shared>> -> memref<80x128xf32, #tpu.memory_space<vmem_shared>>
        %dma_start3A_130 = arith.constant 0 : i32
        %dma_start3A_131 = arith.constant 0 : i32
        %dma_start3A_132 = tpu.memref_slice %arg10[%dma_start3A_130, %dma_start3A_131] : memref<320x128xf32, #tpu.memory_space<vmem>> -> memref<80x128xf32, #tpu.memory_space<vmem>>
        tpu.enqueue_dma source(%dma_start3A_132 : memref<80x128xf32, #tpu.memory_space<vmem>>) target(%dma_start3A_129 : memref<80x128xf32, #tpu.memory_space<vmem_shared>>) target_semaphore(%run_scoped3A : memref<!tpu.dma_semaphore, #tpu.memory_space<semaphore_mem>>)
        %dma_wait3A = arith.constant 0 : i32
        %dma_wait3A_133 = arith.constant 0 : i32
        %dma_wait3A_134 = tpu.memref_slice %arg10[%dma_wait3A, %dma_wait3A_133] : memref<320x128xf32, #tpu.memory_space<vmem>> -> memref<80x128xf32, #tpu.memory_space<vmem>>
        %dma_wait3A_135 = arith.constant 0 : i32
        %dma_wait3A_136 = tpu.memref_slice %arg11[%multiple_of3A, %dma_wait3A_135] : memref<10000x128xf32, #tpu.memory_space<vmem_shared>> -> memref<80x128xf32, #tpu.memory_space<vmem_shared>>
        %dma_wait3A_137 = arith.constant 0 : i32
        %dma_wait3A_138 = tpu.memref_slice %arg11[%multiple_of3A, %dma_wait3A_137] : memref<10000x128xf32, #tpu.memory_space<vmem_shared>> -> memref<80x128xf32, #tpu.memory_space<vmem_shared>>
        %dma_wait3A_139 = arith.constant 0 : i32
        %dma_wait3A_140 = arith.constant 0 : i32
        %dma_wait3A_141 = tpu.memref_slice %arg10[%dma_wait3A_139, %dma_wait3A_140] : memref<320x128xf32, #tpu.memory_space<vmem>> -> memref<80x128xf32, #tpu.memory_space<vmem>>
        tpu.wait_dma2 semaphore(%run_scoped3A : memref<!tpu.dma_semaphore, #tpu.memory_space<semaphore_mem>>) src(%dma_wait3A_141 : memref<80x128xf32, #tpu.memory_space<vmem>>) dst(%dma_wait3A_138 : memref<80x128xf32, #tpu.memory_space<vmem_shared>>)
        tpu.yield
      }) : () -> ()
    } else {
    }
    %add3A_45 = arith.constant 112 : i32
    %add3A_46 = arith.addi %arg1, %add3A_45 : i32
    %lt3A_47 = arith.constant 125 : i32
    %lt3A_48 = arith.cmpi slt, %add3A_46, %lt3A_47 : i32
    %convert_element_type3A_49 = arith.extui %lt3A_48 : i1 to i32
    %cond3A_50 = arith.constant 0 : i32
    %cond3A_51 = arith.cmpi ne, %convert_element_type3A_49, %cond3A_50 : i32
    scf.if %cond3A_51 {
      %mul3A = arith.constant 80 : i32
      %mul3A_114 = arith.muli %add3A_46, %mul3A : i32
      %multiple_of3A = tpu.assume_multiple %mul3A_114, 8 : i32
      %eq3A = arith.constant 0 : i32
      %eq3A_115 = arith.cmpi eq, %arg0, %eq3A : i32
      %convert_element_type3A_116 = arith.extui %eq3A_115 : i1 to i32
      %cond3A_117 = arith.constant 0 : i32
      %cond3A_118 = arith.cmpi ne, %convert_element_type3A_116, %cond3A_117 : i32
      scf.if %cond3A_118 {
        "tpu.region"() ({
          %run_scoped3A = tpu.sem_alloc : memref<!tpu.dma_semaphore, #tpu.memory_space<semaphore_mem>>
          %dma_start3A = arith.constant 0 : i32
          %dma_start3A_124 = arith.constant 0 : i32
          %dma_start3A_125 = tpu.memref_slice %arg10[%dma_start3A, %dma_start3A_124] : memref<320x128xf32, #tpu.memory_space<vmem>> -> memref<80x128xf32, #tpu.memory_space<vmem>>
          %dma_start3A_126 = arith.constant 0 : i32
          %dma_start3A_127 = tpu.memref_slice %arg5[%multiple_of3A, %dma_start3A_126] : memref<10000x128xf32, #tpu.memory_space<hbm>> -> memref<80x128xf32, #tpu.memory_space<hbm>>
          %dma_start3A_128 = arith.constant 0 : i32
          %dma_start3A_129 = arith.constant 0 : i32
          %dma_start3A_130 = tpu.memref_slice %arg10[%dma_start3A_128, %dma_start3A_129] : memref<320x128xf32, #tpu.memory_space<vmem>> -> memref<80x128xf32, #tpu.memory_space<vmem>>
          %dma_start3A_131 = arith.constant 0 : i32
          %dma_start3A_132 = tpu.memref_slice %arg5[%multiple_of3A, %dma_start3A_131] : memref<10000x128xf32, #tpu.memory_space<hbm>> -> memref<80x128xf32, #tpu.memory_space<hbm>>
          tpu.enqueue_dma source(%dma_start3A_132 : memref<80x128xf32, #tpu.memory_space<hbm>>) target(%dma_start3A_130 : memref<80x128xf32, #tpu.memory_space<vmem>>) target_semaphore(%run_scoped3A : memref<!tpu.dma_semaphore, #tpu.memory_space<semaphore_mem>>)
          %dma_wait3A = arith.constant 0 : i32
          %dma_wait3A_133 = arith.constant 0 : i32
          %dma_wait3A_134 = tpu.memref_slice %arg10[%dma_wait3A, %dma_wait3A_133] : memref<320x128xf32, #tpu.memory_space<vmem>> -> memref<80x128xf32, #tpu.memory_space<vmem>>
          %dma_wait3A_135 = arith.constant 0 : i32
          %dma_wait3A_136 = tpu.memref_slice %arg5[%multiple_of3A, %dma_wait3A_135] : memref<10000x128xf32, #tpu.memory_space<hbm>> -> memref<80x128xf32, #tpu.memory_space<hbm>>
          %dma_wait3A_137 = arith.constant 0 : i32
          %dma_wait3A_138 = arith.constant 0 : i32
          %dma_wait3A_139 = tpu.memref_slice %arg10[%dma_wait3A_137, %dma_wait3A_138] : memref<320x128xf32, #tpu.memory_space<vmem>> -> memref<80x128xf32, #tpu.memory_space<vmem>>
          %dma_wait3A_140 = arith.constant 0 : i32
          %dma_wait3A_141 = tpu.memref_slice %arg5[%multiple_of3A, %dma_wait3A_140] : memref<10000x128xf32, #tpu.memory_space<hbm>> -> memref<80x128xf32, #tpu.memory_space<hbm>>
          tpu.wait_dma2 semaphore(%run_scoped3A : memref<!tpu.dma_semaphore, #tpu.memory_space<semaphore_mem>>) src(%dma_wait3A_141 : memref<80x128xf32, #tpu.memory_space<hbm>>) dst(%dma_wait3A_139 : memref<80x128xf32, #tpu.memory_space<vmem>>)
          tpu.yield
        }) : () -> ()
      } else {
      }
      %eq3A_119 = arith.constant 1 : i32
      %eq3A_120 = arith.cmpi eq, %arg0, %eq3A_119 : i32
      %convert_element_type3A_121 = arith.extui %eq3A_120 : i1 to i32
      %cond3A_122 = arith.constant 0 : i32
      %cond3A_123 = arith.cmpi ne, %convert_element_type3A_121, %cond3A_122 : i32
      scf.if %cond3A_123 {
        "tpu.region"() ({
          %run_scoped3A = tpu.sem_alloc : memref<!tpu.dma_semaphore, #tpu.memory_space<semaphore_mem>>
          %dma_start3A = arith.constant 0 : i32
          %dma_start3A_124 = arith.constant 0 : i32
          %dma_start3A_125 = tpu.memref_slice %arg10[%dma_start3A, %dma_start3A_124] : memref<320x128xf32, #tpu.memory_space<vmem>> -> memref<80x128xf32, #tpu.memory_space<vmem>>
          %dma_start3A_126 = arith.constant 0 : i32
          %dma_start3A_127 = tpu.memref_slice %arg6[%multiple_of3A, %dma_start3A_126] : memref<10000x128xf32, #tpu.memory_space<hbm>> -> memref<80x128xf32, #tpu.memory_space<hbm>>
          %dma_start3A_128 = arith.constant 0 : i32
          %dma_start3A_129 = arith.constant 0 : i32
          %dma_start3A_130 = tpu.memref_slice %arg10[%dma_start3A_128, %dma_start3A_129] : memref<320x128xf32, #tpu.memory_space<vmem>> -> memref<80x128xf32, #tpu.memory_space<vmem>>
          %dma_start3A_131 = arith.constant 0 : i32
          %dma_start3A_132 = tpu.memref_slice %arg6[%multiple_of3A, %dma_start3A_131] : memref<10000x128xf32, #tpu.memory_space<hbm>> -> memref<80x128xf32, #tpu.memory_space<hbm>>
          tpu.enqueue_dma source(%dma_start3A_132 : memref<80x128xf32, #tpu.memory_space<hbm>>) target(%dma_start3A_130 : memref<80x128xf32, #tpu.memory_space<vmem>>) target_semaphore(%run_scoped3A : memref<!tpu.dma_semaphore, #tpu.memory_space<semaphore_mem>>)
          %dma_wait3A = arith.constant 0 : i32
          %dma_wait3A_133 = arith.constant 0 : i32
          %dma_wait3A_134 = tpu.memref_slice %arg10[%dma_wait3A, %dma_wait3A_133] : memref<320x128xf32, #tpu.memory_space<vmem>> -> memref<80x128xf32, #tpu.memory_space<vmem>>
          %dma_wait3A_135 = arith.constant 0 : i32
          %dma_wait3A_136 = tpu.memref_slice %arg6[%multiple_of3A, %dma_wait3A_135] : memref<10000x128xf32, #tpu.memory_space<hbm>> -> memref<80x128xf32, #tpu.memory_space<hbm>>
          %dma_wait3A_137 = arith.constant 0 : i32
          %dma_wait3A_138 = arith.constant 0 : i32
          %dma_wait3A_139 = tpu.memref_slice %arg10[%dma_wait3A_137, %dma_wait3A_138] : memref<320x128xf32, #tpu.memory_space<vmem>> -> memref<80x128xf32, #tpu.memory_space<vmem>>
          %dma_wait3A_140 = arith.constant 0 : i32
          %dma_wait3A_141 = tpu.memref_slice %arg6[%multiple_of3A, %dma_wait3A_140] : memref<10000x128xf32, #tpu.memory_space<hbm>> -> memref<80x128xf32, #tpu.memory_space<hbm>>
          tpu.wait_dma2 semaphore(%run_scoped3A : memref<!tpu.dma_semaphore, #tpu.memory_space<semaphore_mem>>) src(%dma_wait3A_141 : memref<80x128xf32, #tpu.memory_space<hbm>>) dst(%dma_wait3A_139 : memref<80x128xf32, #tpu.memory_space<vmem>>)
          tpu.yield
        }) : () -> ()
      } else {
      }
      "tpu.region"() ({
        %run_scoped3A = tpu.sem_alloc : memref<!tpu.dma_semaphore, #tpu.memory_space<semaphore_mem>>
        %dma_start3A = arith.constant 0 : i32
        %dma_start3A_124 = arith.constant 0 : i32
        %dma_start3A_125 = tpu.memref_slice %arg10[%dma_start3A, %dma_start3A_124] : memref<320x128xf32, #tpu.memory_space<vmem>> -> memref<80x128xf32, #tpu.memory_space<vmem>>
        %dma_start3A_126 = arith.constant 0 : i32
        %dma_start3A_127 = tpu.memref_slice %arg11[%multiple_of3A, %dma_start3A_126] : memref<10000x128xf32, #tpu.memory_space<vmem_shared>> -> memref<80x128xf32, #tpu.memory_space<vmem_shared>>
        %dma_start3A_128 = arith.constant 0 : i32
        %dma_start3A_129 = tpu.memref_slice %arg11[%multiple_of3A, %dma_start3A_128] : memref<10000x128xf32, #tpu.memory_space<vmem_shared>> -> memref<80x128xf32, #tpu.memory_space<vmem_shared>>
        %dma_start3A_130 = arith.constant 0 : i32
        %dma_start3A_131 = arith.constant 0 : i32
        %dma_start3A_132 = tpu.memref_slice %arg10[%dma_start3A_130, %dma_start3A_131] : memref<320x128xf32, #tpu.memory_space<vmem>> -> memref<80x128xf32, #tpu.memory_space<vmem>>
        tpu.enqueue_dma source(%dma_start3A_132 : memref<80x128xf32, #tpu.memory_space<vmem>>) target(%dma_start3A_129 : memref<80x128xf32, #tpu.memory_space<vmem_shared>>) target_semaphore(%run_scoped3A : memref<!tpu.dma_semaphore, #tpu.memory_space<semaphore_mem>>)
        %dma_wait3A = arith.constant 0 : i32
        %dma_wait3A_133 = arith.constant 0 : i32
        %dma_wait3A_134 = tpu.memref_slice %arg10[%dma_wait3A, %dma_wait3A_133] : memref<320x128xf32, #tpu.memory_space<vmem>> -> memref<80x128xf32, #tpu.memory_space<vmem>>
        %dma_wait3A_135 = arith.constant 0 : i32
        %dma_wait3A_136 = tpu.memref_slice %arg11[%multiple_of3A, %dma_wait3A_135] : memref<10000x128xf32, #tpu.memory_space<vmem_shared>> -> memref<80x128xf32, #tpu.memory_space<vmem_shared>>
        %dma_wait3A_137 = arith.constant 0 : i32
        %dma_wait3A_138 = tpu.memref_slice %arg11[%multiple_of3A, %dma_wait3A_137] : memref<10000x128xf32, #tpu.memory_space<vmem_shared>> -> memref<80x128xf32, #tpu.memory_space<vmem_shared>>
        %dma_wait3A_139 = arith.constant 0 : i32
        %dma_wait3A_140 = arith.constant 0 : i32
        %dma_wait3A_141 = tpu.memref_slice %arg10[%dma_wait3A_139, %dma_wait3A_140] : memref<320x128xf32, #tpu.memory_space<vmem>> -> memref<80x128xf32, #tpu.memory_space<vmem>>
        tpu.wait_dma2 semaphore(%run_scoped3A : memref<!tpu.dma_semaphore, #tpu.memory_space<semaphore_mem>>) src(%dma_wait3A_141 : memref<80x128xf32, #tpu.memory_space<vmem>>) dst(%dma_wait3A_138 : memref<80x128xf32, #tpu.memory_space<vmem_shared>>)
        tpu.yield
      }) : () -> ()
    } else {
    }
    %barrier3A = arith.constant 0 : index
    tpu.barrier barrier_id(%barrier3A)
    %scan3A = arith.constant 0 : i32
    %scan3A_52 = arith.constant 0 : i32
    %scan3A_53 = arith.constant 32 : i32
    %scan3A_54 = arith.addi %scan3A_52, %scan3A_53 : i32
    %scan3A_55 = arith.constant 1 : i32
    scf.for %scan3A_114 = %scan3A_52 to %scan3A_54 step %scan3A_55  : i32 {
      %mul3A = arith.constant 16 : i32
      %mul3A_115 = arith.muli %scan3A_114, %mul3A : i32
      %add3A_116 = arith.addi %arg1, %mul3A_115 : i32
      %lt3A_117 = arith.constant 500 : i32
      %lt3A_118 = arith.cmpi slt, %add3A_116, %lt3A_117 : i32
      %convert_element_type3A_119 = arith.extui %lt3A_118 : i1 to i32
      %cond3A_120 = arith.constant 0 : i32
      %cond3A_121 = arith.cmpi ne, %convert_element_type3A_119, %cond3A_120 : i32
      scf.if %cond3A_121 {
        %mul3A_122 = arith.constant 320 : i32
        %mul3A_123 = arith.muli %add3A_116, %mul3A_122 : i32
        %multiple_of3A = tpu.assume_multiple %mul3A_123, 8 : i32
        "tpu.region"() ({
          %run_scoped3A = tpu.sem_alloc : memref<!tpu.dma_semaphore, #tpu.memory_space<semaphore_mem>>
          %dma_start3A = tpu.memref_slice %arg4[%multiple_of3A] : memref<160000xi32, #tpu.memory_space<hbm>> -> memref<320xi32, #tpu.memory_space<hbm>>
          %dma_start3A_133 = tpu.memref_slice %arg4[%multiple_of3A] : memref<160000xi32, #tpu.memory_space<hbm>> -> memref<320xi32, #tpu.memory_space<hbm>>
          tpu.enqueue_dma source(%dma_start3A_133 : memref<320xi32, #tpu.memory_space<hbm>>) target(%arg9 : memref<320xi32, #tpu.memory_space<vmem>>) target_semaphore(%run_scoped3A : memref<!tpu.dma_semaphore, #tpu.memory_space<semaphore_mem>>)
          %dma_wait3A = tpu.memref_slice %arg4[%multiple_of3A] : memref<160000xi32, #tpu.memory_space<hbm>> -> memref<320xi32, #tpu.memory_space<hbm>>
          %dma_wait3A_134 = tpu.memref_slice %arg4[%multiple_of3A] : memref<160000xi32, #tpu.memory_space<hbm>> -> memref<320xi32, #tpu.memory_space<hbm>>
          tpu.wait_dma2 semaphore(%run_scoped3A : memref<!tpu.dma_semaphore, #tpu.memory_space<semaphore_mem>>) src(%dma_wait3A_134 : memref<320xi32, #tpu.memory_space<hbm>>) dst(%arg9 : memref<320xi32, #tpu.memory_space<vmem>>)
          tpu.yield
        }) : () -> ()
        %eq3A = arith.constant 0 : i32
        %eq3A_124 = arith.cmpi eq, %arg0, %eq3A : i32
        %convert_element_type3A_125 = arith.extui %eq3A_124 : i1 to i32
        %cond3A_126 = arith.constant 0 : i32
        %cond3A_127 = arith.cmpi ne, %convert_element_type3A_125, %cond3A_126 : i32
        scf.if %cond3A_127 {
          "tpu.region"() ({
            %run_scoped3A = tpu.sem_alloc : memref<!tpu.dma_semaphore, #tpu.memory_space<semaphore_mem>>
            %dma_start3A = arith.constant 0 : i32
            %dma_start3A_133 = tpu.memref_slice %arg2[%multiple_of3A, %dma_start3A] : memref<160000x128xf32, #tpu.memory_space<hbm>> -> memref<320x128xf32, #tpu.memory_space<hbm>>
            %dma_start3A_134 = arith.constant 0 : i32
            %dma_start3A_135 = tpu.memref_slice %arg2[%multiple_of3A, %dma_start3A_134] : memref<160000x128xf32, #tpu.memory_space<hbm>> -> memref<320x128xf32, #tpu.memory_space<hbm>>
            tpu.enqueue_dma source(%dma_start3A_135 : memref<320x128xf32, #tpu.memory_space<hbm>>) target(%arg10 : memref<320x128xf32, #tpu.memory_space<vmem>>) target_semaphore(%run_scoped3A : memref<!tpu.dma_semaphore, #tpu.memory_space<semaphore_mem>>)
            %dma_wait3A = arith.constant 0 : i32
            %dma_wait3A_136 = tpu.memref_slice %arg2[%multiple_of3A, %dma_wait3A] : memref<160000x128xf32, #tpu.memory_space<hbm>> -> memref<320x128xf32, #tpu.memory_space<hbm>>
            %dma_wait3A_137 = arith.constant 0 : i32
            %dma_wait3A_138 = tpu.memref_slice %arg2[%multiple_of3A, %dma_wait3A_137] : memref<160000x128xf32, #tpu.memory_space<hbm>> -> memref<320x128xf32, #tpu.memory_space<hbm>>
            tpu.wait_dma2 semaphore(%run_scoped3A : memref<!tpu.dma_semaphore, #tpu.memory_space<semaphore_mem>>) src(%dma_wait3A_138 : memref<320x128xf32, #tpu.memory_space<hbm>>) dst(%arg10 : memref<320x128xf32, #tpu.memory_space<vmem>>)
            tpu.yield
          }) : () -> ()
        } else {
        }
        %eq3A_128 = arith.constant 1 : i32
        %eq3A_129 = arith.cmpi eq, %arg0, %eq3A_128 : i32
        %convert_element_type3A_130 = arith.extui %eq3A_129 : i1 to i32
        %cond3A_131 = arith.constant 0 : i32
        %cond3A_132 = arith.cmpi ne, %convert_element_type3A_130, %cond3A_131 : i32
        scf.if %cond3A_132 {
          "tpu.region"() ({
            %run_scoped3A = tpu.sem_alloc : memref<!tpu.dma_semaphore, #tpu.memory_space<semaphore_mem>>
            %dma_start3A = arith.constant 0 : i32
            %dma_start3A_133 = tpu.memref_slice %arg3[%multiple_of3A, %dma_start3A] : memref<160000x128xf32, #tpu.memory_space<hbm>> -> memref<320x128xf32, #tpu.memory_space<hbm>>
            %dma_start3A_134 = arith.constant 0 : i32
            %dma_start3A_135 = tpu.memref_slice %arg3[%multiple_of3A, %dma_start3A_134] : memref<160000x128xf32, #tpu.memory_space<hbm>> -> memref<320x128xf32, #tpu.memory_space<hbm>>
            tpu.enqueue_dma source(%dma_start3A_135 : memref<320x128xf32, #tpu.memory_space<hbm>>) target(%arg10 : memref<320x128xf32, #tpu.memory_space<vmem>>) target_semaphore(%run_scoped3A : memref<!tpu.dma_semaphore, #tpu.memory_space<semaphore_mem>>)
            %dma_wait3A = arith.constant 0 : i32
            %dma_wait3A_136 = tpu.memref_slice %arg3[%multiple_of3A, %dma_wait3A] : memref<160000x128xf32, #tpu.memory_space<hbm>> -> memref<320x128xf32, #tpu.memory_space<hbm>>
            %dma_wait3A_137 = arith.constant 0 : i32
            %dma_wait3A_138 = tpu.memref_slice %arg3[%multiple_of3A, %dma_wait3A_137] : memref<160000x128xf32, #tpu.memory_space<hbm>> -> memref<320x128xf32, #tpu.memory_space<hbm>>
            tpu.wait_dma2 semaphore(%run_scoped3A : memref<!tpu.dma_semaphore, #tpu.memory_space<semaphore_mem>>) src(%dma_wait3A_138 : memref<320x128xf32, #tpu.memory_space<hbm>>) dst(%arg10 : memref<320x128xf32, #tpu.memory_space<vmem>>)
            tpu.yield
          }) : () -> ()
        } else {
        }
        "tpu.region"() ({
          %run_scoped3A = tpu.sem_alloc : memref<!tpu.dma_semaphore, #tpu.memory_space<semaphore_mem>>
          %dma_start3A = arith.constant 0 : i32
          %dma_start3A_133 = arith.constant 0 : i32
          %dma_start3A_134 = tpu.memref_slice %arg11[%dma_start3A, %dma_start3A_133] : memref<10000x128xf32, #tpu.memory_space<vmem_shared>> -> memref<10000x128xf32, #tpu.memory_space<vmem_shared>>
          tpu.enqueue_indirect_dma source(%arg10 : memref<320x128xf32, #tpu.memory_space<vmem>>) target(%dma_start3A_134 : memref<10000x128xf32, #tpu.memory_space<vmem_shared>>) offsets(%arg9 : memref<320xi32, #tpu.memory_space<vmem>>) semaphore(%run_scoped3A : memref<!tpu.dma_semaphore, #tpu.memory_space<semaphore_mem>>) {add = true}
          %dma_wait3A = arith.constant 0 : i32
          %dma_wait3A_135 = arith.constant 0 : i32
          %dma_wait3A_136 = tpu.memref_slice %arg11[%dma_wait3A, %dma_wait3A_135] : memref<10000x128xf32, #tpu.memory_space<vmem_shared>> -> memref<10000x128xf32, #tpu.memory_space<vmem_shared>>
          tpu.wait_indirect_dma semaphore(%run_scoped3A : memref<!tpu.dma_semaphore, #tpu.memory_space<semaphore_mem>>) src(%arg10 : memref<320x128xf32, #tpu.memory_space<vmem>>) dst(%dma_wait3A_136 : memref<10000x128xf32, #tpu.memory_space<vmem_shared>>)
          tpu.yield
        }) : () -> ()
      } else {
      }
    }
    %scan3A_56 = arith.constant 32 : i32
    %barrier3A_57 = arith.constant 0 : index
    tpu.barrier barrier_id(%barrier3A_57)
    %add3A_58 = arith.constant 0 : i32
    %add3A_59 = arith.addi %arg1, %add3A_58 : i32
    %lt3A_60 = arith.constant 125 : i32
    %lt3A_61 = arith.cmpi slt, %add3A_59, %lt3A_60 : i32
    %convert_element_type3A_62 = arith.extui %lt3A_61 : i1 to i32
    %cond3A_63 = arith.constant 0 : i32
    %cond3A_64 = arith.cmpi ne, %convert_element_type3A_62, %cond3A_63 : i32
    scf.if %cond3A_64 {
      %mul3A = arith.constant 80 : i32
      %mul3A_114 = arith.muli %add3A_59, %mul3A : i32
      %multiple_of3A = tpu.assume_multiple %mul3A_114, 8 : i32
      "tpu.region"() ({
        %run_scoped3A = tpu.sem_alloc : memref<!tpu.dma_semaphore, #tpu.memory_space<semaphore_mem>>
        %dma_start3A = arith.constant 0 : i32
        %dma_start3A_124 = arith.constant 0 : i32
        %dma_start3A_125 = tpu.memref_slice %arg10[%dma_start3A, %dma_start3A_124] : memref<320x128xf32, #tpu.memory_space<vmem>> -> memref<80x128xf32, #tpu.memory_space<vmem>>
        %dma_start3A_126 = arith.constant 0 : i32
        %dma_start3A_127 = tpu.memref_slice %arg11[%multiple_of3A, %dma_start3A_126] : memref<10000x128xf32, #tpu.memory_space<vmem_shared>> -> memref<80x128xf32, #tpu.memory_space<vmem_shared>>
        %dma_start3A_128 = arith.constant 0 : i32
        %dma_start3A_129 = arith.constant 0 : i32
        %dma_start3A_130 = tpu.memref_slice %arg10[%dma_start3A_128, %dma_start3A_129] : memref<320x128xf32, #tpu.memory_space<vmem>> -> memref<80x128xf32, #tpu.memory_space<vmem>>
        %dma_start3A_131 = arith.constant 0 : i32
        %dma_start3A_132 = tpu.memref_slice %arg11[%multiple_of3A, %dma_start3A_131] : memref<10000x128xf32, #tpu.memory_space<vmem_shared>> -> memref<80x128xf32, #tpu.memory_space<vmem_shared>>
        tpu.enqueue_dma source(%dma_start3A_132 : memref<80x128xf32, #tpu.memory_space<vmem_shared>>) target(%dma_start3A_130 : memref<80x128xf32, #tpu.memory_space<vmem>>) target_semaphore(%run_scoped3A : memref<!tpu.dma_semaphore, #tpu.memory_space<semaphore_mem>>)
        %dma_wait3A = arith.constant 0 : i32
        %dma_wait3A_133 = arith.constant 0 : i32
        %dma_wait3A_134 = tpu.memref_slice %arg10[%dma_wait3A, %dma_wait3A_133] : memref<320x128xf32, #tpu.memory_space<vmem>> -> memref<80x128xf32, #tpu.memory_space<vmem>>
        %dma_wait3A_135 = arith.constant 0 : i32
        %dma_wait3A_136 = tpu.memref_slice %arg11[%multiple_of3A, %dma_wait3A_135] : memref<10000x128xf32, #tpu.memory_space<vmem_shared>> -> memref<80x128xf32, #tpu.memory_space<vmem_shared>>
        %dma_wait3A_137 = arith.constant 0 : i32
        %dma_wait3A_138 = arith.constant 0 : i32
        %dma_wait3A_139 = tpu.memref_slice %arg10[%dma_wait3A_137, %dma_wait3A_138] : memref<320x128xf32, #tpu.memory_space<vmem>> -> memref<80x128xf32, #tpu.memory_space<vmem>>
        %dma_wait3A_140 = arith.constant 0 : i32
        %dma_wait3A_141 = tpu.memref_slice %arg11[%multiple_of3A, %dma_wait3A_140] : memref<10000x128xf32, #tpu.memory_space<vmem_shared>> -> memref<80x128xf32, #tpu.memory_space<vmem_shared>>
        tpu.wait_dma2 semaphore(%run_scoped3A : memref<!tpu.dma_semaphore, #tpu.memory_space<semaphore_mem>>) src(%dma_wait3A_141 : memref<80x128xf32, #tpu.memory_space<vmem_shared>>) dst(%dma_wait3A_139 : memref<80x128xf32, #tpu.memory_space<vmem>>)
        tpu.yield
      }) : () -> ()
      %eq3A = arith.constant 0 : i32
      %eq3A_115 = arith.cmpi eq, %arg0, %eq3A : i32
      %convert_element_type3A_116 = arith.extui %eq3A_115 : i1 to i32
      %cond3A_117 = arith.constant 0 : i32
      %cond3A_118 = arith.cmpi ne, %convert_element_type3A_116, %cond3A_117 : i32
      scf.if %cond3A_118 {
        "tpu.region"() ({
          %run_scoped3A = tpu.sem_alloc : memref<!tpu.dma_semaphore, #tpu.memory_space<semaphore_mem>>
          %dma_start3A = arith.constant 0 : i32
          %dma_start3A_124 = arith.constant 0 : i32
          %dma_start3A_125 = tpu.memref_slice %arg10[%dma_start3A, %dma_start3A_124] : memref<320x128xf32, #tpu.memory_space<vmem>> -> memref<80x128xf32, #tpu.memory_space<vmem>>
          %dma_start3A_126 = arith.constant 0 : i32
          %dma_start3A_127 = tpu.memref_slice %arg7[%multiple_of3A, %dma_start3A_126] : memref<10000x128xf32, #tpu.memory_space<hbm>> -> memref<80x128xf32, #tpu.memory_space<hbm>>
          %dma_start3A_128 = arith.constant 0 : i32
          %dma_start3A_129 = tpu.memref_slice %arg7[%multiple_of3A, %dma_start3A_128] : memref<10000x128xf32, #tpu.memory_space<hbm>> -> memref<80x128xf32, #tpu.memory_space<hbm>>
          %dma_start3A_130 = arith.constant 0 : i32
          %dma_start3A_131 = arith.constant 0 : i32
          %dma_start3A_132 = tpu.memref_slice %arg10[%dma_start3A_130, %dma_start3A_131] : memref<320x128xf32, #tpu.memory_space<vmem>> -> memref<80x128xf32, #tpu.memory_space<vmem>>
          tpu.enqueue_dma source(%dma_start3A_132 : memref<80x128xf32, #tpu.memory_space<vmem>>) target(%dma_start3A_129 : memref<80x128xf32, #tpu.memory_space<hbm>>) target_semaphore(%run_scoped3A : memref<!tpu.dma_semaphore, #tpu.memory_space<semaphore_mem>>)
          %dma_wait3A = arith.constant 0 : i32
          %dma_wait3A_133 = arith.constant 0 : i32
          %dma_wait3A_134 = tpu.memref_slice %arg10[%dma_wait3A, %dma_wait3A_133] : memref<320x128xf32, #tpu.memory_space<vmem>> -> memref<80x128xf32, #tpu.memory_space<vmem>>
          %dma_wait3A_135 = arith.constant 0 : i32
          %dma_wait3A_136 = tpu.memref_slice %arg7[%multiple_of3A, %dma_wait3A_135] : memref<10000x128xf32, #tpu.memory_space<hbm>> -> memref<80x128xf32, #tpu.memory_space<hbm>>
          %dma_wait3A_137 = arith.constant 0 : i32
          %dma_wait3A_138 = tpu.memref_slice %arg7[%multiple_of3A, %dma_wait3A_137] : memref<10000x128xf32, #tpu.memory_space<hbm>> -> memref<80x128xf32, #tpu.memory_space<hbm>>
          %dma_wait3A_139 = arith.constant 0 : i32
          %dma_wait3A_140 = arith.constant 0 : i32
          %dma_wait3A_141 = tpu.memref_slice %arg10[%dma_wait3A_139, %dma_wait3A_140] : memref<320x128xf32, #tpu.memory_space<vmem>> -> memref<80x128xf32, #tpu.memory_space<vmem>>
          tpu.wait_dma2 semaphore(%run_scoped3A : memref<!tpu.dma_semaphore, #tpu.memory_space<semaphore_mem>>) src(%dma_wait3A_141 : memref<80x128xf32, #tpu.memory_space<vmem>>) dst(%dma_wait3A_138 : memref<80x128xf32, #tpu.memory_space<hbm>>)
          tpu.yield
        }) : () -> ()
      } else {
      }
      %eq3A_119 = arith.constant 1 : i32
      %eq3A_120 = arith.cmpi eq, %arg0, %eq3A_119 : i32
      %convert_element_type3A_121 = arith.extui %eq3A_120 : i1 to i32
      %cond3A_122 = arith.constant 0 : i32
      %cond3A_123 = arith.cmpi ne, %convert_element_type3A_121, %cond3A_122 : i32
      scf.if %cond3A_123 {
        "tpu.region"() ({
          %run_scoped3A = tpu.sem_alloc : memref<!tpu.dma_semaphore, #tpu.memory_space<semaphore_mem>>
          %dma_start3A = arith.constant 0 : i32
          %dma_start3A_124 = arith.constant 0 : i32
          %dma_start3A_125 = tpu.memref_slice %arg10[%dma_start3A, %dma_start3A_124] : memref<320x128xf32, #tpu.memory_space<vmem>> -> memref<80x128xf32, #tpu.memory_space<vmem>>
          %dma_start3A_126 = arith.constant 0 : i32
          %dma_start3A_127 = tpu.memref_slice %arg8[%multiple_of3A, %dma_start3A_126] : memref<10000x128xf32, #tpu.memory_space<hbm>> -> memref<80x128xf32, #tpu.memory_space<hbm>>
          %dma_start3A_128 = arith.constant 0 : i32
          %dma_start3A_129 = tpu.memref_slice %arg8[%multiple_of3A, %dma_start3A_128] : memref<10000x128xf32, #tpu.memory_space<hbm>> -> memref<80x128xf32, #tpu.memory_space<hbm>>
          %dma_start3A_130 = arith.constant 0 : i32
          %dma_start3A_131 = arith.constant 0 : i32
          %dma_start3A_132 = tpu.memref_slice %arg10[%dma_start3A_130, %dma_start3A_131] : memref<320x128xf32, #tpu.memory_space<vmem>> -> memref<80x128xf32, #tpu.memory_space<vmem>>
          tpu.enqueue_dma source(%dma_start3A_132 : memref<80x128xf32, #tpu.memory_space<vmem>>) target(%dma_start3A_129 : memref<80x128xf32, #tpu.memory_space<hbm>>) target_semaphore(%run_scoped3A : memref<!tpu.dma_semaphore, #tpu.memory_space<semaphore_mem>>)
          %dma_wait3A = arith.constant 0 : i32
          %dma_wait3A_133 = arith.constant 0 : i32
          %dma_wait3A_134 = tpu.memref_slice %arg10[%dma_wait3A, %dma_wait3A_133] : memref<320x128xf32, #tpu.memory_space<vmem>> -> memref<80x128xf32, #tpu.memory_space<vmem>>
          %dma_wait3A_135 = arith.constant 0 : i32
          %dma_wait3A_136 = tpu.memref_slice %arg8[%multiple_of3A, %dma_wait3A_135] : memref<10000x128xf32, #tpu.memory_space<hbm>> -> memref<80x128xf32, #tpu.memory_space<hbm>>
          %dma_wait3A_137 = arith.constant 0 : i32
          %dma_wait3A_138 = tpu.memref_slice %arg8[%multiple_of3A, %dma_wait3A_137] : memref<10000x128xf32, #tpu.memory_space<hbm>> -> memref<80x128xf32, #tpu.memory_space<hbm>>
          %dma_wait3A_139 = arith.constant 0 : i32
          %dma_wait3A_140 = arith.constant 0 : i32
          %dma_wait3A_141 = tpu.memref_slice %arg10[%dma_wait3A_139, %dma_wait3A_140] : memref<320x128xf32, #tpu.memory_space<vmem>> -> memref<80x128xf32, #tpu.memory_space<vmem>>
          tpu.wait_dma2 semaphore(%run_scoped3A : memref<!tpu.dma_semaphore, #tpu.memory_space<semaphore_mem>>) src(%dma_wait3A_141 : memref<80x128xf32, #tpu.memory_space<vmem>>) dst(%dma_wait3A_138 : memref<80x128xf32, #tpu.memory_space<hbm>>)
          tpu.yield
        }) : () -> ()
      } else {
      }
    } else {
    }
    %add3A_65 = arith.constant 16 : i32
    %add3A_66 = arith.addi %arg1, %add3A_65 : i32
    %lt3A_67 = arith.constant 125 : i32
    %lt3A_68 = arith.cmpi slt, %add3A_66, %lt3A_67 : i32
    %convert_element_type3A_69 = arith.extui %lt3A_68 : i1 to i32
    %cond3A_70 = arith.constant 0 : i32
    %cond3A_71 = arith.cmpi ne, %convert_element_type3A_69, %cond3A_70 : i32
    scf.if %cond3A_71 {
      %mul3A = arith.constant 80 : i32
      %mul3A_114 = arith.muli %add3A_66, %mul3A : i32
      %multiple_of3A = tpu.assume_multiple %mul3A_114, 8 : i32
      "tpu.region"() ({
        %run_scoped3A = tpu.sem_alloc : memref<!tpu.dma_semaphore, #tpu.memory_space<semaphore_mem>>
        %dma_start3A = arith.constant 0 : i32
        %dma_start3A_124 = arith.constant 0 : i32
        %dma_start3A_125 = tpu.memref_slice %arg10[%dma_start3A, %dma_start3A_124] : memref<320x128xf32, #tpu.memory_space<vmem>> -> memref<80x128xf32, #tpu.memory_space<vmem>>
        %dma_start3A_126 = arith.constant 0 : i32
        %dma_start3A_127 = tpu.memref_slice %arg11[%multiple_of3A, %dma_start3A_126] : memref<10000x128xf32, #tpu.memory_space<vmem_shared>> -> memref<80x128xf32, #tpu.memory_space<vmem_shared>>
        %dma_start3A_128 = arith.constant 0 : i32
        %dma_start3A_129 = arith.constant 0 : i32
        %dma_start3A_130 = tpu.memref_slice %arg10[%dma_start3A_128, %dma_start3A_129] : memref<320x128xf32, #tpu.memory_space<vmem>> -> memref<80x128xf32, #tpu.memory_space<vmem>>
        %dma_start3A_131 = arith.constant 0 : i32
        %dma_start3A_132 = tpu.memref_slice %arg11[%multiple_of3A, %dma_start3A_131] : memref<10000x128xf32, #tpu.memory_space<vmem_shared>> -> memref<80x128xf32, #tpu.memory_space<vmem_shared>>
        tpu.enqueue_dma source(%dma_start3A_132 : memref<80x128xf32, #tpu.memory_space<vmem_shared>>) target(%dma_start3A_130 : memref<80x128xf32, #tpu.memory_space<vmem>>) target_semaphore(%run_scoped3A : memref<!tpu.dma_semaphore, #tpu.memory_space<semaphore_mem>>)
        %dma_wait3A = arith.constant 0 : i32
        %dma_wait3A_133 = arith.constant 0 : i32
        %dma_wait3A_134 = tpu.memref_slice %arg10[%dma_wait3A, %dma_wait3A_133] : memref<320x128xf32, #tpu.memory_space<vmem>> -> memref<80x128xf32, #tpu.memory_space<vmem>>
        %dma_wait3A_135 = arith.constant 0 : i32
        %dma_wait3A_136 = tpu.memref_slice %arg11[%multiple_of3A, %dma_wait3A_135] : memref<10000x128xf32, #tpu.memory_space<vmem_shared>> -> memref<80x128xf32, #tpu.memory_space<vmem_shared>>
        %dma_wait3A_137 = arith.constant 0 : i32
        %dma_wait3A_138 = arith.constant 0 : i32
        %dma_wait3A_139 = tpu.memref_slice %arg10[%dma_wait3A_137, %dma_wait3A_138] : memref<320x128xf32, #tpu.memory_space<vmem>> -> memref<80x128xf32, #tpu.memory_space<vmem>>
        %dma_wait3A_140 = arith.constant 0 : i32
        %dma_wait3A_141 = tpu.memref_slice %arg11[%multiple_of3A, %dma_wait3A_140] : memref<10000x128xf32, #tpu.memory_space<vmem_shared>> -> memref<80x128xf32, #tpu.memory_space<vmem_shared>>
        tpu.wait_dma2 semaphore(%run_scoped3A : memref<!tpu.dma_semaphore, #tpu.memory_space<semaphore_mem>>) src(%dma_wait3A_141 : memref<80x128xf32, #tpu.memory_space<vmem_shared>>) dst(%dma_wait3A_139 : memref<80x128xf32, #tpu.memory_space<vmem>>)
        tpu.yield
      }) : () -> ()
      %eq3A = arith.constant 0 : i32
      %eq3A_115 = arith.cmpi eq, %arg0, %eq3A : i32
      %convert_element_type3A_116 = arith.extui %eq3A_115 : i1 to i32
      %cond3A_117 = arith.constant 0 : i32
      %cond3A_118 = arith.cmpi ne, %convert_element_type3A_116, %cond3A_117 : i32
      scf.if %cond3A_118 {
        "tpu.region"() ({
          %run_scoped3A = tpu.sem_alloc : memref<!tpu.dma_semaphore, #tpu.memory_space<semaphore_mem>>
          %dma_start3A = arith.constant 0 : i32
          %dma_start3A_124 = arith.constant 0 : i32
          %dma_start3A_125 = tpu.memref_slice %arg10[%dma_start3A, %dma_start3A_124] : memref<320x128xf32, #tpu.memory_space<vmem>> -> memref<80x128xf32, #tpu.memory_space<vmem>>
          %dma_start3A_126 = arith.constant 0 : i32
          %dma_start3A_127 = tpu.memref_slice %arg7[%multiple_of3A, %dma_start3A_126] : memref<10000x128xf32, #tpu.memory_space<hbm>> -> memref<80x128xf32, #tpu.memory_space<hbm>>
          %dma_start3A_128 = arith.constant 0 : i32
          %dma_start3A_129 = tpu.memref_slice %arg7[%multiple_of3A, %dma_start3A_128] : memref<10000x128xf32, #tpu.memory_space<hbm>> -> memref<80x128xf32, #tpu.memory_space<hbm>>
          %dma_start3A_130 = arith.constant 0 : i32
          %dma_start3A_131 = arith.constant 0 : i32
          %dma_start3A_132 = tpu.memref_slice %arg10[%dma_start3A_130, %dma_start3A_131] : memref<320x128xf32, #tpu.memory_space<vmem>> -> memref<80x128xf32, #tpu.memory_space<vmem>>
          tpu.enqueue_dma source(%dma_start3A_132 : memref<80x128xf32, #tpu.memory_space<vmem>>) target(%dma_start3A_129 : memref<80x128xf32, #tpu.memory_space<hbm>>) target_semaphore(%run_scoped3A : memref<!tpu.dma_semaphore, #tpu.memory_space<semaphore_mem>>)
          %dma_wait3A = arith.constant 0 : i32
          %dma_wait3A_133 = arith.constant 0 : i32
          %dma_wait3A_134 = tpu.memref_slice %arg10[%dma_wait3A, %dma_wait3A_133] : memref<320x128xf32, #tpu.memory_space<vmem>> -> memref<80x128xf32, #tpu.memory_space<vmem>>
          %dma_wait3A_135 = arith.constant 0 : i32
          %dma_wait3A_136 = tpu.memref_slice %arg7[%multiple_of3A, %dma_wait3A_135] : memref<10000x128xf32, #tpu.memory_space<hbm>> -> memref<80x128xf32, #tpu.memory_space<hbm>>
          %dma_wait3A_137 = arith.constant 0 : i32
          %dma_wait3A_138 = tpu.memref_slice %arg7[%multiple_of3A, %dma_wait3A_137] : memref<10000x128xf32, #tpu.memory_space<hbm>> -> memref<80x128xf32, #tpu.memory_space<hbm>>
          %dma_wait3A_139 = arith.constant 0 : i32
          %dma_wait3A_140 = arith.constant 0 : i32
          %dma_wait3A_141 = tpu.memref_slice %arg10[%dma_wait3A_139, %dma_wait3A_140] : memref<320x128xf32, #tpu.memory_space<vmem>> -> memref<80x128xf32, #tpu.memory_space<vmem>>
          tpu.wait_dma2 semaphore(%run_scoped3A : memref<!tpu.dma_semaphore, #tpu.memory_space<semaphore_mem>>) src(%dma_wait3A_141 : memref<80x128xf32, #tpu.memory_space<vmem>>) dst(%dma_wait3A_138 : memref<80x128xf32, #tpu.memory_space<hbm>>)
          tpu.yield
        }) : () -> ()
      } else {
      }
      %eq3A_119 = arith.constant 1 : i32
      %eq3A_120 = arith.cmpi eq, %arg0, %eq3A_119 : i32
      %convert_element_type3A_121 = arith.extui %eq3A_120 : i1 to i32
      %cond3A_122 = arith.constant 0 : i32
      %cond3A_123 = arith.cmpi ne, %convert_element_type3A_121, %cond3A_122 : i32
      scf.if %cond3A_123 {
        "tpu.region"() ({
          %run_scoped3A = tpu.sem_alloc : memref<!tpu.dma_semaphore, #tpu.memory_space<semaphore_mem>>
          %dma_start3A = arith.constant 0 : i32
          %dma_start3A_124 = arith.constant 0 : i32
          %dma_start3A_125 = tpu.memref_slice %arg10[%dma_start3A, %dma_start3A_124] : memref<320x128xf32, #tpu.memory_space<vmem>> -> memref<80x128xf32, #tpu.memory_space<vmem>>
          %dma_start3A_126 = arith.constant 0 : i32
          %dma_start3A_127 = tpu.memref_slice %arg8[%multiple_of3A, %dma_start3A_126] : memref<10000x128xf32, #tpu.memory_space<hbm>> -> memref<80x128xf32, #tpu.memory_space<hbm>>
          %dma_start3A_128 = arith.constant 0 : i32
          %dma_start3A_129 = tpu.memref_slice %arg8[%multiple_of3A, %dma_start3A_128] : memref<10000x128xf32, #tpu.memory_space<hbm>> -> memref<80x128xf32, #tpu.memory_space<hbm>>
          %dma_start3A_130 = arith.constant 0 : i32
          %dma_start3A_131 = arith.constant 0 : i32
          %dma_start3A_132 = tpu.memref_slice %arg10[%dma_start3A_130, %dma_start3A_131] : memref<320x128xf32, #tpu.memory_space<vmem>> -> memref<80x128xf32, #tpu.memory_space<vmem>>
          tpu.enqueue_dma source(%dma_start3A_132 : memref<80x128xf32, #tpu.memory_space<vmem>>) target(%dma_start3A_129 : memref<80x128xf32, #tpu.memory_space<hbm>>) target_semaphore(%run_scoped3A : memref<!tpu.dma_semaphore, #tpu.memory_space<semaphore_mem>>)
          %dma_wait3A = arith.constant 0 : i32
          %dma_wait3A_133 = arith.constant 0 : i32
          %dma_wait3A_134 = tpu.memref_slice %arg10[%dma_wait3A, %dma_wait3A_133] : memref<320x128xf32, #tpu.memory_space<vmem>> -> memref<80x128xf32, #tpu.memory_space<vmem>>
          %dma_wait3A_135 = arith.constant 0 : i32
          %dma_wait3A_136 = tpu.memref_slice %arg8[%multiple_of3A, %dma_wait3A_135] : memref<10000x128xf32, #tpu.memory_space<hbm>> -> memref<80x128xf32, #tpu.memory_space<hbm>>
          %dma_wait3A_137 = arith.constant 0 : i32
          %dma_wait3A_138 = tpu.memref_slice %arg8[%multiple_of3A, %dma_wait3A_137] : memref<10000x128xf32, #tpu.memory_space<hbm>> -> memref<80x128xf32, #tpu.memory_space<hbm>>
          %dma_wait3A_139 = arith.constant 0 : i32
          %dma_wait3A_140 = arith.constant 0 : i32
          %dma_wait3A_141 = tpu.memref_slice %arg10[%dma_wait3A_139, %dma_wait3A_140] : memref<320x128xf32, #tpu.memory_space<vmem>> -> memref<80x128xf32, #tpu.memory_space<vmem>>
          tpu.wait_dma2 semaphore(%run_scoped3A : memref<!tpu.dma_semaphore, #tpu.memory_space<semaphore_mem>>) src(%dma_wait3A_141 : memref<80x128xf32, #tpu.memory_space<vmem>>) dst(%dma_wait3A_138 : memref<80x128xf32, #tpu.memory_space<hbm>>)
          tpu.yield
        }) : () -> ()
      } else {
      }
    } else {
    }
    %add3A_72 = arith.constant 32 : i32
    %add3A_73 = arith.addi %arg1, %add3A_72 : i32
    %lt3A_74 = arith.constant 125 : i32
    %lt3A_75 = arith.cmpi slt, %add3A_73, %lt3A_74 : i32
    %convert_element_type3A_76 = arith.extui %lt3A_75 : i1 to i32
    %cond3A_77 = arith.constant 0 : i32
    %cond3A_78 = arith.cmpi ne, %convert_element_type3A_76, %cond3A_77 : i32
    scf.if %cond3A_78 {
      %mul3A = arith.constant 80 : i32
      %mul3A_114 = arith.muli %add3A_73, %mul3A : i32
      %multiple_of3A = tpu.assume_multiple %mul3A_114, 8 : i32
      "tpu.region"() ({
        %run_scoped3A = tpu.sem_alloc : memref<!tpu.dma_semaphore, #tpu.memory_space<semaphore_mem>>
        %dma_start3A = arith.constant 0 : i32
        %dma_start3A_124 = arith.constant 0 : i32
        %dma_start3A_125 = tpu.memref_slice %arg10[%dma_start3A, %dma_start3A_124] : memref<320x128xf32, #tpu.memory_space<vmem>> -> memref<80x128xf32, #tpu.memory_space<vmem>>
        %dma_start3A_126 = arith.constant 0 : i32
        %dma_start3A_127 = tpu.memref_slice %arg11[%multiple_of3A, %dma_start3A_126] : memref<10000x128xf32, #tpu.memory_space<vmem_shared>> -> memref<80x128xf32, #tpu.memory_space<vmem_shared>>
        %dma_start3A_128 = arith.constant 0 : i32
        %dma_start3A_129 = arith.constant 0 : i32
        %dma_start3A_130 = tpu.memref_slice %arg10[%dma_start3A_128, %dma_start3A_129] : memref<320x128xf32, #tpu.memory_space<vmem>> -> memref<80x128xf32, #tpu.memory_space<vmem>>
        %dma_start3A_131 = arith.constant 0 : i32
        %dma_start3A_132 = tpu.memref_slice %arg11[%multiple_of3A, %dma_start3A_131] : memref<10000x128xf32, #tpu.memory_space<vmem_shared>> -> memref<80x128xf32, #tpu.memory_space<vmem_shared>>
        tpu.enqueue_dma source(%dma_start3A_132 : memref<80x128xf32, #tpu.memory_space<vmem_shared>>) target(%dma_start3A_130 : memref<80x128xf32, #tpu.memory_space<vmem>>) target_semaphore(%run_scoped3A : memref<!tpu.dma_semaphore, #tpu.memory_space<semaphore_mem>>)
        %dma_wait3A = arith.constant 0 : i32
        %dma_wait3A_133 = arith.constant 0 : i32
        %dma_wait3A_134 = tpu.memref_slice %arg10[%dma_wait3A, %dma_wait3A_133] : memref<320x128xf32, #tpu.memory_space<vmem>> -> memref<80x128xf32, #tpu.memory_space<vmem>>
        %dma_wait3A_135 = arith.constant 0 : i32
        %dma_wait3A_136 = tpu.memref_slice %arg11[%multiple_of3A, %dma_wait3A_135] : memref<10000x128xf32, #tpu.memory_space<vmem_shared>> -> memref<80x128xf32, #tpu.memory_space<vmem_shared>>
        %dma_wait3A_137 = arith.constant 0 : i32
        %dma_wait3A_138 = arith.constant 0 : i32
        %dma_wait3A_139 = tpu.memref_slice %arg10[%dma_wait3A_137, %dma_wait3A_138] : memref<320x128xf32, #tpu.memory_space<vmem>> -> memref<80x128xf32, #tpu.memory_space<vmem>>
        %dma_wait3A_140 = arith.constant 0 : i32
        %dma_wait3A_141 = tpu.memref_slice %arg11[%multiple_of3A, %dma_wait3A_140] : memref<10000x128xf32, #tpu.memory_space<vmem_shared>> -> memref<80x128xf32, #tpu.memory_space<vmem_shared>>
        tpu.wait_dma2 semaphore(%run_scoped3A : memref<!tpu.dma_semaphore, #tpu.memory_space<semaphore_mem>>) src(%dma_wait3A_141 : memref<80x128xf32, #tpu.memory_space<vmem_shared>>) dst(%dma_wait3A_139 : memref<80x128xf32, #tpu.memory_space<vmem>>)
        tpu.yield
      }) : () -> ()
      %eq3A = arith.constant 0 : i32
      %eq3A_115 = arith.cmpi eq, %arg0, %eq3A : i32
      %convert_element_type3A_116 = arith.extui %eq3A_115 : i1 to i32
      %cond3A_117 = arith.constant 0 : i32
      %cond3A_118 = arith.cmpi ne, %convert_element_type3A_116, %cond3A_117 : i32
      scf.if %cond3A_118 {
        "tpu.region"() ({
          %run_scoped3A = tpu.sem_alloc : memref<!tpu.dma_semaphore, #tpu.memory_space<semaphore_mem>>
          %dma_start3A = arith.constant 0 : i32
          %dma_start3A_124 = arith.constant 0 : i32
          %dma_start3A_125 = tpu.memref_slice %arg10[%dma_start3A, %dma_start3A_124] : memref<320x128xf32, #tpu.memory_space<vmem>> -> memref<80x128xf32, #tpu.memory_space<vmem>>
          %dma_start3A_126 = arith.constant 0 : i32
          %dma_start3A_127 = tpu.memref_slice %arg7[%multiple_of3A, %dma_start3A_126] : memref<10000x128xf32, #tpu.memory_space<hbm>> -> memref<80x128xf32, #tpu.memory_space<hbm>>
          %dma_start3A_128 = arith.constant 0 : i32
          %dma_start3A_129 = tpu.memref_slice %arg7[%multiple_of3A, %dma_start3A_128] : memref<10000x128xf32, #tpu.memory_space<hbm>> -> memref<80x128xf32, #tpu.memory_space<hbm>>
          %dma_start3A_130 = arith.constant 0 : i32
          %dma_start3A_131 = arith.constant 0 : i32
          %dma_start3A_132 = tpu.memref_slice %arg10[%dma_start3A_130, %dma_start3A_131] : memref<320x128xf32, #tpu.memory_space<vmem>> -> memref<80x128xf32, #tpu.memory_space<vmem>>
          tpu.enqueue_dma source(%dma_start3A_132 : memref<80x128xf32, #tpu.memory_space<vmem>>) target(%dma_start3A_129 : memref<80x128xf32, #tpu.memory_space<hbm>>) target_semaphore(%run_scoped3A : memref<!tpu.dma_semaphore, #tpu.memory_space<semaphore_mem>>)
          %dma_wait3A = arith.constant 0 : i32
          %dma_wait3A_133 = arith.constant 0 : i32
          %dma_wait3A_134 = tpu.memref_slice %arg10[%dma_wait3A, %dma_wait3A_133] : memref<320x128xf32, #tpu.memory_space<vmem>> -> memref<80x128xf32, #tpu.memory_space<vmem>>
          %dma_wait3A_135 = arith.constant 0 : i32
          %dma_wait3A_136 = tpu.memref_slice %arg7[%multiple_of3A, %dma_wait3A_135] : memref<10000x128xf32, #tpu.memory_space<hbm>> -> memref<80x128xf32, #tpu.memory_space<hbm>>
          %dma_wait3A_137 = arith.constant 0 : i32
          %dma_wait3A_138 = tpu.memref_slice %arg7[%multiple_of3A, %dma_wait3A_137] : memref<10000x128xf32, #tpu.memory_space<hbm>> -> memref<80x128xf32, #tpu.memory_space<hbm>>
          %dma_wait3A_139 = arith.constant 0 : i32
          %dma_wait3A_140 = arith.constant 0 : i32
          %dma_wait3A_141 = tpu.memref_slice %arg10[%dma_wait3A_139, %dma_wait3A_140] : memref<320x128xf32, #tpu.memory_space<vmem>> -> memref<80x128xf32, #tpu.memory_space<vmem>>
          tpu.wait_dma2 semaphore(%run_scoped3A : memref<!tpu.dma_semaphore, #tpu.memory_space<semaphore_mem>>) src(%dma_wait3A_141 : memref<80x128xf32, #tpu.memory_space<vmem>>) dst(%dma_wait3A_138 : memref<80x128xf32, #tpu.memory_space<hbm>>)
          tpu.yield
        }) : () -> ()
      } else {
      }
      %eq3A_119 = arith.constant 1 : i32
      %eq3A_120 = arith.cmpi eq, %arg0, %eq3A_119 : i32
      %convert_element_type3A_121 = arith.extui %eq3A_120 : i1 to i32
      %cond3A_122 = arith.constant 0 : i32
      %cond3A_123 = arith.cmpi ne, %convert_element_type3A_121, %cond3A_122 : i32
      scf.if %cond3A_123 {
        "tpu.region"() ({
          %run_scoped3A = tpu.sem_alloc : memref<!tpu.dma_semaphore, #tpu.memory_space<semaphore_mem>>
          %dma_start3A = arith.constant 0 : i32
          %dma_start3A_124 = arith.constant 0 : i32
          %dma_start3A_125 = tpu.memref_slice %arg10[%dma_start3A, %dma_start3A_124] : memref<320x128xf32, #tpu.memory_space<vmem>> -> memref<80x128xf32, #tpu.memory_space<vmem>>
          %dma_start3A_126 = arith.constant 0 : i32
          %dma_start3A_127 = tpu.memref_slice %arg8[%multiple_of3A, %dma_start3A_126] : memref<10000x128xf32, #tpu.memory_space<hbm>> -> memref<80x128xf32, #tpu.memory_space<hbm>>
          %dma_start3A_128 = arith.constant 0 : i32
          %dma_start3A_129 = tpu.memref_slice %arg8[%multiple_of3A, %dma_start3A_128] : memref<10000x128xf32, #tpu.memory_space<hbm>> -> memref<80x128xf32, #tpu.memory_space<hbm>>
          %dma_start3A_130 = arith.constant 0 : i32
          %dma_start3A_131 = arith.constant 0 : i32
          %dma_start3A_132 = tpu.memref_slice %arg10[%dma_start3A_130, %dma_start3A_131] : memref<320x128xf32, #tpu.memory_space<vmem>> -> memref<80x128xf32, #tpu.memory_space<vmem>>
          tpu.enqueue_dma source(%dma_start3A_132 : memref<80x128xf32, #tpu.memory_space<vmem>>) target(%dma_start3A_129 : memref<80x128xf32, #tpu.memory_space<hbm>>) target_semaphore(%run_scoped3A : memref<!tpu.dma_semaphore, #tpu.memory_space<semaphore_mem>>)
          %dma_wait3A = arith.constant 0 : i32
          %dma_wait3A_133 = arith.constant 0 : i32
          %dma_wait3A_134 = tpu.memref_slice %arg10[%dma_wait3A, %dma_wait3A_133] : memref<320x128xf32, #tpu.memory_space<vmem>> -> memref<80x128xf32, #tpu.memory_space<vmem>>
          %dma_wait3A_135 = arith.constant 0 : i32
          %dma_wait3A_136 = tpu.memref_slice %arg8[%multiple_of3A, %dma_wait3A_135] : memref<10000x128xf32, #tpu.memory_space<hbm>> -> memref<80x128xf32, #tpu.memory_space<hbm>>
          %dma_wait3A_137 = arith.constant 0 : i32
          %dma_wait3A_138 = tpu.memref_slice %arg8[%multiple_of3A, %dma_wait3A_137] : memref<10000x128xf32, #tpu.memory_space<hbm>> -> memref<80x128xf32, #tpu.memory_space<hbm>>
          %dma_wait3A_139 = arith.constant 0 : i32
          %dma_wait3A_140 = arith.constant 0 : i32
          %dma_wait3A_141 = tpu.memref_slice %arg10[%dma_wait3A_139, %dma_wait3A_140] : memref<320x128xf32, #tpu.memory_space<vmem>> -> memref<80x128xf32, #tpu.memory_space<vmem>>
          tpu.wait_dma2 semaphore(%run_scoped3A : memref<!tpu.dma_semaphore, #tpu.memory_space<semaphore_mem>>) src(%dma_wait3A_141 : memref<80x128xf32, #tpu.memory_space<vmem>>) dst(%dma_wait3A_138 : memref<80x128xf32, #tpu.memory_space<hbm>>)
          tpu.yield
        }) : () -> ()
      } else {
      }
    } else {
    }
    %add3A_79 = arith.constant 48 : i32
    %add3A_80 = arith.addi %arg1, %add3A_79 : i32
    %lt3A_81 = arith.constant 125 : i32
    %lt3A_82 = arith.cmpi slt, %add3A_80, %lt3A_81 : i32
    %convert_element_type3A_83 = arith.extui %lt3A_82 : i1 to i32
    %cond3A_84 = arith.constant 0 : i32
    %cond3A_85 = arith.cmpi ne, %convert_element_type3A_83, %cond3A_84 : i32
    scf.if %cond3A_85 {
      %mul3A = arith.constant 80 : i32
      %mul3A_114 = arith.muli %add3A_80, %mul3A : i32
      %multiple_of3A = tpu.assume_multiple %mul3A_114, 8 : i32
      "tpu.region"() ({
        %run_scoped3A = tpu.sem_alloc : memref<!tpu.dma_semaphore, #tpu.memory_space<semaphore_mem>>
        %dma_start3A = arith.constant 0 : i32
        %dma_start3A_124 = arith.constant 0 : i32
        %dma_start3A_125 = tpu.memref_slice %arg10[%dma_start3A, %dma_start3A_124] : memref<320x128xf32, #tpu.memory_space<vmem>> -> memref<80x128xf32, #tpu.memory_space<vmem>>
        %dma_start3A_126 = arith.constant 0 : i32
        %dma_start3A_127 = tpu.memref_slice %arg11[%multiple_of3A, %dma_start3A_126] : memref<10000x128xf32, #tpu.memory_space<vmem_shared>> -> memref<80x128xf32, #tpu.memory_space<vmem_shared>>
        %dma_start3A_128 = arith.constant 0 : i32
        %dma_start3A_129 = arith.constant 0 : i32
        %dma_start3A_130 = tpu.memref_slice %arg10[%dma_start3A_128, %dma_start3A_129] : memref<320x128xf32, #tpu.memory_space<vmem>> -> memref<80x128xf32, #tpu.memory_space<vmem>>
        %dma_start3A_131 = arith.constant 0 : i32
        %dma_start3A_132 = tpu.memref_slice %arg11[%multiple_of3A, %dma_start3A_131] : memref<10000x128xf32, #tpu.memory_space<vmem_shared>> -> memref<80x128xf32, #tpu.memory_space<vmem_shared>>
        tpu.enqueue_dma source(%dma_start3A_132 : memref<80x128xf32, #tpu.memory_space<vmem_shared>>) target(%dma_start3A_130 : memref<80x128xf32, #tpu.memory_space<vmem>>) target_semaphore(%run_scoped3A : memref<!tpu.dma_semaphore, #tpu.memory_space<semaphore_mem>>)
        %dma_wait3A = arith.constant 0 : i32
        %dma_wait3A_133 = arith.constant 0 : i32
        %dma_wait3A_134 = tpu.memref_slice %arg10[%dma_wait3A, %dma_wait3A_133] : memref<320x128xf32, #tpu.memory_space<vmem>> -> memref<80x128xf32, #tpu.memory_space<vmem>>
        %dma_wait3A_135 = arith.constant 0 : i32
        %dma_wait3A_136 = tpu.memref_slice %arg11[%multiple_of3A, %dma_wait3A_135] : memref<10000x128xf32, #tpu.memory_space<vmem_shared>> -> memref<80x128xf32, #tpu.memory_space<vmem_shared>>
        %dma_wait3A_137 = arith.constant 0 : i32
        %dma_wait3A_138 = arith.constant 0 : i32
        %dma_wait3A_139 = tpu.memref_slice %arg10[%dma_wait3A_137, %dma_wait3A_138] : memref<320x128xf32, #tpu.memory_space<vmem>> -> memref<80x128xf32, #tpu.memory_space<vmem>>
        %dma_wait3A_140 = arith.constant 0 : i32
        %dma_wait3A_141 = tpu.memref_slice %arg11[%multiple_of3A, %dma_wait3A_140] : memref<10000x128xf32, #tpu.memory_space<vmem_shared>> -> memref<80x128xf32, #tpu.memory_space<vmem_shared>>
        tpu.wait_dma2 semaphore(%run_scoped3A : memref<!tpu.dma_semaphore, #tpu.memory_space<semaphore_mem>>) src(%dma_wait3A_141 : memref<80x128xf32, #tpu.memory_space<vmem_shared>>) dst(%dma_wait3A_139 : memref<80x128xf32, #tpu.memory_space<vmem>>)
        tpu.yield
      }) : () -> ()
      %eq3A = arith.constant 0 : i32
      %eq3A_115 = arith.cmpi eq, %arg0, %eq3A : i32
      %convert_element_type3A_116 = arith.extui %eq3A_115 : i1 to i32
      %cond3A_117 = arith.constant 0 : i32
      %cond3A_118 = arith.cmpi ne, %convert_element_type3A_116, %cond3A_117 : i32
      scf.if %cond3A_118 {
        "tpu.region"() ({
          %run_scoped3A = tpu.sem_alloc : memref<!tpu.dma_semaphore, #tpu.memory_space<semaphore_mem>>
          %dma_start3A = arith.constant 0 : i32
          %dma_start3A_124 = arith.constant 0 : i32
          %dma_start3A_125 = tpu.memref_slice %arg10[%dma_start3A, %dma_start3A_124] : memref<320x128xf32, #tpu.memory_space<vmem>> -> memref<80x128xf32, #tpu.memory_space<vmem>>
          %dma_start3A_126 = arith.constant 0 : i32
          %dma_start3A_127 = tpu.memref_slice %arg7[%multiple_of3A, %dma_start3A_126] : memref<10000x128xf32, #tpu.memory_space<hbm>> -> memref<80x128xf32, #tpu.memory_space<hbm>>
          %dma_start3A_128 = arith.constant 0 : i32
          %dma_start3A_129 = tpu.memref_slice %arg7[%multiple_of3A, %dma_start3A_128] : memref<10000x128xf32, #tpu.memory_space<hbm>> -> memref<80x128xf32, #tpu.memory_space<hbm>>
          %dma_start3A_130 = arith.constant 0 : i32
          %dma_start3A_131 = arith.constant 0 : i32
          %dma_start3A_132 = tpu.memref_slice %arg10[%dma_start3A_130, %dma_start3A_131] : memref<320x128xf32, #tpu.memory_space<vmem>> -> memref<80x128xf32, #tpu.memory_space<vmem>>
          tpu.enqueue_dma source(%dma_start3A_132 : memref<80x128xf32, #tpu.memory_space<vmem>>) target(%dma_start3A_129 : memref<80x128xf32, #tpu.memory_space<hbm>>) target_semaphore(%run_scoped3A : memref<!tpu.dma_semaphore, #tpu.memory_space<semaphore_mem>>)
          %dma_wait3A = arith.constant 0 : i32
          %dma_wait3A_133 = arith.constant 0 : i32
          %dma_wait3A_134 = tpu.memref_slice %arg10[%dma_wait3A, %dma_wait3A_133] : memref<320x128xf32, #tpu.memory_space<vmem>> -> memref<80x128xf32, #tpu.memory_space<vmem>>
          %dma_wait3A_135 = arith.constant 0 : i32
          %dma_wait3A_136 = tpu.memref_slice %arg7[%multiple_of3A, %dma_wait3A_135] : memref<10000x128xf32, #tpu.memory_space<hbm>> -> memref<80x128xf32, #tpu.memory_space<hbm>>
          %dma_wait3A_137 = arith.constant 0 : i32
          %dma_wait3A_138 = tpu.memref_slice %arg7[%multiple_of3A, %dma_wait3A_137] : memref<10000x128xf32, #tpu.memory_space<hbm>> -> memref<80x128xf32, #tpu.memory_space<hbm>>
          %dma_wait3A_139 = arith.constant 0 : i32
          %dma_wait3A_140 = arith.constant 0 : i32
          %dma_wait3A_141 = tpu.memref_slice %arg10[%dma_wait3A_139, %dma_wait3A_140] : memref<320x128xf32, #tpu.memory_space<vmem>> -> memref<80x128xf32, #tpu.memory_space<vmem>>
          tpu.wait_dma2 semaphore(%run_scoped3A : memref<!tpu.dma_semaphore, #tpu.memory_space<semaphore_mem>>) src(%dma_wait3A_141 : memref<80x128xf32, #tpu.memory_space<vmem>>) dst(%dma_wait3A_138 : memref<80x128xf32, #tpu.memory_space<hbm>>)
          tpu.yield
        }) : () -> ()
      } else {
      }
      %eq3A_119 = arith.constant 1 : i32
      %eq3A_120 = arith.cmpi eq, %arg0, %eq3A_119 : i32
      %convert_element_type3A_121 = arith.extui %eq3A_120 : i1 to i32
      %cond3A_122 = arith.constant 0 : i32
      %cond3A_123 = arith.cmpi ne, %convert_element_type3A_121, %cond3A_122 : i32
      scf.if %cond3A_123 {
        "tpu.region"() ({
          %run_scoped3A = tpu.sem_alloc : memref<!tpu.dma_semaphore, #tpu.memory_space<semaphore_mem>>
          %dma_start3A = arith.constant 0 : i32
          %dma_start3A_124 = arith.constant 0 : i32
          %dma_start3A_125 = tpu.memref_slice %arg10[%dma_start3A, %dma_start3A_124] : memref<320x128xf32, #tpu.memory_space<vmem>> -> memref<80x128xf32, #tpu.memory_space<vmem>>
          %dma_start3A_126 = arith.constant 0 : i32
          %dma_start3A_127 = tpu.memref_slice %arg8[%multiple_of3A, %dma_start3A_126] : memref<10000x128xf32, #tpu.memory_space<hbm>> -> memref<80x128xf32, #tpu.memory_space<hbm>>
          %dma_start3A_128 = arith.constant 0 : i32
          %dma_start3A_129 = tpu.memref_slice %arg8[%multiple_of3A, %dma_start3A_128] : memref<10000x128xf32, #tpu.memory_space<hbm>> -> memref<80x128xf32, #tpu.memory_space<hbm>>
          %dma_start3A_130 = arith.constant 0 : i32
          %dma_start3A_131 = arith.constant 0 : i32
          %dma_start3A_132 = tpu.memref_slice %arg10[%dma_start3A_130, %dma_start3A_131] : memref<320x128xf32, #tpu.memory_space<vmem>> -> memref<80x128xf32, #tpu.memory_space<vmem>>
          tpu.enqueue_dma source(%dma_start3A_132 : memref<80x128xf32, #tpu.memory_space<vmem>>) target(%dma_start3A_129 : memref<80x128xf32, #tpu.memory_space<hbm>>) target_semaphore(%run_scoped3A : memref<!tpu.dma_semaphore, #tpu.memory_space<semaphore_mem>>)
          %dma_wait3A = arith.constant 0 : i32
          %dma_wait3A_133 = arith.constant 0 : i32
          %dma_wait3A_134 = tpu.memref_slice %arg10[%dma_wait3A, %dma_wait3A_133] : memref<320x128xf32, #tpu.memory_space<vmem>> -> memref<80x128xf32, #tpu.memory_space<vmem>>
          %dma_wait3A_135 = arith.constant 0 : i32
          %dma_wait3A_136 = tpu.memref_slice %arg8[%multiple_of3A, %dma_wait3A_135] : memref<10000x128xf32, #tpu.memory_space<hbm>> -> memref<80x128xf32, #tpu.memory_space<hbm>>
          %dma_wait3A_137 = arith.constant 0 : i32
          %dma_wait3A_138 = tpu.memref_slice %arg8[%multiple_of3A, %dma_wait3A_137] : memref<10000x128xf32, #tpu.memory_space<hbm>> -> memref<80x128xf32, #tpu.memory_space<hbm>>
          %dma_wait3A_139 = arith.constant 0 : i32
          %dma_wait3A_140 = arith.constant 0 : i32
          %dma_wait3A_141 = tpu.memref_slice %arg10[%dma_wait3A_139, %dma_wait3A_140] : memref<320x128xf32, #tpu.memory_space<vmem>> -> memref<80x128xf32, #tpu.memory_space<vmem>>
          tpu.wait_dma2 semaphore(%run_scoped3A : memref<!tpu.dma_semaphore, #tpu.memory_space<semaphore_mem>>) src(%dma_wait3A_141 : memref<80x128xf32, #tpu.memory_space<vmem>>) dst(%dma_wait3A_138 : memref<80x128xf32, #tpu.memory_space<hbm>>)
          tpu.yield
        }) : () -> ()
      } else {
      }
    } else {
    }
    %add3A_86 = arith.constant 64 : i32
    %add3A_87 = arith.addi %arg1, %add3A_86 : i32
    %lt3A_88 = arith.constant 125 : i32
    %lt3A_89 = arith.cmpi slt, %add3A_87, %lt3A_88 : i32
    %convert_element_type3A_90 = arith.extui %lt3A_89 : i1 to i32
    %cond3A_91 = arith.constant 0 : i32
    %cond3A_92 = arith.cmpi ne, %convert_element_type3A_90, %cond3A_91 : i32
    scf.if %cond3A_92 {
      %mul3A = arith.constant 80 : i32
      %mul3A_114 = arith.muli %add3A_87, %mul3A : i32
      %multiple_of3A = tpu.assume_multiple %mul3A_114, 8 : i32
      "tpu.region"() ({
        %run_scoped3A = tpu.sem_alloc : memref<!tpu.dma_semaphore, #tpu.memory_space<semaphore_mem>>
        %dma_start3A = arith.constant 0 : i32
        %dma_start3A_124 = arith.constant 0 : i32
        %dma_start3A_125 = tpu.memref_slice %arg10[%dma_start3A, %dma_start3A_124] : memref<320x128xf32, #tpu.memory_space<vmem>> -> memref<80x128xf32, #tpu.memory_space<vmem>>
        %dma_start3A_126 = arith.constant 0 : i32
        %dma_start3A_127 = tpu.memref_slice %arg11[%multiple_of3A, %dma_start3A_126] : memref<10000x128xf32, #tpu.memory_space<vmem_shared>> -> memref<80x128xf32, #tpu.memory_space<vmem_shared>>
        %dma_start3A_128 = arith.constant 0 : i32
        %dma_start3A_129 = arith.constant 0 : i32
        %dma_start3A_130 = tpu.memref_slice %arg10[%dma_start3A_128, %dma_start3A_129] : memref<320x128xf32, #tpu.memory_space<vmem>> -> memref<80x128xf32, #tpu.memory_space<vmem>>
        %dma_start3A_131 = arith.constant 0 : i32
        %dma_start3A_132 = tpu.memref_slice %arg11[%multiple_of3A, %dma_start3A_131] : memref<10000x128xf32, #tpu.memory_space<vmem_shared>> -> memref<80x128xf32, #tpu.memory_space<vmem_shared>>
        tpu.enqueue_dma source(%dma_start3A_132 : memref<80x128xf32, #tpu.memory_space<vmem_shared>>) target(%dma_start3A_130 : memref<80x128xf32, #tpu.memory_space<vmem>>) target_semaphore(%run_scoped3A : memref<!tpu.dma_semaphore, #tpu.memory_space<semaphore_mem>>)
        %dma_wait3A = arith.constant 0 : i32
        %dma_wait3A_133 = arith.constant 0 : i32
        %dma_wait3A_134 = tpu.memref_slice %arg10[%dma_wait3A, %dma_wait3A_133] : memref<320x128xf32, #tpu.memory_space<vmem>> -> memref<80x128xf32, #tpu.memory_space<vmem>>
        %dma_wait3A_135 = arith.constant 0 : i32
        %dma_wait3A_136 = tpu.memref_slice %arg11[%multiple_of3A, %dma_wait3A_135] : memref<10000x128xf32, #tpu.memory_space<vmem_shared>> -> memref<80x128xf32, #tpu.memory_space<vmem_shared>>
        %dma_wait3A_137 = arith.constant 0 : i32
        %dma_wait3A_138 = arith.constant 0 : i32
        %dma_wait3A_139 = tpu.memref_slice %arg10[%dma_wait3A_137, %dma_wait3A_138] : memref<320x128xf32, #tpu.memory_space<vmem>> -> memref<80x128xf32, #tpu.memory_space<vmem>>
        %dma_wait3A_140 = arith.constant 0 : i32
        %dma_wait3A_141 = tpu.memref_slice %arg11[%multiple_of3A, %dma_wait3A_140] : memref<10000x128xf32, #tpu.memory_space<vmem_shared>> -> memref<80x128xf32, #tpu.memory_space<vmem_shared>>
        tpu.wait_dma2 semaphore(%run_scoped3A : memref<!tpu.dma_semaphore, #tpu.memory_space<semaphore_mem>>) src(%dma_wait3A_141 : memref<80x128xf32, #tpu.memory_space<vmem_shared>>) dst(%dma_wait3A_139 : memref<80x128xf32, #tpu.memory_space<vmem>>)
        tpu.yield
      }) : () -> ()
      %eq3A = arith.constant 0 : i32
      %eq3A_115 = arith.cmpi eq, %arg0, %eq3A : i32
      %convert_element_type3A_116 = arith.extui %eq3A_115 : i1 to i32
      %cond3A_117 = arith.constant 0 : i32
      %cond3A_118 = arith.cmpi ne, %convert_element_type3A_116, %cond3A_117 : i32
      scf.if %cond3A_118 {
        "tpu.region"() ({
          %run_scoped3A = tpu.sem_alloc : memref<!tpu.dma_semaphore, #tpu.memory_space<semaphore_mem>>
          %dma_start3A = arith.constant 0 : i32
          %dma_start3A_124 = arith.constant 0 : i32
          %dma_start3A_125 = tpu.memref_slice %arg10[%dma_start3A, %dma_start3A_124] : memref<320x128xf32, #tpu.memory_space<vmem>> -> memref<80x128xf32, #tpu.memory_space<vmem>>
          %dma_start3A_126 = arith.constant 0 : i32
          %dma_start3A_127 = tpu.memref_slice %arg7[%multiple_of3A, %dma_start3A_126] : memref<10000x128xf32, #tpu.memory_space<hbm>> -> memref<80x128xf32, #tpu.memory_space<hbm>>
          %dma_start3A_128 = arith.constant 0 : i32
          %dma_start3A_129 = tpu.memref_slice %arg7[%multiple_of3A, %dma_start3A_128] : memref<10000x128xf32, #tpu.memory_space<hbm>> -> memref<80x128xf32, #tpu.memory_space<hbm>>
          %dma_start3A_130 = arith.constant 0 : i32
          %dma_start3A_131 = arith.constant 0 : i32
          %dma_start3A_132 = tpu.memref_slice %arg10[%dma_start3A_130, %dma_start3A_131] : memref<320x128xf32, #tpu.memory_space<vmem>> -> memref<80x128xf32, #tpu.memory_space<vmem>>
          tpu.enqueue_dma source(%dma_start3A_132 : memref<80x128xf32, #tpu.memory_space<vmem>>) target(%dma_start3A_129 : memref<80x128xf32, #tpu.memory_space<hbm>>) target_semaphore(%run_scoped3A : memref<!tpu.dma_semaphore, #tpu.memory_space<semaphore_mem>>)
          %dma_wait3A = arith.constant 0 : i32
          %dma_wait3A_133 = arith.constant 0 : i32
          %dma_wait3A_134 = tpu.memref_slice %arg10[%dma_wait3A, %dma_wait3A_133] : memref<320x128xf32, #tpu.memory_space<vmem>> -> memref<80x128xf32, #tpu.memory_space<vmem>>
          %dma_wait3A_135 = arith.constant 0 : i32
          %dma_wait3A_136 = tpu.memref_slice %arg7[%multiple_of3A, %dma_wait3A_135] : memref<10000x128xf32, #tpu.memory_space<hbm>> -> memref<80x128xf32, #tpu.memory_space<hbm>>
          %dma_wait3A_137 = arith.constant 0 : i32
          %dma_wait3A_138 = tpu.memref_slice %arg7[%multiple_of3A, %dma_wait3A_137] : memref<10000x128xf32, #tpu.memory_space<hbm>> -> memref<80x128xf32, #tpu.memory_space<hbm>>
          %dma_wait3A_139 = arith.constant 0 : i32
          %dma_wait3A_140 = arith.constant 0 : i32
          %dma_wait3A_141 = tpu.memref_slice %arg10[%dma_wait3A_139, %dma_wait3A_140] : memref<320x128xf32, #tpu.memory_space<vmem>> -> memref<80x128xf32, #tpu.memory_space<vmem>>
          tpu.wait_dma2 semaphore(%run_scoped3A : memref<!tpu.dma_semaphore, #tpu.memory_space<semaphore_mem>>) src(%dma_wait3A_141 : memref<80x128xf32, #tpu.memory_space<vmem>>) dst(%dma_wait3A_138 : memref<80x128xf32, #tpu.memory_space<hbm>>)
          tpu.yield
        }) : () -> ()
      } else {
      }
      %eq3A_119 = arith.constant 1 : i32
      %eq3A_120 = arith.cmpi eq, %arg0, %eq3A_119 : i32
      %convert_element_type3A_121 = arith.extui %eq3A_120 : i1 to i32
      %cond3A_122 = arith.constant 0 : i32
      %cond3A_123 = arith.cmpi ne, %convert_element_type3A_121, %cond3A_122 : i32
      scf.if %cond3A_123 {
        "tpu.region"() ({
          %run_scoped3A = tpu.sem_alloc : memref<!tpu.dma_semaphore, #tpu.memory_space<semaphore_mem>>
          %dma_start3A = arith.constant 0 : i32
          %dma_start3A_124 = arith.constant 0 : i32
          %dma_start3A_125 = tpu.memref_slice %arg10[%dma_start3A, %dma_start3A_124] : memref<320x128xf32, #tpu.memory_space<vmem>> -> memref<80x128xf32, #tpu.memory_space<vmem>>
          %dma_start3A_126 = arith.constant 0 : i32
          %dma_start3A_127 = tpu.memref_slice %arg8[%multiple_of3A, %dma_start3A_126] : memref<10000x128xf32, #tpu.memory_space<hbm>> -> memref<80x128xf32, #tpu.memory_space<hbm>>
          %dma_start3A_128 = arith.constant 0 : i32
          %dma_start3A_129 = tpu.memref_slice %arg8[%multiple_of3A, %dma_start3A_128] : memref<10000x128xf32, #tpu.memory_space<hbm>> -> memref<80x128xf32, #tpu.memory_space<hbm>>
          %dma_start3A_130 = arith.constant 0 : i32
          %dma_start3A_131 = arith.constant 0 : i32
          %dma_start3A_132 = tpu.memref_slice %arg10[%dma_start3A_130, %dma_start3A_131] : memref<320x128xf32, #tpu.memory_space<vmem>> -> memref<80x128xf32, #tpu.memory_space<vmem>>
          tpu.enqueue_dma source(%dma_start3A_132 : memref<80x128xf32, #tpu.memory_space<vmem>>) target(%dma_start3A_129 : memref<80x128xf32, #tpu.memory_space<hbm>>) target_semaphore(%run_scoped3A : memref<!tpu.dma_semaphore, #tpu.memory_space<semaphore_mem>>)
          %dma_wait3A = arith.constant 0 : i32
          %dma_wait3A_133 = arith.constant 0 : i32
          %dma_wait3A_134 = tpu.memref_slice %arg10[%dma_wait3A, %dma_wait3A_133] : memref<320x128xf32, #tpu.memory_space<vmem>> -> memref<80x128xf32, #tpu.memory_space<vmem>>
          %dma_wait3A_135 = arith.constant 0 : i32
          %dma_wait3A_136 = tpu.memref_slice %arg8[%multiple_of3A, %dma_wait3A_135] : memref<10000x128xf32, #tpu.memory_space<hbm>> -> memref<80x128xf32, #tpu.memory_space<hbm>>
          %dma_wait3A_137 = arith.constant 0 : i32
          %dma_wait3A_138 = tpu.memref_slice %arg8[%multiple_of3A, %dma_wait3A_137] : memref<10000x128xf32, #tpu.memory_space<hbm>> -> memref<80x128xf32, #tpu.memory_space<hbm>>
          %dma_wait3A_139 = arith.constant 0 : i32
          %dma_wait3A_140 = arith.constant 0 : i32
          %dma_wait3A_141 = tpu.memref_slice %arg10[%dma_wait3A_139, %dma_wait3A_140] : memref<320x128xf32, #tpu.memory_space<vmem>> -> memref<80x128xf32, #tpu.memory_space<vmem>>
          tpu.wait_dma2 semaphore(%run_scoped3A : memref<!tpu.dma_semaphore, #tpu.memory_space<semaphore_mem>>) src(%dma_wait3A_141 : memref<80x128xf32, #tpu.memory_space<vmem>>) dst(%dma_wait3A_138 : memref<80x128xf32, #tpu.memory_space<hbm>>)
          tpu.yield
        }) : () -> ()
      } else {
      }
    } else {
    }
    %add3A_93 = arith.constant 80 : i32
    %add3A_94 = arith.addi %arg1, %add3A_93 : i32
    %lt3A_95 = arith.constant 125 : i32
    %lt3A_96 = arith.cmpi slt, %add3A_94, %lt3A_95 : i32
    %convert_element_type3A_97 = arith.extui %lt3A_96 : i1 to i32
    %cond3A_98 = arith.constant 0 : i32
    %cond3A_99 = arith.cmpi ne, %convert_element_type3A_97, %cond3A_98 : i32
    scf.if %cond3A_99 {
      %mul3A = arith.constant 80 : i32
      %mul3A_114 = arith.muli %add3A_94, %mul3A : i32
      %multiple_of3A = tpu.assume_multiple %mul3A_114, 8 : i32
      "tpu.region"() ({
        %run_scoped3A = tpu.sem_alloc : memref<!tpu.dma_semaphore, #tpu.memory_space<semaphore_mem>>
        %dma_start3A = arith.constant 0 : i32
        %dma_start3A_124 = arith.constant 0 : i32
        %dma_start3A_125 = tpu.memref_slice %arg10[%dma_start3A, %dma_start3A_124] : memref<320x128xf32, #tpu.memory_space<vmem>> -> memref<80x128xf32, #tpu.memory_space<vmem>>
        %dma_start3A_126 = arith.constant 0 : i32
        %dma_start3A_127 = tpu.memref_slice %arg11[%multiple_of3A, %dma_start3A_126] : memref<10000x128xf32, #tpu.memory_space<vmem_shared>> -> memref<80x128xf32, #tpu.memory_space<vmem_shared>>
        %dma_start3A_128 = arith.constant 0 : i32
        %dma_start3A_129 = arith.constant 0 : i32
        %dma_start3A_130 = tpu.memref_slice %arg10[%dma_start3A_128, %dma_start3A_129] : memref<320x128xf32, #tpu.memory_space<vmem>> -> memref<80x128xf32, #tpu.memory_space<vmem>>
        %dma_start3A_131 = arith.constant 0 : i32
        %dma_start3A_132 = tpu.memref_slice %arg11[%multiple_of3A, %dma_start3A_131] : memref<10000x128xf32, #tpu.memory_space<vmem_shared>> -> memref<80x128xf32, #tpu.memory_space<vmem_shared>>
        tpu.enqueue_dma source(%dma_start3A_132 : memref<80x128xf32, #tpu.memory_space<vmem_shared>>) target(%dma_start3A_130 : memref<80x128xf32, #tpu.memory_space<vmem>>) target_semaphore(%run_scoped3A : memref<!tpu.dma_semaphore, #tpu.memory_space<semaphore_mem>>)
        %dma_wait3A = arith.constant 0 : i32
        %dma_wait3A_133 = arith.constant 0 : i32
        %dma_wait3A_134 = tpu.memref_slice %arg10[%dma_wait3A, %dma_wait3A_133] : memref<320x128xf32, #tpu.memory_space<vmem>> -> memref<80x128xf32, #tpu.memory_space<vmem>>
        %dma_wait3A_135 = arith.constant 0 : i32
        %dma_wait3A_136 = tpu.memref_slice %arg11[%multiple_of3A, %dma_wait3A_135] : memref<10000x128xf32, #tpu.memory_space<vmem_shared>> -> memref<80x128xf32, #tpu.memory_space<vmem_shared>>
        %dma_wait3A_137 = arith.constant 0 : i32
        %dma_wait3A_138 = arith.constant 0 : i32
        %dma_wait3A_139 = tpu.memref_slice %arg10[%dma_wait3A_137, %dma_wait3A_138] : memref<320x128xf32, #tpu.memory_space<vmem>> -> memref<80x128xf32, #tpu.memory_space<vmem>>
        %dma_wait3A_140 = arith.constant 0 : i32
        %dma_wait3A_141 = tpu.memref_slice %arg11[%multiple_of3A, %dma_wait3A_140] : memref<10000x128xf32, #tpu.memory_space<vmem_shared>> -> memref<80x128xf32, #tpu.memory_space<vmem_shared>>
        tpu.wait_dma2 semaphore(%run_scoped3A : memref<!tpu.dma_semaphore, #tpu.memory_space<semaphore_mem>>) src(%dma_wait3A_141 : memref<80x128xf32, #tpu.memory_space<vmem_shared>>) dst(%dma_wait3A_139 : memref<80x128xf32, #tpu.memory_space<vmem>>)
        tpu.yield
      }) : () -> ()
      %eq3A = arith.constant 0 : i32
      %eq3A_115 = arith.cmpi eq, %arg0, %eq3A : i32
      %convert_element_type3A_116 = arith.extui %eq3A_115 : i1 to i32
      %cond3A_117 = arith.constant 0 : i32
      %cond3A_118 = arith.cmpi ne, %convert_element_type3A_116, %cond3A_117 : i32
      scf.if %cond3A_118 {
        "tpu.region"() ({
          %run_scoped3A = tpu.sem_alloc : memref<!tpu.dma_semaphore, #tpu.memory_space<semaphore_mem>>
          %dma_start3A = arith.constant 0 : i32
          %dma_start3A_124 = arith.constant 0 : i32
          %dma_start3A_125 = tpu.memref_slice %arg10[%dma_start3A, %dma_start3A_124] : memref<320x128xf32, #tpu.memory_space<vmem>> -> memref<80x128xf32, #tpu.memory_space<vmem>>
          %dma_start3A_126 = arith.constant 0 : i32
          %dma_start3A_127 = tpu.memref_slice %arg7[%multiple_of3A, %dma_start3A_126] : memref<10000x128xf32, #tpu.memory_space<hbm>> -> memref<80x128xf32, #tpu.memory_space<hbm>>
          %dma_start3A_128 = arith.constant 0 : i32
          %dma_start3A_129 = tpu.memref_slice %arg7[%multiple_of3A, %dma_start3A_128] : memref<10000x128xf32, #tpu.memory_space<hbm>> -> memref<80x128xf32, #tpu.memory_space<hbm>>
          %dma_start3A_130 = arith.constant 0 : i32
          %dma_start3A_131 = arith.constant 0 : i32
          %dma_start3A_132 = tpu.memref_slice %arg10[%dma_start3A_130, %dma_start3A_131] : memref<320x128xf32, #tpu.memory_space<vmem>> -> memref<80x128xf32, #tpu.memory_space<vmem>>
          tpu.enqueue_dma source(%dma_start3A_132 : memref<80x128xf32, #tpu.memory_space<vmem>>) target(%dma_start3A_129 : memref<80x128xf32, #tpu.memory_space<hbm>>) target_semaphore(%run_scoped3A : memref<!tpu.dma_semaphore, #tpu.memory_space<semaphore_mem>>)
          %dma_wait3A = arith.constant 0 : i32
          %dma_wait3A_133 = arith.constant 0 : i32
          %dma_wait3A_134 = tpu.memref_slice %arg10[%dma_wait3A, %dma_wait3A_133] : memref<320x128xf32, #tpu.memory_space<vmem>> -> memref<80x128xf32, #tpu.memory_space<vmem>>
          %dma_wait3A_135 = arith.constant 0 : i32
          %dma_wait3A_136 = tpu.memref_slice %arg7[%multiple_of3A, %dma_wait3A_135] : memref<10000x128xf32, #tpu.memory_space<hbm>> -> memref<80x128xf32, #tpu.memory_space<hbm>>
          %dma_wait3A_137 = arith.constant 0 : i32
          %dma_wait3A_138 = tpu.memref_slice %arg7[%multiple_of3A, %dma_wait3A_137] : memref<10000x128xf32, #tpu.memory_space<hbm>> -> memref<80x128xf32, #tpu.memory_space<hbm>>
          %dma_wait3A_139 = arith.constant 0 : i32
          %dma_wait3A_140 = arith.constant 0 : i32
          %dma_wait3A_141 = tpu.memref_slice %arg10[%dma_wait3A_139, %dma_wait3A_140] : memref<320x128xf32, #tpu.memory_space<vmem>> -> memref<80x128xf32, #tpu.memory_space<vmem>>
          tpu.wait_dma2 semaphore(%run_scoped3A : memref<!tpu.dma_semaphore, #tpu.memory_space<semaphore_mem>>) src(%dma_wait3A_141 : memref<80x128xf32, #tpu.memory_space<vmem>>) dst(%dma_wait3A_138 : memref<80x128xf32, #tpu.memory_space<hbm>>)
          tpu.yield
        }) : () -> ()
      } else {
      }
      %eq3A_119 = arith.constant 1 : i32
      %eq3A_120 = arith.cmpi eq, %arg0, %eq3A_119 : i32
      %convert_element_type3A_121 = arith.extui %eq3A_120 : i1 to i32
      %cond3A_122 = arith.constant 0 : i32
      %cond3A_123 = arith.cmpi ne, %convert_element_type3A_121, %cond3A_122 : i32
      scf.if %cond3A_123 {
        "tpu.region"() ({
          %run_scoped3A = tpu.sem_alloc : memref<!tpu.dma_semaphore, #tpu.memory_space<semaphore_mem>>
          %dma_start3A = arith.constant 0 : i32
          %dma_start3A_124 = arith.constant 0 : i32
          %dma_start3A_125 = tpu.memref_slice %arg10[%dma_start3A, %dma_start3A_124] : memref<320x128xf32, #tpu.memory_space<vmem>> -> memref<80x128xf32, #tpu.memory_space<vmem>>
          %dma_start3A_126 = arith.constant 0 : i32
          %dma_start3A_127 = tpu.memref_slice %arg8[%multiple_of3A, %dma_start3A_126] : memref<10000x128xf32, #tpu.memory_space<hbm>> -> memref<80x128xf32, #tpu.memory_space<hbm>>
          %dma_start3A_128 = arith.constant 0 : i32
          %dma_start3A_129 = tpu.memref_slice %arg8[%multiple_of3A, %dma_start3A_128] : memref<10000x128xf32, #tpu.memory_space<hbm>> -> memref<80x128xf32, #tpu.memory_space<hbm>>
          %dma_start3A_130 = arith.constant 0 : i32
          %dma_start3A_131 = arith.constant 0 : i32
          %dma_start3A_132 = tpu.memref_slice %arg10[%dma_start3A_130, %dma_start3A_131] : memref<320x128xf32, #tpu.memory_space<vmem>> -> memref<80x128xf32, #tpu.memory_space<vmem>>
          tpu.enqueue_dma source(%dma_start3A_132 : memref<80x128xf32, #tpu.memory_space<vmem>>) target(%dma_start3A_129 : memref<80x128xf32, #tpu.memory_space<hbm>>) target_semaphore(%run_scoped3A : memref<!tpu.dma_semaphore, #tpu.memory_space<semaphore_mem>>)
          %dma_wait3A = arith.constant 0 : i32
          %dma_wait3A_133 = arith.constant 0 : i32
          %dma_wait3A_134 = tpu.memref_slice %arg10[%dma_wait3A, %dma_wait3A_133] : memref<320x128xf32, #tpu.memory_space<vmem>> -> memref<80x128xf32, #tpu.memory_space<vmem>>
          %dma_wait3A_135 = arith.constant 0 : i32
          %dma_wait3A_136 = tpu.memref_slice %arg8[%multiple_of3A, %dma_wait3A_135] : memref<10000x128xf32, #tpu.memory_space<hbm>> -> memref<80x128xf32, #tpu.memory_space<hbm>>
          %dma_wait3A_137 = arith.constant 0 : i32
          %dma_wait3A_138 = tpu.memref_slice %arg8[%multiple_of3A, %dma_wait3A_137] : memref<10000x128xf32, #tpu.memory_space<hbm>> -> memref<80x128xf32, #tpu.memory_space<hbm>>
          %dma_wait3A_139 = arith.constant 0 : i32
          %dma_wait3A_140 = arith.constant 0 : i32
          %dma_wait3A_141 = tpu.memref_slice %arg10[%dma_wait3A_139, %dma_wait3A_140] : memref<320x128xf32, #tpu.memory_space<vmem>> -> memref<80x128xf32, #tpu.memory_space<vmem>>
          tpu.wait_dma2 semaphore(%run_scoped3A : memref<!tpu.dma_semaphore, #tpu.memory_space<semaphore_mem>>) src(%dma_wait3A_141 : memref<80x128xf32, #tpu.memory_space<vmem>>) dst(%dma_wait3A_138 : memref<80x128xf32, #tpu.memory_space<hbm>>)
          tpu.yield
        }) : () -> ()
      } else {
      }
    } else {
    }
    %add3A_100 = arith.constant 96 : i32
    %add3A_101 = arith.addi %arg1, %add3A_100 : i32
    %lt3A_102 = arith.constant 125 : i32
    %lt3A_103 = arith.cmpi slt, %add3A_101, %lt3A_102 : i32
    %convert_element_type3A_104 = arith.extui %lt3A_103 : i1 to i32
    %cond3A_105 = arith.constant 0 : i32
    %cond3A_106 = arith.cmpi ne, %convert_element_type3A_104, %cond3A_105 : i32
    scf.if %cond3A_106 {
      %mul3A = arith.constant 80 : i32
      %mul3A_114 = arith.muli %add3A_101, %mul3A : i32
      %multiple_of3A = tpu.assume_multiple %mul3A_114, 8 : i32
      "tpu.region"() ({
        %run_scoped3A = tpu.sem_alloc : memref<!tpu.dma_semaphore, #tpu.memory_space<semaphore_mem>>
        %dma_start3A = arith.constant 0 : i32
        %dma_start3A_124 = arith.constant 0 : i32
        %dma_start3A_125 = tpu.memref_slice %arg10[%dma_start3A, %dma_start3A_124] : memref<320x128xf32, #tpu.memory_space<vmem>> -> memref<80x128xf32, #tpu.memory_space<vmem>>
        %dma_start3A_126 = arith.constant 0 : i32
        %dma_start3A_127 = tpu.memref_slice %arg11[%multiple_of3A, %dma_start3A_126] : memref<10000x128xf32, #tpu.memory_space<vmem_shared>> -> memref<80x128xf32, #tpu.memory_space<vmem_shared>>
        %dma_start3A_128 = arith.constant 0 : i32
        %dma_start3A_129 = arith.constant 0 : i32
        %dma_start3A_130 = tpu.memref_slice %arg10[%dma_start3A_128, %dma_start3A_129] : memref<320x128xf32, #tpu.memory_space<vmem>> -> memref<80x128xf32, #tpu.memory_space<vmem>>
        %dma_start3A_131 = arith.constant 0 : i32
        %dma_start3A_132 = tpu.memref_slice %arg11[%multiple_of3A, %dma_start3A_131] : memref<10000x128xf32, #tpu.memory_space<vmem_shared>> -> memref<80x128xf32, #tpu.memory_space<vmem_shared>>
        tpu.enqueue_dma source(%dma_start3A_132 : memref<80x128xf32, #tpu.memory_space<vmem_shared>>) target(%dma_start3A_130 : memref<80x128xf32, #tpu.memory_space<vmem>>) target_semaphore(%run_scoped3A : memref<!tpu.dma_semaphore, #tpu.memory_space<semaphore_mem>>)
        %dma_wait3A = arith.constant 0 : i32
        %dma_wait3A_133 = arith.constant 0 : i32
        %dma_wait3A_134 = tpu.memref_slice %arg10[%dma_wait3A, %dma_wait3A_133] : memref<320x128xf32, #tpu.memory_space<vmem>> -> memref<80x128xf32, #tpu.memory_space<vmem>>
        %dma_wait3A_135 = arith.constant 0 : i32
        %dma_wait3A_136 = tpu.memref_slice %arg11[%multiple_of3A, %dma_wait3A_135] : memref<10000x128xf32, #tpu.memory_space<vmem_shared>> -> memref<80x128xf32, #tpu.memory_space<vmem_shared>>
        %dma_wait3A_137 = arith.constant 0 : i32
        %dma_wait3A_138 = arith.constant 0 : i32
        %dma_wait3A_139 = tpu.memref_slice %arg10[%dma_wait3A_137, %dma_wait3A_138] : memref<320x128xf32, #tpu.memory_space<vmem>> -> memref<80x128xf32, #tpu.memory_space<vmem>>
        %dma_wait3A_140 = arith.constant 0 : i32
        %dma_wait3A_141 = tpu.memref_slice %arg11[%multiple_of3A, %dma_wait3A_140] : memref<10000x128xf32, #tpu.memory_space<vmem_shared>> -> memref<80x128xf32, #tpu.memory_space<vmem_shared>>
        tpu.wait_dma2 semaphore(%run_scoped3A : memref<!tpu.dma_semaphore, #tpu.memory_space<semaphore_mem>>) src(%dma_wait3A_141 : memref<80x128xf32, #tpu.memory_space<vmem_shared>>) dst(%dma_wait3A_139 : memref<80x128xf32, #tpu.memory_space<vmem>>)
        tpu.yield
      }) : () -> ()
      %eq3A = arith.constant 0 : i32
      %eq3A_115 = arith.cmpi eq, %arg0, %eq3A : i32
      %convert_element_type3A_116 = arith.extui %eq3A_115 : i1 to i32
      %cond3A_117 = arith.constant 0 : i32
      %cond3A_118 = arith.cmpi ne, %convert_element_type3A_116, %cond3A_117 : i32
      scf.if %cond3A_118 {
        "tpu.region"() ({
          %run_scoped3A = tpu.sem_alloc : memref<!tpu.dma_semaphore, #tpu.memory_space<semaphore_mem>>
          %dma_start3A = arith.constant 0 : i32
          %dma_start3A_124 = arith.constant 0 : i32
          %dma_start3A_125 = tpu.memref_slice %arg10[%dma_start3A, %dma_start3A_124] : memref<320x128xf32, #tpu.memory_space<vmem>> -> memref<80x128xf32, #tpu.memory_space<vmem>>
          %dma_start3A_126 = arith.constant 0 : i32
          %dma_start3A_127 = tpu.memref_slice %arg7[%multiple_of3A, %dma_start3A_126] : memref<10000x128xf32, #tpu.memory_space<hbm>> -> memref<80x128xf32, #tpu.memory_space<hbm>>
          %dma_start3A_128 = arith.constant 0 : i32
          %dma_start3A_129 = tpu.memref_slice %arg7[%multiple_of3A, %dma_start3A_128] : memref<10000x128xf32, #tpu.memory_space<hbm>> -> memref<80x128xf32, #tpu.memory_space<hbm>>
          %dma_start3A_130 = arith.constant 0 : i32
          %dma_start3A_131 = arith.constant 0 : i32
          %dma_start3A_132 = tpu.memref_slice %arg10[%dma_start3A_130, %dma_start3A_131] : memref<320x128xf32, #tpu.memory_space<vmem>> -> memref<80x128xf32, #tpu.memory_space<vmem>>
          tpu.enqueue_dma source(%dma_start3A_132 : memref<80x128xf32, #tpu.memory_space<vmem>>) target(%dma_start3A_129 : memref<80x128xf32, #tpu.memory_space<hbm>>) target_semaphore(%run_scoped3A : memref<!tpu.dma_semaphore, #tpu.memory_space<semaphore_mem>>)
          %dma_wait3A = arith.constant 0 : i32
          %dma_wait3A_133 = arith.constant 0 : i32
          %dma_wait3A_134 = tpu.memref_slice %arg10[%dma_wait3A, %dma_wait3A_133] : memref<320x128xf32, #tpu.memory_space<vmem>> -> memref<80x128xf32, #tpu.memory_space<vmem>>
          %dma_wait3A_135 = arith.constant 0 : i32
          %dma_wait3A_136 = tpu.memref_slice %arg7[%multiple_of3A, %dma_wait3A_135] : memref<10000x128xf32, #tpu.memory_space<hbm>> -> memref<80x128xf32, #tpu.memory_space<hbm>>
          %dma_wait3A_137 = arith.constant 0 : i32
          %dma_wait3A_138 = tpu.memref_slice %arg7[%multiple_of3A, %dma_wait3A_137] : memref<10000x128xf32, #tpu.memory_space<hbm>> -> memref<80x128xf32, #tpu.memory_space<hbm>>
          %dma_wait3A_139 = arith.constant 0 : i32
          %dma_wait3A_140 = arith.constant 0 : i32
          %dma_wait3A_141 = tpu.memref_slice %arg10[%dma_wait3A_139, %dma_wait3A_140] : memref<320x128xf32, #tpu.memory_space<vmem>> -> memref<80x128xf32, #tpu.memory_space<vmem>>
          tpu.wait_dma2 semaphore(%run_scoped3A : memref<!tpu.dma_semaphore, #tpu.memory_space<semaphore_mem>>) src(%dma_wait3A_141 : memref<80x128xf32, #tpu.memory_space<vmem>>) dst(%dma_wait3A_138 : memref<80x128xf32, #tpu.memory_space<hbm>>)
          tpu.yield
        }) : () -> ()
      } else {
      }
      %eq3A_119 = arith.constant 1 : i32
      %eq3A_120 = arith.cmpi eq, %arg0, %eq3A_119 : i32
      %convert_element_type3A_121 = arith.extui %eq3A_120 : i1 to i32
      %cond3A_122 = arith.constant 0 : i32
      %cond3A_123 = arith.cmpi ne, %convert_element_type3A_121, %cond3A_122 : i32
      scf.if %cond3A_123 {
        "tpu.region"() ({
          %run_scoped3A = tpu.sem_alloc : memref<!tpu.dma_semaphore, #tpu.memory_space<semaphore_mem>>
          %dma_start3A = arith.constant 0 : i32
          %dma_start3A_124 = arith.constant 0 : i32
          %dma_start3A_125 = tpu.memref_slice %arg10[%dma_start3A, %dma_start3A_124] : memref<320x128xf32, #tpu.memory_space<vmem>> -> memref<80x128xf32, #tpu.memory_space<vmem>>
          %dma_start3A_126 = arith.constant 0 : i32
          %dma_start3A_127 = tpu.memref_slice %arg8[%multiple_of3A, %dma_start3A_126] : memref<10000x128xf32, #tpu.memory_space<hbm>> -> memref<80x128xf32, #tpu.memory_space<hbm>>
          %dma_start3A_128 = arith.constant 0 : i32
          %dma_start3A_129 = tpu.memref_slice %arg8[%multiple_of3A, %dma_start3A_128] : memref<10000x128xf32, #tpu.memory_space<hbm>> -> memref<80x128xf32, #tpu.memory_space<hbm>>
          %dma_start3A_130 = arith.constant 0 : i32
          %dma_start3A_131 = arith.constant 0 : i32
          %dma_start3A_132 = tpu.memref_slice %arg10[%dma_start3A_130, %dma_start3A_131] : memref<320x128xf32, #tpu.memory_space<vmem>> -> memref<80x128xf32, #tpu.memory_space<vmem>>
          tpu.enqueue_dma source(%dma_start3A_132 : memref<80x128xf32, #tpu.memory_space<vmem>>) target(%dma_start3A_129 : memref<80x128xf32, #tpu.memory_space<hbm>>) target_semaphore(%run_scoped3A : memref<!tpu.dma_semaphore, #tpu.memory_space<semaphore_mem>>)
          %dma_wait3A = arith.constant 0 : i32
          %dma_wait3A_133 = arith.constant 0 : i32
          %dma_wait3A_134 = tpu.memref_slice %arg10[%dma_wait3A, %dma_wait3A_133] : memref<320x128xf32, #tpu.memory_space<vmem>> -> memref<80x128xf32, #tpu.memory_space<vmem>>
          %dma_wait3A_135 = arith.constant 0 : i32
          %dma_wait3A_136 = tpu.memref_slice %arg8[%multiple_of3A, %dma_wait3A_135] : memref<10000x128xf32, #tpu.memory_space<hbm>> -> memref<80x128xf32, #tpu.memory_space<hbm>>
          %dma_wait3A_137 = arith.constant 0 : i32
          %dma_wait3A_138 = tpu.memref_slice %arg8[%multiple_of3A, %dma_wait3A_137] : memref<10000x128xf32, #tpu.memory_space<hbm>> -> memref<80x128xf32, #tpu.memory_space<hbm>>
          %dma_wait3A_139 = arith.constant 0 : i32
          %dma_wait3A_140 = arith.constant 0 : i32
          %dma_wait3A_141 = tpu.memref_slice %arg10[%dma_wait3A_139, %dma_wait3A_140] : memref<320x128xf32, #tpu.memory_space<vmem>> -> memref<80x128xf32, #tpu.memory_space<vmem>>
          tpu.wait_dma2 semaphore(%run_scoped3A : memref<!tpu.dma_semaphore, #tpu.memory_space<semaphore_mem>>) src(%dma_wait3A_141 : memref<80x128xf32, #tpu.memory_space<vmem>>) dst(%dma_wait3A_138 : memref<80x128xf32, #tpu.memory_space<hbm>>)
          tpu.yield
        }) : () -> ()
      } else {
      }
    } else {
    }
    %add3A_107 = arith.constant 112 : i32
    %add3A_108 = arith.addi %arg1, %add3A_107 : i32
    %lt3A_109 = arith.constant 125 : i32
    %lt3A_110 = arith.cmpi slt, %add3A_108, %lt3A_109 : i32
    %convert_element_type3A_111 = arith.extui %lt3A_110 : i1 to i32
    %cond3A_112 = arith.constant 0 : i32
    %cond3A_113 = arith.cmpi ne, %convert_element_type3A_111, %cond3A_112 : i32
    scf.if %cond3A_113 {
      %mul3A = arith.constant 80 : i32
      %mul3A_114 = arith.muli %add3A_108, %mul3A : i32
      %multiple_of3A = tpu.assume_multiple %mul3A_114, 8 : i32
      "tpu.region"() ({
        %run_scoped3A = tpu.sem_alloc : memref<!tpu.dma_semaphore, #tpu.memory_space<semaphore_mem>>
        %dma_start3A = arith.constant 0 : i32
        %dma_start3A_124 = arith.constant 0 : i32
        %dma_start3A_125 = tpu.memref_slice %arg10[%dma_start3A, %dma_start3A_124] : memref<320x128xf32, #tpu.memory_space<vmem>> -> memref<80x128xf32, #tpu.memory_space<vmem>>
        %dma_start3A_126 = arith.constant 0 : i32
        %dma_start3A_127 = tpu.memref_slice %arg11[%multiple_of3A, %dma_start3A_126] : memref<10000x128xf32, #tpu.memory_space<vmem_shared>> -> memref<80x128xf32, #tpu.memory_space<vmem_shared>>
        %dma_start3A_128 = arith.constant 0 : i32
        %dma_start3A_129 = arith.constant 0 : i32
        %dma_start3A_130 = tpu.memref_slice %arg10[%dma_start3A_128, %dma_start3A_129] : memref<320x128xf32, #tpu.memory_space<vmem>> -> memref<80x128xf32, #tpu.memory_space<vmem>>
        %dma_start3A_131 = arith.constant 0 : i32
        %dma_start3A_132 = tpu.memref_slice %arg11[%multiple_of3A, %dma_start3A_131] : memref<10000x128xf32, #tpu.memory_space<vmem_shared>> -> memref<80x128xf32, #tpu.memory_space<vmem_shared>>
        tpu.enqueue_dma source(%dma_start3A_132 : memref<80x128xf32, #tpu.memory_space<vmem_shared>>) target(%dma_start3A_130 : memref<80x128xf32, #tpu.memory_space<vmem>>) target_semaphore(%run_scoped3A : memref<!tpu.dma_semaphore, #tpu.memory_space<semaphore_mem>>)
        %dma_wait3A = arith.constant 0 : i32
        %dma_wait3A_133 = arith.constant 0 : i32
        %dma_wait3A_134 = tpu.memref_slice %arg10[%dma_wait3A, %dma_wait3A_133] : memref<320x128xf32, #tpu.memory_space<vmem>> -> memref<80x128xf32, #tpu.memory_space<vmem>>
        %dma_wait3A_135 = arith.constant 0 : i32
        %dma_wait3A_136 = tpu.memref_slice %arg11[%multiple_of3A, %dma_wait3A_135] : memref<10000x128xf32, #tpu.memory_space<vmem_shared>> -> memref<80x128xf32, #tpu.memory_space<vmem_shared>>
        %dma_wait3A_137 = arith.constant 0 : i32
        %dma_wait3A_138 = arith.constant 0 : i32
        %dma_wait3A_139 = tpu.memref_slice %arg10[%dma_wait3A_137, %dma_wait3A_138] : memref<320x128xf32, #tpu.memory_space<vmem>> -> memref<80x128xf32, #tpu.memory_space<vmem>>
        %dma_wait3A_140 = arith.constant 0 : i32
        %dma_wait3A_141 = tpu.memref_slice %arg11[%multiple_of3A, %dma_wait3A_140] : memref<10000x128xf32, #tpu.memory_space<vmem_shared>> -> memref<80x128xf32, #tpu.memory_space<vmem_shared>>
        tpu.wait_dma2 semaphore(%run_scoped3A : memref<!tpu.dma_semaphore, #tpu.memory_space<semaphore_mem>>) src(%dma_wait3A_141 : memref<80x128xf32, #tpu.memory_space<vmem_shared>>) dst(%dma_wait3A_139 : memref<80x128xf32, #tpu.memory_space<vmem>>)
        tpu.yield
      }) : () -> ()
      %eq3A = arith.constant 0 : i32
      %eq3A_115 = arith.cmpi eq, %arg0, %eq3A : i32
      %convert_element_type3A_116 = arith.extui %eq3A_115 : i1 to i32
      %cond3A_117 = arith.constant 0 : i32
      %cond3A_118 = arith.cmpi ne, %convert_element_type3A_116, %cond3A_117 : i32
      scf.if %cond3A_118 {
        "tpu.region"() ({
          %run_scoped3A = tpu.sem_alloc : memref<!tpu.dma_semaphore, #tpu.memory_space<semaphore_mem>>
          %dma_start3A = arith.constant 0 : i32
          %dma_start3A_124 = arith.constant 0 : i32
          %dma_start3A_125 = tpu.memref_slice %arg10[%dma_start3A, %dma_start3A_124] : memref<320x128xf32, #tpu.memory_space<vmem>> -> memref<80x128xf32, #tpu.memory_space<vmem>>
          %dma_start3A_126 = arith.constant 0 : i32
          %dma_start3A_127 = tpu.memref_slice %arg7[%multiple_of3A, %dma_start3A_126] : memref<10000x128xf32, #tpu.memory_space<hbm>> -> memref<80x128xf32, #tpu.memory_space<hbm>>
          %dma_start3A_128 = arith.constant 0 : i32
          %dma_start3A_129 = tpu.memref_slice %arg7[%multiple_of3A, %dma_start3A_128] : memref<10000x128xf32, #tpu.memory_space<hbm>> -> memref<80x128xf32, #tpu.memory_space<hbm>>
          %dma_start3A_130 = arith.constant 0 : i32
          %dma_start3A_131 = arith.constant 0 : i32
          %dma_start3A_132 = tpu.memref_slice %arg10[%dma_start3A_130, %dma_start3A_131] : memref<320x128xf32, #tpu.memory_space<vmem>> -> memref<80x128xf32, #tpu.memory_space<vmem>>
          tpu.enqueue_dma source(%dma_start3A_132 : memref<80x128xf32, #tpu.memory_space<vmem>>) target(%dma_start3A_129 : memref<80x128xf32, #tpu.memory_space<hbm>>) target_semaphore(%run_scoped3A : memref<!tpu.dma_semaphore, #tpu.memory_space<semaphore_mem>>)
          %dma_wait3A = arith.constant 0 : i32
          %dma_wait3A_133 = arith.constant 0 : i32
          %dma_wait3A_134 = tpu.memref_slice %arg10[%dma_wait3A, %dma_wait3A_133] : memref<320x128xf32, #tpu.memory_space<vmem>> -> memref<80x128xf32, #tpu.memory_space<vmem>>
          %dma_wait3A_135 = arith.constant 0 : i32
          %dma_wait3A_136 = tpu.memref_slice %arg7[%multiple_of3A, %dma_wait3A_135] : memref<10000x128xf32, #tpu.memory_space<hbm>> -> memref<80x128xf32, #tpu.memory_space<hbm>>
          %dma_wait3A_137 = arith.constant 0 : i32
          %dma_wait3A_138 = tpu.memref_slice %arg7[%multiple_of3A, %dma_wait3A_137] : memref<10000x128xf32, #tpu.memory_space<hbm>> -> memref<80x128xf32, #tpu.memory_space<hbm>>
          %dma_wait3A_139 = arith.constant 0 : i32
          %dma_wait3A_140 = arith.constant 0 : i32
          %dma_wait3A_141 = tpu.memref_slice %arg10[%dma_wait3A_139, %dma_wait3A_140] : memref<320x128xf32, #tpu.memory_space<vmem>> -> memref<80x128xf32, #tpu.memory_space<vmem>>
          tpu.wait_dma2 semaphore(%run_scoped3A : memref<!tpu.dma_semaphore, #tpu.memory_space<semaphore_mem>>) src(%dma_wait3A_141 : memref<80x128xf32, #tpu.memory_space<vmem>>) dst(%dma_wait3A_138 : memref<80x128xf32, #tpu.memory_space<hbm>>)
          tpu.yield
        }) : () -> ()
      } else {
      }
      %eq3A_119 = arith.constant 1 : i32
      %eq3A_120 = arith.cmpi eq, %arg0, %eq3A_119 : i32
      %convert_element_type3A_121 = arith.extui %eq3A_120 : i1 to i32
      %cond3A_122 = arith.constant 0 : i32
      %cond3A_123 = arith.cmpi ne, %convert_element_type3A_121, %cond3A_122 : i32
      scf.if %cond3A_123 {
        "tpu.region"() ({
          %run_scoped3A = tpu.sem_alloc : memref<!tpu.dma_semaphore, #tpu.memory_space<semaphore_mem>>
          %dma_start3A = arith.constant 0 : i32
          %dma_start3A_124 = arith.constant 0 : i32
          %dma_start3A_125 = tpu.memref_slice %arg10[%dma_start3A, %dma_start3A_124] : memref<320x128xf32, #tpu.memory_space<vmem>> -> memref<80x128xf32, #tpu.memory_space<vmem>>
          %dma_start3A_126 = arith.constant 0 : i32
          %dma_start3A_127 = tpu.memref_slice %arg8[%multiple_of3A, %dma_start3A_126] : memref<10000x128xf32, #tpu.memory_space<hbm>> -> memref<80x128xf32, #tpu.memory_space<hbm>>
          %dma_start3A_128 = arith.constant 0 : i32
          %dma_start3A_129 = tpu.memref_slice %arg8[%multiple_of3A, %dma_start3A_128] : memref<10000x128xf32, #tpu.memory_space<hbm>> -> memref<80x128xf32, #tpu.memory_space<hbm>>
          %dma_start3A_130 = arith.constant 0 : i32
          %dma_start3A_131 = arith.constant 0 : i32
          %dma_start3A_132 = tpu.memref_slice %arg10[%dma_start3A_130, %dma_start3A_131] : memref<320x128xf32, #tpu.memory_space<vmem>> -> memref<80x128xf32, #tpu.memory_space<vmem>>
          tpu.enqueue_dma source(%dma_start3A_132 : memref<80x128xf32, #tpu.memory_space<vmem>>) target(%dma_start3A_129 : memref<80x128xf32, #tpu.memory_space<hbm>>) target_semaphore(%run_scoped3A : memref<!tpu.dma_semaphore, #tpu.memory_space<semaphore_mem>>)
          %dma_wait3A = arith.constant 0 : i32
          %dma_wait3A_133 = arith.constant 0 : i32
          %dma_wait3A_134 = tpu.memref_slice %arg10[%dma_wait3A, %dma_wait3A_133] : memref<320x128xf32, #tpu.memory_space<vmem>> -> memref<80x128xf32, #tpu.memory_space<vmem>>
          %dma_wait3A_135 = arith.constant 0 : i32
          %dma_wait3A_136 = tpu.memref_slice %arg8[%multiple_of3A, %dma_wait3A_135] : memref<10000x128xf32, #tpu.memory_space<hbm>> -> memref<80x128xf32, #tpu.memory_space<hbm>>
          %dma_wait3A_137 = arith.constant 0 : i32
          %dma_wait3A_138 = tpu.memref_slice %arg8[%multiple_of3A, %dma_wait3A_137] : memref<10000x128xf32, #tpu.memory_space<hbm>> -> memref<80x128xf32, #tpu.memory_space<hbm>>
          %dma_wait3A_139 = arith.constant 0 : i32
          %dma_wait3A_140 = arith.constant 0 : i32
          %dma_wait3A_141 = tpu.memref_slice %arg10[%dma_wait3A_139, %dma_wait3A_140] : memref<320x128xf32, #tpu.memory_space<vmem>> -> memref<80x128xf32, #tpu.memory_space<vmem>>
          tpu.wait_dma2 semaphore(%run_scoped3A : memref<!tpu.dma_semaphore, #tpu.memory_space<semaphore_mem>>) src(%dma_wait3A_141 : memref<80x128xf32, #tpu.memory_space<vmem>>) dst(%dma_wait3A_138 : memref<80x128xf32, #tpu.memory_space<hbm>>)
          tpu.yield
        }) : () -> ()
      } else {
      }
    } else {
    }
    return
  }
}

#map = affine_map<(d0, d1) -> (0, 0)>
#map1 = affine_map<(d0, d1) -> (0)>
module attributes {stable_mosaic.version = 14 : i64} {
  func.func @p2(%arg0: i32, %arg1: i32, %arg2: memref<10000x128xf32, #tpu.memory_space<hbm>>, %arg3: memref<10000x128xf32, #tpu.memory_space<hbm>>, %arg4: memref<160000xi32, #tpu.memory_space<hbm>>, %arg5: memref<160000xi32, #tpu.memory_space<hbm>>, %arg6: memref<20480000xf32, #tpu.memory_space<hbm>>, %arg7: memref<256xi32, #tpu.memory_space<vmem>>, %arg8: memref<256xi32, #tpu.memory_space<vmem>>, %arg9: memref<256x128xf32, #tpu.memory_space<vmem>>, %arg10: memref<256x128xf32, #tpu.memory_space<vmem>>, %arg11: memref<32768xf32, #tpu.memory_space<vmem>>, %arg12: memref<!tpu.dma_semaphore, #tpu.memory_space<semaphore_mem>>, %arg13: memref<!tpu.dma_semaphore, #tpu.memory_space<semaphore_mem>>) attributes {dimension_semantics = [#tpu.dimension_semantics<core_parallel>, #tpu.dimension_semantics<subcore_parallel>], iteration_bounds = array<i64: 2, 16>, scalar_prefetch = 0 : i64, scratch_operands = 7 : i64, tpu.core_type = #tpu.core_type<sc_vector_subcore>, window_params = [{transform_indices = #map}, {transform_indices = #map}, {transform_indices = #map1}, {transform_indices = #map1}, {transform_indices = #map1}]} {
    %mul3A = arith.constant 2 : i32
    %mul3A_0 = arith.muli %arg1, %mul3A : i32
    %add3A = arith.addi %mul3A_0, %arg0 : i32
    %scan3A = arith.constant 0 : i32
    %scan3A_1 = arith.constant 0 : i32
    %scan3A_2 = arith.constant 20 : i32
    %scan3A_3 = arith.addi %scan3A_1, %scan3A_2 : i32
    %scan3A_4 = arith.constant 1 : i32
    scf.for %scan3A_6 = %scan3A_1 to %scan3A_3 step %scan3A_4  : i32 {
      %mul3A_7 = arith.constant 32 : i32
      %mul3A_8 = arith.muli %scan3A_6, %mul3A_7 : i32
      %add3A_9 = arith.addi %add3A, %mul3A_8 : i32
      %lt3A = arith.constant 625 : i32
      %lt3A_10 = arith.cmpi slt, %add3A_9, %lt3A : i32
      %convert_element_type3A = arith.extui %lt3A_10 : i1 to i32
      %cond3A = arith.constant 0 : i32
      %cond3A_11 = arith.cmpi ne, %convert_element_type3A, %cond3A : i32
      scf.if %cond3A_11 {
        %mul3A_12 = arith.constant 256 : i32
        %mul3A_13 = arith.muli %add3A_9, %mul3A_12 : i32
        %multiple_of3A = tpu.assume_multiple %mul3A_13, 8 : i32
        "tpu.region"() ({
          %run_scoped3A = tpu.sem_alloc : memref<!tpu.dma_semaphore, #tpu.memory_space<semaphore_mem>>
          %dma_start3A_34 = tpu.memref_slice %arg4[%multiple_of3A] : memref<160000xi32, #tpu.memory_space<hbm>> -> memref<256xi32, #tpu.memory_space<hbm>>
          %dma_start3A_35 = tpu.memref_slice %arg4[%multiple_of3A] : memref<160000xi32, #tpu.memory_space<hbm>> -> memref<256xi32, #tpu.memory_space<hbm>>
          tpu.enqueue_dma source(%dma_start3A_35 : memref<256xi32, #tpu.memory_space<hbm>>) target(%arg7 : memref<256xi32, #tpu.memory_space<vmem>>) target_semaphore(%run_scoped3A : memref<!tpu.dma_semaphore, #tpu.memory_space<semaphore_mem>>)
          %dma_wait3A_36 = tpu.memref_slice %arg4[%multiple_of3A] : memref<160000xi32, #tpu.memory_space<hbm>> -> memref<256xi32, #tpu.memory_space<hbm>>
          %dma_wait3A_37 = tpu.memref_slice %arg4[%multiple_of3A] : memref<160000xi32, #tpu.memory_space<hbm>> -> memref<256xi32, #tpu.memory_space<hbm>>
          tpu.wait_dma2 semaphore(%run_scoped3A : memref<!tpu.dma_semaphore, #tpu.memory_space<semaphore_mem>>) src(%dma_wait3A_37 : memref<256xi32, #tpu.memory_space<hbm>>) dst(%arg7 : memref<256xi32, #tpu.memory_space<vmem>>)
          tpu.yield
        }) : () -> ()
        "tpu.region"() ({
          %run_scoped3A = tpu.sem_alloc : memref<!tpu.dma_semaphore, #tpu.memory_space<semaphore_mem>>
          %dma_start3A_34 = tpu.memref_slice %arg5[%multiple_of3A] : memref<160000xi32, #tpu.memory_space<hbm>> -> memref<256xi32, #tpu.memory_space<hbm>>
          %dma_start3A_35 = tpu.memref_slice %arg5[%multiple_of3A] : memref<160000xi32, #tpu.memory_space<hbm>> -> memref<256xi32, #tpu.memory_space<hbm>>
          tpu.enqueue_dma source(%dma_start3A_35 : memref<256xi32, #tpu.memory_space<hbm>>) target(%arg8 : memref<256xi32, #tpu.memory_space<vmem>>) target_semaphore(%run_scoped3A : memref<!tpu.dma_semaphore, #tpu.memory_space<semaphore_mem>>)
          %dma_wait3A_36 = tpu.memref_slice %arg5[%multiple_of3A] : memref<160000xi32, #tpu.memory_space<hbm>> -> memref<256xi32, #tpu.memory_space<hbm>>
          %dma_wait3A_37 = tpu.memref_slice %arg5[%multiple_of3A] : memref<160000xi32, #tpu.memory_space<hbm>> -> memref<256xi32, #tpu.memory_space<hbm>>
          tpu.wait_dma2 semaphore(%run_scoped3A : memref<!tpu.dma_semaphore, #tpu.memory_space<semaphore_mem>>) src(%dma_wait3A_37 : memref<256xi32, #tpu.memory_space<hbm>>) dst(%arg8 : memref<256xi32, #tpu.memory_space<vmem>>)
          tpu.yield
        }) : () -> ()
        %dma_start3A = arith.constant 0 : i32
        %dma_start3A_14 = arith.constant 0 : i32
        %dma_start3A_15 = tpu.memref_slice %arg2[%dma_start3A, %dma_start3A_14] : memref<10000x128xf32, #tpu.memory_space<hbm>> -> memref<10000x128xf32, #tpu.memory_space<hbm>>
        tpu.enqueue_indirect_dma source(%dma_start3A_15 : memref<10000x128xf32, #tpu.memory_space<hbm>>) target(%arg9 : memref<256x128xf32, #tpu.memory_space<vmem>>) offsets(%arg7 : memref<256xi32, #tpu.memory_space<vmem>>) semaphore(%arg12 : memref<!tpu.dma_semaphore, #tpu.memory_space<semaphore_mem>>)
        %dma_start3A_16 = arith.constant 0 : i32
        %dma_start3A_17 = arith.constant 0 : i32
        %dma_start3A_18 = tpu.memref_slice %arg3[%dma_start3A_16, %dma_start3A_17] : memref<10000x128xf32, #tpu.memory_space<hbm>> -> memref<10000x128xf32, #tpu.memory_space<hbm>>
        tpu.enqueue_indirect_dma source(%dma_start3A_18 : memref<10000x128xf32, #tpu.memory_space<hbm>>) target(%arg10 : memref<256x128xf32, #tpu.memory_space<vmem>>) offsets(%arg8 : memref<256xi32, #tpu.memory_space<vmem>>) semaphore(%arg13 : memref<!tpu.dma_semaphore, #tpu.memory_space<semaphore_mem>>)
        %dma_wait3A = arith.constant 0 : i32
        %dma_wait3A_19 = arith.constant 0 : i32
        %dma_wait3A_20 = tpu.memref_slice %arg2[%dma_wait3A, %dma_wait3A_19] : memref<10000x128xf32, #tpu.memory_space<hbm>> -> memref<10000x128xf32, #tpu.memory_space<hbm>>
        tpu.wait_indirect_dma semaphore(%arg12 : memref<!tpu.dma_semaphore, #tpu.memory_space<semaphore_mem>>) src(%dma_wait3A_20 : memref<10000x128xf32, #tpu.memory_space<hbm>>) dst(%arg9 : memref<256x128xf32, #tpu.memory_space<vmem>>)
        %dma_wait3A_21 = arith.constant 0 : i32
        %dma_wait3A_22 = arith.constant 0 : i32
        %dma_wait3A_23 = tpu.memref_slice %arg3[%dma_wait3A_21, %dma_wait3A_22] : memref<10000x128xf32, #tpu.memory_space<hbm>> -> memref<10000x128xf32, #tpu.memory_space<hbm>>
        tpu.wait_indirect_dma semaphore(%arg13 : memref<!tpu.dma_semaphore, #tpu.memory_space<semaphore_mem>>) src(%dma_wait3A_23 : memref<10000x128xf32, #tpu.memory_space<hbm>>) dst(%arg10 : memref<256x128xf32, #tpu.memory_space<vmem>>)
        %scan3A_24 = arith.constant 0 : i32
        %scan3A_25 = arith.constant 0 : i32
        %scan3A_26 = arith.constant 256 : i32
        %scan3A_27 = arith.addi %scan3A_25, %scan3A_26 : i32
        %scan3A_28 = arith.constant 1 : i32
        %scan3A_29 = scf.for %scan3A_34 = %scan3A_25 to %scan3A_27 step %scan3A_28 iter_args(%scan3A_35 = %scan3A_24) -> (i32)  : i32 {
          %mul3A_36 = arith.constant 128 : i32
          %mul3A_37 = arith.muli %scan3A_34, %mul3A_36 : i32
          %multiple_of3A_38 = tpu.assume_multiple %mul3A_37, 16 : i32
          %get3A = arith.index_cast %scan3A_34 : i32 to index
          %get3A_39 = arith.constant 0 : index
          %get3A_40 = tpu.vector_load %arg9[%get3A, %get3A_39] {strides = array<i32>} : memref<256x128xf32, #tpu.memory_space<vmem>>, vector<1x16xf32>,
          %get3A_41 = vector.shape_cast %get3A_40 : vector<1x16xf32> to vector<16xf32>
          %get3A_42 = arith.index_cast %scan3A_34 : i32 to index
          %get3A_43 = arith.constant 0 : index
          %get3A_44 = tpu.vector_load %arg10[%get3A_42, %get3A_43] {strides = array<i32>} : memref<256x128xf32, #tpu.memory_space<vmem>>, vector<1x16xf32>,
          %get3A_45 = vector.shape_cast %get3A_44 : vector<1x16xf32> to vector<16xf32>
          %add3A_46 = arith.addf %get3A_41, %get3A_45 : vector<16xf32>
          %add3A_47 = arith.constant 0 : i32
          %add3A_48 = arith.addi %multiple_of3A_38, %add3A_47 : i32
          %swap3A = arith.index_cast %add3A_48 : i32 to index
          %swap3A_49 = tpu.vector_load %arg11[%swap3A] {strides = array<i32>} : memref<32768xf32, #tpu.memory_space<vmem>>, vector<16xf32>,
          %swap3A_50 = vector.shape_cast %swap3A_49 : vector<16xf32> to vector<16xf32>
          %swap3A_51 = vector.shape_cast %add3A_46 : vector<16xf32> to vector<16xf32>
          tpu.vector_store %arg11[%swap3A], %swap3A_51 {strides = array<i32>} : memref<32768xf32, #tpu.memory_space<vmem>>, vector<16xf32>,
          %get3A_52 = arith.index_cast %scan3A_34 : i32 to index
          %get3A_53 = arith.constant 16 : index
          %get3A_54 = tpu.vector_load %arg9[%get3A_52, %get3A_53] {strides = array<i32>} : memref<256x128xf32, #tpu.memory_space<vmem>>, vector<1x16xf32>,
          %get3A_55 = vector.shape_cast %get3A_54 : vector<1x16xf32> to vector<16xf32>
          %get3A_56 = arith.index_cast %scan3A_34 : i32 to index
          %get3A_57 = arith.constant 16 : index
          %get3A_58 = tpu.vector_load %arg10[%get3A_56, %get3A_57] {strides = array<i32>} : memref<256x128xf32, #tpu.memory_space<vmem>>, vector<1x16xf32>,
          %get3A_59 = vector.shape_cast %get3A_58 : vector<1x16xf32> to vector<16xf32>
          %add3A_60 = arith.addf %get3A_55, %get3A_59 : vector<16xf32>
          %add3A_61 = arith.constant 16 : i32
          %add3A_62 = arith.addi %multiple_of3A_38, %add3A_61 : i32
          %swap3A_63 = arith.index_cast %add3A_62 : i32 to index
          %swap3A_64 = tpu.vector_load %arg11[%swap3A_63] {strides = array<i32>} : memref<32768xf32, #tpu.memory_space<vmem>>, vector<16xf32>,
          %swap3A_65 = vector.shape_cast %swap3A_64 : vector<16xf32> to vector<16xf32>
          %swap3A_66 = vector.shape_cast %add3A_60 : vector<16xf32> to vector<16xf32>
          tpu.vector_store %arg11[%swap3A_63], %swap3A_66 {strides = array<i32>} : memref<32768xf32, #tpu.memory_space<vmem>>, vector<16xf32>,
          %get3A_67 = arith.index_cast %scan3A_34 : i32 to index
          %get3A_68 = arith.constant 32 : index
          %get3A_69 = tpu.vector_load %arg9[%get3A_67, %get3A_68] {strides = array<i32>} : memref<256x128xf32, #tpu.memory_space<vmem>>, vector<1x16xf32>,
          %get3A_70 = vector.shape_cast %get3A_69 : vector<1x16xf32> to vector<16xf32>
          %get3A_71 = arith.index_cast %scan3A_34 : i32 to index
          %get3A_72 = arith.constant 32 : index
          %get3A_73 = tpu.vector_load %arg10[%get3A_71, %get3A_72] {strides = array<i32>} : memref<256x128xf32, #tpu.memory_space<vmem>>, vector<1x16xf32>,
          %get3A_74 = vector.shape_cast %get3A_73 : vector<1x16xf32> to vector<16xf32>
          %add3A_75 = arith.addf %get3A_70, %get3A_74 : vector<16xf32>
          %add3A_76 = arith.constant 32 : i32
          %add3A_77 = arith.addi %multiple_of3A_38, %add3A_76 : i32
          %swap3A_78 = arith.index_cast %add3A_77 : i32 to index
          %swap3A_79 = tpu.vector_load %arg11[%swap3A_78] {strides = array<i32>} : memref<32768xf32, #tpu.memory_space<vmem>>, vector<16xf32>,
          %swap3A_80 = vector.shape_cast %swap3A_79 : vector<16xf32> to vector<16xf32>
          %swap3A_81 = vector.shape_cast %add3A_75 : vector<16xf32> to vector<16xf32>
          tpu.vector_store %arg11[%swap3A_78], %swap3A_81 {strides = array<i32>} : memref<32768xf32, #tpu.memory_space<vmem>>, vector<16xf32>,
          %get3A_82 = arith.index_cast %scan3A_34 : i32 to index
          %get3A_83 = arith.constant 48 : index
          %get3A_84 = tpu.vector_load %arg9[%get3A_82, %get3A_83] {strides = array<i32>} : memref<256x128xf32, #tpu.memory_space<vmem>>, vector<1x16xf32>,
          %get3A_85 = vector.shape_cast %get3A_84 : vector<1x16xf32> to vector<16xf32>
          %get3A_86 = arith.index_cast %scan3A_34 : i32 to index
          %get3A_87 = arith.constant 48 : index
          %get3A_88 = tpu.vector_load %arg10[%get3A_86, %get3A_87] {strides = array<i32>} : memref<256x128xf32, #tpu.memory_space<vmem>>, vector<1x16xf32>,
          %get3A_89 = vector.shape_cast %get3A_88 : vector<1x16xf32> to vector<16xf32>
          %add3A_90 = arith.addf %get3A_85, %get3A_89 : vector<16xf32>
          %add3A_91 = arith.constant 48 : i32
          %add3A_92 = arith.addi %multiple_of3A_38, %add3A_91 : i32
          %swap3A_93 = arith.index_cast %add3A_92 : i32 to index
          %swap3A_94 = tpu.vector_load %arg11[%swap3A_93] {strides = array<i32>} : memref<32768xf32, #tpu.memory_space<vmem>>, vector<16xf32>,
          %swap3A_95 = vector.shape_cast %swap3A_94 : vector<16xf32> to vector<16xf32>
          %swap3A_96 = vector.shape_cast %add3A_90 : vector<16xf32> to vector<16xf32>
          tpu.vector_store %arg11[%swap3A_93], %swap3A_96 {strides = array<i32>} : memref<32768xf32, #tpu.memory_space<vmem>>, vector<16xf32>,
          %get3A_97 = arith.index_cast %scan3A_34 : i32 to index
          %get3A_98 = arith.constant 64 : index
          %get3A_99 = tpu.vector_load %arg9[%get3A_97, %get3A_98] {strides = array<i32>} : memref<256x128xf32, #tpu.memory_space<vmem>>, vector<1x16xf32>,
          %get3A_100 = vector.shape_cast %get3A_99 : vector<1x16xf32> to vector<16xf32>
          %get3A_101 = arith.index_cast %scan3A_34 : i32 to index
          %get3A_102 = arith.constant 64 : index
          %get3A_103 = tpu.vector_load %arg10[%get3A_101, %get3A_102] {strides = array<i32>} : memref<256x128xf32, #tpu.memory_space<vmem>>, vector<1x16xf32>,
          %get3A_104 = vector.shape_cast %get3A_103 : vector<1x16xf32> to vector<16xf32>
          %add3A_105 = arith.addf %get3A_100, %get3A_104 : vector<16xf32>
          %add3A_106 = arith.constant 64 : i32
          %add3A_107 = arith.addi %multiple_of3A_38, %add3A_106 : i32
          %swap3A_108 = arith.index_cast %add3A_107 : i32 to index
          %swap3A_109 = tpu.vector_load %arg11[%swap3A_108] {strides = array<i32>} : memref<32768xf32, #tpu.memory_space<vmem>>, vector<16xf32>,
          %swap3A_110 = vector.shape_cast %swap3A_109 : vector<16xf32> to vector<16xf32>
          %swap3A_111 = vector.shape_cast %add3A_105 : vector<16xf32> to vector<16xf32>
          tpu.vector_store %arg11[%swap3A_108], %swap3A_111 {strides = array<i32>} : memref<32768xf32, #tpu.memory_space<vmem>>, vector<16xf32>,
          %get3A_112 = arith.index_cast %scan3A_34 : i32 to index
          %get3A_113 = arith.constant 80 : index
          %get3A_114 = tpu.vector_load %arg9[%get3A_112, %get3A_113] {strides = array<i32>} : memref<256x128xf32, #tpu.memory_space<vmem>>, vector<1x16xf32>,
          %get3A_115 = vector.shape_cast %get3A_114 : vector<1x16xf32> to vector<16xf32>
          %get3A_116 = arith.index_cast %scan3A_34 : i32 to index
          %get3A_117 = arith.constant 80 : index
          %get3A_118 = tpu.vector_load %arg10[%get3A_116, %get3A_117] {strides = array<i32>} : memref<256x128xf32, #tpu.memory_space<vmem>>, vector<1x16xf32>,
          %get3A_119 = vector.shape_cast %get3A_118 : vector<1x16xf32> to vector<16xf32>
          %add3A_120 = arith.addf %get3A_115, %get3A_119 : vector<16xf32>
          %add3A_121 = arith.constant 80 : i32
          %add3A_122 = arith.addi %multiple_of3A_38, %add3A_121 : i32
          %swap3A_123 = arith.index_cast %add3A_122 : i32 to index
          %swap3A_124 = tpu.vector_load %arg11[%swap3A_123] {strides = array<i32>} : memref<32768xf32, #tpu.memory_space<vmem>>, vector<16xf32>,
          %swap3A_125 = vector.shape_cast %swap3A_124 : vector<16xf32> to vector<16xf32>
          %swap3A_126 = vector.shape_cast %add3A_120 : vector<16xf32> to vector<16xf32>
          tpu.vector_store %arg11[%swap3A_123], %swap3A_126 {strides = array<i32>} : memref<32768xf32, #tpu.memory_space<vmem>>, vector<16xf32>,
          %get3A_127 = arith.index_cast %scan3A_34 : i32 to index
          %get3A_128 = arith.constant 96 : index
          %get3A_129 = tpu.vector_load %arg9[%get3A_127, %get3A_128] {strides = array<i32>} : memref<256x128xf32, #tpu.memory_space<vmem>>, vector<1x16xf32>,
          %get3A_130 = vector.shape_cast %get3A_129 : vector<1x16xf32> to vector<16xf32>
          %get3A_131 = arith.index_cast %scan3A_34 : i32 to index
          %get3A_132 = arith.constant 96 : index
          %get3A_133 = tpu.vector_load %arg10[%get3A_131, %get3A_132] {strides = array<i32>} : memref<256x128xf32, #tpu.memory_space<vmem>>, vector<1x16xf32>,
          %get3A_134 = vector.shape_cast %get3A_133 : vector<1x16xf32> to vector<16xf32>
          %add3A_135 = arith.addf %get3A_130, %get3A_134 : vector<16xf32>
          %add3A_136 = arith.constant 96 : i32
          %add3A_137 = arith.addi %multiple_of3A_38, %add3A_136 : i32
          %swap3A_138 = arith.index_cast %add3A_137 : i32 to index
          %swap3A_139 = tpu.vector_load %arg11[%swap3A_138] {strides = array<i32>} : memref<32768xf32, #tpu.memory_space<vmem>>, vector<16xf32>,
          %swap3A_140 = vector.shape_cast %swap3A_139 : vector<16xf32> to vector<16xf32>
          %swap3A_141 = vector.shape_cast %add3A_135 : vector<16xf32> to vector<16xf32>
          tpu.vector_store %arg11[%swap3A_138], %swap3A_141 {strides = array<i32>} : memref<32768xf32, #tpu.memory_space<vmem>>, vector<16xf32>,
          %get3A_142 = arith.index_cast %scan3A_34 : i32 to index
          %get3A_143 = arith.constant 112 : index
          %get3A_144 = tpu.vector_load %arg9[%get3A_142, %get3A_143] {strides = array<i32>} : memref<256x128xf32, #tpu.memory_space<vmem>>, vector<1x16xf32>,
          %get3A_145 = vector.shape_cast %get3A_144 : vector<1x16xf32> to vector<16xf32>
          %get3A_146 = arith.index_cast %scan3A_34 : i32 to index
          %get3A_147 = arith.constant 112 : index
          %get3A_148 = tpu.vector_load %arg10[%get3A_146, %get3A_147] {strides = array<i32>} : memref<256x128xf32, #tpu.memory_space<vmem>>, vector<1x16xf32>,
          %get3A_149 = vector.shape_cast %get3A_148 : vector<1x16xf32> to vector<16xf32>
          %add3A_150 = arith.addf %get3A_145, %get3A_149 : vector<16xf32>
          %add3A_151 = arith.constant 112 : i32
          %add3A_152 = arith.addi %multiple_of3A_38, %add3A_151 : i32
          %swap3A_153 = arith.index_cast %add3A_152 : i32 to index
          %swap3A_154 = tpu.vector_load %arg11[%swap3A_153] {strides = array<i32>} : memref<32768xf32, #tpu.memory_space<vmem>>, vector<16xf32>,
          %swap3A_155 = vector.shape_cast %swap3A_154 : vector<16xf32> to vector<16xf32>
          %swap3A_156 = vector.shape_cast %add3A_150 : vector<16xf32> to vector<16xf32>
          tpu.vector_store %arg11[%swap3A_153], %swap3A_156 {strides = array<i32>} : memref<32768xf32, #tpu.memory_space<vmem>>, vector<16xf32>,
          %scan3A_157 = arith.constant 0 : i32
          scf.yield %scan3A_157 : i32
        }
        %scan3A_30 = arith.constant 256 : i32
        %mul3A_31 = arith.constant 128 : i32
        %mul3A_32 = arith.muli %multiple_of3A, %mul3A_31 : i32
        %multiple_of3A_33 = tpu.assume_multiple %mul3A_32, 8 : i32
        "tpu.region"() ({
          %run_scoped3A = tpu.sem_alloc : memref<!tpu.dma_semaphore, #tpu.memory_space<semaphore_mem>>
          %dma_start3A_34 = tpu.memref_slice %arg6[%multiple_of3A_33] : memref<20480000xf32, #tpu.memory_space<hbm>> -> memref<32768xf32, #tpu.memory_space<hbm>>
          %dma_start3A_35 = tpu.memref_slice %arg6[%multiple_of3A_33] : memref<20480000xf32, #tpu.memory_space<hbm>> -> memref<32768xf32, #tpu.memory_space<hbm>>
          tpu.enqueue_dma source(%arg11 : memref<32768xf32, #tpu.memory_space<vmem>>) target(%dma_start3A_35 : memref<32768xf32, #tpu.memory_space<hbm>>) target_semaphore(%run_scoped3A : memref<!tpu.dma_semaphore, #tpu.memory_space<semaphore_mem>>)
          %dma_wait3A_36 = tpu.memref_slice %arg6[%multiple_of3A_33] : memref<20480000xf32, #tpu.memory_space<hbm>> -> memref<32768xf32, #tpu.memory_space<hbm>>
          %dma_wait3A_37 = tpu.memref_slice %arg6[%multiple_of3A_33] : memref<20480000xf32, #tpu.memory_space<hbm>> -> memref<32768xf32, #tpu.memory_space<hbm>>
          tpu.wait_dma2 semaphore(%run_scoped3A : memref<!tpu.dma_semaphore, #tpu.memory_space<semaphore_mem>>) src(%arg11 : memref<32768xf32, #tpu.memory_space<vmem>>) dst(%dma_wait3A_37 : memref<32768xf32, #tpu.memory_space<hbm>>)
          tpu.yield
        }) : () -> ()
      } else {
      }
    }
    %scan3A_5 = arith.constant 20 : i32
    return
  }
}

#map = affine_map<(d0, d1) -> (0, 0)>
#map1 = affine_map<(d0, d1) -> (0)>
module attributes {stable_mosaic.version = 14 : i64} {
  func.func @p4(%arg0: i32, %arg1: i32, %arg2: memref<160000x128xf32, #tpu.memory_space<hbm>>, %arg3: memref<160000x128xf32, #tpu.memory_space<hbm>>, %arg4: memref<160000xi32, #tpu.memory_space<hbm>>, %arg5: memref<256x128xf32, #tpu.memory_space<hbm>>, %arg6: memref<256x128xf32, #tpu.memory_space<hbm>>, %arg7: memref<10000x128xf32, #tpu.memory_space<hbm>>, %arg8: memref<10000x128xf32, #tpu.memory_space<hbm>>, %arg9: memref<320xi32, #tpu.memory_space<vmem>>, %arg10: memref<320x128xf32, #tpu.memory_space<vmem>>, %arg11: memref<10000x128xf32, #tpu.memory_space<vmem_shared>>) attributes {dimension_semantics = [#tpu.dimension_semantics<core_parallel>, #tpu.dimension_semantics<subcore_parallel>], iteration_bounds = array<i64: 2, 16>, scalar_prefetch = 0 : i64, scratch_operands = 3 : i64, tpu.core_type = #tpu.core_type<sc_vector_subcore>, window_params = [{transform_indices = #map}, {transform_indices = #map}, {transform_indices = #map1}, {transform_indices = #map}, {transform_indices = #map}, {transform_indices = #map}, {transform_indices = #map}]} {
    "tpu.region"() ({
      %run_scoped3A = tpu.sem_alloc : memref<!tpu.dma_semaphore, #tpu.memory_space<semaphore_mem>>
      %dma_start3A = arith.constant 0 : i32
      %dma_start3A_114 = arith.constant 0 : i32
      %dma_start3A_115 = tpu.memref_slice %arg10[%dma_start3A, %dma_start3A_114] : memref<320x128xf32, #tpu.memory_space<vmem>> -> memref<256x128xf32, #tpu.memory_space<vmem>>
      %dma_start3A_116 = arith.constant 0 : i32
      %dma_start3A_117 = arith.constant 0 : i32
      %dma_start3A_118 = tpu.memref_slice %arg5[%dma_start3A_116, %dma_start3A_117] : memref<256x128xf32, #tpu.memory_space<hbm>> -> memref<256x128xf32, #tpu.memory_space<hbm>>
      %dma_start3A_119 = arith.constant 0 : i32
      %dma_start3A_120 = arith.constant 0 : i32
      %dma_start3A_121 = tpu.memref_slice %arg10[%dma_start3A_119, %dma_start3A_120] : memref<320x128xf32, #tpu.memory_space<vmem>> -> memref<256x128xf32, #tpu.memory_space<vmem>>
      %dma_start3A_122 = arith.constant 0 : i32
      %dma_start3A_123 = arith.constant 0 : i32
      %dma_start3A_124 = tpu.memref_slice %arg5[%dma_start3A_122, %dma_start3A_123] : memref<256x128xf32, #tpu.memory_space<hbm>> -> memref<256x128xf32, #tpu.memory_space<hbm>>
      tpu.enqueue_dma source(%dma_start3A_124 : memref<256x128xf32, #tpu.memory_space<hbm>>) target(%dma_start3A_121 : memref<256x128xf32, #tpu.memory_space<vmem>>) target_semaphore(%run_scoped3A : memref<!tpu.dma_semaphore, #tpu.memory_space<semaphore_mem>>)
      %dma_wait3A = arith.constant 0 : i32
      %dma_wait3A_125 = arith.constant 0 : i32
      %dma_wait3A_126 = tpu.memref_slice %arg10[%dma_wait3A, %dma_wait3A_125] : memref<320x128xf32, #tpu.memory_space<vmem>> -> memref<256x128xf32, #tpu.memory_space<vmem>>
      %dma_wait3A_127 = arith.constant 0 : i32
      %dma_wait3A_128 = arith.constant 0 : i32
      %dma_wait3A_129 = tpu.memref_slice %arg5[%dma_wait3A_127, %dma_wait3A_128] : memref<256x128xf32, #tpu.memory_space<hbm>> -> memref<256x128xf32, #tpu.memory_space<hbm>>
      %dma_wait3A_130 = arith.constant 0 : i32
      %dma_wait3A_131 = arith.constant 0 : i32
      %dma_wait3A_132 = tpu.memref_slice %arg10[%dma_wait3A_130, %dma_wait3A_131] : memref<320x128xf32, #tpu.memory_space<vmem>> -> memref<256x128xf32, #tpu.memory_space<vmem>>
      %dma_wait3A_133 = arith.constant 0 : i32
      %dma_wait3A_134 = arith.constant 0 : i32
      %dma_wait3A_135 = tpu.memref_slice %arg5[%dma_wait3A_133, %dma_wait3A_134] : memref<256x128xf32, #tpu.memory_space<hbm>> -> memref<256x128xf32, #tpu.memory_space<hbm>>
      tpu.wait_dma2 semaphore(%run_scoped3A : memref<!tpu.dma_semaphore, #tpu.memory_space<semaphore_mem>>) src(%dma_wait3A_135 : memref<256x128xf32, #tpu.memory_space<hbm>>) dst(%dma_wait3A_132 : memref<256x128xf32, #tpu.memory_space<vmem>>)
      tpu.yield
    }) : () -> ()
    %add3A = arith.constant 0 : i32
    %add3A_0 = arith.addi %arg1, %add3A : i32
    %lt3A = arith.constant 125 : i32
    %lt3A_1 = arith.cmpi slt, %add3A_0, %lt3A : i32
    %convert_element_type3A = arith.extui %lt3A_1 : i1 to i32
    %cond3A = arith.constant 0 : i32
    %cond3A_2 = arith.cmpi ne, %convert_element_type3A, %cond3A : i32
    scf.if %cond3A_2 {
      %mul3A = arith.constant 80 : i32
      %mul3A_114 = arith.muli %add3A_0, %mul3A : i32
      %multiple_of3A = tpu.assume_multiple %mul3A_114, 8 : i32
      "tpu.region"() ({
        %run_scoped3A = tpu.sem_alloc : memref<!tpu.dma_semaphore, #tpu.memory_space<semaphore_mem>>
        %dma_start3A = arith.constant 0 : i32
        %dma_start3A_115 = arith.constant 0 : i32
        %dma_start3A_116 = tpu.memref_slice %arg10[%dma_start3A, %dma_start3A_115] : memref<320x128xf32, #tpu.memory_space<vmem>> -> memref<80x128xf32, #tpu.memory_space<vmem>>
        %dma_start3A_117 = arith.constant 0 : i32
        %dma_start3A_118 = tpu.memref_slice %arg11[%multiple_of3A, %dma_start3A_117] : memref<10000x128xf32, #tpu.memory_space<vmem_shared>> -> memref<80x128xf32, #tpu.memory_space<vmem_shared>>
        %dma_start3A_119 = arith.constant 0 : i32
        %dma_start3A_120 = tpu.memref_slice %arg11[%multiple_of3A, %dma_start3A_119] : memref<10000x128xf32, #tpu.memory_space<vmem_shared>> -> memref<80x128xf32, #tpu.memory_space<vmem_shared>>
        %dma_start3A_121 = arith.constant 0 : i32
        %dma_start3A_122 = arith.constant 0 : i32
        %dma_start3A_123 = tpu.memref_slice %arg10[%dma_start3A_121, %dma_start3A_122] : memref<320x128xf32, #tpu.memory_space<vmem>> -> memref<80x128xf32, #tpu.memory_space<vmem>>
        tpu.enqueue_dma source(%dma_start3A_123 : memref<80x128xf32, #tpu.memory_space<vmem>>) target(%dma_start3A_120 : memref<80x128xf32, #tpu.memory_space<vmem_shared>>) target_semaphore(%run_scoped3A : memref<!tpu.dma_semaphore, #tpu.memory_space<semaphore_mem>>)
        %dma_wait3A = arith.constant 0 : i32
        %dma_wait3A_124 = arith.constant 0 : i32
        %dma_wait3A_125 = tpu.memref_slice %arg10[%dma_wait3A, %dma_wait3A_124] : memref<320x128xf32, #tpu.memory_space<vmem>> -> memref<80x128xf32, #tpu.memory_space<vmem>>
        %dma_wait3A_126 = arith.constant 0 : i32
        %dma_wait3A_127 = tpu.memref_slice %arg11[%multiple_of3A, %dma_wait3A_126] : memref<10000x128xf32, #tpu.memory_space<vmem_shared>> -> memref<80x128xf32, #tpu.memory_space<vmem_shared>>
        %dma_wait3A_128 = arith.constant 0 : i32
        %dma_wait3A_129 = tpu.memref_slice %arg11[%multiple_of3A, %dma_wait3A_128] : memref<10000x128xf32, #tpu.memory_space<vmem_shared>> -> memref<80x128xf32, #tpu.memory_space<vmem_shared>>
        %dma_wait3A_130 = arith.constant 0 : i32
        %dma_wait3A_131 = arith.constant 0 : i32
        %dma_wait3A_132 = tpu.memref_slice %arg10[%dma_wait3A_130, %dma_wait3A_131] : memref<320x128xf32, #tpu.memory_space<vmem>> -> memref<80x128xf32, #tpu.memory_space<vmem>>
        tpu.wait_dma2 semaphore(%run_scoped3A : memref<!tpu.dma_semaphore, #tpu.memory_space<semaphore_mem>>) src(%dma_wait3A_132 : memref<80x128xf32, #tpu.memory_space<vmem>>) dst(%dma_wait3A_129 : memref<80x128xf32, #tpu.memory_space<vmem_shared>>)
        tpu.yield
      }) : () -> ()
    } else {
    }
    %add3A_3 = arith.constant 16 : i32
    %add3A_4 = arith.addi %arg1, %add3A_3 : i32
    %lt3A_5 = arith.constant 125 : i32
    %lt3A_6 = arith.cmpi slt, %add3A_4, %lt3A_5 : i32
    %convert_element_type3A_7 = arith.extui %lt3A_6 : i1 to i32
    %cond3A_8 = arith.constant 0 : i32
    %cond3A_9 = arith.cmpi ne, %convert_element_type3A_7, %cond3A_8 : i32
    scf.if %cond3A_9 {
      %mul3A = arith.constant 80 : i32
      %mul3A_114 = arith.muli %add3A_4, %mul3A : i32
      %multiple_of3A = tpu.assume_multiple %mul3A_114, 8 : i32
      "tpu.region"() ({
        %run_scoped3A = tpu.sem_alloc : memref<!tpu.dma_semaphore, #tpu.memory_space<semaphore_mem>>
        %dma_start3A = arith.constant 0 : i32
        %dma_start3A_115 = arith.constant 0 : i32
        %dma_start3A_116 = tpu.memref_slice %arg10[%dma_start3A, %dma_start3A_115] : memref<320x128xf32, #tpu.memory_space<vmem>> -> memref<80x128xf32, #tpu.memory_space<vmem>>
        %dma_start3A_117 = arith.constant 0 : i32
        %dma_start3A_118 = tpu.memref_slice %arg11[%multiple_of3A, %dma_start3A_117] : memref<10000x128xf32, #tpu.memory_space<vmem_shared>> -> memref<80x128xf32, #tpu.memory_space<vmem_shared>>
        %dma_start3A_119 = arith.constant 0 : i32
        %dma_start3A_120 = tpu.memref_slice %arg11[%multiple_of3A, %dma_start3A_119] : memref<10000x128xf32, #tpu.memory_space<vmem_shared>> -> memref<80x128xf32, #tpu.memory_space<vmem_shared>>
        %dma_start3A_121 = arith.constant 0 : i32
        %dma_start3A_122 = arith.constant 0 : i32
        %dma_start3A_123 = tpu.memref_slice %arg10[%dma_start3A_121, %dma_start3A_122] : memref<320x128xf32, #tpu.memory_space<vmem>> -> memref<80x128xf32, #tpu.memory_space<vmem>>
        tpu.enqueue_dma source(%dma_start3A_123 : memref<80x128xf32, #tpu.memory_space<vmem>>) target(%dma_start3A_120 : memref<80x128xf32, #tpu.memory_space<vmem_shared>>) target_semaphore(%run_scoped3A : memref<!tpu.dma_semaphore, #tpu.memory_space<semaphore_mem>>)
        %dma_wait3A = arith.constant 0 : i32
        %dma_wait3A_124 = arith.constant 0 : i32
        %dma_wait3A_125 = tpu.memref_slice %arg10[%dma_wait3A, %dma_wait3A_124] : memref<320x128xf32, #tpu.memory_space<vmem>> -> memref<80x128xf32, #tpu.memory_space<vmem>>
        %dma_wait3A_126 = arith.constant 0 : i32
        %dma_wait3A_127 = tpu.memref_slice %arg11[%multiple_of3A, %dma_wait3A_126] : memref<10000x128xf32, #tpu.memory_space<vmem_shared>> -> memref<80x128xf32, #tpu.memory_space<vmem_shared>>
        %dma_wait3A_128 = arith.constant 0 : i32
        %dma_wait3A_129 = tpu.memref_slice %arg11[%multiple_of3A, %dma_wait3A_128] : memref<10000x128xf32, #tpu.memory_space<vmem_shared>> -> memref<80x128xf32, #tpu.memory_space<vmem_shared>>
        %dma_wait3A_130 = arith.constant 0 : i32
        %dma_wait3A_131 = arith.constant 0 : i32
        %dma_wait3A_132 = tpu.memref_slice %arg10[%dma_wait3A_130, %dma_wait3A_131] : memref<320x128xf32, #tpu.memory_space<vmem>> -> memref<80x128xf32, #tpu.memory_space<vmem>>
        tpu.wait_dma2 semaphore(%run_scoped3A : memref<!tpu.dma_semaphore, #tpu.memory_space<semaphore_mem>>) src(%dma_wait3A_132 : memref<80x128xf32, #tpu.memory_space<vmem>>) dst(%dma_wait3A_129 : memref<80x128xf32, #tpu.memory_space<vmem_shared>>)
        tpu.yield
      }) : () -> ()
    } else {
    }
    %add3A_10 = arith.constant 32 : i32
    %add3A_11 = arith.addi %arg1, %add3A_10 : i32
    %lt3A_12 = arith.constant 125 : i32
    %lt3A_13 = arith.cmpi slt, %add3A_11, %lt3A_12 : i32
    %convert_element_type3A_14 = arith.extui %lt3A_13 : i1 to i32
    %cond3A_15 = arith.constant 0 : i32
    %cond3A_16 = arith.cmpi ne, %convert_element_type3A_14, %cond3A_15 : i32
    scf.if %cond3A_16 {
      %mul3A = arith.constant 80 : i32
      %mul3A_114 = arith.muli %add3A_11, %mul3A : i32
      %multiple_of3A = tpu.assume_multiple %mul3A_114, 8 : i32
      "tpu.region"() ({
        %run_scoped3A = tpu.sem_alloc : memref<!tpu.dma_semaphore, #tpu.memory_space<semaphore_mem>>
        %dma_start3A = arith.constant 0 : i32
        %dma_start3A_115 = arith.constant 0 : i32
        %dma_start3A_116 = tpu.memref_slice %arg10[%dma_start3A, %dma_start3A_115] : memref<320x128xf32, #tpu.memory_space<vmem>> -> memref<80x128xf32, #tpu.memory_space<vmem>>
        %dma_start3A_117 = arith.constant 0 : i32
        %dma_start3A_118 = tpu.memref_slice %arg11[%multiple_of3A, %dma_start3A_117] : memref<10000x128xf32, #tpu.memory_space<vmem_shared>> -> memref<80x128xf32, #tpu.memory_space<vmem_shared>>
        %dma_start3A_119 = arith.constant 0 : i32
        %dma_start3A_120 = tpu.memref_slice %arg11[%multiple_of3A, %dma_start3A_119] : memref<10000x128xf32, #tpu.memory_space<vmem_shared>> -> memref<80x128xf32, #tpu.memory_space<vmem_shared>>
        %dma_start3A_121 = arith.constant 0 : i32
        %dma_start3A_122 = arith.constant 0 : i32
        %dma_start3A_123 = tpu.memref_slice %arg10[%dma_start3A_121, %dma_start3A_122] : memref<320x128xf32, #tpu.memory_space<vmem>> -> memref<80x128xf32, #tpu.memory_space<vmem>>
        tpu.enqueue_dma source(%dma_start3A_123 : memref<80x128xf32, #tpu.memory_space<vmem>>) target(%dma_start3A_120 : memref<80x128xf32, #tpu.memory_space<vmem_shared>>) target_semaphore(%run_scoped3A : memref<!tpu.dma_semaphore, #tpu.memory_space<semaphore_mem>>)
        %dma_wait3A = arith.constant 0 : i32
        %dma_wait3A_124 = arith.constant 0 : i32
        %dma_wait3A_125 = tpu.memref_slice %arg10[%dma_wait3A, %dma_wait3A_124] : memref<320x128xf32, #tpu.memory_space<vmem>> -> memref<80x128xf32, #tpu.memory_space<vmem>>
        %dma_wait3A_126 = arith.constant 0 : i32
        %dma_wait3A_127 = tpu.memref_slice %arg11[%multiple_of3A, %dma_wait3A_126] : memref<10000x128xf32, #tpu.memory_space<vmem_shared>> -> memref<80x128xf32, #tpu.memory_space<vmem_shared>>
        %dma_wait3A_128 = arith.constant 0 : i32
        %dma_wait3A_129 = tpu.memref_slice %arg11[%multiple_of3A, %dma_wait3A_128] : memref<10000x128xf32, #tpu.memory_space<vmem_shared>> -> memref<80x128xf32, #tpu.memory_space<vmem_shared>>
        %dma_wait3A_130 = arith.constant 0 : i32
        %dma_wait3A_131 = arith.constant 0 : i32
        %dma_wait3A_132 = tpu.memref_slice %arg10[%dma_wait3A_130, %dma_wait3A_131] : memref<320x128xf32, #tpu.memory_space<vmem>> -> memref<80x128xf32, #tpu.memory_space<vmem>>
        tpu.wait_dma2 semaphore(%run_scoped3A : memref<!tpu.dma_semaphore, #tpu.memory_space<semaphore_mem>>) src(%dma_wait3A_132 : memref<80x128xf32, #tpu.memory_space<vmem>>) dst(%dma_wait3A_129 : memref<80x128xf32, #tpu.memory_space<vmem_shared>>)
        tpu.yield
      }) : () -> ()
    } else {
    }
    %add3A_17 = arith.constant 48 : i32
    %add3A_18 = arith.addi %arg1, %add3A_17 : i32
    %lt3A_19 = arith.constant 125 : i32
    %lt3A_20 = arith.cmpi slt, %add3A_18, %lt3A_19 : i32
    %convert_element_type3A_21 = arith.extui %lt3A_20 : i1 to i32
    %cond3A_22 = arith.constant 0 : i32
    %cond3A_23 = arith.cmpi ne, %convert_element_type3A_21, %cond3A_22 : i32
    scf.if %cond3A_23 {
      %mul3A = arith.constant 80 : i32
      %mul3A_114 = arith.muli %add3A_18, %mul3A : i32
      %multiple_of3A = tpu.assume_multiple %mul3A_114, 8 : i32
      "tpu.region"() ({
        %run_scoped3A = tpu.sem_alloc : memref<!tpu.dma_semaphore, #tpu.memory_space<semaphore_mem>>
        %dma_start3A = arith.constant 0 : i32
        %dma_start3A_115 = arith.constant 0 : i32
        %dma_start3A_116 = tpu.memref_slice %arg10[%dma_start3A, %dma_start3A_115] : memref<320x128xf32, #tpu.memory_space<vmem>> -> memref<80x128xf32, #tpu.memory_space<vmem>>
        %dma_start3A_117 = arith.constant 0 : i32
        %dma_start3A_118 = tpu.memref_slice %arg11[%multiple_of3A, %dma_start3A_117] : memref<10000x128xf32, #tpu.memory_space<vmem_shared>> -> memref<80x128xf32, #tpu.memory_space<vmem_shared>>
        %dma_start3A_119 = arith.constant 0 : i32
        %dma_start3A_120 = tpu.memref_slice %arg11[%multiple_of3A, %dma_start3A_119] : memref<10000x128xf32, #tpu.memory_space<vmem_shared>> -> memref<80x128xf32, #tpu.memory_space<vmem_shared>>
        %dma_start3A_121 = arith.constant 0 : i32
        %dma_start3A_122 = arith.constant 0 : i32
        %dma_start3A_123 = tpu.memref_slice %arg10[%dma_start3A_121, %dma_start3A_122] : memref<320x128xf32, #tpu.memory_space<vmem>> -> memref<80x128xf32, #tpu.memory_space<vmem>>
        tpu.enqueue_dma source(%dma_start3A_123 : memref<80x128xf32, #tpu.memory_space<vmem>>) target(%dma_start3A_120 : memref<80x128xf32, #tpu.memory_space<vmem_shared>>) target_semaphore(%run_scoped3A : memref<!tpu.dma_semaphore, #tpu.memory_space<semaphore_mem>>)
        %dma_wait3A = arith.constant 0 : i32
        %dma_wait3A_124 = arith.constant 0 : i32
        %dma_wait3A_125 = tpu.memref_slice %arg10[%dma_wait3A, %dma_wait3A_124] : memref<320x128xf32, #tpu.memory_space<vmem>> -> memref<80x128xf32, #tpu.memory_space<vmem>>
        %dma_wait3A_126 = arith.constant 0 : i32
        %dma_wait3A_127 = tpu.memref_slice %arg11[%multiple_of3A, %dma_wait3A_126] : memref<10000x128xf32, #tpu.memory_space<vmem_shared>> -> memref<80x128xf32, #tpu.memory_space<vmem_shared>>
        %dma_wait3A_128 = arith.constant 0 : i32
        %dma_wait3A_129 = tpu.memref_slice %arg11[%multiple_of3A, %dma_wait3A_128] : memref<10000x128xf32, #tpu.memory_space<vmem_shared>> -> memref<80x128xf32, #tpu.memory_space<vmem_shared>>
        %dma_wait3A_130 = arith.constant 0 : i32
        %dma_wait3A_131 = arith.constant 0 : i32
        %dma_wait3A_132 = tpu.memref_slice %arg10[%dma_wait3A_130, %dma_wait3A_131] : memref<320x128xf32, #tpu.memory_space<vmem>> -> memref<80x128xf32, #tpu.memory_space<vmem>>
        tpu.wait_dma2 semaphore(%run_scoped3A : memref<!tpu.dma_semaphore, #tpu.memory_space<semaphore_mem>>) src(%dma_wait3A_132 : memref<80x128xf32, #tpu.memory_space<vmem>>) dst(%dma_wait3A_129 : memref<80x128xf32, #tpu.memory_space<vmem_shared>>)
        tpu.yield
      }) : () -> ()
    } else {
    }
    %add3A_24 = arith.constant 64 : i32
    %add3A_25 = arith.addi %arg1, %add3A_24 : i32
    %lt3A_26 = arith.constant 125 : i32
    %lt3A_27 = arith.cmpi slt, %add3A_25, %lt3A_26 : i32
    %convert_element_type3A_28 = arith.extui %lt3A_27 : i1 to i32
    %cond3A_29 = arith.constant 0 : i32
    %cond3A_30 = arith.cmpi ne, %convert_element_type3A_28, %cond3A_29 : i32
    scf.if %cond3A_30 {
      %mul3A = arith.constant 80 : i32
      %mul3A_114 = arith.muli %add3A_25, %mul3A : i32
      %multiple_of3A = tpu.assume_multiple %mul3A_114, 8 : i32
      "tpu.region"() ({
        %run_scoped3A = tpu.sem_alloc : memref<!tpu.dma_semaphore, #tpu.memory_space<semaphore_mem>>
        %dma_start3A = arith.constant 0 : i32
        %dma_start3A_115 = arith.constant 0 : i32
        %dma_start3A_116 = tpu.memref_slice %arg10[%dma_start3A, %dma_start3A_115] : memref<320x128xf32, #tpu.memory_space<vmem>> -> memref<80x128xf32, #tpu.memory_space<vmem>>
        %dma_start3A_117 = arith.constant 0 : i32
        %dma_start3A_118 = tpu.memref_slice %arg11[%multiple_of3A, %dma_start3A_117] : memref<10000x128xf32, #tpu.memory_space<vmem_shared>> -> memref<80x128xf32, #tpu.memory_space<vmem_shared>>
        %dma_start3A_119 = arith.constant 0 : i32
        %dma_start3A_120 = tpu.memref_slice %arg11[%multiple_of3A, %dma_start3A_119] : memref<10000x128xf32, #tpu.memory_space<vmem_shared>> -> memref<80x128xf32, #tpu.memory_space<vmem_shared>>
        %dma_start3A_121 = arith.constant 0 : i32
        %dma_start3A_122 = arith.constant 0 : i32
        %dma_start3A_123 = tpu.memref_slice %arg10[%dma_start3A_121, %dma_start3A_122] : memref<320x128xf32, #tpu.memory_space<vmem>> -> memref<80x128xf32, #tpu.memory_space<vmem>>
        tpu.enqueue_dma source(%dma_start3A_123 : memref<80x128xf32, #tpu.memory_space<vmem>>) target(%dma_start3A_120 : memref<80x128xf32, #tpu.memory_space<vmem_shared>>) target_semaphore(%run_scoped3A : memref<!tpu.dma_semaphore, #tpu.memory_space<semaphore_mem>>)
        %dma_wait3A = arith.constant 0 : i32
        %dma_wait3A_124 = arith.constant 0 : i32
        %dma_wait3A_125 = tpu.memref_slice %arg10[%dma_wait3A, %dma_wait3A_124] : memref<320x128xf32, #tpu.memory_space<vmem>> -> memref<80x128xf32, #tpu.memory_space<vmem>>
        %dma_wait3A_126 = arith.constant 0 : i32
        %dma_wait3A_127 = tpu.memref_slice %arg11[%multiple_of3A, %dma_wait3A_126] : memref<10000x128xf32, #tpu.memory_space<vmem_shared>> -> memref<80x128xf32, #tpu.memory_space<vmem_shared>>
        %dma_wait3A_128 = arith.constant 0 : i32
        %dma_wait3A_129 = tpu.memref_slice %arg11[%multiple_of3A, %dma_wait3A_128] : memref<10000x128xf32, #tpu.memory_space<vmem_shared>> -> memref<80x128xf32, #tpu.memory_space<vmem_shared>>
        %dma_wait3A_130 = arith.constant 0 : i32
        %dma_wait3A_131 = arith.constant 0 : i32
        %dma_wait3A_132 = tpu.memref_slice %arg10[%dma_wait3A_130, %dma_wait3A_131] : memref<320x128xf32, #tpu.memory_space<vmem>> -> memref<80x128xf32, #tpu.memory_space<vmem>>
        tpu.wait_dma2 semaphore(%run_scoped3A : memref<!tpu.dma_semaphore, #tpu.memory_space<semaphore_mem>>) src(%dma_wait3A_132 : memref<80x128xf32, #tpu.memory_space<vmem>>) dst(%dma_wait3A_129 : memref<80x128xf32, #tpu.memory_space<vmem_shared>>)
        tpu.yield
      }) : () -> ()
    } else {
    }
    %add3A_31 = arith.constant 80 : i32
    %add3A_32 = arith.addi %arg1, %add3A_31 : i32
    %lt3A_33 = arith.constant 125 : i32
    %lt3A_34 = arith.cmpi slt, %add3A_32, %lt3A_33 : i32
    %convert_element_type3A_35 = arith.extui %lt3A_34 : i1 to i32
    %cond3A_36 = arith.constant 0 : i32
    %cond3A_37 = arith.cmpi ne, %convert_element_type3A_35, %cond3A_36 : i32
    scf.if %cond3A_37 {
      %mul3A = arith.constant 80 : i32
      %mul3A_114 = arith.muli %add3A_32, %mul3A : i32
      %multiple_of3A = tpu.assume_multiple %mul3A_114, 8 : i32
      "tpu.region"() ({
        %run_scoped3A = tpu.sem_alloc : memref<!tpu.dma_semaphore, #tpu.memory_space<semaphore_mem>>
        %dma_start3A = arith.constant 0 : i32
        %dma_start3A_115 = arith.constant 0 : i32
        %dma_start3A_116 = tpu.memref_slice %arg10[%dma_start3A, %dma_start3A_115] : memref<320x128xf32, #tpu.memory_space<vmem>> -> memref<80x128xf32, #tpu.memory_space<vmem>>
        %dma_start3A_117 = arith.constant 0 : i32
        %dma_start3A_118 = tpu.memref_slice %arg11[%multiple_of3A, %dma_start3A_117] : memref<10000x128xf32, #tpu.memory_space<vmem_shared>> -> memref<80x128xf32, #tpu.memory_space<vmem_shared>>
        %dma_start3A_119 = arith.constant 0 : i32
        %dma_start3A_120 = tpu.memref_slice %arg11[%multiple_of3A, %dma_start3A_119] : memref<10000x128xf32, #tpu.memory_space<vmem_shared>> -> memref<80x128xf32, #tpu.memory_space<vmem_shared>>
        %dma_start3A_121 = arith.constant 0 : i32
        %dma_start3A_122 = arith.constant 0 : i32
        %dma_start3A_123 = tpu.memref_slice %arg10[%dma_start3A_121, %dma_start3A_122] : memref<320x128xf32, #tpu.memory_space<vmem>> -> memref<80x128xf32, #tpu.memory_space<vmem>>
        tpu.enqueue_dma source(%dma_start3A_123 : memref<80x128xf32, #tpu.memory_space<vmem>>) target(%dma_start3A_120 : memref<80x128xf32, #tpu.memory_space<vmem_shared>>) target_semaphore(%run_scoped3A : memref<!tpu.dma_semaphore, #tpu.memory_space<semaphore_mem>>)
        %dma_wait3A = arith.constant 0 : i32
        %dma_wait3A_124 = arith.constant 0 : i32
        %dma_wait3A_125 = tpu.memref_slice %arg10[%dma_wait3A, %dma_wait3A_124] : memref<320x128xf32, #tpu.memory_space<vmem>> -> memref<80x128xf32, #tpu.memory_space<vmem>>
        %dma_wait3A_126 = arith.constant 0 : i32
        %dma_wait3A_127 = tpu.memref_slice %arg11[%multiple_of3A, %dma_wait3A_126] : memref<10000x128xf32, #tpu.memory_space<vmem_shared>> -> memref<80x128xf32, #tpu.memory_space<vmem_shared>>
        %dma_wait3A_128 = arith.constant 0 : i32
        %dma_wait3A_129 = tpu.memref_slice %arg11[%multiple_of3A, %dma_wait3A_128] : memref<10000x128xf32, #tpu.memory_space<vmem_shared>> -> memref<80x128xf32, #tpu.memory_space<vmem_shared>>
        %dma_wait3A_130 = arith.constant 0 : i32
        %dma_wait3A_131 = arith.constant 0 : i32
        %dma_wait3A_132 = tpu.memref_slice %arg10[%dma_wait3A_130, %dma_wait3A_131] : memref<320x128xf32, #tpu.memory_space<vmem>> -> memref<80x128xf32, #tpu.memory_space<vmem>>
        tpu.wait_dma2 semaphore(%run_scoped3A : memref<!tpu.dma_semaphore, #tpu.memory_space<semaphore_mem>>) src(%dma_wait3A_132 : memref<80x128xf32, #tpu.memory_space<vmem>>) dst(%dma_wait3A_129 : memref<80x128xf32, #tpu.memory_space<vmem_shared>>)
        tpu.yield
      }) : () -> ()
    } else {
    }
    %add3A_38 = arith.constant 96 : i32
    %add3A_39 = arith.addi %arg1, %add3A_38 : i32
    %lt3A_40 = arith.constant 125 : i32
    %lt3A_41 = arith.cmpi slt, %add3A_39, %lt3A_40 : i32
    %convert_element_type3A_42 = arith.extui %lt3A_41 : i1 to i32
    %cond3A_43 = arith.constant 0 : i32
    %cond3A_44 = arith.cmpi ne, %convert_element_type3A_42, %cond3A_43 : i32
    scf.if %cond3A_44 {
      %mul3A = arith.constant 80 : i32
      %mul3A_114 = arith.muli %add3A_39, %mul3A : i32
      %multiple_of3A = tpu.assume_multiple %mul3A_114, 8 : i32
      "tpu.region"() ({
        %run_scoped3A = tpu.sem_alloc : memref<!tpu.dma_semaphore, #tpu.memory_space<semaphore_mem>>
        %dma_start3A = arith.constant 0 : i32
        %dma_start3A_115 = arith.constant 0 : i32
        %dma_start3A_116 = tpu.memref_slice %arg10[%dma_start3A, %dma_start3A_115] : memref<320x128xf32, #tpu.memory_space<vmem>> -> memref<80x128xf32, #tpu.memory_space<vmem>>
        %dma_start3A_117 = arith.constant 0 : i32
        %dma_start3A_118 = tpu.memref_slice %arg11[%multiple_of3A, %dma_start3A_117] : memref<10000x128xf32, #tpu.memory_space<vmem_shared>> -> memref<80x128xf32, #tpu.memory_space<vmem_shared>>
        %dma_start3A_119 = arith.constant 0 : i32
        %dma_start3A_120 = tpu.memref_slice %arg11[%multiple_of3A, %dma_start3A_119] : memref<10000x128xf32, #tpu.memory_space<vmem_shared>> -> memref<80x128xf32, #tpu.memory_space<vmem_shared>>
        %dma_start3A_121 = arith.constant 0 : i32
        %dma_start3A_122 = arith.constant 0 : i32
        %dma_start3A_123 = tpu.memref_slice %arg10[%dma_start3A_121, %dma_start3A_122] : memref<320x128xf32, #tpu.memory_space<vmem>> -> memref<80x128xf32, #tpu.memory_space<vmem>>
        tpu.enqueue_dma source(%dma_start3A_123 : memref<80x128xf32, #tpu.memory_space<vmem>>) target(%dma_start3A_120 : memref<80x128xf32, #tpu.memory_space<vmem_shared>>) target_semaphore(%run_scoped3A : memref<!tpu.dma_semaphore, #tpu.memory_space<semaphore_mem>>)
        %dma_wait3A = arith.constant 0 : i32
        %dma_wait3A_124 = arith.constant 0 : i32
        %dma_wait3A_125 = tpu.memref_slice %arg10[%dma_wait3A, %dma_wait3A_124] : memref<320x128xf32, #tpu.memory_space<vmem>> -> memref<80x128xf32, #tpu.memory_space<vmem>>
        %dma_wait3A_126 = arith.constant 0 : i32
        %dma_wait3A_127 = tpu.memref_slice %arg11[%multiple_of3A, %dma_wait3A_126] : memref<10000x128xf32, #tpu.memory_space<vmem_shared>> -> memref<80x128xf32, #tpu.memory_space<vmem_shared>>
        %dma_wait3A_128 = arith.constant 0 : i32
        %dma_wait3A_129 = tpu.memref_slice %arg11[%multiple_of3A, %dma_wait3A_128] : memref<10000x128xf32, #tpu.memory_space<vmem_shared>> -> memref<80x128xf32, #tpu.memory_space<vmem_shared>>
        %dma_wait3A_130 = arith.constant 0 : i32
        %dma_wait3A_131 = arith.constant 0 : i32
        %dma_wait3A_132 = tpu.memref_slice %arg10[%dma_wait3A_130, %dma_wait3A_131] : memref<320x128xf32, #tpu.memory_space<vmem>> -> memref<80x128xf32, #tpu.memory_space<vmem>>
        tpu.wait_dma2 semaphore(%run_scoped3A : memref<!tpu.dma_semaphore, #tpu.memory_space<semaphore_mem>>) src(%dma_wait3A_132 : memref<80x128xf32, #tpu.memory_space<vmem>>) dst(%dma_wait3A_129 : memref<80x128xf32, #tpu.memory_space<vmem_shared>>)
        tpu.yield
      }) : () -> ()
    } else {
    }
    %add3A_45 = arith.constant 112 : i32
    %add3A_46 = arith.addi %arg1, %add3A_45 : i32
    %lt3A_47 = arith.constant 125 : i32
    %lt3A_48 = arith.cmpi slt, %add3A_46, %lt3A_47 : i32
    %convert_element_type3A_49 = arith.extui %lt3A_48 : i1 to i32
    %cond3A_50 = arith.constant 0 : i32
    %cond3A_51 = arith.cmpi ne, %convert_element_type3A_49, %cond3A_50 : i32
    scf.if %cond3A_51 {
      %mul3A = arith.constant 80 : i32
      %mul3A_114 = arith.muli %add3A_46, %mul3A : i32
      %multiple_of3A = tpu.assume_multiple %mul3A_114, 8 : i32
      "tpu.region"() ({
        %run_scoped3A = tpu.sem_alloc : memref<!tpu.dma_semaphore, #tpu.memory_space<semaphore_mem>>
        %dma_start3A = arith.constant 0 : i32
        %dma_start3A_115 = arith.constant 0 : i32
        %dma_start3A_116 = tpu.memref_slice %arg10[%dma_start3A, %dma_start3A_115] : memref<320x128xf32, #tpu.memory_space<vmem>> -> memref<80x128xf32, #tpu.memory_space<vmem>>
        %dma_start3A_117 = arith.constant 0 : i32
        %dma_start3A_118 = tpu.memref_slice %arg11[%multiple_of3A, %dma_start3A_117] : memref<10000x128xf32, #tpu.memory_space<vmem_shared>> -> memref<80x128xf32, #tpu.memory_space<vmem_shared>>
        %dma_start3A_119 = arith.constant 0 : i32
        %dma_start3A_120 = tpu.memref_slice %arg11[%multiple_of3A, %dma_start3A_119] : memref<10000x128xf32, #tpu.memory_space<vmem_shared>> -> memref<80x128xf32, #tpu.memory_space<vmem_shared>>
        %dma_start3A_121 = arith.constant 0 : i32
        %dma_start3A_122 = arith.constant 0 : i32
        %dma_start3A_123 = tpu.memref_slice %arg10[%dma_start3A_121, %dma_start3A_122] : memref<320x128xf32, #tpu.memory_space<vmem>> -> memref<80x128xf32, #tpu.memory_space<vmem>>
        tpu.enqueue_dma source(%dma_start3A_123 : memref<80x128xf32, #tpu.memory_space<vmem>>) target(%dma_start3A_120 : memref<80x128xf32, #tpu.memory_space<vmem_shared>>) target_semaphore(%run_scoped3A : memref<!tpu.dma_semaphore, #tpu.memory_space<semaphore_mem>>)
        %dma_wait3A = arith.constant 0 : i32
        %dma_wait3A_124 = arith.constant 0 : i32
        %dma_wait3A_125 = tpu.memref_slice %arg10[%dma_wait3A, %dma_wait3A_124] : memref<320x128xf32, #tpu.memory_space<vmem>> -> memref<80x128xf32, #tpu.memory_space<vmem>>
        %dma_wait3A_126 = arith.constant 0 : i32
        %dma_wait3A_127 = tpu.memref_slice %arg11[%multiple_of3A, %dma_wait3A_126] : memref<10000x128xf32, #tpu.memory_space<vmem_shared>> -> memref<80x128xf32, #tpu.memory_space<vmem_shared>>
        %dma_wait3A_128 = arith.constant 0 : i32
        %dma_wait3A_129 = tpu.memref_slice %arg11[%multiple_of3A, %dma_wait3A_128] : memref<10000x128xf32, #tpu.memory_space<vmem_shared>> -> memref<80x128xf32, #tpu.memory_space<vmem_shared>>
        %dma_wait3A_130 = arith.constant 0 : i32
        %dma_wait3A_131 = arith.constant 0 : i32
        %dma_wait3A_132 = tpu.memref_slice %arg10[%dma_wait3A_130, %dma_wait3A_131] : memref<320x128xf32, #tpu.memory_space<vmem>> -> memref<80x128xf32, #tpu.memory_space<vmem>>
        tpu.wait_dma2 semaphore(%run_scoped3A : memref<!tpu.dma_semaphore, #tpu.memory_space<semaphore_mem>>) src(%dma_wait3A_132 : memref<80x128xf32, #tpu.memory_space<vmem>>) dst(%dma_wait3A_129 : memref<80x128xf32, #tpu.memory_space<vmem_shared>>)
        tpu.yield
      }) : () -> ()
    } else {
    }
    %barrier3A = arith.constant 0 : index
    tpu.barrier barrier_id(%barrier3A)
    %scan3A = arith.constant 0 : i32
    %scan3A_52 = arith.constant 0 : i32
    %scan3A_53 = arith.constant 32 : i32
    %scan3A_54 = arith.addi %scan3A_52, %scan3A_53 : i32
    %scan3A_55 = arith.constant 1 : i32
    scf.for %scan3A_114 = %scan3A_52 to %scan3A_54 step %scan3A_55  : i32 {
      %mul3A = arith.constant 16 : i32
      %mul3A_115 = arith.muli %scan3A_114, %mul3A : i32
      %add3A_116 = arith.addi %arg1, %mul3A_115 : i32
      %lt3A_117 = arith.constant 500 : i32
      %lt3A_118 = arith.cmpi slt, %add3A_116, %lt3A_117 : i32
      %convert_element_type3A_119 = arith.extui %lt3A_118 : i1 to i32
      %cond3A_120 = arith.constant 0 : i32
      %cond3A_121 = arith.cmpi ne, %convert_element_type3A_119, %cond3A_120 : i32
      scf.if %cond3A_121 {
        %mul3A_122 = arith.constant 320 : i32
        %mul3A_123 = arith.muli %add3A_116, %mul3A_122 : i32
        %multiple_of3A = tpu.assume_multiple %mul3A_123, 8 : i32
        "tpu.region"() ({
          %run_scoped3A = tpu.sem_alloc : memref<!tpu.dma_semaphore, #tpu.memory_space<semaphore_mem>>
          %dma_start3A = tpu.memref_slice %arg4[%multiple_of3A] : memref<160000xi32, #tpu.memory_space<hbm>> -> memref<320xi32, #tpu.memory_space<hbm>>
          %dma_start3A_133 = tpu.memref_slice %arg4[%multiple_of3A] : memref<160000xi32, #tpu.memory_space<hbm>> -> memref<320xi32, #tpu.memory_space<hbm>>
          tpu.enqueue_dma source(%dma_start3A_133 : memref<320xi32, #tpu.memory_space<hbm>>) target(%arg9 : memref<320xi32, #tpu.memory_space<vmem>>) target_semaphore(%run_scoped3A : memref<!tpu.dma_semaphore, #tpu.memory_space<semaphore_mem>>)
          %dma_wait3A = tpu.memref_slice %arg4[%multiple_of3A] : memref<160000xi32, #tpu.memory_space<hbm>> -> memref<320xi32, #tpu.memory_space<hbm>>
          %dma_wait3A_134 = tpu.memref_slice %arg4[%multiple_of3A] : memref<160000xi32, #tpu.memory_space<hbm>> -> memref<320xi32, #tpu.memory_space<hbm>>
          tpu.wait_dma2 semaphore(%run_scoped3A : memref<!tpu.dma_semaphore, #tpu.memory_space<semaphore_mem>>) src(%dma_wait3A_134 : memref<320xi32, #tpu.memory_space<hbm>>) dst(%arg9 : memref<320xi32, #tpu.memory_space<vmem>>)
          tpu.yield
        }) : () -> ()
        %eq3A = arith.constant 0 : i32
        %eq3A_124 = arith.cmpi eq, %arg0, %eq3A : i32
        %convert_element_type3A_125 = arith.extui %eq3A_124 : i1 to i32
        %cond3A_126 = arith.constant 0 : i32
        %cond3A_127 = arith.cmpi ne, %convert_element_type3A_125, %cond3A_126 : i32
        scf.if %cond3A_127 {
          "tpu.region"() ({
            %run_scoped3A = tpu.sem_alloc : memref<!tpu.dma_semaphore, #tpu.memory_space<semaphore_mem>>
            %dma_start3A = arith.constant 0 : i32
            %dma_start3A_133 = tpu.memref_slice %arg2[%multiple_of3A, %dma_start3A] : memref<160000x128xf32, #tpu.memory_space<hbm>> -> memref<320x128xf32, #tpu.memory_space<hbm>>
            %dma_start3A_134 = arith.constant 0 : i32
            %dma_start3A_135 = tpu.memref_slice %arg2[%multiple_of3A, %dma_start3A_134] : memref<160000x128xf32, #tpu.memory_space<hbm>> -> memref<320x128xf32, #tpu.memory_space<hbm>>
            tpu.enqueue_dma source(%dma_start3A_135 : memref<320x128xf32, #tpu.memory_space<hbm>>) target(%arg10 : memref<320x128xf32, #tpu.memory_space<vmem>>) target_semaphore(%run_scoped3A : memref<!tpu.dma_semaphore, #tpu.memory_space<semaphore_mem>>)
            %dma_wait3A = arith.constant 0 : i32
            %dma_wait3A_136 = tpu.memref_slice %arg2[%multiple_of3A, %dma_wait3A] : memref<160000x128xf32, #tpu.memory_space<hbm>> -> memref<320x128xf32, #tpu.memory_space<hbm>>
            %dma_wait3A_137 = arith.constant 0 : i32
            %dma_wait3A_138 = tpu.memref_slice %arg2[%multiple_of3A, %dma_wait3A_137] : memref<160000x128xf32, #tpu.memory_space<hbm>> -> memref<320x128xf32, #tpu.memory_space<hbm>>
            tpu.wait_dma2 semaphore(%run_scoped3A : memref<!tpu.dma_semaphore, #tpu.memory_space<semaphore_mem>>) src(%dma_wait3A_138 : memref<320x128xf32, #tpu.memory_space<hbm>>) dst(%arg10 : memref<320x128xf32, #tpu.memory_space<vmem>>)
            tpu.yield
          }) : () -> ()
        } else {
        }
        %eq3A_128 = arith.constant 1 : i32
        %eq3A_129 = arith.cmpi eq, %arg0, %eq3A_128 : i32
        %convert_element_type3A_130 = arith.extui %eq3A_129 : i1 to i32
        %cond3A_131 = arith.constant 0 : i32
        %cond3A_132 = arith.cmpi ne, %convert_element_type3A_130, %cond3A_131 : i32
        scf.if %cond3A_132 {
          "tpu.region"() ({
            %run_scoped3A = tpu.sem_alloc : memref<!tpu.dma_semaphore, #tpu.memory_space<semaphore_mem>>
            %dma_start3A = arith.constant 0 : i32
            %dma_start3A_133 = tpu.memref_slice %arg3[%multiple_of3A, %dma_start3A] : memref<160000x128xf32, #tpu.memory_space<hbm>> -> memref<320x128xf32, #tpu.memory_space<hbm>>
            %dma_start3A_134 = arith.constant 0 : i32
            %dma_start3A_135 = tpu.memref_slice %arg3[%multiple_of3A, %dma_start3A_134] : memref<160000x128xf32, #tpu.memory_space<hbm>> -> memref<320x128xf32, #tpu.memory_space<hbm>>
            tpu.enqueue_dma source(%dma_start3A_135 : memref<320x128xf32, #tpu.memory_space<hbm>>) target(%arg10 : memref<320x128xf32, #tpu.memory_space<vmem>>) target_semaphore(%run_scoped3A : memref<!tpu.dma_semaphore, #tpu.memory_space<semaphore_mem>>)
            %dma_wait3A = arith.constant 0 : i32
            %dma_wait3A_136 = tpu.memref_slice %arg3[%multiple_of3A, %dma_wait3A] : memref<160000x128xf32, #tpu.memory_space<hbm>> -> memref<320x128xf32, #tpu.memory_space<hbm>>
            %dma_wait3A_137 = arith.constant 0 : i32
            %dma_wait3A_138 = tpu.memref_slice %arg3[%multiple_of3A, %dma_wait3A_137] : memref<160000x128xf32, #tpu.memory_space<hbm>> -> memref<320x128xf32, #tpu.memory_space<hbm>>
            tpu.wait_dma2 semaphore(%run_scoped3A : memref<!tpu.dma_semaphore, #tpu.memory_space<semaphore_mem>>) src(%dma_wait3A_138 : memref<320x128xf32, #tpu.memory_space<hbm>>) dst(%arg10 : memref<320x128xf32, #tpu.memory_space<vmem>>)
            tpu.yield
          }) : () -> ()
        } else {
        }
        "tpu.region"() ({
          %run_scoped3A = tpu.sem_alloc : memref<!tpu.dma_semaphore, #tpu.memory_space<semaphore_mem>>
          %dma_start3A = arith.constant 0 : i32
          %dma_start3A_133 = arith.constant 0 : i32
          %dma_start3A_134 = tpu.memref_slice %arg11[%dma_start3A, %dma_start3A_133] : memref<10000x128xf32, #tpu.memory_space<vmem_shared>> -> memref<10000x128xf32, #tpu.memory_space<vmem_shared>>
          tpu.enqueue_indirect_dma source(%arg10 : memref<320x128xf32, #tpu.memory_space<vmem>>) target(%dma_start3A_134 : memref<10000x128xf32, #tpu.memory_space<vmem_shared>>) offsets(%arg9 : memref<320xi32, #tpu.memory_space<vmem>>) semaphore(%run_scoped3A : memref<!tpu.dma_semaphore, #tpu.memory_space<semaphore_mem>>) {add = true}
          %dma_wait3A = arith.constant 0 : i32
          %dma_wait3A_135 = arith.constant 0 : i32
          %dma_wait3A_136 = tpu.memref_slice %arg11[%dma_wait3A, %dma_wait3A_135] : memref<10000x128xf32, #tpu.memory_space<vmem_shared>> -> memref<10000x128xf32, #tpu.memory_space<vmem_shared>>
          tpu.wait_indirect_dma semaphore(%run_scoped3A : memref<!tpu.dma_semaphore, #tpu.memory_space<semaphore_mem>>) src(%arg10 : memref<320x128xf32, #tpu.memory_space<vmem>>) dst(%dma_wait3A_136 : memref<10000x128xf32, #tpu.memory_space<vmem_shared>>)
          tpu.yield
        }) : () -> ()
      } else {
      }
    }
    %scan3A_56 = arith.constant 32 : i32
    %barrier3A_57 = arith.constant 0 : index
    tpu.barrier barrier_id(%barrier3A_57)
    %add3A_58 = arith.constant 0 : i32
    %add3A_59 = arith.addi %arg1, %add3A_58 : i32
    %lt3A_60 = arith.constant 125 : i32
    %lt3A_61 = arith.cmpi slt, %add3A_59, %lt3A_60 : i32
    %convert_element_type3A_62 = arith.extui %lt3A_61 : i1 to i32
    %cond3A_63 = arith.constant 0 : i32
    %cond3A_64 = arith.cmpi ne, %convert_element_type3A_62, %cond3A_63 : i32
    scf.if %cond3A_64 {
      %mul3A = arith.constant 80 : i32
      %mul3A_114 = arith.muli %add3A_59, %mul3A : i32
      %multiple_of3A = tpu.assume_multiple %mul3A_114, 8 : i32
      "tpu.region"() ({
        %run_scoped3A = tpu.sem_alloc : memref<!tpu.dma_semaphore, #tpu.memory_space<semaphore_mem>>
        %dma_start3A = arith.constant 0 : i32
        %dma_start3A_124 = arith.constant 0 : i32
        %dma_start3A_125 = tpu.memref_slice %arg10[%dma_start3A, %dma_start3A_124] : memref<320x128xf32, #tpu.memory_space<vmem>> -> memref<80x128xf32, #tpu.memory_space<vmem>>
        %dma_start3A_126 = arith.constant 0 : i32
        %dma_start3A_127 = tpu.memref_slice %arg11[%multiple_of3A, %dma_start3A_126] : memref<10000x128xf32, #tpu.memory_space<vmem_shared>> -> memref<80x128xf32, #tpu.memory_space<vmem_shared>>
        %dma_start3A_128 = arith.constant 0 : i32
        %dma_start3A_129 = arith.constant 0 : i32
        %dma_start3A_130 = tpu.memref_slice %arg10[%dma_start3A_128, %dma_start3A_129] : memref<320x128xf32, #tpu.memory_space<vmem>> -> memref<80x128xf32, #tpu.memory_space<vmem>>
        %dma_start3A_131 = arith.constant 0 : i32
        %dma_start3A_132 = tpu.memref_slice %arg11[%multiple_of3A, %dma_start3A_131] : memref<10000x128xf32, #tpu.memory_space<vmem_shared>> -> memref<80x128xf32, #tpu.memory_space<vmem_shared>>
        tpu.enqueue_dma source(%dma_start3A_132 : memref<80x128xf32, #tpu.memory_space<vmem_shared>>) target(%dma_start3A_130 : memref<80x128xf32, #tpu.memory_space<vmem>>) target_semaphore(%run_scoped3A : memref<!tpu.dma_semaphore, #tpu.memory_space<semaphore_mem>>)
        %dma_wait3A = arith.constant 0 : i32
        %dma_wait3A_133 = arith.constant 0 : i32
        %dma_wait3A_134 = tpu.memref_slice %arg10[%dma_wait3A, %dma_wait3A_133] : memref<320x128xf32, #tpu.memory_space<vmem>> -> memref<80x128xf32, #tpu.memory_space<vmem>>
        %dma_wait3A_135 = arith.constant 0 : i32
        %dma_wait3A_136 = tpu.memref_slice %arg11[%multiple_of3A, %dma_wait3A_135] : memref<10000x128xf32, #tpu.memory_space<vmem_shared>> -> memref<80x128xf32, #tpu.memory_space<vmem_shared>>
        %dma_wait3A_137 = arith.constant 0 : i32
        %dma_wait3A_138 = arith.constant 0 : i32
        %dma_wait3A_139 = tpu.memref_slice %arg10[%dma_wait3A_137, %dma_wait3A_138] : memref<320x128xf32, #tpu.memory_space<vmem>> -> memref<80x128xf32, #tpu.memory_space<vmem>>
        %dma_wait3A_140 = arith.constant 0 : i32
        %dma_wait3A_141 = tpu.memref_slice %arg11[%multiple_of3A, %dma_wait3A_140] : memref<10000x128xf32, #tpu.memory_space<vmem_shared>> -> memref<80x128xf32, #tpu.memory_space<vmem_shared>>
        tpu.wait_dma2 semaphore(%run_scoped3A : memref<!tpu.dma_semaphore, #tpu.memory_space<semaphore_mem>>) src(%dma_wait3A_141 : memref<80x128xf32, #tpu.memory_space<vmem_shared>>) dst(%dma_wait3A_139 : memref<80x128xf32, #tpu.memory_space<vmem>>)
        tpu.yield
      }) : () -> ()
      %eq3A = arith.constant 0 : i32
      %eq3A_115 = arith.cmpi eq, %arg0, %eq3A : i32
      %convert_element_type3A_116 = arith.extui %eq3A_115 : i1 to i32
      %cond3A_117 = arith.constant 0 : i32
      %cond3A_118 = arith.cmpi ne, %convert_element_type3A_116, %cond3A_117 : i32
      scf.if %cond3A_118 {
        "tpu.region"() ({
          %run_scoped3A = tpu.sem_alloc : memref<!tpu.dma_semaphore, #tpu.memory_space<semaphore_mem>>
          %dma_start3A = arith.constant 0 : i32
          %dma_start3A_124 = arith.constant 0 : i32
          %dma_start3A_125 = tpu.memref_slice %arg10[%dma_start3A, %dma_start3A_124] : memref<320x128xf32, #tpu.memory_space<vmem>> -> memref<80x128xf32, #tpu.memory_space<vmem>>
          %dma_start3A_126 = arith.constant 0 : i32
          %dma_start3A_127 = tpu.memref_slice %arg7[%multiple_of3A, %dma_start3A_126] : memref<10000x128xf32, #tpu.memory_space<hbm>> -> memref<80x128xf32, #tpu.memory_space<hbm>>
          %dma_start3A_128 = arith.constant 0 : i32
          %dma_start3A_129 = tpu.memref_slice %arg7[%multiple_of3A, %dma_start3A_128] : memref<10000x128xf32, #tpu.memory_space<hbm>> -> memref<80x128xf32, #tpu.memory_space<hbm>>
          %dma_start3A_130 = arith.constant 0 : i32
          %dma_start3A_131 = arith.constant 0 : i32
          %dma_start3A_132 = tpu.memref_slice %arg10[%dma_start3A_130, %dma_start3A_131] : memref<320x128xf32, #tpu.memory_space<vmem>> -> memref<80x128xf32, #tpu.memory_space<vmem>>
          tpu.enqueue_dma source(%dma_start3A_132 : memref<80x128xf32, #tpu.memory_space<vmem>>) target(%dma_start3A_129 : memref<80x128xf32, #tpu.memory_space<hbm>>) target_semaphore(%run_scoped3A : memref<!tpu.dma_semaphore, #tpu.memory_space<semaphore_mem>>)
          %dma_wait3A = arith.constant 0 : i32
          %dma_wait3A_133 = arith.constant 0 : i32
          %dma_wait3A_134 = tpu.memref_slice %arg10[%dma_wait3A, %dma_wait3A_133] : memref<320x128xf32, #tpu.memory_space<vmem>> -> memref<80x128xf32, #tpu.memory_space<vmem>>
          %dma_wait3A_135 = arith.constant 0 : i32
          %dma_wait3A_136 = tpu.memref_slice %arg7[%multiple_of3A, %dma_wait3A_135] : memref<10000x128xf32, #tpu.memory_space<hbm>> -> memref<80x128xf32, #tpu.memory_space<hbm>>
          %dma_wait3A_137 = arith.constant 0 : i32
          %dma_wait3A_138 = tpu.memref_slice %arg7[%multiple_of3A, %dma_wait3A_137] : memref<10000x128xf32, #tpu.memory_space<hbm>> -> memref<80x128xf32, #tpu.memory_space<hbm>>
          %dma_wait3A_139 = arith.constant 0 : i32
          %dma_wait3A_140 = arith.constant 0 : i32
          %dma_wait3A_141 = tpu.memref_slice %arg10[%dma_wait3A_139, %dma_wait3A_140] : memref<320x128xf32, #tpu.memory_space<vmem>> -> memref<80x128xf32, #tpu.memory_space<vmem>>
          tpu.wait_dma2 semaphore(%run_scoped3A : memref<!tpu.dma_semaphore, #tpu.memory_space<semaphore_mem>>) src(%dma_wait3A_141 : memref<80x128xf32, #tpu.memory_space<vmem>>) dst(%dma_wait3A_138 : memref<80x128xf32, #tpu.memory_space<hbm>>)
          tpu.yield
        }) : () -> ()
      } else {
      }
      %eq3A_119 = arith.constant 1 : i32
      %eq3A_120 = arith.cmpi eq, %arg0, %eq3A_119 : i32
      %convert_element_type3A_121 = arith.extui %eq3A_120 : i1 to i32
      %cond3A_122 = arith.constant 0 : i32
      %cond3A_123 = arith.cmpi ne, %convert_element_type3A_121, %cond3A_122 : i32
      scf.if %cond3A_123 {
        "tpu.region"() ({
          %run_scoped3A = tpu.sem_alloc : memref<!tpu.dma_semaphore, #tpu.memory_space<semaphore_mem>>
          %dma_start3A = arith.constant 0 : i32
          %dma_start3A_124 = arith.constant 0 : i32
          %dma_start3A_125 = tpu.memref_slice %arg10[%dma_start3A, %dma_start3A_124] : memref<320x128xf32, #tpu.memory_space<vmem>> -> memref<80x128xf32, #tpu.memory_space<vmem>>
          %dma_start3A_126 = arith.constant 0 : i32
          %dma_start3A_127 = tpu.memref_slice %arg8[%multiple_of3A, %dma_start3A_126] : memref<10000x128xf32, #tpu.memory_space<hbm>> -> memref<80x128xf32, #tpu.memory_space<hbm>>
          %dma_start3A_128 = arith.constant 0 : i32
          %dma_start3A_129 = tpu.memref_slice %arg8[%multiple_of3A, %dma_start3A_128] : memref<10000x128xf32, #tpu.memory_space<hbm>> -> memref<80x128xf32, #tpu.memory_space<hbm>>
          %dma_start3A_130 = arith.constant 0 : i32
          %dma_start3A_131 = arith.constant 0 : i32
          %dma_start3A_132 = tpu.memref_slice %arg10[%dma_start3A_130, %dma_start3A_131] : memref<320x128xf32, #tpu.memory_space<vmem>> -> memref<80x128xf32, #tpu.memory_space<vmem>>
          tpu.enqueue_dma source(%dma_start3A_132 : memref<80x128xf32, #tpu.memory_space<vmem>>) target(%dma_start3A_129 : memref<80x128xf32, #tpu.memory_space<hbm>>) target_semaphore(%run_scoped3A : memref<!tpu.dma_semaphore, #tpu.memory_space<semaphore_mem>>)
          %dma_wait3A = arith.constant 0 : i32
          %dma_wait3A_133 = arith.constant 0 : i32
          %dma_wait3A_134 = tpu.memref_slice %arg10[%dma_wait3A, %dma_wait3A_133] : memref<320x128xf32, #tpu.memory_space<vmem>> -> memref<80x128xf32, #tpu.memory_space<vmem>>
          %dma_wait3A_135 = arith.constant 0 : i32
          %dma_wait3A_136 = tpu.memref_slice %arg8[%multiple_of3A, %dma_wait3A_135] : memref<10000x128xf32, #tpu.memory_space<hbm>> -> memref<80x128xf32, #tpu.memory_space<hbm>>
          %dma_wait3A_137 = arith.constant 0 : i32
          %dma_wait3A_138 = tpu.memref_slice %arg8[%multiple_of3A, %dma_wait3A_137] : memref<10000x128xf32, #tpu.memory_space<hbm>> -> memref<80x128xf32, #tpu.memory_space<hbm>>
          %dma_wait3A_139 = arith.constant 0 : i32
          %dma_wait3A_140 = arith.constant 0 : i32
          %dma_wait3A_141 = tpu.memref_slice %arg10[%dma_wait3A_139, %dma_wait3A_140] : memref<320x128xf32, #tpu.memory_space<vmem>> -> memref<80x128xf32, #tpu.memory_space<vmem>>
          tpu.wait_dma2 semaphore(%run_scoped3A : memref<!tpu.dma_semaphore, #tpu.memory_space<semaphore_mem>>) src(%dma_wait3A_141 : memref<80x128xf32, #tpu.memory_space<vmem>>) dst(%dma_wait3A_138 : memref<80x128xf32, #tpu.memory_space<hbm>>)
          tpu.yield
        }) : () -> ()
      } else {
      }
    } else {
    }
    %add3A_65 = arith.constant 16 : i32
    %add3A_66 = arith.addi %arg1, %add3A_65 : i32
    %lt3A_67 = arith.constant 125 : i32
    %lt3A_68 = arith.cmpi slt, %add3A_66, %lt3A_67 : i32
    %convert_element_type3A_69 = arith.extui %lt3A_68 : i1 to i32
    %cond3A_70 = arith.constant 0 : i32
    %cond3A_71 = arith.cmpi ne, %convert_element_type3A_69, %cond3A_70 : i32
    scf.if %cond3A_71 {
      %mul3A = arith.constant 80 : i32
      %mul3A_114 = arith.muli %add3A_66, %mul3A : i32
      %multiple_of3A = tpu.assume_multiple %mul3A_114, 8 : i32
      "tpu.region"() ({
        %run_scoped3A = tpu.sem_alloc : memref<!tpu.dma_semaphore, #tpu.memory_space<semaphore_mem>>
        %dma_start3A = arith.constant 0 : i32
        %dma_start3A_124 = arith.constant 0 : i32
        %dma_start3A_125 = tpu.memref_slice %arg10[%dma_start3A, %dma_start3A_124] : memref<320x128xf32, #tpu.memory_space<vmem>> -> memref<80x128xf32, #tpu.memory_space<vmem>>
        %dma_start3A_126 = arith.constant 0 : i32
        %dma_start3A_127 = tpu.memref_slice %arg11[%multiple_of3A, %dma_start3A_126] : memref<10000x128xf32, #tpu.memory_space<vmem_shared>> -> memref<80x128xf32, #tpu.memory_space<vmem_shared>>
        %dma_start3A_128 = arith.constant 0 : i32
        %dma_start3A_129 = arith.constant 0 : i32
        %dma_start3A_130 = tpu.memref_slice %arg10[%dma_start3A_128, %dma_start3A_129] : memref<320x128xf32, #tpu.memory_space<vmem>> -> memref<80x128xf32, #tpu.memory_space<vmem>>
        %dma_start3A_131 = arith.constant 0 : i32
        %dma_start3A_132 = tpu.memref_slice %arg11[%multiple_of3A, %dma_start3A_131] : memref<10000x128xf32, #tpu.memory_space<vmem_shared>> -> memref<80x128xf32, #tpu.memory_space<vmem_shared>>
        tpu.enqueue_dma source(%dma_start3A_132 : memref<80x128xf32, #tpu.memory_space<vmem_shared>>) target(%dma_start3A_130 : memref<80x128xf32, #tpu.memory_space<vmem>>) target_semaphore(%run_scoped3A : memref<!tpu.dma_semaphore, #tpu.memory_space<semaphore_mem>>)
        %dma_wait3A = arith.constant 0 : i32
        %dma_wait3A_133 = arith.constant 0 : i32
        %dma_wait3A_134 = tpu.memref_slice %arg10[%dma_wait3A, %dma_wait3A_133] : memref<320x128xf32, #tpu.memory_space<vmem>> -> memref<80x128xf32, #tpu.memory_space<vmem>>
        %dma_wait3A_135 = arith.constant 0 : i32
        %dma_wait3A_136 = tpu.memref_slice %arg11[%multiple_of3A, %dma_wait3A_135] : memref<10000x128xf32, #tpu.memory_space<vmem_shared>> -> memref<80x128xf32, #tpu.memory_space<vmem_shared>>
        %dma_wait3A_137 = arith.constant 0 : i32
        %dma_wait3A_138 = arith.constant 0 : i32
        %dma_wait3A_139 = tpu.memref_slice %arg10[%dma_wait3A_137, %dma_wait3A_138] : memref<320x128xf32, #tpu.memory_space<vmem>> -> memref<80x128xf32, #tpu.memory_space<vmem>>
        %dma_wait3A_140 = arith.constant 0 : i32
        %dma_wait3A_141 = tpu.memref_slice %arg11[%multiple_of3A, %dma_wait3A_140] : memref<10000x128xf32, #tpu.memory_space<vmem_shared>> -> memref<80x128xf32, #tpu.memory_space<vmem_shared>>
        tpu.wait_dma2 semaphore(%run_scoped3A : memref<!tpu.dma_semaphore, #tpu.memory_space<semaphore_mem>>) src(%dma_wait3A_141 : memref<80x128xf32, #tpu.memory_space<vmem_shared>>) dst(%dma_wait3A_139 : memref<80x128xf32, #tpu.memory_space<vmem>>)
        tpu.yield
      }) : () -> ()
      %eq3A = arith.constant 0 : i32
      %eq3A_115 = arith.cmpi eq, %arg0, %eq3A : i32
      %convert_element_type3A_116 = arith.extui %eq3A_115 : i1 to i32
      %cond3A_117 = arith.constant 0 : i32
      %cond3A_118 = arith.cmpi ne, %convert_element_type3A_116, %cond3A_117 : i32
      scf.if %cond3A_118 {
        "tpu.region"() ({
          %run_scoped3A = tpu.sem_alloc : memref<!tpu.dma_semaphore, #tpu.memory_space<semaphore_mem>>
          %dma_start3A = arith.constant 0 : i32
          %dma_start3A_124 = arith.constant 0 : i32
          %dma_start3A_125 = tpu.memref_slice %arg10[%dma_start3A, %dma_start3A_124] : memref<320x128xf32, #tpu.memory_space<vmem>> -> memref<80x128xf32, #tpu.memory_space<vmem>>
          %dma_start3A_126 = arith.constant 0 : i32
          %dma_start3A_127 = tpu.memref_slice %arg7[%multiple_of3A, %dma_start3A_126] : memref<10000x128xf32, #tpu.memory_space<hbm>> -> memref<80x128xf32, #tpu.memory_space<hbm>>
          %dma_start3A_128 = arith.constant 0 : i32
          %dma_start3A_129 = tpu.memref_slice %arg7[%multiple_of3A, %dma_start3A_128] : memref<10000x128xf32, #tpu.memory_space<hbm>> -> memref<80x128xf32, #tpu.memory_space<hbm>>
          %dma_start3A_130 = arith.constant 0 : i32
          %dma_start3A_131 = arith.constant 0 : i32
          %dma_start3A_132 = tpu.memref_slice %arg10[%dma_start3A_130, %dma_start3A_131] : memref<320x128xf32, #tpu.memory_space<vmem>> -> memref<80x128xf32, #tpu.memory_space<vmem>>
          tpu.enqueue_dma source(%dma_start3A_132 : memref<80x128xf32, #tpu.memory_space<vmem>>) target(%dma_start3A_129 : memref<80x128xf32, #tpu.memory_space<hbm>>) target_semaphore(%run_scoped3A : memref<!tpu.dma_semaphore, #tpu.memory_space<semaphore_mem>>)
          %dma_wait3A = arith.constant 0 : i32
          %dma_wait3A_133 = arith.constant 0 : i32
          %dma_wait3A_134 = tpu.memref_slice %arg10[%dma_wait3A, %dma_wait3A_133] : memref<320x128xf32, #tpu.memory_space<vmem>> -> memref<80x128xf32, #tpu.memory_space<vmem>>
          %dma_wait3A_135 = arith.constant 0 : i32
          %dma_wait3A_136 = tpu.memref_slice %arg7[%multiple_of3A, %dma_wait3A_135] : memref<10000x128xf32, #tpu.memory_space<hbm>> -> memref<80x128xf32, #tpu.memory_space<hbm>>
          %dma_wait3A_137 = arith.constant 0 : i32
          %dma_wait3A_138 = tpu.memref_slice %arg7[%multiple_of3A, %dma_wait3A_137] : memref<10000x128xf32, #tpu.memory_space<hbm>> -> memref<80x128xf32, #tpu.memory_space<hbm>>
          %dma_wait3A_139 = arith.constant 0 : i32
          %dma_wait3A_140 = arith.constant 0 : i32
          %dma_wait3A_141 = tpu.memref_slice %arg10[%dma_wait3A_139, %dma_wait3A_140] : memref<320x128xf32, #tpu.memory_space<vmem>> -> memref<80x128xf32, #tpu.memory_space<vmem>>
          tpu.wait_dma2 semaphore(%run_scoped3A : memref<!tpu.dma_semaphore, #tpu.memory_space<semaphore_mem>>) src(%dma_wait3A_141 : memref<80x128xf32, #tpu.memory_space<vmem>>) dst(%dma_wait3A_138 : memref<80x128xf32, #tpu.memory_space<hbm>>)
          tpu.yield
        }) : () -> ()
      } else {
      }
      %eq3A_119 = arith.constant 1 : i32
      %eq3A_120 = arith.cmpi eq, %arg0, %eq3A_119 : i32
      %convert_element_type3A_121 = arith.extui %eq3A_120 : i1 to i32
      %cond3A_122 = arith.constant 0 : i32
      %cond3A_123 = arith.cmpi ne, %convert_element_type3A_121, %cond3A_122 : i32
      scf.if %cond3A_123 {
        "tpu.region"() ({
          %run_scoped3A = tpu.sem_alloc : memref<!tpu.dma_semaphore, #tpu.memory_space<semaphore_mem>>
          %dma_start3A = arith.constant 0 : i32
          %dma_start3A_124 = arith.constant 0 : i32
          %dma_start3A_125 = tpu.memref_slice %arg10[%dma_start3A, %dma_start3A_124] : memref<320x128xf32, #tpu.memory_space<vmem>> -> memref<80x128xf32, #tpu.memory_space<vmem>>
          %dma_start3A_126 = arith.constant 0 : i32
          %dma_start3A_127 = tpu.memref_slice %arg8[%multiple_of3A, %dma_start3A_126] : memref<10000x128xf32, #tpu.memory_space<hbm>> -> memref<80x128xf32, #tpu.memory_space<hbm>>
          %dma_start3A_128 = arith.constant 0 : i32
          %dma_start3A_129 = tpu.memref_slice %arg8[%multiple_of3A, %dma_start3A_128] : memref<10000x128xf32, #tpu.memory_space<hbm>> -> memref<80x128xf32, #tpu.memory_space<hbm>>
          %dma_start3A_130 = arith.constant 0 : i32
          %dma_start3A_131 = arith.constant 0 : i32
          %dma_start3A_132 = tpu.memref_slice %arg10[%dma_start3A_130, %dma_start3A_131] : memref<320x128xf32, #tpu.memory_space<vmem>> -> memref<80x128xf32, #tpu.memory_space<vmem>>
          tpu.enqueue_dma source(%dma_start3A_132 : memref<80x128xf32, #tpu.memory_space<vmem>>) target(%dma_start3A_129 : memref<80x128xf32, #tpu.memory_space<hbm>>) target_semaphore(%run_scoped3A : memref<!tpu.dma_semaphore, #tpu.memory_space<semaphore_mem>>)
          %dma_wait3A = arith.constant 0 : i32
          %dma_wait3A_133 = arith.constant 0 : i32
          %dma_wait3A_134 = tpu.memref_slice %arg10[%dma_wait3A, %dma_wait3A_133] : memref<320x128xf32, #tpu.memory_space<vmem>> -> memref<80x128xf32, #tpu.memory_space<vmem>>
          %dma_wait3A_135 = arith.constant 0 : i32
          %dma_wait3A_136 = tpu.memref_slice %arg8[%multiple_of3A, %dma_wait3A_135] : memref<10000x128xf32, #tpu.memory_space<hbm>> -> memref<80x128xf32, #tpu.memory_space<hbm>>
          %dma_wait3A_137 = arith.constant 0 : i32
          %dma_wait3A_138 = tpu.memref_slice %arg8[%multiple_of3A, %dma_wait3A_137] : memref<10000x128xf32, #tpu.memory_space<hbm>> -> memref<80x128xf32, #tpu.memory_space<hbm>>
          %dma_wait3A_139 = arith.constant 0 : i32
          %dma_wait3A_140 = arith.constant 0 : i32
          %dma_wait3A_141 = tpu.memref_slice %arg10[%dma_wait3A_139, %dma_wait3A_140] : memref<320x128xf32, #tpu.memory_space<vmem>> -> memref<80x128xf32, #tpu.memory_space<vmem>>
          tpu.wait_dma2 semaphore(%run_scoped3A : memref<!tpu.dma_semaphore, #tpu.memory_space<semaphore_mem>>) src(%dma_wait3A_141 : memref<80x128xf32, #tpu.memory_space<vmem>>) dst(%dma_wait3A_138 : memref<80x128xf32, #tpu.memory_space<hbm>>)
          tpu.yield
        }) : () -> ()
      } else {
      }
    } else {
    }
    %add3A_72 = arith.constant 32 : i32
    %add3A_73 = arith.addi %arg1, %add3A_72 : i32
    %lt3A_74 = arith.constant 125 : i32
    %lt3A_75 = arith.cmpi slt, %add3A_73, %lt3A_74 : i32
    %convert_element_type3A_76 = arith.extui %lt3A_75 : i1 to i32
    %cond3A_77 = arith.constant 0 : i32
    %cond3A_78 = arith.cmpi ne, %convert_element_type3A_76, %cond3A_77 : i32
    scf.if %cond3A_78 {
      %mul3A = arith.constant 80 : i32
      %mul3A_114 = arith.muli %add3A_73, %mul3A : i32
      %multiple_of3A = tpu.assume_multiple %mul3A_114, 8 : i32
      "tpu.region"() ({
        %run_scoped3A = tpu.sem_alloc : memref<!tpu.dma_semaphore, #tpu.memory_space<semaphore_mem>>
        %dma_start3A = arith.constant 0 : i32
        %dma_start3A_124 = arith.constant 0 : i32
        %dma_start3A_125 = tpu.memref_slice %arg10[%dma_start3A, %dma_start3A_124] : memref<320x128xf32, #tpu.memory_space<vmem>> -> memref<80x128xf32, #tpu.memory_space<vmem>>
        %dma_start3A_126 = arith.constant 0 : i32
        %dma_start3A_127 = tpu.memref_slice %arg11[%multiple_of3A, %dma_start3A_126] : memref<10000x128xf32, #tpu.memory_space<vmem_shared>> -> memref<80x128xf32, #tpu.memory_space<vmem_shared>>
        %dma_start3A_128 = arith.constant 0 : i32
        %dma_start3A_129 = arith.constant 0 : i32
        %dma_start3A_130 = tpu.memref_slice %arg10[%dma_start3A_128, %dma_start3A_129] : memref<320x128xf32, #tpu.memory_space<vmem>> -> memref<80x128xf32, #tpu.memory_space<vmem>>
        %dma_start3A_131 = arith.constant 0 : i32
        %dma_start3A_132 = tpu.memref_slice %arg11[%multiple_of3A, %dma_start3A_131] : memref<10000x128xf32, #tpu.memory_space<vmem_shared>> -> memref<80x128xf32, #tpu.memory_space<vmem_shared>>
        tpu.enqueue_dma source(%dma_start3A_132 : memref<80x128xf32, #tpu.memory_space<vmem_shared>>) target(%dma_start3A_130 : memref<80x128xf32, #tpu.memory_space<vmem>>) target_semaphore(%run_scoped3A : memref<!tpu.dma_semaphore, #tpu.memory_space<semaphore_mem>>)
        %dma_wait3A = arith.constant 0 : i32
        %dma_wait3A_133 = arith.constant 0 : i32
        %dma_wait3A_134 = tpu.memref_slice %arg10[%dma_wait3A, %dma_wait3A_133] : memref<320x128xf32, #tpu.memory_space<vmem>> -> memref<80x128xf32, #tpu.memory_space<vmem>>
        %dma_wait3A_135 = arith.constant 0 : i32
        %dma_wait3A_136 = tpu.memref_slice %arg11[%multiple_of3A, %dma_wait3A_135] : memref<10000x128xf32, #tpu.memory_space<vmem_shared>> -> memref<80x128xf32, #tpu.memory_space<vmem_shared>>
        %dma_wait3A_137 = arith.constant 0 : i32
        %dma_wait3A_138 = arith.constant 0 : i32
        %dma_wait3A_139 = tpu.memref_slice %arg10[%dma_wait3A_137, %dma_wait3A_138] : memref<320x128xf32, #tpu.memory_space<vmem>> -> memref<80x128xf32, #tpu.memory_space<vmem>>
        %dma_wait3A_140 = arith.constant 0 : i32
        %dma_wait3A_141 = tpu.memref_slice %arg11[%multiple_of3A, %dma_wait3A_140] : memref<10000x128xf32, #tpu.memory_space<vmem_shared>> -> memref<80x128xf32, #tpu.memory_space<vmem_shared>>
        tpu.wait_dma2 semaphore(%run_scoped3A : memref<!tpu.dma_semaphore, #tpu.memory_space<semaphore_mem>>) src(%dma_wait3A_141 : memref<80x128xf32, #tpu.memory_space<vmem_shared>>) dst(%dma_wait3A_139 : memref<80x128xf32, #tpu.memory_space<vmem>>)
        tpu.yield
      }) : () -> ()
      %eq3A = arith.constant 0 : i32
      %eq3A_115 = arith.cmpi eq, %arg0, %eq3A : i32
      %convert_element_type3A_116 = arith.extui %eq3A_115 : i1 to i32
      %cond3A_117 = arith.constant 0 : i32
      %cond3A_118 = arith.cmpi ne, %convert_element_type3A_116, %cond3A_117 : i32
      scf.if %cond3A_118 {
        "tpu.region"() ({
          %run_scoped3A = tpu.sem_alloc : memref<!tpu.dma_semaphore, #tpu.memory_space<semaphore_mem>>
          %dma_start3A = arith.constant 0 : i32
          %dma_start3A_124 = arith.constant 0 : i32
          %dma_start3A_125 = tpu.memref_slice %arg10[%dma_start3A, %dma_start3A_124] : memref<320x128xf32, #tpu.memory_space<vmem>> -> memref<80x128xf32, #tpu.memory_space<vmem>>
          %dma_start3A_126 = arith.constant 0 : i32
          %dma_start3A_127 = tpu.memref_slice %arg7[%multiple_of3A, %dma_start3A_126] : memref<10000x128xf32, #tpu.memory_space<hbm>> -> memref<80x128xf32, #tpu.memory_space<hbm>>
          %dma_start3A_128 = arith.constant 0 : i32
          %dma_start3A_129 = tpu.memref_slice %arg7[%multiple_of3A, %dma_start3A_128] : memref<10000x128xf32, #tpu.memory_space<hbm>> -> memref<80x128xf32, #tpu.memory_space<hbm>>
          %dma_start3A_130 = arith.constant 0 : i32
          %dma_start3A_131 = arith.constant 0 : i32
          %dma_start3A_132 = tpu.memref_slice %arg10[%dma_start3A_130, %dma_start3A_131] : memref<320x128xf32, #tpu.memory_space<vmem>> -> memref<80x128xf32, #tpu.memory_space<vmem>>
          tpu.enqueue_dma source(%dma_start3A_132 : memref<80x128xf32, #tpu.memory_space<vmem>>) target(%dma_start3A_129 : memref<80x128xf32, #tpu.memory_space<hbm>>) target_semaphore(%run_scoped3A : memref<!tpu.dma_semaphore, #tpu.memory_space<semaphore_mem>>)
          %dma_wait3A = arith.constant 0 : i32
          %dma_wait3A_133 = arith.constant 0 : i32
          %dma_wait3A_134 = tpu.memref_slice %arg10[%dma_wait3A, %dma_wait3A_133] : memref<320x128xf32, #tpu.memory_space<vmem>> -> memref<80x128xf32, #tpu.memory_space<vmem>>
          %dma_wait3A_135 = arith.constant 0 : i32
          %dma_wait3A_136 = tpu.memref_slice %arg7[%multiple_of3A, %dma_wait3A_135] : memref<10000x128xf32, #tpu.memory_space<hbm>> -> memref<80x128xf32, #tpu.memory_space<hbm>>
          %dma_wait3A_137 = arith.constant 0 : i32
          %dma_wait3A_138 = tpu.memref_slice %arg7[%multiple_of3A, %dma_wait3A_137] : memref<10000x128xf32, #tpu.memory_space<hbm>> -> memref<80x128xf32, #tpu.memory_space<hbm>>
          %dma_wait3A_139 = arith.constant 0 : i32
          %dma_wait3A_140 = arith.constant 0 : i32
          %dma_wait3A_141 = tpu.memref_slice %arg10[%dma_wait3A_139, %dma_wait3A_140] : memref<320x128xf32, #tpu.memory_space<vmem>> -> memref<80x128xf32, #tpu.memory_space<vmem>>
          tpu.wait_dma2 semaphore(%run_scoped3A : memref<!tpu.dma_semaphore, #tpu.memory_space<semaphore_mem>>) src(%dma_wait3A_141 : memref<80x128xf32, #tpu.memory_space<vmem>>) dst(%dma_wait3A_138 : memref<80x128xf32, #tpu.memory_space<hbm>>)
          tpu.yield
        }) : () -> ()
      } else {
      }
      %eq3A_119 = arith.constant 1 : i32
      %eq3A_120 = arith.cmpi eq, %arg0, %eq3A_119 : i32
      %convert_element_type3A_121 = arith.extui %eq3A_120 : i1 to i32
      %cond3A_122 = arith.constant 0 : i32
      %cond3A_123 = arith.cmpi ne, %convert_element_type3A_121, %cond3A_122 : i32
      scf.if %cond3A_123 {
        "tpu.region"() ({
          %run_scoped3A = tpu.sem_alloc : memref<!tpu.dma_semaphore, #tpu.memory_space<semaphore_mem>>
          %dma_start3A = arith.constant 0 : i32
          %dma_start3A_124 = arith.constant 0 : i32
          %dma_start3A_125 = tpu.memref_slice %arg10[%dma_start3A, %dma_start3A_124] : memref<320x128xf32, #tpu.memory_space<vmem>> -> memref<80x128xf32, #tpu.memory_space<vmem>>
          %dma_start3A_126 = arith.constant 0 : i32
          %dma_start3A_127 = tpu.memref_slice %arg8[%multiple_of3A, %dma_start3A_126] : memref<10000x128xf32, #tpu.memory_space<hbm>> -> memref<80x128xf32, #tpu.memory_space<hbm>>
          %dma_start3A_128 = arith.constant 0 : i32
          %dma_start3A_129 = tpu.memref_slice %arg8[%multiple_of3A, %dma_start3A_128] : memref<10000x128xf32, #tpu.memory_space<hbm>> -> memref<80x128xf32, #tpu.memory_space<hbm>>
          %dma_start3A_130 = arith.constant 0 : i32
          %dma_start3A_131 = arith.constant 0 : i32
          %dma_start3A_132 = tpu.memref_slice %arg10[%dma_start3A_130, %dma_start3A_131] : memref<320x128xf32, #tpu.memory_space<vmem>> -> memref<80x128xf32, #tpu.memory_space<vmem>>
          tpu.enqueue_dma source(%dma_start3A_132 : memref<80x128xf32, #tpu.memory_space<vmem>>) target(%dma_start3A_129 : memref<80x128xf32, #tpu.memory_space<hbm>>) target_semaphore(%run_scoped3A : memref<!tpu.dma_semaphore, #tpu.memory_space<semaphore_mem>>)
          %dma_wait3A = arith.constant 0 : i32
          %dma_wait3A_133 = arith.constant 0 : i32
          %dma_wait3A_134 = tpu.memref_slice %arg10[%dma_wait3A, %dma_wait3A_133] : memref<320x128xf32, #tpu.memory_space<vmem>> -> memref<80x128xf32, #tpu.memory_space<vmem>>
          %dma_wait3A_135 = arith.constant 0 : i32
          %dma_wait3A_136 = tpu.memref_slice %arg8[%multiple_of3A, %dma_wait3A_135] : memref<10000x128xf32, #tpu.memory_space<hbm>> -> memref<80x128xf32, #tpu.memory_space<hbm>>
          %dma_wait3A_137 = arith.constant 0 : i32
          %dma_wait3A_138 = tpu.memref_slice %arg8[%multiple_of3A, %dma_wait3A_137] : memref<10000x128xf32, #tpu.memory_space<hbm>> -> memref<80x128xf32, #tpu.memory_space<hbm>>
          %dma_wait3A_139 = arith.constant 0 : i32
          %dma_wait3A_140 = arith.constant 0 : i32
          %dma_wait3A_141 = tpu.memref_slice %arg10[%dma_wait3A_139, %dma_wait3A_140] : memref<320x128xf32, #tpu.memory_space<vmem>> -> memref<80x128xf32, #tpu.memory_space<vmem>>
          tpu.wait_dma2 semaphore(%run_scoped3A : memref<!tpu.dma_semaphore, #tpu.memory_space<semaphore_mem>>) src(%dma_wait3A_141 : memref<80x128xf32, #tpu.memory_space<vmem>>) dst(%dma_wait3A_138 : memref<80x128xf32, #tpu.memory_space<hbm>>)
          tpu.yield
        }) : () -> ()
      } else {
      }
    } else {
    }
    %add3A_79 = arith.constant 48 : i32
    %add3A_80 = arith.addi %arg1, %add3A_79 : i32
    %lt3A_81 = arith.constant 125 : i32
    %lt3A_82 = arith.cmpi slt, %add3A_80, %lt3A_81 : i32
    %convert_element_type3A_83 = arith.extui %lt3A_82 : i1 to i32
    %cond3A_84 = arith.constant 0 : i32
    %cond3A_85 = arith.cmpi ne, %convert_element_type3A_83, %cond3A_84 : i32
    scf.if %cond3A_85 {
      %mul3A = arith.constant 80 : i32
      %mul3A_114 = arith.muli %add3A_80, %mul3A : i32
      %multiple_of3A = tpu.assume_multiple %mul3A_114, 8 : i32
      "tpu.region"() ({
        %run_scoped3A = tpu.sem_alloc : memref<!tpu.dma_semaphore, #tpu.memory_space<semaphore_mem>>
        %dma_start3A = arith.constant 0 : i32
        %dma_start3A_124 = arith.constant 0 : i32
        %dma_start3A_125 = tpu.memref_slice %arg10[%dma_start3A, %dma_start3A_124] : memref<320x128xf32, #tpu.memory_space<vmem>> -> memref<80x128xf32, #tpu.memory_space<vmem>>
        %dma_start3A_126 = arith.constant 0 : i32
        %dma_start3A_127 = tpu.memref_slice %arg11[%multiple_of3A, %dma_start3A_126] : memref<10000x128xf32, #tpu.memory_space<vmem_shared>> -> memref<80x128xf32, #tpu.memory_space<vmem_shared>>
        %dma_start3A_128 = arith.constant 0 : i32
        %dma_start3A_129 = arith.constant 0 : i32
        %dma_start3A_130 = tpu.memref_slice %arg10[%dma_start3A_128, %dma_start3A_129] : memref<320x128xf32, #tpu.memory_space<vmem>> -> memref<80x128xf32, #tpu.memory_space<vmem>>
        %dma_start3A_131 = arith.constant 0 : i32
        %dma_start3A_132 = tpu.memref_slice %arg11[%multiple_of3A, %dma_start3A_131] : memref<10000x128xf32, #tpu.memory_space<vmem_shared>> -> memref<80x128xf32, #tpu.memory_space<vmem_shared>>
        tpu.enqueue_dma source(%dma_start3A_132 : memref<80x128xf32, #tpu.memory_space<vmem_shared>>) target(%dma_start3A_130 : memref<80x128xf32, #tpu.memory_space<vmem>>) target_semaphore(%run_scoped3A : memref<!tpu.dma_semaphore, #tpu.memory_space<semaphore_mem>>)
        %dma_wait3A = arith.constant 0 : i32
        %dma_wait3A_133 = arith.constant 0 : i32
        %dma_wait3A_134 = tpu.memref_slice %arg10[%dma_wait3A, %dma_wait3A_133] : memref<320x128xf32, #tpu.memory_space<vmem>> -> memref<80x128xf32, #tpu.memory_space<vmem>>
        %dma_wait3A_135 = arith.constant 0 : i32
        %dma_wait3A_136 = tpu.memref_slice %arg11[%multiple_of3A, %dma_wait3A_135] : memref<10000x128xf32, #tpu.memory_space<vmem_shared>> -> memref<80x128xf32, #tpu.memory_space<vmem_shared>>
        %dma_wait3A_137 = arith.constant 0 : i32
        %dma_wait3A_138 = arith.constant 0 : i32
        %dma_wait3A_139 = tpu.memref_slice %arg10[%dma_wait3A_137, %dma_wait3A_138] : memref<320x128xf32, #tpu.memory_space<vmem>> -> memref<80x128xf32, #tpu.memory_space<vmem>>
        %dma_wait3A_140 = arith.constant 0 : i32
        %dma_wait3A_141 = tpu.memref_slice %arg11[%multiple_of3A, %dma_wait3A_140] : memref<10000x128xf32, #tpu.memory_space<vmem_shared>> -> memref<80x128xf32, #tpu.memory_space<vmem_shared>>
        tpu.wait_dma2 semaphore(%run_scoped3A : memref<!tpu.dma_semaphore, #tpu.memory_space<semaphore_mem>>) src(%dma_wait3A_141 : memref<80x128xf32, #tpu.memory_space<vmem_shared>>) dst(%dma_wait3A_139 : memref<80x128xf32, #tpu.memory_space<vmem>>)
        tpu.yield
      }) : () -> ()
      %eq3A = arith.constant 0 : i32
      %eq3A_115 = arith.cmpi eq, %arg0, %eq3A : i32
      %convert_element_type3A_116 = arith.extui %eq3A_115 : i1 to i32
      %cond3A_117 = arith.constant 0 : i32
      %cond3A_118 = arith.cmpi ne, %convert_element_type3A_116, %cond3A_117 : i32
      scf.if %cond3A_118 {
        "tpu.region"() ({
          %run_scoped3A = tpu.sem_alloc : memref<!tpu.dma_semaphore, #tpu.memory_space<semaphore_mem>>
          %dma_start3A = arith.constant 0 : i32
          %dma_start3A_124 = arith.constant 0 : i32
          %dma_start3A_125 = tpu.memref_slice %arg10[%dma_start3A, %dma_start3A_124] : memref<320x128xf32, #tpu.memory_space<vmem>> -> memref<80x128xf32, #tpu.memory_space<vmem>>
          %dma_start3A_126 = arith.constant 0 : i32
          %dma_start3A_127 = tpu.memref_slice %arg7[%multiple_of3A, %dma_start3A_126] : memref<10000x128xf32, #tpu.memory_space<hbm>> -> memref<80x128xf32, #tpu.memory_space<hbm>>
          %dma_start3A_128 = arith.constant 0 : i32
          %dma_start3A_129 = tpu.memref_slice %arg7[%multiple_of3A, %dma_start3A_128] : memref<10000x128xf32, #tpu.memory_space<hbm>> -> memref<80x128xf32, #tpu.memory_space<hbm>>
          %dma_start3A_130 = arith.constant 0 : i32
          %dma_start3A_131 = arith.constant 0 : i32
          %dma_start3A_132 = tpu.memref_slice %arg10[%dma_start3A_130, %dma_start3A_131] : memref<320x128xf32, #tpu.memory_space<vmem>> -> memref<80x128xf32, #tpu.memory_space<vmem>>
          tpu.enqueue_dma source(%dma_start3A_132 : memref<80x128xf32, #tpu.memory_space<vmem>>) target(%dma_start3A_129 : memref<80x128xf32, #tpu.memory_space<hbm>>) target_semaphore(%run_scoped3A : memref<!tpu.dma_semaphore, #tpu.memory_space<semaphore_mem>>)
          %dma_wait3A = arith.constant 0 : i32
          %dma_wait3A_133 = arith.constant 0 : i32
          %dma_wait3A_134 = tpu.memref_slice %arg10[%dma_wait3A, %dma_wait3A_133] : memref<320x128xf32, #tpu.memory_space<vmem>> -> memref<80x128xf32, #tpu.memory_space<vmem>>
          %dma_wait3A_135 = arith.constant 0 : i32
          %dma_wait3A_136 = tpu.memref_slice %arg7[%multiple_of3A, %dma_wait3A_135] : memref<10000x128xf32, #tpu.memory_space<hbm>> -> memref<80x128xf32, #tpu.memory_space<hbm>>
          %dma_wait3A_137 = arith.constant 0 : i32
          %dma_wait3A_138 = tpu.memref_slice %arg7[%multiple_of3A, %dma_wait3A_137] : memref<10000x128xf32, #tpu.memory_space<hbm>> -> memref<80x128xf32, #tpu.memory_space<hbm>>
          %dma_wait3A_139 = arith.constant 0 : i32
          %dma_wait3A_140 = arith.constant 0 : i32
          %dma_wait3A_141 = tpu.memref_slice %arg10[%dma_wait3A_139, %dma_wait3A_140] : memref<320x128xf32, #tpu.memory_space<vmem>> -> memref<80x128xf32, #tpu.memory_space<vmem>>
          tpu.wait_dma2 semaphore(%run_scoped3A : memref<!tpu.dma_semaphore, #tpu.memory_space<semaphore_mem>>) src(%dma_wait3A_141 : memref<80x128xf32, #tpu.memory_space<vmem>>) dst(%dma_wait3A_138 : memref<80x128xf32, #tpu.memory_space<hbm>>)
          tpu.yield
        }) : () -> ()
      } else {
      }
      %eq3A_119 = arith.constant 1 : i32
      %eq3A_120 = arith.cmpi eq, %arg0, %eq3A_119 : i32
      %convert_element_type3A_121 = arith.extui %eq3A_120 : i1 to i32
      %cond3A_122 = arith.constant 0 : i32
      %cond3A_123 = arith.cmpi ne, %convert_element_type3A_121, %cond3A_122 : i32
      scf.if %cond3A_123 {
        "tpu.region"() ({
          %run_scoped3A = tpu.sem_alloc : memref<!tpu.dma_semaphore, #tpu.memory_space<semaphore_mem>>
          %dma_start3A = arith.constant 0 : i32
          %dma_start3A_124 = arith.constant 0 : i32
          %dma_start3A_125 = tpu.memref_slice %arg10[%dma_start3A, %dma_start3A_124] : memref<320x128xf32, #tpu.memory_space<vmem>> -> memref<80x128xf32, #tpu.memory_space<vmem>>
          %dma_start3A_126 = arith.constant 0 : i32
          %dma_start3A_127 = tpu.memref_slice %arg8[%multiple_of3A, %dma_start3A_126] : memref<10000x128xf32, #tpu.memory_space<hbm>> -> memref<80x128xf32, #tpu.memory_space<hbm>>
          %dma_start3A_128 = arith.constant 0 : i32
          %dma_start3A_129 = tpu.memref_slice %arg8[%multiple_of3A, %dma_start3A_128] : memref<10000x128xf32, #tpu.memory_space<hbm>> -> memref<80x128xf32, #tpu.memory_space<hbm>>
          %dma_start3A_130 = arith.constant 0 : i32
          %dma_start3A_131 = arith.constant 0 : i32
          %dma_start3A_132 = tpu.memref_slice %arg10[%dma_start3A_130, %dma_start3A_131] : memref<320x128xf32, #tpu.memory_space<vmem>> -> memref<80x128xf32, #tpu.memory_space<vmem>>
          tpu.enqueue_dma source(%dma_start3A_132 : memref<80x128xf32, #tpu.memory_space<vmem>>) target(%dma_start3A_129 : memref<80x128xf32, #tpu.memory_space<hbm>>) target_semaphore(%run_scoped3A : memref<!tpu.dma_semaphore, #tpu.memory_space<semaphore_mem>>)
          %dma_wait3A = arith.constant 0 : i32
          %dma_wait3A_133 = arith.constant 0 : i32
          %dma_wait3A_134 = tpu.memref_slice %arg10[%dma_wait3A, %dma_wait3A_133] : memref<320x128xf32, #tpu.memory_space<vmem>> -> memref<80x128xf32, #tpu.memory_space<vmem>>
          %dma_wait3A_135 = arith.constant 0 : i32
          %dma_wait3A_136 = tpu.memref_slice %arg8[%multiple_of3A, %dma_wait3A_135] : memref<10000x128xf32, #tpu.memory_space<hbm>> -> memref<80x128xf32, #tpu.memory_space<hbm>>
          %dma_wait3A_137 = arith.constant 0 : i32
          %dma_wait3A_138 = tpu.memref_slice %arg8[%multiple_of3A, %dma_wait3A_137] : memref<10000x128xf32, #tpu.memory_space<hbm>> -> memref<80x128xf32, #tpu.memory_space<hbm>>
          %dma_wait3A_139 = arith.constant 0 : i32
          %dma_wait3A_140 = arith.constant 0 : i32
          %dma_wait3A_141 = tpu.memref_slice %arg10[%dma_wait3A_139, %dma_wait3A_140] : memref<320x128xf32, #tpu.memory_space<vmem>> -> memref<80x128xf32, #tpu.memory_space<vmem>>
          tpu.wait_dma2 semaphore(%run_scoped3A : memref<!tpu.dma_semaphore, #tpu.memory_space<semaphore_mem>>) src(%dma_wait3A_141 : memref<80x128xf32, #tpu.memory_space<vmem>>) dst(%dma_wait3A_138 : memref<80x128xf32, #tpu.memory_space<hbm>>)
          tpu.yield
        }) : () -> ()
      } else {
      }
    } else {
    }
    %add3A_86 = arith.constant 64 : i32
    %add3A_87 = arith.addi %arg1, %add3A_86 : i32
    %lt3A_88 = arith.constant 125 : i32
    %lt3A_89 = arith.cmpi slt, %add3A_87, %lt3A_88 : i32
    %convert_element_type3A_90 = arith.extui %lt3A_89 : i1 to i32
    %cond3A_91 = arith.constant 0 : i32
    %cond3A_92 = arith.cmpi ne, %convert_element_type3A_90, %cond3A_91 : i32
    scf.if %cond3A_92 {
      %mul3A = arith.constant 80 : i32
      %mul3A_114 = arith.muli %add3A_87, %mul3A : i32
      %multiple_of3A = tpu.assume_multiple %mul3A_114, 8 : i32
      "tpu.region"() ({
        %run_scoped3A = tpu.sem_alloc : memref<!tpu.dma_semaphore, #tpu.memory_space<semaphore_mem>>
        %dma_start3A = arith.constant 0 : i32
        %dma_start3A_124 = arith.constant 0 : i32
        %dma_start3A_125 = tpu.memref_slice %arg10[%dma_start3A, %dma_start3A_124] : memref<320x128xf32, #tpu.memory_space<vmem>> -> memref<80x128xf32, #tpu.memory_space<vmem>>
        %dma_start3A_126 = arith.constant 0 : i32
        %dma_start3A_127 = tpu.memref_slice %arg11[%multiple_of3A, %dma_start3A_126] : memref<10000x128xf32, #tpu.memory_space<vmem_shared>> -> memref<80x128xf32, #tpu.memory_space<vmem_shared>>
        %dma_start3A_128 = arith.constant 0 : i32
        %dma_start3A_129 = arith.constant 0 : i32
        %dma_start3A_130 = tpu.memref_slice %arg10[%dma_start3A_128, %dma_start3A_129] : memref<320x128xf32, #tpu.memory_space<vmem>> -> memref<80x128xf32, #tpu.memory_space<vmem>>
        %dma_start3A_131 = arith.constant 0 : i32
        %dma_start3A_132 = tpu.memref_slice %arg11[%multiple_of3A, %dma_start3A_131] : memref<10000x128xf32, #tpu.memory_space<vmem_shared>> -> memref<80x128xf32, #tpu.memory_space<vmem_shared>>
        tpu.enqueue_dma source(%dma_start3A_132 : memref<80x128xf32, #tpu.memory_space<vmem_shared>>) target(%dma_start3A_130 : memref<80x128xf32, #tpu.memory_space<vmem>>) target_semaphore(%run_scoped3A : memref<!tpu.dma_semaphore, #tpu.memory_space<semaphore_mem>>)
        %dma_wait3A = arith.constant 0 : i32
        %dma_wait3A_133 = arith.constant 0 : i32
        %dma_wait3A_134 = tpu.memref_slice %arg10[%dma_wait3A, %dma_wait3A_133] : memref<320x128xf32, #tpu.memory_space<vmem>> -> memref<80x128xf32, #tpu.memory_space<vmem>>
        %dma_wait3A_135 = arith.constant 0 : i32
        %dma_wait3A_136 = tpu.memref_slice %arg11[%multiple_of3A, %dma_wait3A_135] : memref<10000x128xf32, #tpu.memory_space<vmem_shared>> -> memref<80x128xf32, #tpu.memory_space<vmem_shared>>
        %dma_wait3A_137 = arith.constant 0 : i32
        %dma_wait3A_138 = arith.constant 0 : i32
        %dma_wait3A_139 = tpu.memref_slice %arg10[%dma_wait3A_137, %dma_wait3A_138] : memref<320x128xf32, #tpu.memory_space<vmem>> -> memref<80x128xf32, #tpu.memory_space<vmem>>
        %dma_wait3A_140 = arith.constant 0 : i32
        %dma_wait3A_141 = tpu.memref_slice %arg11[%multiple_of3A, %dma_wait3A_140] : memref<10000x128xf32, #tpu.memory_space<vmem_shared>> -> memref<80x128xf32, #tpu.memory_space<vmem_shared>>
        tpu.wait_dma2 semaphore(%run_scoped3A : memref<!tpu.dma_semaphore, #tpu.memory_space<semaphore_mem>>) src(%dma_wait3A_141 : memref<80x128xf32, #tpu.memory_space<vmem_shared>>) dst(%dma_wait3A_139 : memref<80x128xf32, #tpu.memory_space<vmem>>)
        tpu.yield
      }) : () -> ()
      %eq3A = arith.constant 0 : i32
      %eq3A_115 = arith.cmpi eq, %arg0, %eq3A : i32
      %convert_element_type3A_116 = arith.extui %eq3A_115 : i1 to i32
      %cond3A_117 = arith.constant 0 : i32
      %cond3A_118 = arith.cmpi ne, %convert_element_type3A_116, %cond3A_117 : i32
      scf.if %cond3A_118 {
        "tpu.region"() ({
          %run_scoped3A = tpu.sem_alloc : memref<!tpu.dma_semaphore, #tpu.memory_space<semaphore_mem>>
          %dma_start3A = arith.constant 0 : i32
          %dma_start3A_124 = arith.constant 0 : i32
          %dma_start3A_125 = tpu.memref_slice %arg10[%dma_start3A, %dma_start3A_124] : memref<320x128xf32, #tpu.memory_space<vmem>> -> memref<80x128xf32, #tpu.memory_space<vmem>>
          %dma_start3A_126 = arith.constant 0 : i32
          %dma_start3A_127 = tpu.memref_slice %arg7[%multiple_of3A, %dma_start3A_126] : memref<10000x128xf32, #tpu.memory_space<hbm>> -> memref<80x128xf32, #tpu.memory_space<hbm>>
          %dma_start3A_128 = arith.constant 0 : i32
          %dma_start3A_129 = tpu.memref_slice %arg7[%multiple_of3A, %dma_start3A_128] : memref<10000x128xf32, #tpu.memory_space<hbm>> -> memref<80x128xf32, #tpu.memory_space<hbm>>
          %dma_start3A_130 = arith.constant 0 : i32
          %dma_start3A_131 = arith.constant 0 : i32
          %dma_start3A_132 = tpu.memref_slice %arg10[%dma_start3A_130, %dma_start3A_131] : memref<320x128xf32, #tpu.memory_space<vmem>> -> memref<80x128xf32, #tpu.memory_space<vmem>>
          tpu.enqueue_dma source(%dma_start3A_132 : memref<80x128xf32, #tpu.memory_space<vmem>>) target(%dma_start3A_129 : memref<80x128xf32, #tpu.memory_space<hbm>>) target_semaphore(%run_scoped3A : memref<!tpu.dma_semaphore, #tpu.memory_space<semaphore_mem>>)
          %dma_wait3A = arith.constant 0 : i32
          %dma_wait3A_133 = arith.constant 0 : i32
          %dma_wait3A_134 = tpu.memref_slice %arg10[%dma_wait3A, %dma_wait3A_133] : memref<320x128xf32, #tpu.memory_space<vmem>> -> memref<80x128xf32, #tpu.memory_space<vmem>>
          %dma_wait3A_135 = arith.constant 0 : i32
          %dma_wait3A_136 = tpu.memref_slice %arg7[%multiple_of3A, %dma_wait3A_135] : memref<10000x128xf32, #tpu.memory_space<hbm>> -> memref<80x128xf32, #tpu.memory_space<hbm>>
          %dma_wait3A_137 = arith.constant 0 : i32
          %dma_wait3A_138 = tpu.memref_slice %arg7[%multiple_of3A, %dma_wait3A_137] : memref<10000x128xf32, #tpu.memory_space<hbm>> -> memref<80x128xf32, #tpu.memory_space<hbm>>
          %dma_wait3A_139 = arith.constant 0 : i32
          %dma_wait3A_140 = arith.constant 0 : i32
          %dma_wait3A_141 = tpu.memref_slice %arg10[%dma_wait3A_139, %dma_wait3A_140] : memref<320x128xf32, #tpu.memory_space<vmem>> -> memref<80x128xf32, #tpu.memory_space<vmem>>
          tpu.wait_dma2 semaphore(%run_scoped3A : memref<!tpu.dma_semaphore, #tpu.memory_space<semaphore_mem>>) src(%dma_wait3A_141 : memref<80x128xf32, #tpu.memory_space<vmem>>) dst(%dma_wait3A_138 : memref<80x128xf32, #tpu.memory_space<hbm>>)
          tpu.yield
        }) : () -> ()
      } else {
      }
      %eq3A_119 = arith.constant 1 : i32
      %eq3A_120 = arith.cmpi eq, %arg0, %eq3A_119 : i32
      %convert_element_type3A_121 = arith.extui %eq3A_120 : i1 to i32
      %cond3A_122 = arith.constant 0 : i32
      %cond3A_123 = arith.cmpi ne, %convert_element_type3A_121, %cond3A_122 : i32
      scf.if %cond3A_123 {
        "tpu.region"() ({
          %run_scoped3A = tpu.sem_alloc : memref<!tpu.dma_semaphore, #tpu.memory_space<semaphore_mem>>
          %dma_start3A = arith.constant 0 : i32
          %dma_start3A_124 = arith.constant 0 : i32
          %dma_start3A_125 = tpu.memref_slice %arg10[%dma_start3A, %dma_start3A_124] : memref<320x128xf32, #tpu.memory_space<vmem>> -> memref<80x128xf32, #tpu.memory_space<vmem>>
          %dma_start3A_126 = arith.constant 0 : i32
          %dma_start3A_127 = tpu.memref_slice %arg8[%multiple_of3A, %dma_start3A_126] : memref<10000x128xf32, #tpu.memory_space<hbm>> -> memref<80x128xf32, #tpu.memory_space<hbm>>
          %dma_start3A_128 = arith.constant 0 : i32
          %dma_start3A_129 = tpu.memref_slice %arg8[%multiple_of3A, %dma_start3A_128] : memref<10000x128xf32, #tpu.memory_space<hbm>> -> memref<80x128xf32, #tpu.memory_space<hbm>>
          %dma_start3A_130 = arith.constant 0 : i32
          %dma_start3A_131 = arith.constant 0 : i32
          %dma_start3A_132 = tpu.memref_slice %arg10[%dma_start3A_130, %dma_start3A_131] : memref<320x128xf32, #tpu.memory_space<vmem>> -> memref<80x128xf32, #tpu.memory_space<vmem>>
          tpu.enqueue_dma source(%dma_start3A_132 : memref<80x128xf32, #tpu.memory_space<vmem>>) target(%dma_start3A_129 : memref<80x128xf32, #tpu.memory_space<hbm>>) target_semaphore(%run_scoped3A : memref<!tpu.dma_semaphore, #tpu.memory_space<semaphore_mem>>)
          %dma_wait3A = arith.constant 0 : i32
          %dma_wait3A_133 = arith.constant 0 : i32
          %dma_wait3A_134 = tpu.memref_slice %arg10[%dma_wait3A, %dma_wait3A_133] : memref<320x128xf32, #tpu.memory_space<vmem>> -> memref<80x128xf32, #tpu.memory_space<vmem>>
          %dma_wait3A_135 = arith.constant 0 : i32
          %dma_wait3A_136 = tpu.memref_slice %arg8[%multiple_of3A, %dma_wait3A_135] : memref<10000x128xf32, #tpu.memory_space<hbm>> -> memref<80x128xf32, #tpu.memory_space<hbm>>
          %dma_wait3A_137 = arith.constant 0 : i32
          %dma_wait3A_138 = tpu.memref_slice %arg8[%multiple_of3A, %dma_wait3A_137] : memref<10000x128xf32, #tpu.memory_space<hbm>> -> memref<80x128xf32, #tpu.memory_space<hbm>>
          %dma_wait3A_139 = arith.constant 0 : i32
          %dma_wait3A_140 = arith.constant 0 : i32
          %dma_wait3A_141 = tpu.memref_slice %arg10[%dma_wait3A_139, %dma_wait3A_140] : memref<320x128xf32, #tpu.memory_space<vmem>> -> memref<80x128xf32, #tpu.memory_space<vmem>>
          tpu.wait_dma2 semaphore(%run_scoped3A : memref<!tpu.dma_semaphore, #tpu.memory_space<semaphore_mem>>) src(%dma_wait3A_141 : memref<80x128xf32, #tpu.memory_space<vmem>>) dst(%dma_wait3A_138 : memref<80x128xf32, #tpu.memory_space<hbm>>)
          tpu.yield
        }) : () -> ()
      } else {
      }
    } else {
    }
    %add3A_93 = arith.constant 80 : i32
    %add3A_94 = arith.addi %arg1, %add3A_93 : i32
    %lt3A_95 = arith.constant 125 : i32
    %lt3A_96 = arith.cmpi slt, %add3A_94, %lt3A_95 : i32
    %convert_element_type3A_97 = arith.extui %lt3A_96 : i1 to i32
    %cond3A_98 = arith.constant 0 : i32
    %cond3A_99 = arith.cmpi ne, %convert_element_type3A_97, %cond3A_98 : i32
    scf.if %cond3A_99 {
      %mul3A = arith.constant 80 : i32
      %mul3A_114 = arith.muli %add3A_94, %mul3A : i32
      %multiple_of3A = tpu.assume_multiple %mul3A_114, 8 : i32
      "tpu.region"() ({
        %run_scoped3A = tpu.sem_alloc : memref<!tpu.dma_semaphore, #tpu.memory_space<semaphore_mem>>
        %dma_start3A = arith.constant 0 : i32
        %dma_start3A_124 = arith.constant 0 : i32
        %dma_start3A_125 = tpu.memref_slice %arg10[%dma_start3A, %dma_start3A_124] : memref<320x128xf32, #tpu.memory_space<vmem>> -> memref<80x128xf32, #tpu.memory_space<vmem>>
        %dma_start3A_126 = arith.constant 0 : i32
        %dma_start3A_127 = tpu.memref_slice %arg11[%multiple_of3A, %dma_start3A_126] : memref<10000x128xf32, #tpu.memory_space<vmem_shared>> -> memref<80x128xf32, #tpu.memory_space<vmem_shared>>
        %dma_start3A_128 = arith.constant 0 : i32
        %dma_start3A_129 = arith.constant 0 : i32
        %dma_start3A_130 = tpu.memref_slice %arg10[%dma_start3A_128, %dma_start3A_129] : memref<320x128xf32, #tpu.memory_space<vmem>> -> memref<80x128xf32, #tpu.memory_space<vmem>>
        %dma_start3A_131 = arith.constant 0 : i32
        %dma_start3A_132 = tpu.memref_slice %arg11[%multiple_of3A, %dma_start3A_131] : memref<10000x128xf32, #tpu.memory_space<vmem_shared>> -> memref<80x128xf32, #tpu.memory_space<vmem_shared>>
        tpu.enqueue_dma source(%dma_start3A_132 : memref<80x128xf32, #tpu.memory_space<vmem_shared>>) target(%dma_start3A_130 : memref<80x128xf32, #tpu.memory_space<vmem>>) target_semaphore(%run_scoped3A : memref<!tpu.dma_semaphore, #tpu.memory_space<semaphore_mem>>)
        %dma_wait3A = arith.constant 0 : i32
        %dma_wait3A_133 = arith.constant 0 : i32
        %dma_wait3A_134 = tpu.memref_slice %arg10[%dma_wait3A, %dma_wait3A_133] : memref<320x128xf32, #tpu.memory_space<vmem>> -> memref<80x128xf32, #tpu.memory_space<vmem>>
        %dma_wait3A_135 = arith.constant 0 : i32
        %dma_wait3A_136 = tpu.memref_slice %arg11[%multiple_of3A, %dma_wait3A_135] : memref<10000x128xf32, #tpu.memory_space<vmem_shared>> -> memref<80x128xf32, #tpu.memory_space<vmem_shared>>
        %dma_wait3A_137 = arith.constant 0 : i32
        %dma_wait3A_138 = arith.constant 0 : i32
        %dma_wait3A_139 = tpu.memref_slice %arg10[%dma_wait3A_137, %dma_wait3A_138] : memref<320x128xf32, #tpu.memory_space<vmem>> -> memref<80x128xf32, #tpu.memory_space<vmem>>
        %dma_wait3A_140 = arith.constant 0 : i32
        %dma_wait3A_141 = tpu.memref_slice %arg11[%multiple_of3A, %dma_wait3A_140] : memref<10000x128xf32, #tpu.memory_space<vmem_shared>> -> memref<80x128xf32, #tpu.memory_space<vmem_shared>>
        tpu.wait_dma2 semaphore(%run_scoped3A : memref<!tpu.dma_semaphore, #tpu.memory_space<semaphore_mem>>) src(%dma_wait3A_141 : memref<80x128xf32, #tpu.memory_space<vmem_shared>>) dst(%dma_wait3A_139 : memref<80x128xf32, #tpu.memory_space<vmem>>)
        tpu.yield
      }) : () -> ()
      %eq3A = arith.constant 0 : i32
      %eq3A_115 = arith.cmpi eq, %arg0, %eq3A : i32
      %convert_element_type3A_116 = arith.extui %eq3A_115 : i1 to i32
      %cond3A_117 = arith.constant 0 : i32
      %cond3A_118 = arith.cmpi ne, %convert_element_type3A_116, %cond3A_117 : i32
      scf.if %cond3A_118 {
        "tpu.region"() ({
          %run_scoped3A = tpu.sem_alloc : memref<!tpu.dma_semaphore, #tpu.memory_space<semaphore_mem>>
          %dma_start3A = arith.constant 0 : i32
          %dma_start3A_124 = arith.constant 0 : i32
          %dma_start3A_125 = tpu.memref_slice %arg10[%dma_start3A, %dma_start3A_124] : memref<320x128xf32, #tpu.memory_space<vmem>> -> memref<80x128xf32, #tpu.memory_space<vmem>>
          %dma_start3A_126 = arith.constant 0 : i32
          %dma_start3A_127 = tpu.memref_slice %arg7[%multiple_of3A, %dma_start3A_126] : memref<10000x128xf32, #tpu.memory_space<hbm>> -> memref<80x128xf32, #tpu.memory_space<hbm>>
          %dma_start3A_128 = arith.constant 0 : i32
          %dma_start3A_129 = tpu.memref_slice %arg7[%multiple_of3A, %dma_start3A_128] : memref<10000x128xf32, #tpu.memory_space<hbm>> -> memref<80x128xf32, #tpu.memory_space<hbm>>
          %dma_start3A_130 = arith.constant 0 : i32
          %dma_start3A_131 = arith.constant 0 : i32
          %dma_start3A_132 = tpu.memref_slice %arg10[%dma_start3A_130, %dma_start3A_131] : memref<320x128xf32, #tpu.memory_space<vmem>> -> memref<80x128xf32, #tpu.memory_space<vmem>>
          tpu.enqueue_dma source(%dma_start3A_132 : memref<80x128xf32, #tpu.memory_space<vmem>>) target(%dma_start3A_129 : memref<80x128xf32, #tpu.memory_space<hbm>>) target_semaphore(%run_scoped3A : memref<!tpu.dma_semaphore, #tpu.memory_space<semaphore_mem>>)
          %dma_wait3A = arith.constant 0 : i32
          %dma_wait3A_133 = arith.constant 0 : i32
          %dma_wait3A_134 = tpu.memref_slice %arg10[%dma_wait3A, %dma_wait3A_133] : memref<320x128xf32, #tpu.memory_space<vmem>> -> memref<80x128xf32, #tpu.memory_space<vmem>>
          %dma_wait3A_135 = arith.constant 0 : i32
          %dma_wait3A_136 = tpu.memref_slice %arg7[%multiple_of3A, %dma_wait3A_135] : memref<10000x128xf32, #tpu.memory_space<hbm>> -> memref<80x128xf32, #tpu.memory_space<hbm>>
          %dma_wait3A_137 = arith.constant 0 : i32
          %dma_wait3A_138 = tpu.memref_slice %arg7[%multiple_of3A, %dma_wait3A_137] : memref<10000x128xf32, #tpu.memory_space<hbm>> -> memref<80x128xf32, #tpu.memory_space<hbm>>
          %dma_wait3A_139 = arith.constant 0 : i32
          %dma_wait3A_140 = arith.constant 0 : i32
          %dma_wait3A_141 = tpu.memref_slice %arg10[%dma_wait3A_139, %dma_wait3A_140] : memref<320x128xf32, #tpu.memory_space<vmem>> -> memref<80x128xf32, #tpu.memory_space<vmem>>
          tpu.wait_dma2 semaphore(%run_scoped3A : memref<!tpu.dma_semaphore, #tpu.memory_space<semaphore_mem>>) src(%dma_wait3A_141 : memref<80x128xf32, #tpu.memory_space<vmem>>) dst(%dma_wait3A_138 : memref<80x128xf32, #tpu.memory_space<hbm>>)
          tpu.yield
        }) : () -> ()
      } else {
      }
      %eq3A_119 = arith.constant 1 : i32
      %eq3A_120 = arith.cmpi eq, %arg0, %eq3A_119 : i32
      %convert_element_type3A_121 = arith.extui %eq3A_120 : i1 to i32
      %cond3A_122 = arith.constant 0 : i32
      %cond3A_123 = arith.cmpi ne, %convert_element_type3A_121, %cond3A_122 : i32
      scf.if %cond3A_123 {
        "tpu.region"() ({
          %run_scoped3A = tpu.sem_alloc : memref<!tpu.dma_semaphore, #tpu.memory_space<semaphore_mem>>
          %dma_start3A = arith.constant 0 : i32
          %dma_start3A_124 = arith.constant 0 : i32
          %dma_start3A_125 = tpu.memref_slice %arg10[%dma_start3A, %dma_start3A_124] : memref<320x128xf32, #tpu.memory_space<vmem>> -> memref<80x128xf32, #tpu.memory_space<vmem>>
          %dma_start3A_126 = arith.constant 0 : i32
          %dma_start3A_127 = tpu.memref_slice %arg8[%multiple_of3A, %dma_start3A_126] : memref<10000x128xf32, #tpu.memory_space<hbm>> -> memref<80x128xf32, #tpu.memory_space<hbm>>
          %dma_start3A_128 = arith.constant 0 : i32
          %dma_start3A_129 = tpu.memref_slice %arg8[%multiple_of3A, %dma_start3A_128] : memref<10000x128xf32, #tpu.memory_space<hbm>> -> memref<80x128xf32, #tpu.memory_space<hbm>>
          %dma_start3A_130 = arith.constant 0 : i32
          %dma_start3A_131 = arith.constant 0 : i32
          %dma_start3A_132 = tpu.memref_slice %arg10[%dma_start3A_130, %dma_start3A_131] : memref<320x128xf32, #tpu.memory_space<vmem>> -> memref<80x128xf32, #tpu.memory_space<vmem>>
          tpu.enqueue_dma source(%dma_start3A_132 : memref<80x128xf32, #tpu.memory_space<vmem>>) target(%dma_start3A_129 : memref<80x128xf32, #tpu.memory_space<hbm>>) target_semaphore(%run_scoped3A : memref<!tpu.dma_semaphore, #tpu.memory_space<semaphore_mem>>)
          %dma_wait3A = arith.constant 0 : i32
          %dma_wait3A_133 = arith.constant 0 : i32
          %dma_wait3A_134 = tpu.memref_slice %arg10[%dma_wait3A, %dma_wait3A_133] : memref<320x128xf32, #tpu.memory_space<vmem>> -> memref<80x128xf32, #tpu.memory_space<vmem>>
          %dma_wait3A_135 = arith.constant 0 : i32
          %dma_wait3A_136 = tpu.memref_slice %arg8[%multiple_of3A, %dma_wait3A_135] : memref<10000x128xf32, #tpu.memory_space<hbm>> -> memref<80x128xf32, #tpu.memory_space<hbm>>
          %dma_wait3A_137 = arith.constant 0 : i32
          %dma_wait3A_138 = tpu.memref_slice %arg8[%multiple_of3A, %dma_wait3A_137] : memref<10000x128xf32, #tpu.memory_space<hbm>> -> memref<80x128xf32, #tpu.memory_space<hbm>>
          %dma_wait3A_139 = arith.constant 0 : i32
          %dma_wait3A_140 = arith.constant 0 : i32
          %dma_wait3A_141 = tpu.memref_slice %arg10[%dma_wait3A_139, %dma_wait3A_140] : memref<320x128xf32, #tpu.memory_space<vmem>> -> memref<80x128xf32, #tpu.memory_space<vmem>>
          tpu.wait_dma2 semaphore(%run_scoped3A : memref<!tpu.dma_semaphore, #tpu.memory_space<semaphore_mem>>) src(%dma_wait3A_141 : memref<80x128xf32, #tpu.memory_space<vmem>>) dst(%dma_wait3A_138 : memref<80x128xf32, #tpu.memory_space<hbm>>)
          tpu.yield
        }) : () -> ()
      } else {
      }
    } else {
    }
    %add3A_100 = arith.constant 96 : i32
    %add3A_101 = arith.addi %arg1, %add3A_100 : i32
    %lt3A_102 = arith.constant 125 : i32
    %lt3A_103 = arith.cmpi slt, %add3A_101, %lt3A_102 : i32
    %convert_element_type3A_104 = arith.extui %lt3A_103 : i1 to i32
    %cond3A_105 = arith.constant 0 : i32
    %cond3A_106 = arith.cmpi ne, %convert_element_type3A_104, %cond3A_105 : i32
    scf.if %cond3A_106 {
      %mul3A = arith.constant 80 : i32
      %mul3A_114 = arith.muli %add3A_101, %mul3A : i32
      %multiple_of3A = tpu.assume_multiple %mul3A_114, 8 : i32
      "tpu.region"() ({
        %run_scoped3A = tpu.sem_alloc : memref<!tpu.dma_semaphore, #tpu.memory_space<semaphore_mem>>
        %dma_start3A = arith.constant 0 : i32
        %dma_start3A_124 = arith.constant 0 : i32
        %dma_start3A_125 = tpu.memref_slice %arg10[%dma_start3A, %dma_start3A_124] : memref<320x128xf32, #tpu.memory_space<vmem>> -> memref<80x128xf32, #tpu.memory_space<vmem>>
        %dma_start3A_126 = arith.constant 0 : i32
        %dma_start3A_127 = tpu.memref_slice %arg11[%multiple_of3A, %dma_start3A_126] : memref<10000x128xf32, #tpu.memory_space<vmem_shared>> -> memref<80x128xf32, #tpu.memory_space<vmem_shared>>
        %dma_start3A_128 = arith.constant 0 : i32
        %dma_start3A_129 = arith.constant 0 : i32
        %dma_start3A_130 = tpu.memref_slice %arg10[%dma_start3A_128, %dma_start3A_129] : memref<320x128xf32, #tpu.memory_space<vmem>> -> memref<80x128xf32, #tpu.memory_space<vmem>>
        %dma_start3A_131 = arith.constant 0 : i32
        %dma_start3A_132 = tpu.memref_slice %arg11[%multiple_of3A, %dma_start3A_131] : memref<10000x128xf32, #tpu.memory_space<vmem_shared>> -> memref<80x128xf32, #tpu.memory_space<vmem_shared>>
        tpu.enqueue_dma source(%dma_start3A_132 : memref<80x128xf32, #tpu.memory_space<vmem_shared>>) target(%dma_start3A_130 : memref<80x128xf32, #tpu.memory_space<vmem>>) target_semaphore(%run_scoped3A : memref<!tpu.dma_semaphore, #tpu.memory_space<semaphore_mem>>)
        %dma_wait3A = arith.constant 0 : i32
        %dma_wait3A_133 = arith.constant 0 : i32
        %dma_wait3A_134 = tpu.memref_slice %arg10[%dma_wait3A, %dma_wait3A_133] : memref<320x128xf32, #tpu.memory_space<vmem>> -> memref<80x128xf32, #tpu.memory_space<vmem>>
        %dma_wait3A_135 = arith.constant 0 : i32
        %dma_wait3A_136 = tpu.memref_slice %arg11[%multiple_of3A, %dma_wait3A_135] : memref<10000x128xf32, #tpu.memory_space<vmem_shared>> -> memref<80x128xf32, #tpu.memory_space<vmem_shared>>
        %dma_wait3A_137 = arith.constant 0 : i32
        %dma_wait3A_138 = arith.constant 0 : i32
        %dma_wait3A_139 = tpu.memref_slice %arg10[%dma_wait3A_137, %dma_wait3A_138] : memref<320x128xf32, #tpu.memory_space<vmem>> -> memref<80x128xf32, #tpu.memory_space<vmem>>
        %dma_wait3A_140 = arith.constant 0 : i32
        %dma_wait3A_141 = tpu.memref_slice %arg11[%multiple_of3A, %dma_wait3A_140] : memref<10000x128xf32, #tpu.memory_space<vmem_shared>> -> memref<80x128xf32, #tpu.memory_space<vmem_shared>>
        tpu.wait_dma2 semaphore(%run_scoped3A : memref<!tpu.dma_semaphore, #tpu.memory_space<semaphore_mem>>) src(%dma_wait3A_141 : memref<80x128xf32, #tpu.memory_space<vmem_shared>>) dst(%dma_wait3A_139 : memref<80x128xf32, #tpu.memory_space<vmem>>)
        tpu.yield
      }) : () -> ()
      %eq3A = arith.constant 0 : i32
      %eq3A_115 = arith.cmpi eq, %arg0, %eq3A : i32
      %convert_element_type3A_116 = arith.extui %eq3A_115 : i1 to i32
      %cond3A_117 = arith.constant 0 : i32
      %cond3A_118 = arith.cmpi ne, %convert_element_type3A_116, %cond3A_117 : i32
      scf.if %cond3A_118 {
        "tpu.region"() ({
          %run_scoped3A = tpu.sem_alloc : memref<!tpu.dma_semaphore, #tpu.memory_space<semaphore_mem>>
          %dma_start3A = arith.constant 0 : i32
          %dma_start3A_124 = arith.constant 0 : i32
          %dma_start3A_125 = tpu.memref_slice %arg10[%dma_start3A, %dma_start3A_124] : memref<320x128xf32, #tpu.memory_space<vmem>> -> memref<80x128xf32, #tpu.memory_space<vmem>>
          %dma_start3A_126 = arith.constant 0 : i32
          %dma_start3A_127 = tpu.memref_slice %arg7[%multiple_of3A, %dma_start3A_126] : memref<10000x128xf32, #tpu.memory_space<hbm>> -> memref<80x128xf32, #tpu.memory_space<hbm>>
          %dma_start3A_128 = arith.constant 0 : i32
          %dma_start3A_129 = tpu.memref_slice %arg7[%multiple_of3A, %dma_start3A_128] : memref<10000x128xf32, #tpu.memory_space<hbm>> -> memref<80x128xf32, #tpu.memory_space<hbm>>
          %dma_start3A_130 = arith.constant 0 : i32
          %dma_start3A_131 = arith.constant 0 : i32
          %dma_start3A_132 = tpu.memref_slice %arg10[%dma_start3A_130, %dma_start3A_131] : memref<320x128xf32, #tpu.memory_space<vmem>> -> memref<80x128xf32, #tpu.memory_space<vmem>>
          tpu.enqueue_dma source(%dma_start3A_132 : memref<80x128xf32, #tpu.memory_space<vmem>>) target(%dma_start3A_129 : memref<80x128xf32, #tpu.memory_space<hbm>>) target_semaphore(%run_scoped3A : memref<!tpu.dma_semaphore, #tpu.memory_space<semaphore_mem>>)
          %dma_wait3A = arith.constant 0 : i32
          %dma_wait3A_133 = arith.constant 0 : i32
          %dma_wait3A_134 = tpu.memref_slice %arg10[%dma_wait3A, %dma_wait3A_133] : memref<320x128xf32, #tpu.memory_space<vmem>> -> memref<80x128xf32, #tpu.memory_space<vmem>>
          %dma_wait3A_135 = arith.constant 0 : i32
          %dma_wait3A_136 = tpu.memref_slice %arg7[%multiple_of3A, %dma_wait3A_135] : memref<10000x128xf32, #tpu.memory_space<hbm>> -> memref<80x128xf32, #tpu.memory_space<hbm>>
          %dma_wait3A_137 = arith.constant 0 : i32
          %dma_wait3A_138 = tpu.memref_slice %arg7[%multiple_of3A, %dma_wait3A_137] : memref<10000x128xf32, #tpu.memory_space<hbm>> -> memref<80x128xf32, #tpu.memory_space<hbm>>
          %dma_wait3A_139 = arith.constant 0 : i32
          %dma_wait3A_140 = arith.constant 0 : i32
          %dma_wait3A_141 = tpu.memref_slice %arg10[%dma_wait3A_139, %dma_wait3A_140] : memref<320x128xf32, #tpu.memory_space<vmem>> -> memref<80x128xf32, #tpu.memory_space<vmem>>
          tpu.wait_dma2 semaphore(%run_scoped3A : memref<!tpu.dma_semaphore, #tpu.memory_space<semaphore_mem>>) src(%dma_wait3A_141 : memref<80x128xf32, #tpu.memory_space<vmem>>) dst(%dma_wait3A_138 : memref<80x128xf32, #tpu.memory_space<hbm>>)
          tpu.yield
        }) : () -> ()
      } else {
      }
      %eq3A_119 = arith.constant 1 : i32
      %eq3A_120 = arith.cmpi eq, %arg0, %eq3A_119 : i32
      %convert_element_type3A_121 = arith.extui %eq3A_120 : i1 to i32
      %cond3A_122 = arith.constant 0 : i32
      %cond3A_123 = arith.cmpi ne, %convert_element_type3A_121, %cond3A_122 : i32
      scf.if %cond3A_123 {
        "tpu.region"() ({
          %run_scoped3A = tpu.sem_alloc : memref<!tpu.dma_semaphore, #tpu.memory_space<semaphore_mem>>
          %dma_start3A = arith.constant 0 : i32
          %dma_start3A_124 = arith.constant 0 : i32
          %dma_start3A_125 = tpu.memref_slice %arg10[%dma_start3A, %dma_start3A_124] : memref<320x128xf32, #tpu.memory_space<vmem>> -> memref<80x128xf32, #tpu.memory_space<vmem>>
          %dma_start3A_126 = arith.constant 0 : i32
          %dma_start3A_127 = tpu.memref_slice %arg8[%multiple_of3A, %dma_start3A_126] : memref<10000x128xf32, #tpu.memory_space<hbm>> -> memref<80x128xf32, #tpu.memory_space<hbm>>
          %dma_start3A_128 = arith.constant 0 : i32
          %dma_start3A_129 = tpu.memref_slice %arg8[%multiple_of3A, %dma_start3A_128] : memref<10000x128xf32, #tpu.memory_space<hbm>> -> memref<80x128xf32, #tpu.memory_space<hbm>>
          %dma_start3A_130 = arith.constant 0 : i32
          %dma_start3A_131 = arith.constant 0 : i32
          %dma_start3A_132 = tpu.memref_slice %arg10[%dma_start3A_130, %dma_start3A_131] : memref<320x128xf32, #tpu.memory_space<vmem>> -> memref<80x128xf32, #tpu.memory_space<vmem>>
          tpu.enqueue_dma source(%dma_start3A_132 : memref<80x128xf32, #tpu.memory_space<vmem>>) target(%dma_start3A_129 : memref<80x128xf32, #tpu.memory_space<hbm>>) target_semaphore(%run_scoped3A : memref<!tpu.dma_semaphore, #tpu.memory_space<semaphore_mem>>)
          %dma_wait3A = arith.constant 0 : i32
          %dma_wait3A_133 = arith.constant 0 : i32
          %dma_wait3A_134 = tpu.memref_slice %arg10[%dma_wait3A, %dma_wait3A_133] : memref<320x128xf32, #tpu.memory_space<vmem>> -> memref<80x128xf32, #tpu.memory_space<vmem>>
          %dma_wait3A_135 = arith.constant 0 : i32
          %dma_wait3A_136 = tpu.memref_slice %arg8[%multiple_of3A, %dma_wait3A_135] : memref<10000x128xf32, #tpu.memory_space<hbm>> -> memref<80x128xf32, #tpu.memory_space<hbm>>
          %dma_wait3A_137 = arith.constant 0 : i32
          %dma_wait3A_138 = tpu.memref_slice %arg8[%multiple_of3A, %dma_wait3A_137] : memref<10000x128xf32, #tpu.memory_space<hbm>> -> memref<80x128xf32, #tpu.memory_space<hbm>>
          %dma_wait3A_139 = arith.constant 0 : i32
          %dma_wait3A_140 = arith.constant 0 : i32
          %dma_wait3A_141 = tpu.memref_slice %arg10[%dma_wait3A_139, %dma_wait3A_140] : memref<320x128xf32, #tpu.memory_space<vmem>> -> memref<80x128xf32, #tpu.memory_space<vmem>>
          tpu.wait_dma2 semaphore(%run_scoped3A : memref<!tpu.dma_semaphore, #tpu.memory_space<semaphore_mem>>) src(%dma_wait3A_141 : memref<80x128xf32, #tpu.memory_space<vmem>>) dst(%dma_wait3A_138 : memref<80x128xf32, #tpu.memory_space<hbm>>)
          tpu.yield
        }) : () -> ()
      } else {
      }
    } else {
    }
    %add3A_107 = arith.constant 112 : i32
    %add3A_108 = arith.addi %arg1, %add3A_107 : i32
    %lt3A_109 = arith.constant 125 : i32
    %lt3A_110 = arith.cmpi slt, %add3A_108, %lt3A_109 : i32
    %convert_element_type3A_111 = arith.extui %lt3A_110 : i1 to i32
    %cond3A_112 = arith.constant 0 : i32
    %cond3A_113 = arith.cmpi ne, %convert_element_type3A_111, %cond3A_112 : i32
    scf.if %cond3A_113 {
      %mul3A = arith.constant 80 : i32
      %mul3A_114 = arith.muli %add3A_108, %mul3A : i32
      %multiple_of3A = tpu.assume_multiple %mul3A_114, 8 : i32
      "tpu.region"() ({
        %run_scoped3A = tpu.sem_alloc : memref<!tpu.dma_semaphore, #tpu.memory_space<semaphore_mem>>
        %dma_start3A = arith.constant 0 : i32
        %dma_start3A_124 = arith.constant 0 : i32
        %dma_start3A_125 = tpu.memref_slice %arg10[%dma_start3A, %dma_start3A_124] : memref<320x128xf32, #tpu.memory_space<vmem>> -> memref<80x128xf32, #tpu.memory_space<vmem>>
        %dma_start3A_126 = arith.constant 0 : i32
        %dma_start3A_127 = tpu.memref_slice %arg11[%multiple_of3A, %dma_start3A_126] : memref<10000x128xf32, #tpu.memory_space<vmem_shared>> -> memref<80x128xf32, #tpu.memory_space<vmem_shared>>
        %dma_start3A_128 = arith.constant 0 : i32
        %dma_start3A_129 = arith.constant 0 : i32
        %dma_start3A_130 = tpu.memref_slice %arg10[%dma_start3A_128, %dma_start3A_129] : memref<320x128xf32, #tpu.memory_space<vmem>> -> memref<80x128xf32, #tpu.memory_space<vmem>>
        %dma_start3A_131 = arith.constant 0 : i32
        %dma_start3A_132 = tpu.memref_slice %arg11[%multiple_of3A, %dma_start3A_131] : memref<10000x128xf32, #tpu.memory_space<vmem_shared>> -> memref<80x128xf32, #tpu.memory_space<vmem_shared>>
        tpu.enqueue_dma source(%dma_start3A_132 : memref<80x128xf32, #tpu.memory_space<vmem_shared>>) target(%dma_start3A_130 : memref<80x128xf32, #tpu.memory_space<vmem>>) target_semaphore(%run_scoped3A : memref<!tpu.dma_semaphore, #tpu.memory_space<semaphore_mem>>)
        %dma_wait3A = arith.constant 0 : i32
        %dma_wait3A_133 = arith.constant 0 : i32
        %dma_wait3A_134 = tpu.memref_slice %arg10[%dma_wait3A, %dma_wait3A_133] : memref<320x128xf32, #tpu.memory_space<vmem>> -> memref<80x128xf32, #tpu.memory_space<vmem>>
        %dma_wait3A_135 = arith.constant 0 : i32
        %dma_wait3A_136 = tpu.memref_slice %arg11[%multiple_of3A, %dma_wait3A_135] : memref<10000x128xf32, #tpu.memory_space<vmem_shared>> -> memref<80x128xf32, #tpu.memory_space<vmem_shared>>
        %dma_wait3A_137 = arith.constant 0 : i32
        %dma_wait3A_138 = arith.constant 0 : i32
        %dma_wait3A_139 = tpu.memref_slice %arg10[%dma_wait3A_137, %dma_wait3A_138] : memref<320x128xf32, #tpu.memory_space<vmem>> -> memref<80x128xf32, #tpu.memory_space<vmem>>
        %dma_wait3A_140 = arith.constant 0 : i32
        %dma_wait3A_141 = tpu.memref_slice %arg11[%multiple_of3A, %dma_wait3A_140] : memref<10000x128xf32, #tpu.memory_space<vmem_shared>> -> memref<80x128xf32, #tpu.memory_space<vmem_shared>>
        tpu.wait_dma2 semaphore(%run_scoped3A : memref<!tpu.dma_semaphore, #tpu.memory_space<semaphore_mem>>) src(%dma_wait3A_141 : memref<80x128xf32, #tpu.memory_space<vmem_shared>>) dst(%dma_wait3A_139 : memref<80x128xf32, #tpu.memory_space<vmem>>)
        tpu.yield
      }) : () -> ()
      %eq3A = arith.constant 0 : i32
      %eq3A_115 = arith.cmpi eq, %arg0, %eq3A : i32
      %convert_element_type3A_116 = arith.extui %eq3A_115 : i1 to i32
      %cond3A_117 = arith.constant 0 : i32
      %cond3A_118 = arith.cmpi ne, %convert_element_type3A_116, %cond3A_117 : i32
      scf.if %cond3A_118 {
        "tpu.region"() ({
          %run_scoped3A = tpu.sem_alloc : memref<!tpu.dma_semaphore, #tpu.memory_space<semaphore_mem>>
          %dma_start3A = arith.constant 0 : i32
          %dma_start3A_124 = arith.constant 0 : i32
          %dma_start3A_125 = tpu.memref_slice %arg10[%dma_start3A, %dma_start3A_124] : memref<320x128xf32, #tpu.memory_space<vmem>> -> memref<80x128xf32, #tpu.memory_space<vmem>>
          %dma_start3A_126 = arith.constant 0 : i32
          %dma_start3A_127 = tpu.memref_slice %arg7[%multiple_of3A, %dma_start3A_126] : memref<10000x128xf32, #tpu.memory_space<hbm>> -> memref<80x128xf32, #tpu.memory_space<hbm>>
          %dma_start3A_128 = arith.constant 0 : i32
          %dma_start3A_129 = tpu.memref_slice %arg7[%multiple_of3A, %dma_start3A_128] : memref<10000x128xf32, #tpu.memory_space<hbm>> -> memref<80x128xf32, #tpu.memory_space<hbm>>
          %dma_start3A_130 = arith.constant 0 : i32
          %dma_start3A_131 = arith.constant 0 : i32
          %dma_start3A_132 = tpu.memref_slice %arg10[%dma_start3A_130, %dma_start3A_131] : memref<320x128xf32, #tpu.memory_space<vmem>> -> memref<80x128xf32, #tpu.memory_space<vmem>>
          tpu.enqueue_dma source(%dma_start3A_132 : memref<80x128xf32, #tpu.memory_space<vmem>>) target(%dma_start3A_129 : memref<80x128xf32, #tpu.memory_space<hbm>>) target_semaphore(%run_scoped3A : memref<!tpu.dma_semaphore, #tpu.memory_space<semaphore_mem>>)
          %dma_wait3A = arith.constant 0 : i32
          %dma_wait3A_133 = arith.constant 0 : i32
          %dma_wait3A_134 = tpu.memref_slice %arg10[%dma_wait3A, %dma_wait3A_133] : memref<320x128xf32, #tpu.memory_space<vmem>> -> memref<80x128xf32, #tpu.memory_space<vmem>>
          %dma_wait3A_135 = arith.constant 0 : i32
          %dma_wait3A_136 = tpu.memref_slice %arg7[%multiple_of3A, %dma_wait3A_135] : memref<10000x128xf32, #tpu.memory_space<hbm>> -> memref<80x128xf32, #tpu.memory_space<hbm>>
          %dma_wait3A_137 = arith.constant 0 : i32
          %dma_wait3A_138 = tpu.memref_slice %arg7[%multiple_of3A, %dma_wait3A_137] : memref<10000x128xf32, #tpu.memory_space<hbm>> -> memref<80x128xf32, #tpu.memory_space<hbm>>
          %dma_wait3A_139 = arith.constant 0 : i32
          %dma_wait3A_140 = arith.constant 0 : i32
          %dma_wait3A_141 = tpu.memref_slice %arg10[%dma_wait3A_139, %dma_wait3A_140] : memref<320x128xf32, #tpu.memory_space<vmem>> -> memref<80x128xf32, #tpu.memory_space<vmem>>
          tpu.wait_dma2 semaphore(%run_scoped3A : memref<!tpu.dma_semaphore, #tpu.memory_space<semaphore_mem>>) src(%dma_wait3A_141 : memref<80x128xf32, #tpu.memory_space<vmem>>) dst(%dma_wait3A_138 : memref<80x128xf32, #tpu.memory_space<hbm>>)
          tpu.yield
        }) : () -> ()
      } else {
      }
      %eq3A_119 = arith.constant 1 : i32
      %eq3A_120 = arith.cmpi eq, %arg0, %eq3A_119 : i32
      %convert_element_type3A_121 = arith.extui %eq3A_120 : i1 to i32
      %cond3A_122 = arith.constant 0 : i32
      %cond3A_123 = arith.cmpi ne, %convert_element_type3A_121, %cond3A_122 : i32
      scf.if %cond3A_123 {
        "tpu.region"() ({
          %run_scoped3A = tpu.sem_alloc : memref<!tpu.dma_semaphore, #tpu.memory_space<semaphore_mem>>
          %dma_start3A = arith.constant 0 : i32
          %dma_start3A_124 = arith.constant 0 : i32
          %dma_start3A_125 = tpu.memref_slice %arg10[%dma_start3A, %dma_start3A_124] : memref<320x128xf32, #tpu.memory_space<vmem>> -> memref<80x128xf32, #tpu.memory_space<vmem>>
          %dma_start3A_126 = arith.constant 0 : i32
          %dma_start3A_127 = tpu.memref_slice %arg8[%multiple_of3A, %dma_start3A_126] : memref<10000x128xf32, #tpu.memory_space<hbm>> -> memref<80x128xf32, #tpu.memory_space<hbm>>
          %dma_start3A_128 = arith.constant 0 : i32
          %dma_start3A_129 = tpu.memref_slice %arg8[%multiple_of3A, %dma_start3A_128] : memref<10000x128xf32, #tpu.memory_space<hbm>> -> memref<80x128xf32, #tpu.memory_space<hbm>>
          %dma_start3A_130 = arith.constant 0 : i32
          %dma_start3A_131 = arith.constant 0 : i32
          %dma_start3A_132 = tpu.memref_slice %arg10[%dma_start3A_130, %dma_start3A_131] : memref<320x128xf32, #tpu.memory_space<vmem>> -> memref<80x128xf32, #tpu.memory_space<vmem>>
          tpu.enqueue_dma source(%dma_start3A_132 : memref<80x128xf32, #tpu.memory_space<vmem>>) target(%dma_start3A_129 : memref<80x128xf32, #tpu.memory_space<hbm>>) target_semaphore(%run_scoped3A : memref<!tpu.dma_semaphore, #tpu.memory_space<semaphore_mem>>)
          %dma_wait3A = arith.constant 0 : i32
          %dma_wait3A_133 = arith.constant 0 : i32
          %dma_wait3A_134 = tpu.memref_slice %arg10[%dma_wait3A, %dma_wait3A_133] : memref<320x128xf32, #tpu.memory_space<vmem>> -> memref<80x128xf32, #tpu.memory_space<vmem>>
          %dma_wait3A_135 = arith.constant 0 : i32
          %dma_wait3A_136 = tpu.memref_slice %arg8[%multiple_of3A, %dma_wait3A_135] : memref<10000x128xf32, #tpu.memory_space<hbm>> -> memref<80x128xf32, #tpu.memory_space<hbm>>
          %dma_wait3A_137 = arith.constant 0 : i32
          %dma_wait3A_138 = tpu.memref_slice %arg8[%multiple_of3A, %dma_wait3A_137] : memref<10000x128xf32, #tpu.memory_space<hbm>> -> memref<80x128xf32, #tpu.memory_space<hbm>>
          %dma_wait3A_139 = arith.constant 0 : i32
          %dma_wait3A_140 = arith.constant 0 : i32
          %dma_wait3A_141 = tpu.memref_slice %arg10[%dma_wait3A_139, %dma_wait3A_140] : memref<320x128xf32, #tpu.memory_space<vmem>> -> memref<80x128xf32, #tpu.memory_space<vmem>>
          tpu.wait_dma2 semaphore(%run_scoped3A : memref<!tpu.dma_semaphore, #tpu.memory_space<semaphore_mem>>) src(%dma_wait3A_141 : memref<80x128xf32, #tpu.memory_space<vmem>>) dst(%dma_wait3A_138 : memref<80x128xf32, #tpu.memory_space<hbm>>)
          tpu.yield
        }) : () -> ()
      } else {
      }
    } else {
    }
    return
  }
}

#map = affine_map<(d0, d1) -> (0, 0)>
#map1 = affine_map<(d0, d1) -> (0)>
module attributes {stable_mosaic.version = 14 : i64} {
  func.func @p2(%arg0: i32, %arg1: i32, %arg2: memref<10000x128xf32, #tpu.memory_space<hbm>>, %arg3: memref<10000x128xf32, #tpu.memory_space<hbm>>, %arg4: memref<160000xi32, #tpu.memory_space<hbm>>, %arg5: memref<160000xi32, #tpu.memory_space<hbm>>, %arg6: memref<20480000xf32, #tpu.memory_space<hbm>>, %arg7: memref<256xi32, #tpu.memory_space<vmem>>, %arg8: memref<256xi32, #tpu.memory_space<vmem>>, %arg9: memref<256x128xf32, #tpu.memory_space<vmem>>, %arg10: memref<256x128xf32, #tpu.memory_space<vmem>>, %arg11: memref<32768xf32, #tpu.memory_space<vmem>>, %arg12: memref<!tpu.dma_semaphore, #tpu.memory_space<semaphore_mem>>, %arg13: memref<!tpu.dma_semaphore, #tpu.memory_space<semaphore_mem>>) attributes {dimension_semantics = [#tpu.dimension_semantics<core_parallel>, #tpu.dimension_semantics<subcore_parallel>], iteration_bounds = array<i64: 2, 16>, scalar_prefetch = 0 : i64, scratch_operands = 7 : i64, tpu.core_type = #tpu.core_type<sc_vector_subcore>, window_params = [{transform_indices = #map}, {transform_indices = #map}, {transform_indices = #map1}, {transform_indices = #map1}, {transform_indices = #map1}]} {
    %mul3A = arith.constant 2 : i32
    %mul3A_0 = arith.muli %arg1, %mul3A : i32
    %add3A = arith.addi %mul3A_0, %arg0 : i32
    %scan3A = arith.constant 0 : i32
    %scan3A_1 = arith.constant 0 : i32
    %scan3A_2 = arith.constant 20 : i32
    %scan3A_3 = arith.addi %scan3A_1, %scan3A_2 : i32
    %scan3A_4 = arith.constant 1 : i32
    scf.for %scan3A_6 = %scan3A_1 to %scan3A_3 step %scan3A_4  : i32 {
      %mul3A_7 = arith.constant 32 : i32
      %mul3A_8 = arith.muli %scan3A_6, %mul3A_7 : i32
      %add3A_9 = arith.addi %add3A, %mul3A_8 : i32
      %lt3A = arith.constant 625 : i32
      %lt3A_10 = arith.cmpi slt, %add3A_9, %lt3A : i32
      %convert_element_type3A = arith.extui %lt3A_10 : i1 to i32
      %cond3A = arith.constant 0 : i32
      %cond3A_11 = arith.cmpi ne, %convert_element_type3A, %cond3A : i32
      scf.if %cond3A_11 {
        %mul3A_12 = arith.constant 256 : i32
        %mul3A_13 = arith.muli %add3A_9, %mul3A_12 : i32
        %multiple_of3A = tpu.assume_multiple %mul3A_13, 8 : i32
        "tpu.region"() ({
          %run_scoped3A = tpu.sem_alloc : memref<!tpu.dma_semaphore, #tpu.memory_space<semaphore_mem>>
          %dma_start3A_34 = tpu.memref_slice %arg4[%multiple_of3A] : memref<160000xi32, #tpu.memory_space<hbm>> -> memref<256xi32, #tpu.memory_space<hbm>>
          %dma_start3A_35 = tpu.memref_slice %arg4[%multiple_of3A] : memref<160000xi32, #tpu.memory_space<hbm>> -> memref<256xi32, #tpu.memory_space<hbm>>
          tpu.enqueue_dma source(%dma_start3A_35 : memref<256xi32, #tpu.memory_space<hbm>>) target(%arg7 : memref<256xi32, #tpu.memory_space<vmem>>) target_semaphore(%run_scoped3A : memref<!tpu.dma_semaphore, #tpu.memory_space<semaphore_mem>>)
          %dma_wait3A_36 = tpu.memref_slice %arg4[%multiple_of3A] : memref<160000xi32, #tpu.memory_space<hbm>> -> memref<256xi32, #tpu.memory_space<hbm>>
          %dma_wait3A_37 = tpu.memref_slice %arg4[%multiple_of3A] : memref<160000xi32, #tpu.memory_space<hbm>> -> memref<256xi32, #tpu.memory_space<hbm>>
          tpu.wait_dma2 semaphore(%run_scoped3A : memref<!tpu.dma_semaphore, #tpu.memory_space<semaphore_mem>>) src(%dma_wait3A_37 : memref<256xi32, #tpu.memory_space<hbm>>) dst(%arg7 : memref<256xi32, #tpu.memory_space<vmem>>)
          tpu.yield
        }) : () -> ()
        "tpu.region"() ({
          %run_scoped3A = tpu.sem_alloc : memref<!tpu.dma_semaphore, #tpu.memory_space<semaphore_mem>>
          %dma_start3A_34 = tpu.memref_slice %arg5[%multiple_of3A] : memref<160000xi32, #tpu.memory_space<hbm>> -> memref<256xi32, #tpu.memory_space<hbm>>
          %dma_start3A_35 = tpu.memref_slice %arg5[%multiple_of3A] : memref<160000xi32, #tpu.memory_space<hbm>> -> memref<256xi32, #tpu.memory_space<hbm>>
          tpu.enqueue_dma source(%dma_start3A_35 : memref<256xi32, #tpu.memory_space<hbm>>) target(%arg8 : memref<256xi32, #tpu.memory_space<vmem>>) target_semaphore(%run_scoped3A : memref<!tpu.dma_semaphore, #tpu.memory_space<semaphore_mem>>)
          %dma_wait3A_36 = tpu.memref_slice %arg5[%multiple_of3A] : memref<160000xi32, #tpu.memory_space<hbm>> -> memref<256xi32, #tpu.memory_space<hbm>>
          %dma_wait3A_37 = tpu.memref_slice %arg5[%multiple_of3A] : memref<160000xi32, #tpu.memory_space<hbm>> -> memref<256xi32, #tpu.memory_space<hbm>>
          tpu.wait_dma2 semaphore(%run_scoped3A : memref<!tpu.dma_semaphore, #tpu.memory_space<semaphore_mem>>) src(%dma_wait3A_37 : memref<256xi32, #tpu.memory_space<hbm>>) dst(%arg8 : memref<256xi32, #tpu.memory_space<vmem>>)
          tpu.yield
        }) : () -> ()
        %dma_start3A = arith.constant 0 : i32
        %dma_start3A_14 = arith.constant 0 : i32
        %dma_start3A_15 = tpu.memref_slice %arg2[%dma_start3A, %dma_start3A_14] : memref<10000x128xf32, #tpu.memory_space<hbm>> -> memref<10000x128xf32, #tpu.memory_space<hbm>>
        tpu.enqueue_indirect_dma source(%dma_start3A_15 : memref<10000x128xf32, #tpu.memory_space<hbm>>) target(%arg9 : memref<256x128xf32, #tpu.memory_space<vmem>>) offsets(%arg7 : memref<256xi32, #tpu.memory_space<vmem>>) semaphore(%arg12 : memref<!tpu.dma_semaphore, #tpu.memory_space<semaphore_mem>>)
        %dma_start3A_16 = arith.constant 0 : i32
        %dma_start3A_17 = arith.constant 0 : i32
        %dma_start3A_18 = tpu.memref_slice %arg3[%dma_start3A_16, %dma_start3A_17] : memref<10000x128xf32, #tpu.memory_space<hbm>> -> memref<10000x128xf32, #tpu.memory_space<hbm>>
        tpu.enqueue_indirect_dma source(%dma_start3A_18 : memref<10000x128xf32, #tpu.memory_space<hbm>>) target(%arg10 : memref<256x128xf32, #tpu.memory_space<vmem>>) offsets(%arg8 : memref<256xi32, #tpu.memory_space<vmem>>) semaphore(%arg13 : memref<!tpu.dma_semaphore, #tpu.memory_space<semaphore_mem>>)
        %dma_wait3A = arith.constant 0 : i32
        %dma_wait3A_19 = arith.constant 0 : i32
        %dma_wait3A_20 = tpu.memref_slice %arg2[%dma_wait3A, %dma_wait3A_19] : memref<10000x128xf32, #tpu.memory_space<hbm>> -> memref<10000x128xf32, #tpu.memory_space<hbm>>
        tpu.wait_indirect_dma semaphore(%arg12 : memref<!tpu.dma_semaphore, #tpu.memory_space<semaphore_mem>>) src(%dma_wait3A_20 : memref<10000x128xf32, #tpu.memory_space<hbm>>) dst(%arg9 : memref<256x128xf32, #tpu.memory_space<vmem>>)
        %dma_wait3A_21 = arith.constant 0 : i32
        %dma_wait3A_22 = arith.constant 0 : i32
        %dma_wait3A_23 = tpu.memref_slice %arg3[%dma_wait3A_21, %dma_wait3A_22] : memref<10000x128xf32, #tpu.memory_space<hbm>> -> memref<10000x128xf32, #tpu.memory_space<hbm>>
        tpu.wait_indirect_dma semaphore(%arg13 : memref<!tpu.dma_semaphore, #tpu.memory_space<semaphore_mem>>) src(%dma_wait3A_23 : memref<10000x128xf32, #tpu.memory_space<hbm>>) dst(%arg10 : memref<256x128xf32, #tpu.memory_space<vmem>>)
        %scan3A_24 = arith.constant 0 : i32
        %scan3A_25 = arith.constant 0 : i32
        %scan3A_26 = arith.constant 256 : i32
        %scan3A_27 = arith.addi %scan3A_25, %scan3A_26 : i32
        %scan3A_28 = arith.constant 1 : i32
        %scan3A_29 = scf.for %scan3A_34 = %scan3A_25 to %scan3A_27 step %scan3A_28 iter_args(%scan3A_35 = %scan3A_24) -> (i32)  : i32 {
          %mul3A_36 = arith.constant 128 : i32
          %mul3A_37 = arith.muli %scan3A_34, %mul3A_36 : i32
          %multiple_of3A_38 = tpu.assume_multiple %mul3A_37, 16 : i32
          %get3A = arith.index_cast %scan3A_34 : i32 to index
          %get3A_39 = arith.constant 0 : index
          %get3A_40 = tpu.vector_load %arg9[%get3A, %get3A_39] {strides = array<i32>} : memref<256x128xf32, #tpu.memory_space<vmem>>, vector<1x16xf32>,
          %get3A_41 = vector.shape_cast %get3A_40 : vector<1x16xf32> to vector<16xf32>
          %get3A_42 = arith.index_cast %scan3A_34 : i32 to index
          %get3A_43 = arith.constant 0 : index
          %get3A_44 = tpu.vector_load %arg10[%get3A_42, %get3A_43] {strides = array<i32>} : memref<256x128xf32, #tpu.memory_space<vmem>>, vector<1x16xf32>,
          %get3A_45 = vector.shape_cast %get3A_44 : vector<1x16xf32> to vector<16xf32>
          %add3A_46 = arith.addf %get3A_41, %get3A_45 : vector<16xf32>
          %add3A_47 = arith.constant 0 : i32
          %add3A_48 = arith.addi %multiple_of3A_38, %add3A_47 : i32
          %swap3A = arith.index_cast %add3A_48 : i32 to index
          %swap3A_49 = tpu.vector_load %arg11[%swap3A] {strides = array<i32>} : memref<32768xf32, #tpu.memory_space<vmem>>, vector<16xf32>,
          %swap3A_50 = vector.shape_cast %swap3A_49 : vector<16xf32> to vector<16xf32>
          %swap3A_51 = vector.shape_cast %add3A_46 : vector<16xf32> to vector<16xf32>
          tpu.vector_store %arg11[%swap3A], %swap3A_51 {strides = array<i32>} : memref<32768xf32, #tpu.memory_space<vmem>>, vector<16xf32>,
          %get3A_52 = arith.index_cast %scan3A_34 : i32 to index
          %get3A_53 = arith.constant 16 : index
          %get3A_54 = tpu.vector_load %arg9[%get3A_52, %get3A_53] {strides = array<i32>} : memref<256x128xf32, #tpu.memory_space<vmem>>, vector<1x16xf32>,
          %get3A_55 = vector.shape_cast %get3A_54 : vector<1x16xf32> to vector<16xf32>
          %get3A_56 = arith.index_cast %scan3A_34 : i32 to index
          %get3A_57 = arith.constant 16 : index
          %get3A_58 = tpu.vector_load %arg10[%get3A_56, %get3A_57] {strides = array<i32>} : memref<256x128xf32, #tpu.memory_space<vmem>>, vector<1x16xf32>,
          %get3A_59 = vector.shape_cast %get3A_58 : vector<1x16xf32> to vector<16xf32>
          %add3A_60 = arith.addf %get3A_55, %get3A_59 : vector<16xf32>
          %add3A_61 = arith.constant 16 : i32
          %add3A_62 = arith.addi %multiple_of3A_38, %add3A_61 : i32
          %swap3A_63 = arith.index_cast %add3A_62 : i32 to index
          %swap3A_64 = tpu.vector_load %arg11[%swap3A_63] {strides = array<i32>} : memref<32768xf32, #tpu.memory_space<vmem>>, vector<16xf32>,
          %swap3A_65 = vector.shape_cast %swap3A_64 : vector<16xf32> to vector<16xf32>
          %swap3A_66 = vector.shape_cast %add3A_60 : vector<16xf32> to vector<16xf32>
          tpu.vector_store %arg11[%swap3A_63], %swap3A_66 {strides = array<i32>} : memref<32768xf32, #tpu.memory_space<vmem>>, vector<16xf32>,
          %get3A_67 = arith.index_cast %scan3A_34 : i32 to index
          %get3A_68 = arith.constant 32 : index
          %get3A_69 = tpu.vector_load %arg9[%get3A_67, %get3A_68] {strides = array<i32>} : memref<256x128xf32, #tpu.memory_space<vmem>>, vector<1x16xf32>,
          %get3A_70 = vector.shape_cast %get3A_69 : vector<1x16xf32> to vector<16xf32>
          %get3A_71 = arith.index_cast %scan3A_34 : i32 to index
          %get3A_72 = arith.constant 32 : index
          %get3A_73 = tpu.vector_load %arg10[%get3A_71, %get3A_72] {strides = array<i32>} : memref<256x128xf32, #tpu.memory_space<vmem>>, vector<1x16xf32>,
          %get3A_74 = vector.shape_cast %get3A_73 : vector<1x16xf32> to vector<16xf32>
          %add3A_75 = arith.addf %get3A_70, %get3A_74 : vector<16xf32>
          %add3A_76 = arith.constant 32 : i32
          %add3A_77 = arith.addi %multiple_of3A_38, %add3A_76 : i32
          %swap3A_78 = arith.index_cast %add3A_77 : i32 to index
          %swap3A_79 = tpu.vector_load %arg11[%swap3A_78] {strides = array<i32>} : memref<32768xf32, #tpu.memory_space<vmem>>, vector<16xf32>,
          %swap3A_80 = vector.shape_cast %swap3A_79 : vector<16xf32> to vector<16xf32>
          %swap3A_81 = vector.shape_cast %add3A_75 : vector<16xf32> to vector<16xf32>
          tpu.vector_store %arg11[%swap3A_78], %swap3A_81 {strides = array<i32>} : memref<32768xf32, #tpu.memory_space<vmem>>, vector<16xf32>,
          %get3A_82 = arith.index_cast %scan3A_34 : i32 to index
          %get3A_83 = arith.constant 48 : index
          %get3A_84 = tpu.vector_load %arg9[%get3A_82, %get3A_83] {strides = array<i32>} : memref<256x128xf32, #tpu.memory_space<vmem>>, vector<1x16xf32>,
          %get3A_85 = vector.shape_cast %get3A_84 : vector<1x16xf32> to vector<16xf32>
          %get3A_86 = arith.index_cast %scan3A_34 : i32 to index
          %get3A_87 = arith.constant 48 : index
          %get3A_88 = tpu.vector_load %arg10[%get3A_86, %get3A_87] {strides = array<i32>} : memref<256x128xf32, #tpu.memory_space<vmem>>, vector<1x16xf32>,
          %get3A_89 = vector.shape_cast %get3A_88 : vector<1x16xf32> to vector<16xf32>
          %add3A_90 = arith.addf %get3A_85, %get3A_89 : vector<16xf32>
          %add3A_91 = arith.constant 48 : i32
          %add3A_92 = arith.addi %multiple_of3A_38, %add3A_91 : i32
          %swap3A_93 = arith.index_cast %add3A_92 : i32 to index
          %swap3A_94 = tpu.vector_load %arg11[%swap3A_93] {strides = array<i32>} : memref<32768xf32, #tpu.memory_space<vmem>>, vector<16xf32>,
          %swap3A_95 = vector.shape_cast %swap3A_94 : vector<16xf32> to vector<16xf32>
          %swap3A_96 = vector.shape_cast %add3A_90 : vector<16xf32> to vector<16xf32>
          tpu.vector_store %arg11[%swap3A_93], %swap3A_96 {strides = array<i32>} : memref<32768xf32, #tpu.memory_space<vmem>>, vector<16xf32>,
          %get3A_97 = arith.index_cast %scan3A_34 : i32 to index
          %get3A_98 = arith.constant 64 : index
          %get3A_99 = tpu.vector_load %arg9[%get3A_97, %get3A_98] {strides = array<i32>} : memref<256x128xf32, #tpu.memory_space<vmem>>, vector<1x16xf32>,
          %get3A_100 = vector.shape_cast %get3A_99 : vector<1x16xf32> to vector<16xf32>
          %get3A_101 = arith.index_cast %scan3A_34 : i32 to index
          %get3A_102 = arith.constant 64 : index
          %get3A_103 = tpu.vector_load %arg10[%get3A_101, %get3A_102] {strides = array<i32>} : memref<256x128xf32, #tpu.memory_space<vmem>>, vector<1x16xf32>,
          %get3A_104 = vector.shape_cast %get3A_103 : vector<1x16xf32> to vector<16xf32>
          %add3A_105 = arith.addf %get3A_100, %get3A_104 : vector<16xf32>
          %add3A_106 = arith.constant 64 : i32
          %add3A_107 = arith.addi %multiple_of3A_38, %add3A_106 : i32
          %swap3A_108 = arith.index_cast %add3A_107 : i32 to index
          %swap3A_109 = tpu.vector_load %arg11[%swap3A_108] {strides = array<i32>} : memref<32768xf32, #tpu.memory_space<vmem>>, vector<16xf32>,
          %swap3A_110 = vector.shape_cast %swap3A_109 : vector<16xf32> to vector<16xf32>
          %swap3A_111 = vector.shape_cast %add3A_105 : vector<16xf32> to vector<16xf32>
          tpu.vector_store %arg11[%swap3A_108], %swap3A_111 {strides = array<i32>} : memref<32768xf32, #tpu.memory_space<vmem>>, vector<16xf32>,
          %get3A_112 = arith.index_cast %scan3A_34 : i32 to index
          %get3A_113 = arith.constant 80 : index
          %get3A_114 = tpu.vector_load %arg9[%get3A_112, %get3A_113] {strides = array<i32>} : memref<256x128xf32, #tpu.memory_space<vmem>>, vector<1x16xf32>,
          %get3A_115 = vector.shape_cast %get3A_114 : vector<1x16xf32> to vector<16xf32>
          %get3A_116 = arith.index_cast %scan3A_34 : i32 to index
          %get3A_117 = arith.constant 80 : index
          %get3A_118 = tpu.vector_load %arg10[%get3A_116, %get3A_117] {strides = array<i32>} : memref<256x128xf32, #tpu.memory_space<vmem>>, vector<1x16xf32>,
          %get3A_119 = vector.shape_cast %get3A_118 : vector<1x16xf32> to vector<16xf32>
          %add3A_120 = arith.addf %get3A_115, %get3A_119 : vector<16xf32>
          %add3A_121 = arith.constant 80 : i32
          %add3A_122 = arith.addi %multiple_of3A_38, %add3A_121 : i32
          %swap3A_123 = arith.index_cast %add3A_122 : i32 to index
          %swap3A_124 = tpu.vector_load %arg11[%swap3A_123] {strides = array<i32>} : memref<32768xf32, #tpu.memory_space<vmem>>, vector<16xf32>,
          %swap3A_125 = vector.shape_cast %swap3A_124 : vector<16xf32> to vector<16xf32>
          %swap3A_126 = vector.shape_cast %add3A_120 : vector<16xf32> to vector<16xf32>
          tpu.vector_store %arg11[%swap3A_123], %swap3A_126 {strides = array<i32>} : memref<32768xf32, #tpu.memory_space<vmem>>, vector<16xf32>,
          %get3A_127 = arith.index_cast %scan3A_34 : i32 to index
          %get3A_128 = arith.constant 96 : index
          %get3A_129 = tpu.vector_load %arg9[%get3A_127, %get3A_128] {strides = array<i32>} : memref<256x128xf32, #tpu.memory_space<vmem>>, vector<1x16xf32>,
          %get3A_130 = vector.shape_cast %get3A_129 : vector<1x16xf32> to vector<16xf32>
          %get3A_131 = arith.index_cast %scan3A_34 : i32 to index
          %get3A_132 = arith.constant 96 : index
          %get3A_133 = tpu.vector_load %arg10[%get3A_131, %get3A_132] {strides = array<i32>} : memref<256x128xf32, #tpu.memory_space<vmem>>, vector<1x16xf32>,
          %get3A_134 = vector.shape_cast %get3A_133 : vector<1x16xf32> to vector<16xf32>
          %add3A_135 = arith.addf %get3A_130, %get3A_134 : vector<16xf32>
          %add3A_136 = arith.constant 96 : i32
          %add3A_137 = arith.addi %multiple_of3A_38, %add3A_136 : i32
          %swap3A_138 = arith.index_cast %add3A_137 : i32 to index
          %swap3A_139 = tpu.vector_load %arg11[%swap3A_138] {strides = array<i32>} : memref<32768xf32, #tpu.memory_space<vmem>>, vector<16xf32>,
          %swap3A_140 = vector.shape_cast %swap3A_139 : vector<16xf32> to vector<16xf32>
          %swap3A_141 = vector.shape_cast %add3A_135 : vector<16xf32> to vector<16xf32>
          tpu.vector_store %arg11[%swap3A_138], %swap3A_141 {strides = array<i32>} : memref<32768xf32, #tpu.memory_space<vmem>>, vector<16xf32>,
          %get3A_142 = arith.index_cast %scan3A_34 : i32 to index
          %get3A_143 = arith.constant 112 : index
          %get3A_144 = tpu.vector_load %arg9[%get3A_142, %get3A_143] {strides = array<i32>} : memref<256x128xf32, #tpu.memory_space<vmem>>, vector<1x16xf32>,
          %get3A_145 = vector.shape_cast %get3A_144 : vector<1x16xf32> to vector<16xf32>
          %get3A_146 = arith.index_cast %scan3A_34 : i32 to index
          %get3A_147 = arith.constant 112 : index
          %get3A_148 = tpu.vector_load %arg10[%get3A_146, %get3A_147] {strides = array<i32>} : memref<256x128xf32, #tpu.memory_space<vmem>>, vector<1x16xf32>,
          %get3A_149 = vector.shape_cast %get3A_148 : vector<1x16xf32> to vector<16xf32>
          %add3A_150 = arith.addf %get3A_145, %get3A_149 : vector<16xf32>
          %add3A_151 = arith.constant 112 : i32
          %add3A_152 = arith.addi %multiple_of3A_38, %add3A_151 : i32
          %swap3A_153 = arith.index_cast %add3A_152 : i32 to index
          %swap3A_154 = tpu.vector_load %arg11[%swap3A_153] {strides = array<i32>} : memref<32768xf32, #tpu.memory_space<vmem>>, vector<16xf32>,
          %swap3A_155 = vector.shape_cast %swap3A_154 : vector<16xf32> to vector<16xf32>
          %swap3A_156 = vector.shape_cast %add3A_150 : vector<16xf32> to vector<16xf32>
          tpu.vector_store %arg11[%swap3A_153], %swap3A_156 {strides = array<i32>} : memref<32768xf32, #tpu.memory_space<vmem>>, vector<16xf32>,
          %scan3A_157 = arith.constant 0 : i32
          scf.yield %scan3A_157 : i32
        }
        %scan3A_30 = arith.constant 256 : i32
        %mul3A_31 = arith.constant 128 : i32
        %mul3A_32 = arith.muli %multiple_of3A, %mul3A_31 : i32
        %multiple_of3A_33 = tpu.assume_multiple %mul3A_32, 8 : i32
        "tpu.region"() ({
          %run_scoped3A = tpu.sem_alloc : memref<!tpu.dma_semaphore, #tpu.memory_space<semaphore_mem>>
          %dma_start3A_34 = tpu.memref_slice %arg6[%multiple_of3A_33] : memref<20480000xf32, #tpu.memory_space<hbm>> -> memref<32768xf32, #tpu.memory_space<hbm>>
          %dma_start3A_35 = tpu.memref_slice %arg6[%multiple_of3A_33] : memref<20480000xf32, #tpu.memory_space<hbm>> -> memref<32768xf32, #tpu.memory_space<hbm>>
          tpu.enqueue_dma source(%arg11 : memref<32768xf32, #tpu.memory_space<vmem>>) target(%dma_start3A_35 : memref<32768xf32, #tpu.memory_space<hbm>>) target_semaphore(%run_scoped3A : memref<!tpu.dma_semaphore, #tpu.memory_space<semaphore_mem>>)
          %dma_wait3A_36 = tpu.memref_slice %arg6[%multiple_of3A_33] : memref<20480000xf32, #tpu.memory_space<hbm>> -> memref<32768xf32, #tpu.memory_space<hbm>>
          %dma_wait3A_37 = tpu.memref_slice %arg6[%multiple_of3A_33] : memref<20480000xf32, #tpu.memory_space<hbm>> -> memref<32768xf32, #tpu.memory_space<hbm>>
          tpu.wait_dma2 semaphore(%run_scoped3A : memref<!tpu.dma_semaphore, #tpu.memory_space<semaphore_mem>>) src(%arg11 : memref<32768xf32, #tpu.memory_space<vmem>>) dst(%dma_wait3A_37 : memref<32768xf32, #tpu.memory_space<hbm>>)
          tpu.yield
        }) : () -> ()
      } else {
      }
    }
    %scan3A_5 = arith.constant 20 : i32
    return
  }
}

module attributes {stable_mosaic.version = 14 : i64} {
  func.func @_p1_body(%arg0: memref<10000x128xf32, #tpu.memory_space<vmem>>, %arg1: memref<128x128xf32, #tpu.memory_space<vmem>>, %arg2: memref<1x128xf32, #tpu.memory_space<vmem>>, %arg3: memref<128x128xf32, #tpu.memory_space<vmem>>, %arg4: memref<10000x128xf32, #tpu.memory_space<vmem>>, %arg5: memref<10000x128xf32, #tpu.memory_space<vmem>>) attributes {dimension_semantics = [], scalar_prefetch = 0 : i64, scratch_operands = 0 : i64, tpu.core_type = #tpu.core_type<tc>} {
    %get3A = arith.constant 0 : index
    %get3A_0 = arith.constant 0 : index
    %get3A_1 = vector.load %arg0[%get3A, %get3A_0] : memref<10000x128xf32, #tpu.memory_space<vmem>>, vector<10000x128xf32>
    %get3A_2 = arith.constant 0 : index
    %get3A_3 = arith.constant 0 : index
    %get3A_4 = vector.load %arg1[%get3A_2, %get3A_3] : memref<128x128xf32, #tpu.memory_space<vmem>>, vector<128x128xf32>
    %dot_general3A = arith.constant dense<0.000000e+00> : vector<10000x128xf32>
    %dot_general3A_5 = tpu.matmul %get3A_1, %get3A_4, %dot_general3A {dimension_numbers = #tpu.dot_dimension_numbers<[1], [0], [0], [1], [0, 0, 1, 1], [], []>, transpose_lhs_hint = false} : vector<10000x128xf32>, vector<128x128xf32>, vector<10000x128xf32> -> vector<10000x128xf32>
    %get3A_6 = arith.constant 0 : index
    %get3A_7 = arith.constant 0 : index
    %get3A_8 = vector.load %arg2[%get3A_6, %get3A_7] : memref<1x128xf32, #tpu.memory_space<vmem>>, vector<1x128xf32>
    %add3A = vector.broadcast %get3A_8 : vector<1x128xf32> to vector<10000x128xf32>
    %add3A_9 = arith.addf %dot_general3A_5, %add3A : vector<10000x128xf32>
    %swap3A = arith.constant 0 : index
    %swap3A_10 = arith.constant 0 : index
    %swap3A_11 = vector.load %arg4[%swap3A, %swap3A_10] : memref<10000x128xf32, #tpu.memory_space<vmem>>, vector<10000x128xf32>
    tpu.vector_store %arg4[%swap3A, %swap3A_10], %add3A_9 {strides = array<i32>} : memref<10000x128xf32, #tpu.memory_space<vmem>>, vector<10000x128xf32>,
    %get3A_12 = arith.constant 0 : index
    %get3A_13 = arith.constant 0 : index
    %get3A_14 = vector.load %arg3[%get3A_12, %get3A_13] : memref<128x128xf32, #tpu.memory_space<vmem>>, vector<128x128xf32>
    %dot_general3A_15 = arith.constant dense<0.000000e+00> : vector<10000x128xf32>
    %dot_general3A_16 = tpu.matmul %get3A_1, %get3A_14, %dot_general3A_15 {dimension_numbers = #tpu.dot_dimension_numbers<[1], [0], [0], [1], [0, 0, 1, 1], [], []>, transpose_lhs_hint = false} : vector<10000x128xf32>, vector<128x128xf32>, vector<10000x128xf32> -> vector<10000x128xf32>
    %swap3A_17 = arith.constant 0 : index
    %swap3A_18 = arith.constant 0 : index
    %swap3A_19 = vector.load %arg5[%swap3A_17, %swap3A_18] : memref<10000x128xf32, #tpu.memory_space<vmem>>, vector<10000x128xf32>
    tpu.vector_store %arg5[%swap3A_17, %swap3A_18], %dot_general3A_16 {strides = array<i32>} : memref<10000x128xf32, #tpu.memory_space<vmem>>, vector<10000x128xf32>,
    return
  }
}

module attributes {stable_mosaic.version = 14 : i64} {
  func.func @_p3_body(%arg0: i32, %arg1: memref<3200x128xf32, #tpu.memory_space<vmem>>, %arg2: memref<409600xf32, #tpu.memory_space<vmem>>, %arg3: memref<128x128xf32, #tpu.memory_space<vmem>>, %arg4: memref<128x128xf32, #tpu.memory_space<vmem>>, %arg5: memref<1x128xf32, #tpu.memory_space<vmem>>, %arg6: memref<128x8xf32, #tpu.memory_space<vmem>>, %arg7: memref<8x1xf32, #tpu.memory_space<vmem>>, %arg8: memref<128x128xf32, #tpu.memory_space<vmem>>, %arg9: memref<1x128xf32, #tpu.memory_space<vmem>>, %arg10: memref<8x128xf32, #tpu.memory_space<vmem>>, %arg11: memref<3200x128xf32, #tpu.memory_space<vmem>>, %arg12: memref<3200x128xf32, #tpu.memory_space<vmem>>) attributes {dimension_semantics = [#tpu.dimension_semantics<arbitrary>], iteration_bounds = array<i64: 50>, scalar_prefetch = 0 : i64, scratch_operands = 0 : i64, tpu.core_type = #tpu.core_type<tc>, window_params = [{transform_indices = @transform_0, window_bounds = array<i64: 3200, 128>}, {transform_indices = @transform_1, window_bounds = array<i64: 409600>}, {pipeline_mode = #tpu.pipeline_mode<synchronous>, transform_indices = @transform_2, window_bounds = array<i64: 128, 128>}, {pipeline_mode = #tpu.pipeline_mode<synchronous>, transform_indices = @transform_3, window_bounds = array<i64: 128, 128>}, {pipeline_mode = #tpu.pipeline_mode<synchronous>, transform_indices = @transform_4, window_bounds = array<i64: 1, 128>}, {pipeline_mode = #tpu.pipeline_mode<synchronous>, transform_indices = @transform_5, window_bounds = array<i64: 128, 8>}, {pipeline_mode = #tpu.pipeline_mode<synchronous>, transform_indices = @transform_6, window_bounds = array<i64: 8, 1>}, {pipeline_mode = #tpu.pipeline_mode<synchronous>, transform_indices = @transform_7, window_bounds = array<i64: 128, 128>}, {pipeline_mode = #tpu.pipeline_mode<synchronous>, transform_indices = @transform_8, window_bounds = array<i64: 1, 128>}, {pipeline_mode = #tpu.pipeline_mode<synchronous>, transform_indices = @transform_9, window_bounds = array<i64: 8, 128>}, {transform_indices = @transform_10, window_bounds = array<i64: 3200, 128>}, {transform_indices = @transform_11, window_bounds = array<i64: 3200, 128>}]} {
    %get3A = arith.constant 0 : index
    %get3A_0 = arith.constant 0 : index
    %get3A_1 = vector.load %arg1[%get3A, %get3A_0] : memref<3200x128xf32, #tpu.memory_space<vmem>>, vector<3200x128xf32>
    %get3A_2 = arith.constant 0 : index
    %get3A_3 = vector.load %arg2[%get3A_2] : memref<409600xf32, #tpu.memory_space<vmem>>, vector<409600xf32>
    %reshape3A = vector.shape_cast %get3A_3 : vector<409600xf32> to vector<3200x128xf32>
    %get3A_4 = arith.constant 0 : index
    %get3A_5 = arith.constant 0 : index
    %get3A_6 = vector.load %arg3[%get3A_4, %get3A_5] : memref<128x128xf32, #tpu.memory_space<vmem>>, vector<128x128xf32>
    %dot_general3A = arith.constant dense<0.000000e+00> : vector<3200x128xf32>
    %dot_general3A_7 = tpu.matmul %get3A_1, %get3A_6, %dot_general3A {dimension_numbers = #tpu.dot_dimension_numbers<[1], [0], [0], [1], [0, 0, 1, 1], [], []>, transpose_lhs_hint = false} : vector<3200x128xf32>, vector<128x128xf32>, vector<3200x128xf32> -> vector<3200x128xf32>
    %add3A = arith.addf %reshape3A, %dot_general3A_7 : vector<3200x128xf32>
    %max3A = arith.constant 0.000000e+00 : f32
    %max3A_8 = vector.broadcast %max3A : f32 to vector<3200x128xf32>
    %max3A_9 = arith.maximumf %add3A, %max3A_8 : vector<3200x128xf32>
    %get3A_10 = arith.constant 0 : index
    %get3A_11 = arith.constant 0 : index
    %get3A_12 = vector.load %arg4[%get3A_10, %get3A_11] : memref<128x128xf32, #tpu.memory_space<vmem>>, vector<128x128xf32>
    %dot_general3A_13 = arith.constant dense<0.000000e+00> : vector<3200x128xf32>
    %dot_general3A_14 = tpu.matmul %max3A_9, %get3A_12, %dot_general3A_13 {dimension_numbers = #tpu.dot_dimension_numbers<[1], [0], [0], [1], [0, 0, 1, 1], [], []>, transpose_lhs_hint = false} : vector<3200x128xf32>, vector<128x128xf32>, vector<3200x128xf32> -> vector<3200x128xf32>
    %get3A_15 = arith.constant 0 : index
    %get3A_16 = arith.constant 0 : index
    %get3A_17 = vector.load %arg5[%get3A_15, %get3A_16] : memref<1x128xf32, #tpu.memory_space<vmem>>, vector<1x128xf32>
    %add3A_18 = vector.broadcast %get3A_17 : vector<1x128xf32> to vector<3200x128xf32>
    %add3A_19 = arith.addf %dot_general3A_14, %add3A_18 : vector<3200x128xf32>
    %max3A_20 = arith.constant 0.000000e+00 : f32
    %max3A_21 = vector.broadcast %max3A_20 : f32 to vector<3200x128xf32>
    %max3A_22 = arith.maximumf %add3A_19, %max3A_21 : vector<3200x128xf32>
    %get3A_23 = arith.constant 0 : index
    %get3A_24 = arith.constant 0 : index
    %get3A_25 = vector.load %arg6[%get3A_23, %get3A_24] : memref<128x8xf32, #tpu.memory_space<vmem>>, vector<128x8xf32>
    %dot_general3A_26 = arith.constant dense<0.000000e+00> : vector<8x3200xf32>
    %dot_general3A_27 = tpu.matmul %get3A_25, %max3A_22, %dot_general3A_26 {dimension_numbers = #tpu.dot_dimension_numbers<[0], [1], [1], [0], [0, 1, 1, 0], [], []>, transpose_lhs_hint = false} : vector<128x8xf32>, vector<3200x128xf32>, vector<8x3200xf32> -> vector<8x3200xf32>
    %get3A_28 = arith.constant 0 : index
    %get3A_29 = arith.constant 0 : index
    %get3A_30 = vector.load %arg7[%get3A_28, %get3A_29] : memref<8x1xf32, #tpu.memory_space<vmem>>, vector<8x1xf32>
    %add3A_31 = vector.broadcast %get3A_30 : vector<8x1xf32> to vector<8x3200xf32>
    %add3A_32 = arith.addf %dot_general3A_27, %add3A_31 : vector<8x3200xf32>
    %exp3A = math.exp %add3A_32 : vector<8x3200xf32>
    %get3A_33 = arith.constant 0 : index
    %get3A_34 = arith.constant 0 : index
    %get3A_35 = vector.load %arg10[%get3A_33, %get3A_34] : memref<8x128xf32, #tpu.memory_space<vmem>>, vector<8x128xf32>
    %dot_general3A_36 = arith.constant dense<0.000000e+00> : vector<3200x128xf32>
    %dot_general3A_37 = tpu.matmul %exp3A, %get3A_35, %dot_general3A_36 {dimension_numbers = #tpu.dot_dimension_numbers<[0], [0], [1], [1], [0, 1, 1, 1], [], []>, transpose_lhs_hint = false} : vector<8x3200xf32>, vector<8x128xf32>, vector<3200x128xf32> -> vector<3200x128xf32>
    %swap3A = arith.constant 0 : index
    %swap3A_38 = arith.constant 0 : index
    %swap3A_39 = vector.load %arg11[%swap3A, %swap3A_38] : memref<3200x128xf32, #tpu.memory_space<vmem>>, vector<3200x128xf32>
    tpu.vector_store %arg11[%swap3A, %swap3A_38], %dot_general3A_37 {strides = array<i32>} : memref<3200x128xf32, #tpu.memory_space<vmem>>, vector<3200x128xf32>,
    %get3A_40 = arith.constant 0 : index
    %get3A_41 = arith.constant 0 : index
    %get3A_42 = vector.load %arg8[%get3A_40, %get3A_41] : memref<128x128xf32, #tpu.memory_space<vmem>>, vector<128x128xf32>
    %dot_general3A_43 = arith.constant dense<0.000000e+00> : vector<3200x128xf32>
    %dot_general3A_44 = tpu.matmul %get3A_1, %get3A_42, %dot_general3A_43 {dimension_numbers = #tpu.dot_dimension_numbers<[1], [0], [0], [1], [0, 0, 1, 1], [], []>, transpose_lhs_hint = false} : vector<3200x128xf32>, vector<128x128xf32>, vector<3200x128xf32> -> vector<3200x128xf32>
    %get3A_45 = arith.constant 0 : index
    %get3A_46 = arith.constant 0 : index
    %get3A_47 = vector.load %arg9[%get3A_45, %get3A_46] : memref<1x128xf32, #tpu.memory_space<vmem>>, vector<1x128xf32>
    %add3A_48 = vector.broadcast %get3A_47 : vector<1x128xf32> to vector<3200x128xf32>
    %add3A_49 = arith.addf %dot_general3A_44, %add3A_48 : vector<3200x128xf32>
    %mul3A = arith.constant 5.000000e-01 : f32
    %mul3A_50 = vector.broadcast %mul3A : f32 to vector<3200x128xf32>
    %mul3A_51 = arith.mulf %add3A_49, %mul3A_50 : vector<3200x128xf32>
    %mul3A_52 = arith.constant 0.707106769 : f32
    %mul3A_53 = vector.broadcast %mul3A_52 : f32 to vector<3200x128xf32>
    %mul3A_54 = arith.mulf %add3A_49, %mul3A_53 : vector<3200x128xf32>
    %erf3A = math.erf %mul3A_54 : vector<3200x128xf32>
    %add3A_55 = arith.constant 1.000000e+00 : f32
    %add3A_56 = vector.broadcast %add3A_55 : f32 to vector<3200x128xf32>
    %add3A_57 = arith.addf %add3A_56, %erf3A : vector<3200x128xf32>
    %mul3A_58 = arith.mulf %mul3A_51, %add3A_57 : vector<3200x128xf32>
    %mul3A_59 = arith.mulf %mul3A_58, %dot_general3A_37 : vector<3200x128xf32>
    %swap3A_60 = arith.constant 0 : index
    %swap3A_61 = arith.constant 0 : index
    %swap3A_62 = vector.load %arg12[%swap3A_60, %swap3A_61] : memref<3200x128xf32, #tpu.memory_space<vmem>>, vector<3200x128xf32>
    tpu.vector_store %arg12[%swap3A_60, %swap3A_61], %mul3A_59 {strides = array<i32>} : memref<3200x128xf32, #tpu.memory_space<vmem>>, vector<3200x128xf32>,
    return
  }
  func.func @transform_0(%arg0: i32) -> (i32, i32) {
    %add3A = arith.constant 0 : i32
    %add3A_0 = arith.addi %arg0, %add3A : i32
    %c0_i32 = arith.constant 0 : i32
    %c0_i32_1 = arith.constant 0 : i32
    return %add3A_0, %c0_i32 : i32, i32
  }
  func.func @transform_1(%arg0: i32) -> i32 {
    %c0_i32 = arith.constant 0 : i32
    return %arg0 : i32
  }
  func.func @transform_2(%arg0: i32) -> (i32, i32) {
    %c0_i32 = arith.constant 0 : i32
    %c0_i32_0 = arith.constant 0 : i32
    %c0_i32_1 = arith.constant 0 : i32
    return %c0_i32, %c0_i32_0 : i32, i32
  }
  func.func @transform_3(%arg0: i32) -> (i32, i32) {
    %c0_i32 = arith.constant 0 : i32
    %c0_i32_0 = arith.constant 0 : i32
    %c0_i32_1 = arith.constant 0 : i32
    return %c0_i32, %c0_i32_0 : i32, i32
  }
  func.func @transform_4(%arg0: i32) -> (i32, i32) {
    %c0_i32 = arith.constant 0 : i32
    %c0_i32_0 = arith.constant 0 : i32
    %c0_i32_1 = arith.constant 0 : i32
    return %c0_i32, %c0_i32_0 : i32, i32
  }
  func.func @transform_5(%arg0: i32) -> (i32, i32) {
    %c0_i32 = arith.constant 0 : i32
    %c0_i32_0 = arith.constant 0 : i32
    %c0_i32_1 = arith.constant 0 : i32
    return %c0_i32, %c0_i32_0 : i32, i32
  }
  func.func @transform_6(%arg0: i32) -> (i32, i32) {
    %c0_i32 = arith.constant 0 : i32
    %c0_i32_0 = arith.constant 0 : i32
    %c0_i32_1 = arith.constant 0 : i32
    return %c0_i32, %c0_i32_0 : i32, i32
  }
  func.func @transform_7(%arg0: i32) -> (i32, i32) {
    %c0_i32 = arith.constant 0 : i32
    %c0_i32_0 = arith.constant 0 : i32
    %c0_i32_1 = arith.constant 0 : i32
    return %c0_i32, %c0_i32_0 : i32, i32
  }
  func.func @transform_8(%arg0: i32) -> (i32, i32) {
    %c0_i32 = arith.constant 0 : i32
    %c0_i32_0 = arith.constant 0 : i32
    %c0_i32_1 = arith.constant 0 : i32
    return %c0_i32, %c0_i32_0 : i32, i32
  }
  func.func @transform_9(%arg0: i32) -> (i32, i32) {
    %c0_i32 = arith.constant 0 : i32
    %c0_i32_0 = arith.constant 0 : i32
    %c0_i32_1 = arith.constant 0 : i32
    return %c0_i32, %c0_i32_0 : i32, i32
  }
  func.func @transform_10(%arg0: i32) -> (i32, i32) {
    %c0_i32 = arith.constant 0 : i32
    %c0_i32_0 = arith.constant 0 : i32
    return %arg0, %c0_i32 : i32, i32
  }
  func.func @transform_11(%arg0: i32) -> (i32, i32) {
    %c0_i32 = arith.constant 0 : i32
    %c0_i32_0 = arith.constant 0 : i32
    return %arg0, %c0_i32 : i32, i32
  }
}

module attributes {stable_mosaic.version = 14 : i64} {
  func.func @_p3_body(%arg0: i32, %arg1: memref<3200x128xf32, #tpu.memory_space<vmem>>, %arg2: memref<409600xf32, #tpu.memory_space<vmem>>, %arg3: memref<128x128xf32, #tpu.memory_space<vmem>>, %arg4: memref<128x128xf32, #tpu.memory_space<vmem>>, %arg5: memref<1x128xf32, #tpu.memory_space<vmem>>, %arg6: memref<128x8xf32, #tpu.memory_space<vmem>>, %arg7: memref<8x1xf32, #tpu.memory_space<vmem>>, %arg8: memref<128x128xf32, #tpu.memory_space<vmem>>, %arg9: memref<1x128xf32, #tpu.memory_space<vmem>>, %arg10: memref<8x128xf32, #tpu.memory_space<vmem>>, %arg11: memref<3200x128xf32, #tpu.memory_space<vmem>>, %arg12: memref<3200x128xf32, #tpu.memory_space<vmem>>) attributes {dimension_semantics = [#tpu.dimension_semantics<arbitrary>], iteration_bounds = array<i64: 50>, scalar_prefetch = 0 : i64, scratch_operands = 0 : i64, tpu.core_type = #tpu.core_type<tc>, window_params = [{transform_indices = @transform_0, window_bounds = array<i64: 3200, 128>}, {transform_indices = @transform_1, window_bounds = array<i64: 409600>}, {pipeline_mode = #tpu.pipeline_mode<synchronous>, transform_indices = @transform_2, window_bounds = array<i64: 128, 128>}, {pipeline_mode = #tpu.pipeline_mode<synchronous>, transform_indices = @transform_3, window_bounds = array<i64: 128, 128>}, {pipeline_mode = #tpu.pipeline_mode<synchronous>, transform_indices = @transform_4, window_bounds = array<i64: 1, 128>}, {pipeline_mode = #tpu.pipeline_mode<synchronous>, transform_indices = @transform_5, window_bounds = array<i64: 128, 8>}, {pipeline_mode = #tpu.pipeline_mode<synchronous>, transform_indices = @transform_6, window_bounds = array<i64: 8, 1>}, {pipeline_mode = #tpu.pipeline_mode<synchronous>, transform_indices = @transform_7, window_bounds = array<i64: 128, 128>}, {pipeline_mode = #tpu.pipeline_mode<synchronous>, transform_indices = @transform_8, window_bounds = array<i64: 1, 128>}, {pipeline_mode = #tpu.pipeline_mode<synchronous>, transform_indices = @transform_9, window_bounds = array<i64: 8, 128>}, {transform_indices = @transform_10, window_bounds = array<i64: 3200, 128>}, {transform_indices = @transform_11, window_bounds = array<i64: 3200, 128>}]} {
    %get3A = arith.constant 0 : index
    %get3A_0 = arith.constant 0 : index
    %get3A_1 = vector.load %arg1[%get3A, %get3A_0] : memref<3200x128xf32, #tpu.memory_space<vmem>>, vector<3200x128xf32>
    %get3A_2 = arith.constant 0 : index
    %get3A_3 = vector.load %arg2[%get3A_2] : memref<409600xf32, #tpu.memory_space<vmem>>, vector<409600xf32>
    %reshape3A = vector.shape_cast %get3A_3 : vector<409600xf32> to vector<3200x128xf32>
    %get3A_4 = arith.constant 0 : index
    %get3A_5 = arith.constant 0 : index
    %get3A_6 = vector.load %arg3[%get3A_4, %get3A_5] : memref<128x128xf32, #tpu.memory_space<vmem>>, vector<128x128xf32>
    %dot_general3A = arith.constant dense<0.000000e+00> : vector<3200x128xf32>
    %dot_general3A_7 = tpu.matmul %get3A_1, %get3A_6, %dot_general3A {dimension_numbers = #tpu.dot_dimension_numbers<[1], [0], [0], [1], [0, 0, 1, 1], [], []>, transpose_lhs_hint = false} : vector<3200x128xf32>, vector<128x128xf32>, vector<3200x128xf32> -> vector<3200x128xf32>
    %add3A = arith.addf %reshape3A, %dot_general3A_7 : vector<3200x128xf32>
    %max3A = arith.constant 0.000000e+00 : f32
    %max3A_8 = vector.broadcast %max3A : f32 to vector<3200x128xf32>
    %max3A_9 = arith.maximumf %add3A, %max3A_8 : vector<3200x128xf32>
    %get3A_10 = arith.constant 0 : index
    %get3A_11 = arith.constant 0 : index
    %get3A_12 = vector.load %arg4[%get3A_10, %get3A_11] : memref<128x128xf32, #tpu.memory_space<vmem>>, vector<128x128xf32>
    %dot_general3A_13 = arith.constant dense<0.000000e+00> : vector<3200x128xf32>
    %dot_general3A_14 = tpu.matmul %max3A_9, %get3A_12, %dot_general3A_13 {dimension_numbers = #tpu.dot_dimension_numbers<[1], [0], [0], [1], [0, 0, 1, 1], [], []>, transpose_lhs_hint = false} : vector<3200x128xf32>, vector<128x128xf32>, vector<3200x128xf32> -> vector<3200x128xf32>
    %get3A_15 = arith.constant 0 : index
    %get3A_16 = arith.constant 0 : index
    %get3A_17 = vector.load %arg5[%get3A_15, %get3A_16] : memref<1x128xf32, #tpu.memory_space<vmem>>, vector<1x128xf32>
    %add3A_18 = vector.broadcast %get3A_17 : vector<1x128xf32> to vector<3200x128xf32>
    %add3A_19 = arith.addf %dot_general3A_14, %add3A_18 : vector<3200x128xf32>
    %max3A_20 = arith.constant 0.000000e+00 : f32
    %max3A_21 = vector.broadcast %max3A_20 : f32 to vector<3200x128xf32>
    %max3A_22 = arith.maximumf %add3A_19, %max3A_21 : vector<3200x128xf32>
    %get3A_23 = arith.constant 0 : index
    %get3A_24 = arith.constant 0 : index
    %get3A_25 = vector.load %arg6[%get3A_23, %get3A_24] : memref<128x8xf32, #tpu.memory_space<vmem>>, vector<128x8xf32>
    %dot_general3A_26 = arith.constant dense<0.000000e+00> : vector<8x3200xf32>
    %dot_general3A_27 = tpu.matmul %get3A_25, %max3A_22, %dot_general3A_26 {dimension_numbers = #tpu.dot_dimension_numbers<[0], [1], [1], [0], [0, 1, 1, 0], [], []>, transpose_lhs_hint = false} : vector<128x8xf32>, vector<3200x128xf32>, vector<8x3200xf32> -> vector<8x3200xf32>
    %get3A_28 = arith.constant 0 : index
    %get3A_29 = arith.constant 0 : index
    %get3A_30 = vector.load %arg7[%get3A_28, %get3A_29] : memref<8x1xf32, #tpu.memory_space<vmem>>, vector<8x1xf32>
    %add3A_31 = vector.broadcast %get3A_30 : vector<8x1xf32> to vector<8x3200xf32>
    %add3A_32 = arith.addf %dot_general3A_27, %add3A_31 : vector<8x3200xf32>
    %exp3A = math.exp %add3A_32 : vector<8x3200xf32>
    %get3A_33 = arith.constant 0 : index
    %get3A_34 = arith.constant 0 : index
    %get3A_35 = vector.load %arg10[%get3A_33, %get3A_34] : memref<8x128xf32, #tpu.memory_space<vmem>>, vector<8x128xf32>
    %dot_general3A_36 = arith.constant dense<0.000000e+00> : vector<3200x128xf32>
    %dot_general3A_37 = tpu.matmul %exp3A, %get3A_35, %dot_general3A_36 {dimension_numbers = #tpu.dot_dimension_numbers<[0], [0], [1], [1], [0, 1, 1, 1], [], []>, transpose_lhs_hint = false} : vector<8x3200xf32>, vector<8x128xf32>, vector<3200x128xf32> -> vector<3200x128xf32>
    %swap3A = arith.constant 0 : index
    %swap3A_38 = arith.constant 0 : index
    %swap3A_39 = vector.load %arg11[%swap3A, %swap3A_38] : memref<3200x128xf32, #tpu.memory_space<vmem>>, vector<3200x128xf32>
    tpu.vector_store %arg11[%swap3A, %swap3A_38], %dot_general3A_37 {strides = array<i32>} : memref<3200x128xf32, #tpu.memory_space<vmem>>, vector<3200x128xf32>,
    %get3A_40 = arith.constant 0 : index
    %get3A_41 = arith.constant 0 : index
    %get3A_42 = vector.load %arg8[%get3A_40, %get3A_41] : memref<128x128xf32, #tpu.memory_space<vmem>>, vector<128x128xf32>
    %dot_general3A_43 = arith.constant dense<0.000000e+00> : vector<3200x128xf32>
    %dot_general3A_44 = tpu.matmul %get3A_1, %get3A_42, %dot_general3A_43 {dimension_numbers = #tpu.dot_dimension_numbers<[1], [0], [0], [1], [0, 0, 1, 1], [], []>, transpose_lhs_hint = false} : vector<3200x128xf32>, vector<128x128xf32>, vector<3200x128xf32> -> vector<3200x128xf32>
    %get3A_45 = arith.constant 0 : index
    %get3A_46 = arith.constant 0 : index
    %get3A_47 = vector.load %arg9[%get3A_45, %get3A_46] : memref<1x128xf32, #tpu.memory_space<vmem>>, vector<1x128xf32>
    %add3A_48 = vector.broadcast %get3A_47 : vector<1x128xf32> to vector<3200x128xf32>
    %add3A_49 = arith.addf %dot_general3A_44, %add3A_48 : vector<3200x128xf32>
    %mul3A = arith.constant 5.000000e-01 : f32
    %mul3A_50 = vector.broadcast %mul3A : f32 to vector<3200x128xf32>
    %mul3A_51 = arith.mulf %add3A_49, %mul3A_50 : vector<3200x128xf32>
    %mul3A_52 = arith.constant 0.707106769 : f32
    %mul3A_53 = vector.broadcast %mul3A_52 : f32 to vector<3200x128xf32>
    %mul3A_54 = arith.mulf %add3A_49, %mul3A_53 : vector<3200x128xf32>
    %erf3A = math.erf %mul3A_54 : vector<3200x128xf32>
    %add3A_55 = arith.constant 1.000000e+00 : f32
    %add3A_56 = vector.broadcast %add3A_55 : f32 to vector<3200x128xf32>
    %add3A_57 = arith.addf %add3A_56, %erf3A : vector<3200x128xf32>
    %mul3A_58 = arith.mulf %mul3A_51, %add3A_57 : vector<3200x128xf32>
    %mul3A_59 = arith.mulf %mul3A_58, %dot_general3A_37 : vector<3200x128xf32>
    %swap3A_60 = arith.constant 0 : index
    %swap3A_61 = arith.constant 0 : index
    %swap3A_62 = vector.load %arg12[%swap3A_60, %swap3A_61] : memref<3200x128xf32, #tpu.memory_space<vmem>>, vector<3200x128xf32>
    tpu.vector_store %arg12[%swap3A_60, %swap3A_61], %mul3A_59 {strides = array<i32>} : memref<3200x128xf32, #tpu.memory_space<vmem>>, vector<3200x128xf32>,
    return
  }
  func.func @transform_0(%arg0: i32) -> (i32, i32) {
    %add3A = arith.constant 50 : i32
    %add3A_0 = arith.addi %arg0, %add3A : i32
    %c0_i32 = arith.constant 0 : i32
    %c0_i32_1 = arith.constant 0 : i32
    return %add3A_0, %c0_i32 : i32, i32
  }
  func.func @transform_1(%arg0: i32) -> i32 {
    %c0_i32 = arith.constant 0 : i32
    return %arg0 : i32
  }
  func.func @transform_2(%arg0: i32) -> (i32, i32) {
    %c0_i32 = arith.constant 0 : i32
    %c0_i32_0 = arith.constant 0 : i32
    %c0_i32_1 = arith.constant 0 : i32
    return %c0_i32, %c0_i32_0 : i32, i32
  }
  func.func @transform_3(%arg0: i32) -> (i32, i32) {
    %c0_i32 = arith.constant 0 : i32
    %c0_i32_0 = arith.constant 0 : i32
    %c0_i32_1 = arith.constant 0 : i32
    return %c0_i32, %c0_i32_0 : i32, i32
  }
  func.func @transform_4(%arg0: i32) -> (i32, i32) {
    %c0_i32 = arith.constant 0 : i32
    %c0_i32_0 = arith.constant 0 : i32
    %c0_i32_1 = arith.constant 0 : i32
    return %c0_i32, %c0_i32_0 : i32, i32
  }
  func.func @transform_5(%arg0: i32) -> (i32, i32) {
    %c0_i32 = arith.constant 0 : i32
    %c0_i32_0 = arith.constant 0 : i32
    %c0_i32_1 = arith.constant 0 : i32
    return %c0_i32, %c0_i32_0 : i32, i32
  }
  func.func @transform_6(%arg0: i32) -> (i32, i32) {
    %c0_i32 = arith.constant 0 : i32
    %c0_i32_0 = arith.constant 0 : i32
    %c0_i32_1 = arith.constant 0 : i32
    return %c0_i32, %c0_i32_0 : i32, i32
  }
  func.func @transform_7(%arg0: i32) -> (i32, i32) {
    %c0_i32 = arith.constant 0 : i32
    %c0_i32_0 = arith.constant 0 : i32
    %c0_i32_1 = arith.constant 0 : i32
    return %c0_i32, %c0_i32_0 : i32, i32
  }
  func.func @transform_8(%arg0: i32) -> (i32, i32) {
    %c0_i32 = arith.constant 0 : i32
    %c0_i32_0 = arith.constant 0 : i32
    %c0_i32_1 = arith.constant 0 : i32
    return %c0_i32, %c0_i32_0 : i32, i32
  }
  func.func @transform_9(%arg0: i32) -> (i32, i32) {
    %c0_i32 = arith.constant 0 : i32
    %c0_i32_0 = arith.constant 0 : i32
    %c0_i32_1 = arith.constant 0 : i32
    return %c0_i32, %c0_i32_0 : i32, i32
  }
  func.func @transform_10(%arg0: i32) -> (i32, i32) {
    %c0_i32 = arith.constant 0 : i32
    %c0_i32_0 = arith.constant 0 : i32
    return %arg0, %c0_i32 : i32, i32
  }
  func.func @transform_11(%arg0: i32) -> (i32, i32) {
    %c0_i32 = arith.constant 0 : i32
    %c0_i32_0 = arith.constant 0 : i32
    return %arg0, %c0_i32 : i32, i32
  }
}

module attributes {stable_mosaic.version = 14 : i64} {
  func.func @_p5_body(%arg0: memref<10000x128xf32, #tpu.memory_space<vmem>>, %arg1: memref<10000x128xf32, #tpu.memory_space<vmem>>, %arg2: memref<10000x128xf32, #tpu.memory_space<vmem>>, %arg3: memref<128x128xf32, #tpu.memory_space<vmem>>, %arg4: memref<128x128xf32, #tpu.memory_space<vmem>>, %arg5: memref<1x128xf32, #tpu.memory_space<vmem>>, %arg6: memref<10000x128xf32, #tpu.memory_space<vmem>>) attributes {dimension_semantics = [], scalar_prefetch = 0 : i64, scratch_operands = 0 : i64, tpu.core_type = #tpu.core_type<tc>} {
    %get3A = arith.constant 0 : index
    %get3A_0 = arith.constant 0 : index
    %get3A_1 = vector.load %arg0[%get3A, %get3A_0] : memref<10000x128xf32, #tpu.memory_space<vmem>>, vector<10000x128xf32>
    %get3A_2 = arith.constant 0 : index
    %get3A_3 = arith.constant 0 : index
    %get3A_4 = vector.load %arg1[%get3A_2, %get3A_3] : memref<10000x128xf32, #tpu.memory_space<vmem>>, vector<10000x128xf32>
    %add3A = arith.constant 1.000000e-30 : f32
    %add3A_5 = vector.broadcast %add3A : f32 to vector<10000x128xf32>
    %add3A_6 = arith.addf %get3A_4, %add3A_5 : vector<10000x128xf32>
    %div3A = arith.divf %get3A_1, %add3A_6 : vector<10000x128xf32>
    %get3A_7 = arith.constant 0 : index
    %get3A_8 = arith.constant 0 : index
    %get3A_9 = vector.load %arg4[%get3A_7, %get3A_8] : memref<128x128xf32, #tpu.memory_space<vmem>>, vector<128x128xf32>
    %dot_general3A = arith.constant dense<0.000000e+00> : vector<10000x128xf32>
    %dot_general3A_10 = tpu.matmul %div3A, %get3A_9, %dot_general3A {dimension_numbers = #tpu.dot_dimension_numbers<[1], [0], [0], [1], [0, 0, 1, 1], [], []>, transpose_lhs_hint = false} : vector<10000x128xf32>, vector<128x128xf32>, vector<10000x128xf32> -> vector<10000x128xf32>
    %get3A_11 = arith.constant 0 : index
    %get3A_12 = arith.constant 0 : index
    %get3A_13 = vector.load %arg5[%get3A_11, %get3A_12] : memref<1x128xf32, #tpu.memory_space<vmem>>, vector<1x128xf32>
    %add3A_14 = vector.broadcast %get3A_13 : vector<1x128xf32> to vector<10000x128xf32>
    %add3A_15 = arith.addf %dot_general3A_10, %add3A_14 : vector<10000x128xf32>
    %logistic3A = arith.negf %add3A_15 : vector<10000x128xf32>
    %logistic3A_16 = math.exp %logistic3A : vector<10000x128xf32>
    %logistic3A_17 = arith.constant 1.000000e+00 : f32
    %logistic3A_18 = vector.broadcast %logistic3A_17 : f32 to vector<10000x128xf32>
    %logistic3A_19 = arith.addf %logistic3A_18, %logistic3A_16 : vector<10000x128xf32>
    %logistic3A_20 = arith.divf %logistic3A_18, %logistic3A_19 : vector<10000x128xf32>
    %get3A_21 = arith.constant 0 : index
    %get3A_22 = arith.constant 0 : index
    %get3A_23 = vector.load %arg2[%get3A_21, %get3A_22] : memref<10000x128xf32, #tpu.memory_space<vmem>>, vector<10000x128xf32>
    %get3A_24 = arith.constant 0 : index
    %get3A_25 = arith.constant 0 : index
    %get3A_26 = vector.load %arg3[%get3A_24, %get3A_25] : memref<128x128xf32, #tpu.memory_space<vmem>>, vector<128x128xf32>
    %dot_general3A_27 = arith.constant dense<0.000000e+00> : vector<10000x128xf32>
    %dot_general3A_28 = tpu.matmul %div3A, %get3A_26, %dot_general3A_27 {dimension_numbers = #tpu.dot_dimension_numbers<[1], [0], [0], [1], [0, 0, 1, 1], [], []>, transpose_lhs_hint = false} : vector<10000x128xf32>, vector<128x128xf32>, vector<10000x128xf32> -> vector<10000x128xf32>
    %mul3A = arith.mulf %dot_general3A_28, %logistic3A_20 : vector<10000x128xf32>
    %add3A_29 = arith.addf %get3A_23, %mul3A : vector<10000x128xf32>
    %swap3A = arith.constant 0 : index
    %swap3A_30 = arith.constant 0 : index
    %swap3A_31 = vector.load %arg6[%swap3A, %swap3A_30] : memref<10000x128xf32, #tpu.memory_space<vmem>>, vector<10000x128xf32>
    tpu.vector_store %arg6[%swap3A, %swap3A_30], %add3A_29 {strides = array<i32>} : memref<10000x128xf32, #tpu.memory_space<vmem>>, vector<10000x128xf32>,
    return
  }
}

</mosaic_0001>

<sc_bundles>
// kernel: kernel.10.cloned.1.call-start
scs
__scs_entry_jumppad:
0x0: {  	(pc) =	sbr.rel $0x88, $3  }
0x1: {  	(tag) =	ssettag $0x0;
	lr =	simm.s32 $0x1  }
0x2: {  	[smem:$0x3F93] =	sst lr;
	_ =	strace $0xD0000000  }
0x3: {  	_ = 	snop  }
0x4: {  	_ = 	snop  }
0x5: {  	_ = 	snop  }
0x6: {  	_ = 	snop  }
0x7: {  	_ = 	snop  }
__scs_overlays_trampoline_lowered:
0x8: {  	[smem:$0x3FA2] =	sst s0  }
0x9: {  	[smem:$0x3FA3] =	sst s1  }
0xa: {  	[smem:$0x3FA4] =	sst s2  }
0xb: {  	[smem:$0x3FA5] =	sst s3  }
0xc: {  	[smem:$0x3FA6] =	sst s4  }
0xd: {  	[smem:$0x3FA7] =	sst s5  }
0xe: {  	[smem:$0x3FA8] =	sst s6  }
0xf: {  	[smem:$0x3FA9] =	sst s7  }
0x10: {  	[smem:$0x3FAA] =	sst s8  }
0x11: {  	[smem:$0x3FAB] =	sst s9;
	s0 =	simm.s32 @!p0 $0x0  }
0x12: {  	s1 =	sld [smem:$0x3F91];
	s0 =	simm.s32 @p0 $0x1  }
0x13: {  	[smem:$0x3FAC] =	sst s0;
	s0 =	simm.s32 @!p1 $0x0  }
0x14: {  	s2 =	sld [smem:$0x3F90];
	s0 =	simm.s32 @p1 $0x1  }
0x15: {  	[smem:$0x3FAD] =	sst s0;
	s0 =	simm.s32 @!p2 $0x0  }
0x16: {  	s3 =	sld [smem:$0x3FDB];
	s0 =	simm.s32 @p2 $0x1  }
0x17: {  	s4 =	simm.s32 $0x1BF5;
	[smem:$0x3FAF] =	sst s0  }
0x18: {  	s0 =	sld [smem:$0x3F92];
	_ =	swait.ge [sflag:s4], $0x0  }
0x19: {  	s7 =	sld [smem:$0x3F93]  }
0x1a: {  	s8 =	sadd.s32 $0xFFFFE003, lr  }
0x1b: {  	s9 =	sadd.s32 $0xFFFFFEF7, lr;
	s5 =	simm.s32 $0xFFFFFFFF;
	p2 =	slt.u32 s8, $0xFFFFF086  }
0x1c: {  	p1 =	slt.u32 s9, $0xF7A;
	s5 =	simm.s32 @!p2 $0x0  }
0x1d: {  	s5 =	simm.s32 @p1 $0x1;
	p0 =	seq.s32 s7, s2  }
0x1e: {  	s7 =	smul.u32 @!p0 $0xF7A, s2;
	p2 =	seq.s32 @!p0 s5, $0x0  }
0x1f: {  	s9 =	smul.u32 $0xF7A, s1;
	s8 =	simm.s32 @!p0 $0x1BF5;
	p2 =	por !p2, p0  }
0x20: {  	[sflag:s8] =	ssyncset.s32 @!p0 $0xFFFFF086;
	s6 =	sadd.s32 @!p0 s3, s7;
	s7 =	simm.s32 @!p0 $0x108  }
0x21: {  	s3 =	sadd.s32 s3, s9;
	s6 =	sadd.s32 @!p0 $0x88, s6;
	s7 =	simm.s32 @p2 $0x1082  }
0x22: {  	[simem:s7], [sflag:s8] =	dma.local @!p0 [hbm:s6], $0xF7A  }
0x23: {  	s9 =	sor.u32 $0xD0000000, s2;
	s6 =	simm.s32 $0x108;
	_ =	swait.ge @!p0 [sflag:s8], $0x0  }
0x24: {  	s3 =	sadd.s32 $0x88, s3;
	s6 =	simm.s32 @!p1 $0x1082;
	[sflag:s4] =	ssyncset.s32 $0xFFFFF086  }
0x25: {  	[simem:s6], [sflag:s4] =	dma.local [hbm:s3], $0xF7A  }
0x26: {  	[smem:$0x3F93] =	sst s1;
	(tag) =	ssettag s2;
	_ =	strace s9  }
0x27: {  	s1 =	sld [smem:$0x3FA3]  }
0x28: {  	s2 =	sld [smem:$0x3FA4]  }
0x29: {  	s4 =	sld [smem:$0x3FA6]  }
0x2a: {  	p0 =	seq.s32 s5, $0x0;
	s5 =	sld [smem:$0x3FA7]  }
0x2b: {  	s6 =	sld [smem:$0x3FA8]  }
0x2c: {  	s7 =	sld [smem:$0x3FA9]  }
0x2d: {  	s3 =	simm.s32 $0x108;
	s8 =	sld [smem:$0x3FAA]  }
0x2e: {  	s3 =	simm.s32 @!p0 $0x1082;
	s9 =	sld [smem:$0x3FAB]  }
0x2f: {  	lr =	sadd.s32 s0, s3;
	s0 =	sld [smem:$0x3FA2]  }
0x30: {  	s3 =	sld [smem:$0x3FA5]  }
0x31: {  	[smem:$0x3FAE] =	sst s10  }
0x32: {  	s10 =	sld [smem:$0x3FAC];
	_ =	sdelay $0x3  }
0x33: {  	p0 =	seq.s32 s10, $0x1;
	s10 =	sld [smem:$0x3FAE];
	_ =	sdelay $0x3  }
0x34: {  	[smem:$0x3FAE] =	sst s10  }
0x35: {  	s10 =	sld [smem:$0x3FAD];
	_ =	sdelay $0x3  }
0x36: {  	p1 =	seq.s32 s10, $0x1;
	s10 =	sld [smem:$0x3FAE];
	_ =	sdelay $0x3  }
0x37: {  	[smem:$0x3FAE] =	sst s10  }
0x38: {  	s10 =	sld [smem:$0x3FAF]  }
0x39: {  	_ = 	snop;
	(pc) =	sbr.ind lr, $3  }
0x3a: {  	_ = 	snop  }
0x3b: {  	_ = 	snop  }
0x3c: {  	p2 =	seq.s32 s10, $0x1;
	s10 =	sld [smem:$0x3FAE]  }
0x3d: {  	_ =	shalt  }
0x3e: {  	_ =	shalt  }
0x3f: {  	_ =	shalt  }
0x40: {  	_ =	shalt  }
0x41: {  	_ =	shalt  }
0x42: {  	_ =	shalt  }
0x43: {  	_ =	shalt  }
0x44: {  	_ =	shalt  }
0x45: {  	_ =	shalt  }
0x46: {  	_ =	shalt  }
0x47: {  	_ =	shalt  }
0x48: {  	_ =	shalt  }
0x49: {  	_ =	shalt  }
0x4a: {  	_ =	shalt  }
0x4b: {  	_ =	shalt  }
0x4c: {  	_ =	shalt  }
0x4d: {  	_ =	shalt  }
0x4e: {  	_ =	shalt  }
0x4f: {  	_ =	shalt  }
0x50: {  	_ =	shalt  }
0x51: {  	_ =	shalt  }
0x52: {  	_ =	shalt  }
0x53: {  	_ =	shalt  }
0x54: {  	_ =	shalt  }
0x55: {  	_ =	shalt  }
0x56: {  	_ =	shalt  }
0x57: {  	_ =	shalt  }
0x58: {  	_ =	shalt  }
0x59: {  	_ =	shalt  }
0x5a: {  	_ =	shalt  }
0x5b: {  	_ =	shalt  }
0x5c: {  	_ =	shalt  }
0x5d: {  	_ =	shalt  }
0x5e: {  	_ =	shalt  }
0x5f: {  	_ =	shalt  }
0x60: {  	_ =	shalt  }
0x61: {  	_ =	shalt  }
0x62: {  	_ =	shalt  }
0x63: {  	_ =	shalt  }
0x64: {  	_ =	shalt  }
0x65: {  	_ =	shalt  }
0x66: {  	_ =	shalt  }
0x67: {  	_ =	shalt  }
0x68: {  	_ =	shalt  }
0x69: {  	_ =	shalt  }
0x6a: {  	_ =	shalt  }
0x6b: {  	_ =	shalt  }
0x6c: {  	_ =	shalt  }
0x6d: {  	_ =	shalt  }
0x6e: {  	_ =	shalt  }
0x6f: {  	_ =	shalt  }
0x70: {  	_ =	shalt  }
0x71: {  	_ =	shalt  }
0x72: {  	_ =	shalt  }
0x73: {  	_ =	shalt  }
0x74: {  	_ =	shalt  }
0x75: {  	_ =	shalt  }
0x76: {  	_ =	shalt  }
0x77: {  	_ =	shalt  }
0x78: {  	_ =	shalt  }
0x79: {  	_ =	shalt  }
0x7a: {  	_ =	shalt  }
0x7b: {  	_ =	shalt  }
0x7c: {  	_ =	shalt  }
0x7d: {  	_ =	shalt  }
0x7e: {  	_ =	shalt  }
0x7f: {  	_ =	shalt  }
0x80: {  	_ =	shalt  }
0x81: {  	_ =	shalt  }
0x82: {  	_ =	shalt  }
0x83: {  	_ =	shalt  }
0x84: {  	_ =	shalt  }
0x85: {  	_ =	shalt  }
0x86: {  	_ =	shalt  }
0x87: {  	_ =	shalt  }
.Lfunc_end0:
.L_simem_size_0:
called_computation_lowered:
.L_overlay_start_0:
0x88: {  	s2 =	sld [smem:$0x3FD9]  }
0x89: {  	s3 =	sld [smem:$0x3FFE];
	_ =	sdelay $0x1  }
0x8a: {  	s1 =	srdreg.scid  }
0x8b: {  	s0 =	sand.u32 $0x1, s1  }
0x8c: {  	s17 =	sshll.u32 s0, $0xA;
	s2 =	sadd.s32 s3, s2  }
0x8d: {  	s2 =	sadd.s32 s2, s17  }
0x8e: {  	[smem:$0x3FBA] =	sst s2  }
0x8f: {  	_ = 	snop  }
0x90: {  	s2 =	sld [smem:$0x3FD0];
	(tm) =	ssettm $0x1  }
0x91: {  	s18 =	sld [smem:$0x3FFB];
	_ =	sdelay $0x3  }
0x92: {  	_ =	strace s18  }
0x93: {  	s3 =	sld [smem:$0x3FFC];
	_ =	sdelay $0x3  }
0x94: {  	_ =	strace s3  }
0x95: {  	s3 =	sld [smem:$0x3FFD];
	_ =	sdelay $0x3  }
0x96: {  	_ =	strace s3  }
0x97: {  	_ =	strace $0x8FFFFFFF  }
0x98: {  	s19 =	sld [smem:$0x3FDB];
	_ =	sdelay $0x1  }
0x99: {  	s4 =	simm.s32 $_scs_section_size  }
0x9a: {  	s5 =	simm.s32 $_size__tile_overlayer_lowered;
	s6 =	simm.s32 $_tile_overlayer_lowered  }
0x9b: {  	s22 =	simm.s32 $0x1BFF;
	s21 =	sshll.u32 s6, $0x1;
	s3 =	sadd.s32 s4, s19  }
0x9c: {  	s7 =	simm.s32 $0x0;
	s20 =	sshll.u32 s5, $0x1;
	s5 =	sadd.s32 s21, s3  }
0x9d: {  	[timem:s7], [sflag:s22] =	dma.local [hbm:s5], s20  }
0x9e: {  	_ =	swait.ge [sflag:s22], s20  }
0x9f: {  	s4 =	ssub.s32 $0x0, s20;
	[sflag:s22] =	ssyncset.done $0x0  }
0xa0: {  	[sflag:s22] =	ssyncadd.s32 s4;
	_ =	sdelay $0x1  }
0xa1: {  	s23 =	simm.s32 $0x1B8B  }
0xa2: {  	_ =	swait.ge [sflag:s23], $0x1  }
0xa3: {  	[sflag:s23] =	ssyncset.done $0x0  }
0xa4: {  	s25 =	simm.s32 $0x1B8E;
	s24 =	sld [smem:$0x3FFE];
	[sflag:s23] =	ssyncadd.s32 $0xFFFFFFFF  }
0xa5: {  	s26 =	simm.s32 $execute0_lowered;
	[smem:$0x3FD2] =	sst s25  }
0xa6: {  	s5 =	sshll.u32 s26, $0x1;
	_ =	strace $0x80000046;
	[dreg:$0x1] =	wrdreg $0xFFFFFFFF  }
0xa7: {  	s28 =	simm.s32 $_size_execute0_lowered;
	s3 =	sadd.s32 s3, s5;
	[dreg:$0x0] =	wrdreg $0x0  }
0xa8: {  	s5 =	sshll.u32 s28, $0x1;
	[dreg:$0x2] =	wrdreg s3  }
0xa9: {  	[dreg:$0x3] =	wrdreg s5  }
0xaa: {  	[dreg:$0x4] =	wrdreg $0xC0  }
0xab: {  	_ =	task [dreg:s7], $0x5FFFF  }
0xac: {  	[dreg:$0x1] =	wrdreg $0xFFFFFFFF  }
0xad: {  	[dreg:$0x0] =	wrdreg $0x60  }
0xae: {  	[dreg:$0x2] =	wrdreg s2  }
0xaf: {  	[dreg:$0x3] =	wrdreg s24  }
0xb0: {  	[dreg:$0x4] =	wrdreg $0xA  }
0xb1: {  	_ =	task.clear_ibuf [dreg:s7], $0x5FFFF;
	_ =	strace $0x90000046  }
0xb2: {  	s29 =	simm.s32 $0xA;
	_ =	strace $0x80000048  }
0xb3: {  	_ =	swait.ge [sflag:s29], $0x1  }
0xb4: {  	[sflag:s29] =	ssyncadd.s32 $0xFFFFFFFF  }
0xb5: {  	_ =	strace $0x90000048  }
0xb6: {  	_ =	sfence  }
0xb7: {  	s30 =	sld [smem:$0x0];
	_ =	sdelay $0x2  }
0xb8: {  	s31 =	sshll.u32 s1, $0xD;
	s1 =	sshrl.u32 s1, $0x2  }
0xb9: {  	s3 =	sand.u32 $0x4000, s31;
	s1 =	sadd.s32 s1, s30  }
0xba: {  	s0 =	sor.u32 s3, s0;
	s1 =	sshll.u32 s1, $0x11  }
0xbb: {  	s0 =	sor.u32 s1, s0  }
0xbc: {  	s0 =	sadd.s32 $0x8F2B, s0  }
0xbd: {  	[sflag:s0] =	ssyncadd.remote.s32 $0x1  }
0xbe: {  	_ =	sfence.sel $0xFFFF  }
0xbf: {  	[dreg:$0x0] =	wrdreg $0xFFFFFFFF;
	(pc) =	sbr.abs _section_cstart, $3  }
0xc0: {  	[dreg:$0x1] =	wrdreg $0xFFFFFFFF  }
0xc1: {  	_ =	task.clear_ibuf [dreg:s7], $0x2FFFF;
	_ =	strace $0x9FFFFFFF  }
0xc2: {  	(tm) =	ssettm $0x7FFFFFFF  }
0xc3: {  	_ =	shalt  }
tec
execute0_lowered:
.L_overlay_start_1:
0x0: {  	(tag) =	ssettag $0x1  }
0x1: {  	s1 =	rddreg [dreg:$0x0]  }
0x2: {  	s8 =	rddreg [dreg:$0x1]  }
0x3: {  	s0 =	rddreg [dreg:$0x2];
	s2 =	simm.s32 $0x0  }
0x4: {  	s3 =	srdreg.scid;
	s4 =	stileid.u32;
	s11 =	simm.s32 $0x4  }
0x5: {  	s12 =	simm.s32 $0x100;
	s13 =	simm.s32 $0x200;
	s14 =	simm.s32 $0x8200  }
0x6: {  	s15 =	simm.s32 $0x1;
	s16 =	simm.s32 $0x2;
	s17 =	simm.s32 $0x10200  }
.Ltmp0:
0x7: {  	s18 =	simm.s32 $0x3;
	s3 =	sand.u32 $0x1, s3;
	(pc) =	sbr.rel .LBB2_1-.Ltmp0, $4  }
0x8: {  	s19 =	simm.s32 $0x0;
	[smem:$0x7FF] =	sst s2;
	s9 =	ssub.s32 $0x2, s3  }
0x9: {  	s5 =	sadd.s32 $0xDA00, s8;
	s6 =	sadd.s32 $0x8A00, s8;
	s10 =	sshrl.u32 s9, $0x1  }
0xa: {  	s7 =	sadd.s32 $0x3A00, s8;
	s8 =	sadd.s32 $0x34C00, s8;
	s10 =	ssub.s32 s9, s10  }
0xb: {  	_ =	strace $0x80000047;
	s9 =	sshll.u32 s4, $0x1;
	s10 =	smax.u32 s10, $0x1  }
.LBB2_7:
0xc: {  	s19 =	sadd.s32 $0x1, s19  }
0xd: {  	p0 =	sne.s32 s19, s10  }
.Ltmp1:
0xe: {  	_ = 	snop;
	(pc) =	sbr.rel @!p0 .LBB2_8-.Ltmp1, $1  }
0xf: {  	_ =	sdelay $0x3  }
.LBB2_1:
.Ltmp2:
0x10: {  	(pc) =	sbr.rel .LBB2_2-.Ltmp2, $2  }
0x11: {  	_ =	sdelay $0x2  }
0x12: {  	s20 =	simm.s32 $0x0  }
.LBB2_6:
0x13: {  	s20 =	sadd.s32 $0x1, s20  }
0x14: {  	p0 =	sne.s32 s20, $0x14  }
.Ltmp3:
0x15: {  	_ = 	snop;
	(pc) =	sbr.rel @!p0 .LBB2_7-.Ltmp3, $1  }
0x16: {  	_ =	sdelay $0x3  }
.LBB2_2:
0x17: {  	s21 =	sshll.u32 s20, $0x5  }
0x18: {  	s21 =	sor.u32 s21, s9  }
0x19: {  	s21 =	sor.u32 s3, s21  }
0x1a: {  	p0 =	sgt.u32 s21, $0x270  }
.Ltmp4:
0x1b: {  	_ = 	snop;
	(pc) =	sbr.rel @p0 .LBB2_6-.Ltmp4, $1  }
0x1c: {  	_ =	sdelay $0x3  }
0x1d: {  	s22 =	sshll.u32 s21, $0x5  }
0x1e: {  	s24 =	simm.s32 $0x0;
	s23 =	sadd.s32 s6, s22  }
0x1f: {  	[tilespmem:s24], [sflag:$0x4] =	stream.linear.gather [hbm4b:s23+s24], $0x100, $0x38;
	[tilespmem:$0x18200] =	vst v63  }
0x20: {  	_ =	swait.ge [sflag:s11], $0x100  }
0x21: {  	[sflag:s11] =	ssyncset.done $0x0  }
0x22: {  	s22 =	sadd.s32 s7, s22;
	[sflag:s11] =	ssyncadd.s32 $0xFFFFFF00  }
0x23: {  	[tilespmem:s12], [sflag:$0x4] =	stream.linear.gather [hbm4b:s22+s24], $0x100, $0x38;
	[tilespmem:$0x18200] =	vst v63  }
0x24: {  	_ =	swait.ge [sflag:s11], $0x100  }
0x25: {  	[sflag:s11] =	ssyncset.done $0x0  }
0x26: {  	[sflag:s11] =	ssyncadd.s32 $0xFFFFFF00  }
0x27: {  	[tilespmem:s13], [sflag:$0x1] =	stream.indirect.gather [hbm4b:s1+s12], $0x80, s24, s12, $0xb8;
	[tilespmem:$0x18200] =	vst v63  }
0x28: {  	_ = 	snop  }
0x29: {  	[tilespmem:s14], [sflag:$0x2] =	stream.indirect.gather [hbm4b:s5+s12], $0x80, s12, s12, $0xb8;
	[tilespmem:$0x18200] =	vst v63  }
0x2a: {  	_ =	swait.ge [sflag:s15], $0x8000  }
0x2b: {  	[sflag:s15] =	ssyncset.done $0x0  }
0x2c: {  	[sflag:s15] =	ssyncadd.s32 $0xFFFF8000  }
0x2d: {  	_ =	swait.ge [sflag:s16], $0x8000  }
0x2e: {  	[sflag:s16] =	ssyncset.done $0x0  }
0x2f: {  	s22 =	simm.s32 $0x0;
	[sflag:s16] =	ssyncadd.s32 $0xFFFF8000  }
0x30: {  	v0 =	vld [tilespmem:s22+$0x270]  }
0x31: {  	v1 =	vld [tilespmem:s22+$0x8270]  }
0x32: {  	v2 =	vld [tilespmem:s22+$0x200]  }
0x33: {  	v3 =	vld [tilespmem:s22+$0x8200]  }
0x34: {  	v4 =	vld [tilespmem:s22+$0x210]  }
0x35: {  	v5 =	vld [tilespmem:s22+$0x8210]  }
0x36: {  	v6 =	vld [tilespmem:s22+$0x220]  }
0x37: {  	v7 =	vld [tilespmem:s22+$0x230]  }
0x38: {  	v0 =	vadd.f32 v1, v0;
	v1 =	vld [tilespmem:s22+$0x8220]  }
0x39: {  	v8 =	vld [tilespmem:s22+$0x8230]  }
0x3a: {  	v9 =	vld [tilespmem:s22+$0x8240];
	v2 =	vadd.f32 v3, v2  }
0x3b: {  	[tilespmem:s22+$0x10270] =	vst v0;
	v0 =	vadd.f32 v5, v4;
	v5 =	vld [tilespmem:s22+$0x240]  }
0x3c: {  	v3 =	vld [tilespmem:s22+$0x8250];
	[tilespmem:s22+$0x10200] =	vst v2  }
0x3d: {  	v2 =	vld [tilespmem:s22+$0x250];
	[tilespmem:s22+$0x10210] =	vst v0;
	v0 =	vadd.f32 v1, v6  }
0x3e: {  	v4 =	vld [tilespmem:s22+$0x8260];
	v6 =	vadd.f32 v8, v7  }
0x3f: {  	s23 =	simm.s32 $0x80;
	[tilespmem:s22+$0x10220] =	vst v0;
	v0 =	vld [tilespmem:s22+$0x260]  }
0x40: {  	s24 =	simm.s32 $0x400;
	v5 =	vadd.f32 v9, v5;
	v1 =	vld [tilespmem:s23+$0x270];
	[tilespmem:s22+$0x10230] =	vst v6  }
.LBB2_4:
0x41: {  	p0 =	sne.s32 s24, $0x1FE00;
	v6 =	vld [tilespmem:s23+$0x8270]  }
0x42: {  	v7 =	vld [tilespmem:s23+$0x200];
	[tilespmem:s22+$0x10240] =	vst v5;
	v2 =	vadd.f32 v3, v2  }
0x43: {  	v3 =	vld [tilespmem:s23+$0x8200]  }
0x44: {  	v5 =	vld [tilespmem:s23+$0x210];
	[tilespmem:s22+$0x10250] =	vst v2;
	v0 =	vadd.f32 v4, v0  }
0x45: {  	v2 =	vld [tilespmem:s23+$0x8210]  }
0x46: {  	v4 =	vld [tilespmem:s23+$0x220];
	v1 =	vadd.f32 v6, v1;
	[tilespmem:s22+$0x10260] =	vst v0;
	s22 =	smov.u32 s23  }
0x47: {  	v0 =	vld [tilespmem:s22+$0x8220]  }
0x48: {  	v3 =	vadd.f32 v3, v7;
	v6 =	vld [tilespmem:s22+$0x230];
	[tilespmem:s22+$0x10270] =	vst v1  }
0x49: {  	v1 =	vld [tilespmem:s22+$0x8230]  }
0x4a: {  	[tilespmem:s22+$0x10200] =	vst v3;
	v2 =	vadd.f32 v2, v5;
	v5 =	vld [tilespmem:s22+$0x240]  }
0x4b: {  	v7 =	vld [tilespmem:s22+$0x8240]  }
.Ltmp5:
0x4c: {  	[tilespmem:s22+$0x10210] =	vst v2;
	v0 =	vadd.f32 v0, v4;
	v2 =	vld [tilespmem:s22+$0x250];
	(pc) =	sbr.rel @p0 .LBB2_4-.Ltmp5, $4  }
0x4d: {  	v3 =	vld [tilespmem:s22+$0x8250]  }
0x4e: {  	[tilespmem:s22+$0x10220] =	vst v0;
	v6 =	vadd.f32 v1, v6;
	v0 =	vld [tilespmem:s22+$0x260]  }
0x4f: {  	s23 =	sshra.s32 s24, $0x2;
	v4 =	vld [tilespmem:s22+$0x8260]  }
0x50: {  	s24 =	sadd.s32 $0x200, s24;
	v1 =	vld [tilespmem:s23+$0x270];
	[tilespmem:s22+$0x10230] =	vst v6;
	v5 =	vadd.f32 v7, v5  }
0x51: {  	v6 =	vld [tilespmem:s23+$0x8270]  }
0x52: {  	v7 =	vld [tilespmem:s23+$0x200];
	[tilespmem:s22+$0x10240] =	vst v5;
	v2 =	vadd.f32 v3, v2  }
0x53: {  	v51 =	vld [tilespmem:s23+$0x8200]  }
0x54: {  	v5 =	vld [tilespmem:s23+$0x210];
	[tilespmem:s22+$0x10250] =	vst v2;
	v0 =	vadd.f32 v4, v0  }
0x55: {  	v2 =	vld [tilespmem:s23+$0x8210]  }
0x56: {  	v52 =	vld [tilespmem:s23+$0x220];
	[tilespmem:s22+$0x10260] =	vst v0  }
0x57: {  	v54 =	vld [tilespmem:s23+$0x8220]  }
0x58: {  	v55 =	vld [tilespmem:s23+$0x230]  }
0x59: {  	v56 =	vld [tilespmem:s23+$0x8230]  }
0x5a: {  	v57 =	vld [tilespmem:s23+$0x240]  }
0x5b: {  	v58 =	vld [tilespmem:s23+$0x8240]  }
0x5c: {  	v59 =	vld [tilespmem:s23+$0x250]  }
0x5d: {  	v53 =	vadd.f32 v6, v1;
	v60 =	vld [tilespmem:s23+$0x8250]  }
0x5e: {  	v61 =	vld [tilespmem:s23+$0x260];
	v3 =	vadd.f32 v51, v7  }
0x5f: {  	v62 =	vld [tilespmem:s23+$0x8260];
	[tilespmem:s23+$0x10270] =	vst v53;
	v2 =	vadd.f32 v2, v5  }
0x60: {  	[tilespmem:s23+$0x10200] =	vst v3;
	v1 =	vadd.f32 v54, v52  }
0x61: {  	[tilespmem:s23+$0x10210] =	vst v2;
	v0 =	vadd.f32 v56, v55  }
0x62: {  	v3 =	vadd.f32 v58, v57;
	[tilespmem:s23+$0x10220] =	vst v1  }
0x63: {  	v63 =	vadd.f32 v60, v59;
	[tilespmem:s23+$0x10230] =	vst v0  }
0x64: {  	[tilespmem:s23+$0x10240] =	vst v3;
	v1 =	vadd.f32 v62, v61  }
0x65: {  	s21 =	sshll.u32 s21, $0xC;
	[tilespmem:s23+$0x10250] =	vst v63  }
.Ltmp6:
0x66: {  	s21 =	sadd.s32 s8, s21;
	[tilespmem:s23+$0x10260] =	vst v1;
	(pc) =	sbr.rel .LBB2_6-.Ltmp6, $4  }
0x67: {  	[hbm4b:s21+s2] =	stream.linear.scatter [tilespmem:s17], [sflag:$0x3], $0x8000, $0x38;
	[tilespmem:$0x18200] =	vst v63  }
0x68: {  	_ =	swait.ge [sflag:s18], $0x8000  }
0x69: {  	[sflag:s18] =	ssyncset.done $0x0  }
0x6a: {  	[sflag:s18] =	ssyncadd.s32 $0xFFFF8000  }
.LBB2_8:
0x6b: {  	_ =	sfence.sel $0x180000  }
0x6c: {  	[bflag:$0x0] =	sbarrier.arrive $0xFFFF  }
0x6d: {  	p0 =	sne.s32 s4, $0x0;
	_ =	strace $0x90000047  }
0x6e: {  	s0 =	sadd.s32 @!p0 $0x100000, s0;
	[bflag:$0x2] =	sbarrier.arrive $0xFFFF  }
0x6f: {  	[sflag:s0] =	ssyncadd.tile.s32 @!p0 $0x1;
	_ =	shalt  }
.Lfunc_end2:
_tile_overlayer_lowered:
.L_overlay_start_2:
0x70: {  	(tag) =	ssettag $0x2  }
0x71: {  	s0 =	rddreg [dreg:$0x0];
	s2 =	stileid.u32  }
0x72: {  	s1 =	rddreg [dreg:$0x1];
	p0 =	sne.s32 s2, $0x0  }
0x73: {  	s3 =	rddreg [dreg:$0x2];
	[bflag:$0x3] =	sbarrier.arrive $0xFFFF;
	s2 =	simm.s32 @!p0 $0x1C03  }
0x74: {  	[timem:s3], [sflag:s2] =	dma.local @!p0 [hbm:s0], s1  }
0x75: {  	s0 =	simm.s32 @!p0 $0x3  }
0x76: {  	_ =	swait.ge @!p0 [sflag:s0], s1  }
0x77: {  	s1 =	ssub.s32 @!p0 $0x0, s1;
	[sflag:s0] =	ssyncset.done @!p0 $0x0  }
0x78: {  	[sflag:s0] =	ssyncadd.s32 @!p0 s1  }
0x79: {  	[bflag:$0x3] =	sbarrier.arrive $0xFFFF  }
0x7a: {  	_ =	shalt  }

// kernel: kernel.13.cloned.1.call-start
scs
__scs_entry_jumppad:
0x0: {  	(pc) =	sbr.rel $0x88, $3  }
0x1: {  	(tag) =	ssettag $0x0;
	lr =	simm.s32 $0x1  }
0x2: {  	[smem:$0x3F93] =	sst lr;
	_ =	strace $0xD0000000  }
0x3: {  	_ = 	snop  }
0x4: {  	_ = 	snop  }
0x5: {  	_ = 	snop  }
0x6: {  	_ = 	snop  }
0x7: {  	_ = 	snop  }
__scs_overlays_trampoline_lowered:
0x8: {  	[smem:$0x3FA2] =	sst s0  }
0x9: {  	[smem:$0x3FA3] =	sst s1  }
0xa: {  	[smem:$0x3FA4] =	sst s2  }
0xb: {  	[smem:$0x3FA5] =	sst s3  }
0xc: {  	[smem:$0x3FA6] =	sst s4  }
0xd: {  	[smem:$0x3FA7] =	sst s5  }
0xe: {  	[smem:$0x3FA8] =	sst s6  }
0xf: {  	[smem:$0x3FA9] =	sst s7  }
0x10: {  	[smem:$0x3FAA] =	sst s8  }
0x11: {  	[smem:$0x3FAB] =	sst s9;
	s0 =	simm.s32 @!p0 $0x0  }
0x12: {  	s1 =	sld [smem:$0x3F91];
	s0 =	simm.s32 @p0 $0x1  }
0x13: {  	[smem:$0x3FAC] =	sst s0;
	s0 =	simm.s32 @!p1 $0x0  }
0x14: {  	s2 =	sld [smem:$0x3F90];
	s0 =	simm.s32 @p1 $0x1  }
0x15: {  	[smem:$0x3FAD] =	sst s0;
	s0 =	simm.s32 @!p2 $0x0  }
0x16: {  	s3 =	sld [smem:$0x3FDB];
	s0 =	simm.s32 @p2 $0x1  }
0x17: {  	s4 =	simm.s32 $0x1BF5;
	[smem:$0x3FAF] =	sst s0  }
0x18: {  	s0 =	sld [smem:$0x3F92];
	_ =	swait.ge [sflag:s4], $0x0  }
0x19: {  	s7 =	sld [smem:$0x3F93]  }
0x1a: {  	s8 =	sadd.s32 $0xFFFFE003, lr  }
0x1b: {  	s9 =	sadd.s32 $0xFFFFFEF7, lr;
	s5 =	simm.s32 $0xFFFFFFFF;
	p2 =	slt.u32 s8, $0xFFFFF086  }
0x1c: {  	p1 =	slt.u32 s9, $0xF7A;
	s5 =	simm.s32 @!p2 $0x0  }
0x1d: {  	s5 =	simm.s32 @p1 $0x1;
	p0 =	seq.s32 s7, s2  }
0x1e: {  	s7 =	smul.u32 @!p0 $0xF7A, s2;
	p2 =	seq.s32 @!p0 s5, $0x0  }
0x1f: {  	s9 =	smul.u32 $0xF7A, s1;
	s8 =	simm.s32 @!p0 $0x1BF5;
	p2 =	por !p2, p0  }
0x20: {  	[sflag:s8] =	ssyncset.s32 @!p0 $0xFFFFF086;
	s6 =	sadd.s32 @!p0 s3, s7;
	s7 =	simm.s32 @!p0 $0x108  }
0x21: {  	s3 =	sadd.s32 s3, s9;
	s6 =	sadd.s32 @!p0 $0x88, s6;
	s7 =	simm.s32 @p2 $0x1082  }
0x22: {  	[simem:s7], [sflag:s8] =	dma.local @!p0 [hbm:s6], $0xF7A  }
0x23: {  	s9 =	sor.u32 $0xD0000000, s2;
	s6 =	simm.s32 $0x108;
	_ =	swait.ge @!p0 [sflag:s8], $0x0  }
0x24: {  	s3 =	sadd.s32 $0x88, s3;
	s6 =	simm.s32 @!p1 $0x1082;
	[sflag:s4] =	ssyncset.s32 $0xFFFFF086  }
0x25: {  	[simem:s6], [sflag:s4] =	dma.local [hbm:s3], $0xF7A  }
0x26: {  	[smem:$0x3F93] =	sst s1;
	(tag) =	ssettag s2;
	_ =	strace s9  }
0x27: {  	s1 =	sld [smem:$0x3FA3]  }
0x28: {  	s2 =	sld [smem:$0x3FA4]  }
0x29: {  	s4 =	sld [smem:$0x3FA6]  }
0x2a: {  	p0 =	seq.s32 s5, $0x0;
	s5 =	sld [smem:$0x3FA7]  }
0x2b: {  	s6 =	sld [smem:$0x3FA8]  }
0x2c: {  	s7 =	sld [smem:$0x3FA9]  }
0x2d: {  	s3 =	simm.s32 $0x108;
	s8 =	sld [smem:$0x3FAA]  }
0x2e: {  	s3 =	simm.s32 @!p0 $0x1082;
	s9 =	sld [smem:$0x3FAB]  }
0x2f: {  	lr =	sadd.s32 s0, s3;
	s0 =	sld [smem:$0x3FA2]  }
0x30: {  	s3 =	sld [smem:$0x3FA5]  }
0x31: {  	[smem:$0x3FAE] =	sst s10  }
0x32: {  	s10 =	sld [smem:$0x3FAC];
	_ =	sdelay $0x3  }
0x33: {  	p0 =	seq.s32 s10, $0x1;
	s10 =	sld [smem:$0x3FAE];
	_ =	sdelay $0x3  }
0x34: {  	[smem:$0x3FAE] =	sst s10  }
0x35: {  	s10 =	sld [smem:$0x3FAD];
	_ =	sdelay $0x3  }
0x36: {  	p1 =	seq.s32 s10, $0x1;
	s10 =	sld [smem:$0x3FAE];
	_ =	sdelay $0x3  }
0x37: {  	[smem:$0x3FAE] =	sst s10  }
0x38: {  	s10 =	sld [smem:$0x3FAF]  }
0x39: {  	_ = 	snop;
	(pc) =	sbr.ind lr, $3  }
0x3a: {  	_ = 	snop  }
0x3b: {  	_ = 	snop  }
0x3c: {  	p2 =	seq.s32 s10, $0x1;
	s10 =	sld [smem:$0x3FAE]  }
0x3d: {  	_ =	shalt  }
0x3e: {  	_ =	shalt  }
0x3f: {  	_ =	shalt  }
0x40: {  	_ =	shalt  }
0x41: {  	_ =	shalt  }
0x42: {  	_ =	shalt  }
0x43: {  	_ =	shalt  }
0x44: {  	_ =	shalt  }
0x45: {  	_ =	shalt  }
0x46: {  	_ =	shalt  }
0x47: {  	_ =	shalt  }
0x48: {  	_ =	shalt  }
0x49: {  	_ =	shalt  }
0x4a: {  	_ =	shalt  }
0x4b: {  	_ =	shalt  }
0x4c: {  	_ =	shalt  }
0x4d: {  	_ =	shalt  }
0x4e: {  	_ =	shalt  }
0x4f: {  	_ =	shalt  }
0x50: {  	_ =	shalt  }
0x51: {  	_ =	shalt  }
0x52: {  	_ =	shalt  }
0x53: {  	_ =	shalt  }
0x54: {  	_ =	shalt  }
0x55: {  	_ =	shalt  }
0x56: {  	_ =	shalt  }
0x57: {  	_ =	shalt  }
0x58: {  	_ =	shalt  }
0x59: {  	_ =	shalt  }
0x5a: {  	_ =	shalt  }
0x5b: {  	_ =	shalt  }
0x5c: {  	_ =	shalt  }
0x5d: {  	_ =	shalt  }
0x5e: {  	_ =	shalt  }
0x5f: {  	_ =	shalt  }
0x60: {  	_ =	shalt  }
0x61: {  	_ =	shalt  }
0x62: {  	_ =	shalt  }
0x63: {  	_ =	shalt  }
0x64: {  	_ =	shalt  }
0x65: {  	_ =	shalt  }
0x66: {  	_ =	shalt  }
0x67: {  	_ =	shalt  }
0x68: {  	_ =	shalt  }
0x69: {  	_ =	shalt  }
0x6a: {  	_ =	shalt  }
0x6b: {  	_ =	shalt  }
0x6c: {  	_ =	shalt  }
0x6d: {  	_ =	shalt  }
0x6e: {  	_ =	shalt  }
0x6f: {  	_ =	shalt  }
0x70: {  	_ =	shalt  }
0x71: {  	_ =	shalt  }
0x72: {  	_ =	shalt  }
0x73: {  	_ =	shalt  }
0x74: {  	_ =	shalt  }
0x75: {  	_ =	shalt  }
0x76: {  	_ =	shalt  }
0x77: {  	_ =	shalt  }
0x78: {  	_ =	shalt  }
0x79: {  	_ =	shalt  }
0x7a: {  	_ =	shalt  }
0x7b: {  	_ =	shalt  }
0x7c: {  	_ =	shalt  }
0x7d: {  	_ =	shalt  }
0x7e: {  	_ =	shalt  }
0x7f: {  	_ =	shalt  }
0x80: {  	_ =	shalt  }
0x81: {  	_ =	shalt  }
0x82: {  	_ =	shalt  }
0x83: {  	_ =	shalt  }
0x84: {  	_ =	shalt  }
0x85: {  	_ =	shalt  }
0x86: {  	_ =	shalt  }
0x87: {  	_ =	shalt  }
.Lfunc_end0:
.L_simem_size_0:
called_computation.1_lowered:
.L_overlay_start_0:
0x88: {  	s2 =	sld [smem:$0x3FD9]  }
0x89: {  	s3 =	sld [smem:$0x3FFE];
	_ =	sdelay $0x1  }
0x8a: {  	s1 =	srdreg.scid  }
0x8b: {  	s0 =	sand.u32 $0x1, s1  }
0x8c: {  	s17 =	sshll.u32 s0, $0xA;
	s2 =	sadd.s32 s3, s2  }
0x8d: {  	s2 =	sadd.s32 s2, s17  }
0x8e: {  	[smem:$0x3FBA] =	sst s2  }
0x8f: {  	_ = 	snop  }
0x90: {  	s18 =	sld [smem:$0x3FD0];
	(tm) =	ssettm $0x1  }
0x91: {  	s19 =	sld [smem:$0x3FFB];
	_ =	sdelay $0x3  }
0x92: {  	_ =	strace s19  }
0x93: {  	s2 =	sld [smem:$0x3FFC];
	_ =	sdelay $0x3  }
0x94: {  	_ =	strace s2  }
0x95: {  	s2 =	sld [smem:$0x3FFD];
	_ =	sdelay $0x3  }
0x96: {  	_ =	strace s2  }
0x97: {  	_ =	strace $0x8FFFFFFF  }
0x98: {  	s20 =	sld [smem:$0x3FDB];
	_ =	sdelay $0x1  }
0x99: {  	s4 =	simm.s32 $_scs_section_size  }
0x9a: {  	s5 =	simm.s32 $_size__tile_overlayer_lowered;
	s6 =	simm.s32 $_tile_overlayer_lowered  }
0x9b: {  	s7 =	simm.s32 $0x1BFF;
	s21 =	sshll.u32 s6, $0x1;
	s4 =	sadd.s32 s4, s20  }
0x9c: {  	s22 =	simm.s32 $0x0;
	s5 =	sshll.u32 s5, $0x1;
	s6 =	sadd.s32 s21, s4  }
0x9d: {  	[timem:s22], [sflag:s7] =	dma.local [hbm:s6], s5  }
0x9e: {  	_ =	swait.ge [sflag:s7], s5  }
0x9f: {  	s5 =	ssub.s32 $0x0, s5;
	[sflag:s7] =	ssyncset.done $0x0  }
0xa0: {  	[sflag:s7] =	ssyncadd.s32 s5;
	_ =	sdelay $0x1  }
0xa1: {  	s23 =	simm.s32 $0x1B8B  }
0xa2: {  	_ =	swait.ge [sflag:s23], $0x1  }
0xa3: {  	[sflag:s23] =	ssyncset.done $0x0  }
0xa4: {  	[sflag:s23] =	ssyncadd.s32 $0xFFFFFFFF  }
0xa5: {  	s5 =	sld [smem:$0x0]  }
0xa6: {  	s6 =	sand.u32 $0xFFFFFFFE, s1  }
0xa7: {  	p0 =	sne.s32 s1, s6  }
0xa8: {  	s6 =	sshll.u32 @p0 s6, $0xE  }
0xa9: {  	s6 =	sadd.s32 @p0 $0x11B8D, s6;
	s7 =	sshll.u32 @p0 s5, $0x11  }
0xaa: {  	s6 =	sor.u32 @p0 s7, s6  }
0xab: {  	[sflag:s6] =	ssyncadd.remote.s32 @p0 $0x1;
	_ =	sdelay $0x1  }
0xac: {  	s6 =	simm.s32 @p0 $0x1B8D  }
0xad: {  	_ =	swait.eq @p0 [sflag:s6], $0x1  }
0xae: {  	[sflag:s6] =	ssyncadd.s32 @p0 $0xFFFFFFFF  }
0xaf: {  	s7 =	sshll.u32 @!p0 s1, $0xE  }
0xb0: {  	s7 =	sor.u32 @!p0 $0x4000, s7;
	s6 =	simm.s32 @!p0 $0x1B8D  }
0xb1: {  	s5 =	sshll.u32 @!p0 s5, $0x11;
	s7 =	sadd.s32 @!p0 $0x11B8D, s7;
	_ =	swait.eq @!p0 [sflag:s6], $0x1  }
0xb2: {  	s5 =	sor.u32 @!p0 s5, s7;
	[sflag:s6] =	ssyncadd.s32 @!p0 $0xFFFFFFFF  }
0xb3: {  	s25 =	simm.s32 $0x1B8E;
	s24 =	sld [smem:$0x3FFE];
	[sflag:s5] =	ssyncadd.remote.s32 @!p0 $0x1  }
0xb4: {  	s26 =	simm.s32 $execute0_lowered;
	[smem:$0x3FD2] =	sst s25  }
0xb5: {  	s6 =	sshll.u32 s26, $0x1;
	_ =	strace $0x80000049;
	[dreg:$0x1] =	wrdreg $0xFFFFFFFF  }
0xb6: {  	s28 =	simm.s32 $_size_execute0_lowered;
	s4 =	sadd.s32 s4, s6;
	[dreg:$0x0] =	wrdreg $0x0  }
0xb7: {  	s6 =	sshll.u32 s28, $0x1;
	[dreg:$0x2] =	wrdreg s4  }
0xb8: {  	[dreg:$0x3] =	wrdreg s6  }
0xb9: {  	[dreg:$0x4] =	wrdreg $0xC0  }
0xba: {  	_ =	task [dreg:s22], $0x5FFFF  }
0xbb: {  	[dreg:$0x1] =	wrdreg $0xFFFFFFFF  }
0xbc: {  	[dreg:$0x0] =	wrdreg $0x60  }
0xbd: {  	[dreg:$0x2] =	wrdreg s18  }
0xbe: {  	[dreg:$0x3] =	wrdreg s24  }
0xbf: {  	[dreg:$0x4] =	wrdreg $0x9  }
0xc0: {  	_ =	task.clear_ibuf [dreg:s22], $0x5FFFF;
	_ =	strace $0x90000049  }
0xc1: {  	s29 =	simm.s32 $0x9;
	_ =	strace $0x8000004B  }
0xc2: {  	_ =	swait.ge [sflag:s29], $0x1  }
0xc3: {  	[sflag:s29] =	ssyncadd.s32 $0xFFFFFFFF  }
0xc4: {  	_ =	strace $0x9000004B  }
0xc5: {  	_ =	sfence  }
0xc6: {  	s30 =	sld [smem:$0x0];
	_ =	sdelay $0x2  }
0xc7: {  	s31 =	sshll.u32 s1, $0xD;
	s1 =	sshrl.u32 s1, $0x2  }
0xc8: {  	s4 =	sand.u32 $0x4000, s31;
	s1 =	sadd.s32 s1, s30  }
0xc9: {  	s0 =	sor.u32 s4, s0;
	s1 =	sshll.u32 s1, $0x11  }
0xca: {  	s0 =	sor.u32 s1, s0  }
0xcb: {  	s0 =	sadd.s32 $0x8F2B, s0  }
0xcc: {  	[sflag:s0] =	ssyncadd.remote.s32 $0x1  }
0xcd: {  	_ =	sfence.sel $0xFFFF  }
0xce: {  	[dreg:$0x0] =	wrdreg $0xFFFFFFFF;
	(pc) =	sbr.abs _section_cstart, $3  }
0xcf: {  	[dreg:$0x1] =	wrdreg $0xFFFFFFFF  }
0xd0: {  	_ =	task.clear_ibuf [dreg:s22], $0x2FFFF;
	_ =	strace $0x9FFFFFFF  }
0xd1: {  	(tm) =	ssettm $0x7FFFFFFF  }
tec
execute0_lowered:
.L_overlay_start_1:
0x0: {  	(tag) =	ssettag $0x1  }
0x1: {  	s1 =	rddreg [dreg:$0x0]  }
0x2: {  	s8 =	rddreg [dreg:$0x1]  }
0x3: {  	s0 =	rddreg [dreg:$0x2];
	s2 =	simm.s32 $0x0  }
0x4: {  	s3 =	srdreg.scid;
	s4 =	stileid.u32;
	s11 =	simm.s32 $0x4  }
0x5: {  	s12 =	simm.s32 $0x100;
	s13 =	simm.s32 $0x200;
	s14 =	simm.s32 $0x8200  }
0x6: {  	s15 =	simm.s32 $0x1;
	s16 =	simm.s32 $0x2;
	s17 =	simm.s32 $0x10200  }
.Ltmp0:
0x7: {  	s18 =	simm.s32 $0x3;
	s3 =	sand.u32 $0x1, s3;
	(pc) =	sbr.rel .LBB2_1-.Ltmp0, $4  }
0x8: {  	s19 =	simm.s32 $0x0;
	[smem:$0x7FF] =	sst s2;
	s9 =	ssub.s32 $0x2, s3  }
0x9: {  	s5 =	sadd.s32 $0xDA00, s8;
	s6 =	sadd.s32 $0x2A5C00, s8;
	s10 =	sshrl.u32 s9, $0x1  }
0xa: {  	s7 =	sadd.s32 $0x2AAC00, s8;
	s8 =	sadd.s32 $0x2AFC00, s8;
	s10 =	ssub.s32 s9, s10  }
0xb: {  	_ =	strace $0x8000004A;
	s9 =	sshll.u32 s4, $0x1;
	s10 =	smax.u32 s10, $0x1  }
.LBB2_7:
0xc: {  	s19 =	sadd.s32 $0x1, s19  }
0xd: {  	p0 =	sne.s32 s19, s10  }
.Ltmp1:
0xe: {  	_ = 	snop;
	(pc) =	sbr.rel @!p0 .LBB2_8-.Ltmp1, $1  }
0xf: {  	_ =	sdelay $0x3  }
.LBB2_1:
.Ltmp2:
0x10: {  	(pc) =	sbr.rel .LBB2_2-.Ltmp2, $2  }
0x11: {  	_ =	sdelay $0x2  }
0x12: {  	s20 =	simm.s32 $0x0  }
.LBB2_6:
0x13: {  	s20 =	sadd.s32 $0x1, s20  }
0x14: {  	p0 =	sne.s32 s20, $0x14  }
.Ltmp3:
0x15: {  	_ = 	snop;
	(pc) =	sbr.rel @!p0 .LBB2_7-.Ltmp3, $1  }
0x16: {  	_ =	sdelay $0x3  }
.LBB2_2:
0x17: {  	s21 =	sshll.u32 s20, $0x5  }
0x18: {  	s21 =	sor.u32 s21, s9  }
0x19: {  	s21 =	sor.u32 s3, s21  }
0x1a: {  	p0 =	sgt.u32 s21, $0x270  }
.Ltmp4:
0x1b: {  	_ = 	snop;
	(pc) =	sbr.rel @p0 .LBB2_6-.Ltmp4, $1  }
0x1c: {  	_ =	sdelay $0x3  }
0x1d: {  	s22 =	sshll.u32 s21, $0x5  }
0x1e: {  	s24 =	simm.s32 $0x0;
	s23 =	sadd.s32 s6, s22  }
0x1f: {  	[tilespmem:s24], [sflag:$0x4] =	stream.linear.gather [hbm4b:s23+s24], $0x100, $0x38;
	[tilespmem:$0x18200] =	vst v63  }
0x20: {  	_ =	swait.ge [sflag:s11], $0x100  }
0x21: {  	[sflag:s11] =	ssyncset.done $0x0  }
0x22: {  	s22 =	sadd.s32 s7, s22;
	[sflag:s11] =	ssyncadd.s32 $0xFFFFFF00  }
0x23: {  	[tilespmem:s12], [sflag:$0x4] =	stream.linear.gather [hbm4b:s22+s24], $0x100, $0x38;
	[tilespmem:$0x18200] =	vst v63  }
0x24: {  	_ =	swait.ge [sflag:s11], $0x100  }
0x25: {  	[sflag:s11] =	ssyncset.done $0x0  }
0x26: {  	[sflag:s11] =	ssyncadd.s32 $0xFFFFFF00  }
0x27: {  	[tilespmem:s13], [sflag:$0x1] =	stream.indirect.gather [hbm4b:s1+s12], $0x80, s24, s12, $0xb8;
	[tilespmem:$0x18200] =	vst v63  }
0x28: {  	_ = 	snop  }
0x29: {  	[tilespmem:s14], [sflag:$0x2] =	stream.indirect.gather [hbm4b:s5+s12], $0x80, s12, s12, $0xb8;
	[tilespmem:$0x18200] =	vst v63  }
0x2a: {  	_ =	swait.ge [sflag:s15], $0x8000  }
0x2b: {  	[sflag:s15] =	ssyncset.done $0x0  }
0x2c: {  	[sflag:s15] =	ssyncadd.s32 $0xFFFF8000  }
0x2d: {  	_ =	swait.ge [sflag:s16], $0x8000  }
0x2e: {  	[sflag:s16] =	ssyncset.done $0x0  }
0x2f: {  	s22 =	simm.s32 $0x0;
	[sflag:s16] =	ssyncadd.s32 $0xFFFF8000  }
0x30: {  	v0 =	vld [tilespmem:s22+$0x270]  }
0x31: {  	v1 =	vld [tilespmem:s22+$0x8270]  }
0x32: {  	v2 =	vld [tilespmem:s22+$0x200]  }
0x33: {  	v3 =	vld [tilespmem:s22+$0x8200]  }
0x34: {  	v4 =	vld [tilespmem:s22+$0x210]  }
0x35: {  	v5 =	vld [tilespmem:s22+$0x8210]  }
0x36: {  	v6 =	vld [tilespmem:s22+$0x220]  }
0x37: {  	v7 =	vld [tilespmem:s22+$0x230]  }
0x38: {  	v0 =	vadd.f32 v1, v0;
	v1 =	vld [tilespmem:s22+$0x8220]  }
0x39: {  	v8 =	vld [tilespmem:s22+$0x8230]  }
0x3a: {  	v9 =	vld [tilespmem:s22+$0x8240];
	v2 =	vadd.f32 v3, v2  }
0x3b: {  	[tilespmem:s22+$0x10270] =	vst v0;
	v0 =	vadd.f32 v5, v4;
	v5 =	vld [tilespmem:s22+$0x240]  }
0x3c: {  	v3 =	vld [tilespmem:s22+$0x8250];
	[tilespmem:s22+$0x10200] =	vst v2  }
0x3d: {  	v2 =	vld [tilespmem:s22+$0x250];
	[tilespmem:s22+$0x10210] =	vst v0;
	v0 =	vadd.f32 v1, v6  }
0x3e: {  	v4 =	vld [tilespmem:s22+$0x8260];
	v6 =	vadd.f32 v8, v7  }
0x3f: {  	s23 =	simm.s32 $0x80;
	[tilespmem:s22+$0x10220] =	vst v0;
	v0 =	vld [tilespmem:s22+$0x260]  }
0x40: {  	s24 =	simm.s32 $0x400;
	v5 =	vadd.f32 v9, v5;
	v1 =	vld [tilespmem:s23+$0x270];
	[tilespmem:s22+$0x10230] =	vst v6  }
.LBB2_4:
0x41: {  	p0 =	sne.s32 s24, $0x1FE00;
	v6 =	vld [tilespmem:s23+$0x8270]  }
0x42: {  	v7 =	vld [tilespmem:s23+$0x200];
	[tilespmem:s22+$0x10240] =	vst v5;
	v2 =	vadd.f32 v3, v2  }
0x43: {  	v3 =	vld [tilespmem:s23+$0x8200]  }
0x44: {  	v5 =	vld [tilespmem:s23+$0x210];
	[tilespmem:s22+$0x10250] =	vst v2;
	v0 =	vadd.f32 v4, v0  }
0x45: {  	v2 =	vld [tilespmem:s23+$0x8210]  }
0x46: {  	v4 =	vld [tilespmem:s23+$0x220];
	v1 =	vadd.f32 v6, v1;
	[tilespmem:s22+$0x10260] =	vst v0;
	s22 =	smov.u32 s23  }
0x47: {  	v0 =	vld [tilespmem:s22+$0x8220]  }
0x48: {  	v3 =	vadd.f32 v3, v7;
	v6 =	vld [tilespmem:s22+$0x230];
	[tilespmem:s22+$0x10270] =	vst v1  }
0x49: {  	v1 =	vld [tilespmem:s22+$0x8230]  }
0x4a: {  	[tilespmem:s22+$0x10200] =	vst v3;
	v2 =	vadd.f32 v2, v5;
	v5 =	vld [tilespmem:s22+$0x240]  }
0x4b: {  	v7 =	vld [tilespmem:s22+$0x8240]  }
.Ltmp5:
0x4c: {  	[tilespmem:s22+$0x10210] =	vst v2;
	v0 =	vadd.f32 v0, v4;
	v2 =	vld [tilespmem:s22+$0x250];
	(pc) =	sbr.rel @p0 .LBB2_4-.Ltmp5, $4  }
0x4d: {  	v3 =	vld [tilespmem:s22+$0x8250]  }
0x4e: {  	[tilespmem:s22+$0x10220] =	vst v0;
	v6 =	vadd.f32 v1, v6;
	v0 =	vld [tilespmem:s22+$0x260]  }
0x4f: {  	s23 =	sshra.s32 s24, $0x2;
	v4 =	vld [tilespmem:s22+$0x8260]  }
0x50: {  	s24 =	sadd.s32 $0x200, s24;
	v1 =	vld [tilespmem:s23+$0x270];
	[tilespmem:s22+$0x10230] =	vst v6;
	v5 =	vadd.f32 v7, v5  }
0x51: {  	v6 =	vld [tilespmem:s23+$0x8270]  }
0x52: {  	v7 =	vld [tilespmem:s23+$0x200];
	[tilespmem:s22+$0x10240] =	vst v5;
	v2 =	vadd.f32 v3, v2  }
0x53: {  	v51 =	vld [tilespmem:s23+$0x8200]  }
0x54: {  	v5 =	vld [tilespmem:s23+$0x210];
	[tilespmem:s22+$0x10250] =	vst v2;
	v0 =	vadd.f32 v4, v0  }
0x55: {  	v2 =	vld [tilespmem:s23+$0x8210]  }
0x56: {  	v52 =	vld [tilespmem:s23+$0x220];
	[tilespmem:s22+$0x10260] =	vst v0  }
0x57: {  	v54 =	vld [tilespmem:s23+$0x8220]  }
0x58: {  	v55 =	vld [tilespmem:s23+$0x230]  }
0x59: {  	v56 =	vld [tilespmem:s23+$0x8230]  }
0x5a: {  	v57 =	vld [tilespmem:s23+$0x240]  }
0x5b: {  	v58 =	vld [tilespmem:s23+$0x8240]  }
0x5c: {  	v59 =	vld [tilespmem:s23+$0x250]  }
0x5d: {  	v53 =	vadd.f32 v6, v1;
	v60 =	vld [tilespmem:s23+$0x8250]  }
0x5e: {  	v61 =	vld [tilespmem:s23+$0x260];
	v3 =	vadd.f32 v51, v7  }
0x5f: {  	v62 =	vld [tilespmem:s23+$0x8260];
	[tilespmem:s23+$0x10270] =	vst v53;
	v2 =	vadd.f32 v2, v5  }
0x60: {  	[tilespmem:s23+$0x10200] =	vst v3;
	v1 =	vadd.f32 v54, v52  }
0x61: {  	[tilespmem:s23+$0x10210] =	vst v2;
	v0 =	vadd.f32 v56, v55  }
0x62: {  	v3 =	vadd.f32 v58, v57;
	[tilespmem:s23+$0x10220] =	vst v1  }
0x63: {  	v63 =	vadd.f32 v60, v59;
	[tilespmem:s23+$0x10230] =	vst v0  }
0x64: {  	[tilespmem:s23+$0x10240] =	vst v3;
	v1 =	vadd.f32 v62, v61  }
0x65: {  	s21 =	sshll.u32 s21, $0xC;
	[tilespmem:s23+$0x10250] =	vst v63  }
.Ltmp6:
0x66: {  	s21 =	sadd.s32 s8, s21;
	[tilespmem:s23+$0x10260] =	vst v1;
	(pc) =	sbr.rel .LBB2_6-.Ltmp6, $4  }
0x67: {  	[hbm4b:s21+s2] =	stream.linear.scatter [tilespmem:s17], [sflag:$0x3], $0x8000, $0x38;
	[tilespmem:$0x18200] =	vst v63  }
0x68: {  	_ =	swait.ge [sflag:s18], $0x8000  }
0x69: {  	[sflag:s18] =	ssyncset.done $0x0  }
0x6a: {  	[sflag:s18] =	ssyncadd.s32 $0xFFFF8000  }
.LBB2_8:
0x6b: {  	_ =	sfence.sel $0x180000  }
0x6c: {  	[bflag:$0x0] =	sbarrier.arrive $0xFFFF  }
0x6d: {  	p0 =	sne.s32 s4, $0x0;
	_ =	strace $0x9000004A  }
0x6e: {  	s0 =	sadd.s32 @!p0 $0x100000, s0;
	[bflag:$0x2] =	sbarrier.arrive $0xFFFF  }
0x6f: {  	[sflag:s0] =	ssyncadd.tile.s32 @!p0 $0x1;
	_ =	shalt  }
.Lfunc_end2:
_tile_overlayer_lowered:
.L_overlay_start_2:
0x70: {  	(tag) =	ssettag $0x2  }
0x71: {  	s0 =	rddreg [dreg:$0x0];
	s2 =	stileid.u32  }
0x72: {  	s1 =	rddreg [dreg:$0x1];
	p0 =	sne.s32 s2, $0x0  }
0x73: {  	s3 =	rddreg [dreg:$0x2];
	[bflag:$0x3] =	sbarrier.arrive $0xFFFF;
	s2 =	simm.s32 @!p0 $0x1C03  }
0x74: {  	[timem:s3], [sflag:s2] =	dma.local @!p0 [hbm:s0], s1  }
0x75: {  	s0 =	simm.s32 @!p0 $0x3  }
0x76: {  	_ =	swait.ge @!p0 [sflag:s0], s1  }
0x77: {  	s1 =	ssub.s32 @!p0 $0x0, s1;
	[sflag:s0] =	ssyncset.done @!p0 $0x0  }
0x78: {  	[sflag:s0] =	ssyncadd.s32 @!p0 s1  }
0x79: {  	[bflag:$0x3] =	sbarrier.arrive $0xFFFF  }
0x7a: {  	_ =	shalt  }

// kernel: kernel.16.cloned.1.call-start
scs
__scs_entry_jumppad:
0x0: {  	(pc) =	sbr.rel $0x88, $3  }
0x1: {  	(tag) =	ssettag $0x0;
	lr =	simm.s32 $0x1  }
0x2: {  	[smem:$0x3F93] =	sst lr;
	_ =	strace $0xD0000000  }
0x3: {  	_ = 	snop  }
0x4: {  	_ = 	snop  }
0x5: {  	_ = 	snop  }
0x6: {  	_ = 	snop  }
0x7: {  	_ = 	snop  }
__scs_overlays_trampoline_lowered:
0x8: {  	[smem:$0x3FA2] =	sst s0  }
0x9: {  	[smem:$0x3FA3] =	sst s1  }
0xa: {  	[smem:$0x3FA4] =	sst s2  }
0xb: {  	[smem:$0x3FA5] =	sst s3  }
0xc: {  	[smem:$0x3FA6] =	sst s4  }
0xd: {  	[smem:$0x3FA7] =	sst s5  }
0xe: {  	[smem:$0x3FA8] =	sst s6  }
0xf: {  	[smem:$0x3FA9] =	sst s7  }
0x10: {  	[smem:$0x3FAA] =	sst s8  }
0x11: {  	[smem:$0x3FAB] =	sst s9;
	s0 =	simm.s32 @!p0 $0x0  }
0x12: {  	s1 =	sld [smem:$0x3F91];
	s0 =	simm.s32 @p0 $0x1  }
0x13: {  	[smem:$0x3FAC] =	sst s0;
	s0 =	simm.s32 @!p1 $0x0  }
0x14: {  	s2 =	sld [smem:$0x3F90];
	s0 =	simm.s32 @p1 $0x1  }
0x15: {  	[smem:$0x3FAD] =	sst s0;
	s0 =	simm.s32 @!p2 $0x0  }
0x16: {  	s3 =	sld [smem:$0x3FDB];
	s0 =	simm.s32 @p2 $0x1  }
0x17: {  	s4 =	simm.s32 $0x1BF5;
	[smem:$0x3FAF] =	sst s0  }
0x18: {  	s0 =	sld [smem:$0x3F92];
	_ =	swait.ge [sflag:s4], $0x0  }
0x19: {  	s7 =	sld [smem:$0x3F93]  }
0x1a: {  	s8 =	sadd.s32 $0xFFFFE003, lr  }
0x1b: {  	s9 =	sadd.s32 $0xFFFFFEF7, lr;
	s5 =	simm.s32 $0xFFFFFFFF;
	p2 =	slt.u32 s8, $0xFFFFF086  }
0x1c: {  	p1 =	slt.u32 s9, $0xF7A;
	s5 =	simm.s32 @!p2 $0x0  }
0x1d: {  	s5 =	simm.s32 @p1 $0x1;
	p0 =	seq.s32 s7, s2  }
0x1e: {  	s7 =	smul.u32 @!p0 $0xF7A, s2;
	p2 =	seq.s32 @!p0 s5, $0x0  }
0x1f: {  	s9 =	smul.u32 $0xF7A, s1;
	s8 =	simm.s32 @!p0 $0x1BF5;
	p2 =	por !p2, p0  }
0x20: {  	[sflag:s8] =	ssyncset.s32 @!p0 $0xFFFFF086;
	s6 =	sadd.s32 @!p0 s3, s7;
	s7 =	simm.s32 @!p0 $0x108  }
0x21: {  	s3 =	sadd.s32 s3, s9;
	s6 =	sadd.s32 @!p0 $0x88, s6;
	s7 =	simm.s32 @p2 $0x1082  }
0x22: {  	[simem:s7], [sflag:s8] =	dma.local @!p0 [hbm:s6], $0xF7A  }
0x23: {  	s9 =	sor.u32 $0xD0000000, s2;
	s6 =	simm.s32 $0x108;
	_ =	swait.ge @!p0 [sflag:s8], $0x0  }
0x24: {  	s3 =	sadd.s32 $0x88, s3;
	s6 =	simm.s32 @!p1 $0x1082;
	[sflag:s4] =	ssyncset.s32 $0xFFFFF086  }
0x25: {  	[simem:s6], [sflag:s4] =	dma.local [hbm:s3], $0xF7A  }
0x26: {  	[smem:$0x3F93] =	sst s1;
	(tag) =	ssettag s2;
	_ =	strace s9  }
0x27: {  	s1 =	sld [smem:$0x3FA3]  }
0x28: {  	s2 =	sld [smem:$0x3FA4]  }
0x29: {  	s4 =	sld [smem:$0x3FA6]  }
0x2a: {  	p0 =	seq.s32 s5, $0x0;
	s5 =	sld [smem:$0x3FA7]  }
0x2b: {  	s6 =	sld [smem:$0x3FA8]  }
0x2c: {  	s7 =	sld [smem:$0x3FA9]  }
0x2d: {  	s3 =	simm.s32 $0x108;
	s8 =	sld [smem:$0x3FAA]  }
0x2e: {  	s3 =	simm.s32 @!p0 $0x1082;
	s9 =	sld [smem:$0x3FAB]  }
0x2f: {  	lr =	sadd.s32 s0, s3;
	s0 =	sld [smem:$0x3FA2]  }
0x30: {  	s3 =	sld [smem:$0x3FA5]  }
0x31: {  	[smem:$0x3FAE] =	sst s10  }
0x32: {  	s10 =	sld [smem:$0x3FAC];
	_ =	sdelay $0x3  }
0x33: {  	p0 =	seq.s32 s10, $0x1;
	s10 =	sld [smem:$0x3FAE];
	_ =	sdelay $0x3  }
0x34: {  	[smem:$0x3FAE] =	sst s10  }
0x35: {  	s10 =	sld [smem:$0x3FAD];
	_ =	sdelay $0x3  }
0x36: {  	p1 =	seq.s32 s10, $0x1;
	s10 =	sld [smem:$0x3FAE];
	_ =	sdelay $0x3  }
0x37: {  	[smem:$0x3FAE] =	sst s10  }
0x38: {  	s10 =	sld [smem:$0x3FAF]  }
0x39: {  	_ = 	snop;
	(pc) =	sbr.ind lr, $3  }
0x3a: {  	_ = 	snop  }
0x3b: {  	_ = 	snop  }
0x3c: {  	p2 =	seq.s32 s10, $0x1;
	s10 =	sld [smem:$0x3FAE]  }
0x3d: {  	_ =	shalt  }
0x3e: {  	_ =	shalt  }
0x3f: {  	_ =	shalt  }
0x40: {  	_ =	shalt  }
0x41: {  	_ =	shalt  }
0x42: {  	_ =	shalt  }
0x43: {  	_ =	shalt  }
0x44: {  	_ =	shalt  }
0x45: {  	_ =	shalt  }
0x46: {  	_ =	shalt  }
0x47: {  	_ =	shalt  }
0x48: {  	_ =	shalt  }
0x49: {  	_ =	shalt  }
0x4a: {  	_ =	shalt  }
0x4b: {  	_ =	shalt  }
0x4c: {  	_ =	shalt  }
0x4d: {  	_ =	shalt  }
0x4e: {  	_ =	shalt  }
0x4f: {  	_ =	shalt  }
0x50: {  	_ =	shalt  }
0x51: {  	_ =	shalt  }
0x52: {  	_ =	shalt  }
0x53: {  	_ =	shalt  }
0x54: {  	_ =	shalt  }
0x55: {  	_ =	shalt  }
0x56: {  	_ =	shalt  }
0x57: {  	_ =	shalt  }
0x58: {  	_ =	shalt  }
0x59: {  	_ =	shalt  }
0x5a: {  	_ =	shalt  }
0x5b: {  	_ =	shalt  }
0x5c: {  	_ =	shalt  }
0x5d: {  	_ =	shalt  }
0x5e: {  	_ =	shalt  }
0x5f: {  	_ =	shalt  }
0x60: {  	_ =	shalt  }
0x61: {  	_ =	shalt  }
0x62: {  	_ =	shalt  }
0x63: {  	_ =	shalt  }
0x64: {  	_ =	shalt  }
0x65: {  	_ =	shalt  }
0x66: {  	_ =	shalt  }
0x67: {  	_ =	shalt  }
0x68: {  	_ =	shalt  }
0x69: {  	_ =	shalt  }
0x6a: {  	_ =	shalt  }
0x6b: {  	_ =	shalt  }
0x6c: {  	_ =	shalt  }
0x6d: {  	_ =	shalt  }
0x6e: {  	_ =	shalt  }
0x6f: {  	_ =	shalt  }
0x70: {  	_ =	shalt  }
0x71: {  	_ =	shalt  }
0x72: {  	_ =	shalt  }
0x73: {  	_ =	shalt  }
0x74: {  	_ =	shalt  }
0x75: {  	_ =	shalt  }
0x76: {  	_ =	shalt  }
0x77: {  	_ =	shalt  }
0x78: {  	_ =	shalt  }
0x79: {  	_ =	shalt  }
0x7a: {  	_ =	shalt  }
0x7b: {  	_ =	shalt  }
0x7c: {  	_ =	shalt  }
0x7d: {  	_ =	shalt  }
0x7e: {  	_ =	shalt  }
0x7f: {  	_ =	shalt  }
0x80: {  	_ =	shalt  }
0x81: {  	_ =	shalt  }
0x82: {  	_ =	shalt  }
0x83: {  	_ =	shalt  }
0x84: {  	_ =	shalt  }
0x85: {  	_ =	shalt  }
0x86: {  	_ =	shalt  }
0x87: {  	_ =	shalt  }
.Lfunc_end0:
.L_simem_size_0:
called_computation.2_lowered:
.L_overlay_start_0:
0x88: {  	s2 =	sld [smem:$0x3FD9]  }
0x89: {  	s3 =	sld [smem:$0x3FFE];
	_ =	sdelay $0x1  }
0x8a: {  	s1 =	srdreg.scid  }
0x8b: {  	s0 =	sand.u32 $0x1, s1  }
0x8c: {  	s17 =	sshll.u32 s0, $0xA;
	s2 =	sadd.s32 s3, s2  }
0x8d: {  	s2 =	sadd.s32 s2, s17  }
0x8e: {  	[smem:$0x3FBA] =	sst s2  }
0x8f: {  	_ = 	snop  }
0x90: {  	(tm) =	ssettm $0x1  }
0x91: {  	s18 =	sld [smem:$0x3FFB];
	_ =	sdelay $0x3  }
0x92: {  	_ =	strace s18  }
0x93: {  	s2 =	sld [smem:$0x3FFC];
	_ =	sdelay $0x3  }
0x94: {  	_ =	strace s2  }
0x95: {  	s2 =	sld [smem:$0x3FFD];
	_ =	sdelay $0x3  }
0x96: {  	_ =	strace s2  }
0x97: {  	_ =	strace $0x8FFFFFFF  }
0x98: {  	s19 =	sld [smem:$0x3FDB];
	_ =	sdelay $0x1  }
0x99: {  	s20 =	simm.s32 $_scs_section_size  }
0x9a: {  	s4 =	simm.s32 $_size__tile_overlayer_lowered;
	s5 =	simm.s32 $_tile_overlayer_lowered  }
0x9b: {  	s6 =	simm.s32 $0x1BFF;
	s21 =	sshll.u32 s5, $0x1;
	s3 =	sadd.s32 s20, s19  }
0x9c: {  	s22 =	simm.s32 $0x0;
	s4 =	sshll.u32 s4, $0x1;
	s5 =	sadd.s32 s21, s3  }
0x9d: {  	[timem:s22], [sflag:s6] =	dma.local [hbm:s5], s4  }
0x9e: {  	_ =	swait.ge [sflag:s6], s4  }
0x9f: {  	s4 =	ssub.s32 $0x0, s4;
	[sflag:s6] =	ssyncset.done $0x0  }
0xa0: {  	[sflag:s6] =	ssyncadd.s32 s4;
	_ =	sdelay $0x1  }
0xa1: {  	s23 =	simm.s32 $0x1B8B  }
0xa2: {  	_ =	swait.ge [sflag:s23], $0x1  }
0xa3: {  	[sflag:s23] =	ssyncset.done $0x0  }
0xa4: {  	[sflag:s23] =	ssyncadd.s32 $0xFFFFFFFF  }
0xa5: {  	s4 =	sld [smem:$0x0]  }
0xa6: {  	s5 =	sand.u32 $0xFFFFFFFE, s1  }
0xa7: {  	p0 =	sne.s32 s1, s5  }
0xa8: {  	s5 =	sshll.u32 @p0 s5, $0xE  }
0xa9: {  	s5 =	sadd.s32 @p0 $0x11B8D, s5;
	s6 =	sshll.u32 @p0 s4, $0x11  }
0xaa: {  	s5 =	sor.u32 @p0 s6, s5  }
0xab: {  	[sflag:s5] =	ssyncadd.remote.s32 @p0 $0x1;
	_ =	sdelay $0x1  }
0xac: {  	s5 =	simm.s32 @p0 $0x1B8D  }
0xad: {  	_ =	swait.eq @p0 [sflag:s5], $0x1  }
0xae: {  	[sflag:s5] =	ssyncadd.s32 @p0 $0xFFFFFFFF  }
0xaf: {  	s6 =	sshll.u32 @!p0 s1, $0xE  }
0xb0: {  	s6 =	sor.u32 @!p0 $0x4000, s6;
	s5 =	simm.s32 @!p0 $0x1B8D  }
0xb1: {  	s4 =	sshll.u32 @!p0 s4, $0x11;
	s6 =	sadd.s32 @!p0 $0x11B8D, s6;
	_ =	swait.eq @!p0 [sflag:s5], $0x1  }
0xb2: {  	s4 =	sor.u32 @!p0 s4, s6;
	[sflag:s5] =	ssyncadd.s32 @!p0 $0xFFFFFFFF  }
0xb3: {  	s25 =	simm.s32 $0x1B8E;
	s24 =	sld [smem:$0x3FFE];
	[sflag:s4] =	ssyncadd.remote.s32 @!p0 $0x1  }
0xb4: {  	s26 =	simm.s32 $execute0_lowered;
	[smem:$0x3FD2] =	sst s25  }
0xb5: {  	s5 =	sshll.u32 s26, $0x1;
	_ =	strace $0x8000004C;
	[dreg:$0x1] =	wrdreg $0xFFFFFFFF  }
0xb6: {  	s28 =	simm.s32 $_size_execute0_lowered;
	s3 =	sadd.s32 s3, s5;
	[dreg:$0x0] =	wrdreg $0x0  }
0xb7: {  	s5 =	sshll.u32 s28, $0x1;
	[dreg:$0x2] =	wrdreg s3  }
0xb8: {  	[dreg:$0x3] =	wrdreg s5  }
0xb9: {  	[dreg:$0x4] =	wrdreg $0xC0  }
0xba: {  	_ =	task [dreg:s22], $0x5FFFF  }
0xbb: {  	[dreg:$0x1] =	wrdreg $0xFFFFFFFF  }
0xbc: {  	[dreg:$0x0] =	wrdreg $0x60  }
0xbd: {  	[dreg:$0x2] =	wrdreg s24  }
0xbe: {  	[dreg:$0x3] =	wrdreg $0xA1800  }
0xbf: {  	[dreg:$0x4] =	wrdreg $0xA  }
0xc0: {  	_ =	task.clear_ibuf [dreg:s22], $0x5FFFF;
	_ =	strace $0x9000004C  }
0xc1: {  	s29 =	simm.s32 $0xA;
	_ =	strace $0x8000004E  }
0xc2: {  	_ =	swait.ge [sflag:s29], $0x1  }
0xc3: {  	[sflag:s29] =	ssyncadd.s32 $0xFFFFFFFF  }
0xc4: {  	_ =	strace $0x9000004E  }
0xc5: {  	_ =	sfence  }
0xc6: {  	s30 =	sld [smem:$0x0];
	_ =	sdelay $0x2  }
0xc7: {  	s31 =	sshll.u32 s1, $0xD;
	s1 =	sshrl.u32 s1, $0x2  }
0xc8: {  	s4 =	sand.u32 $0x4000, s31;
	s1 =	sadd.s32 s1, s30  }
0xc9: {  	s0 =	sor.u32 s4, s0;
	s1 =	sshll.u32 s1, $0x11  }
0xca: {  	s0 =	sor.u32 s1, s0  }
0xcb: {  	s0 =	sadd.s32 $0x8F2B, s0  }
0xcc: {  	[sflag:s0] =	ssyncadd.remote.s32 $0x1  }
0xcd: {  	_ =	sfence.sel $0xFFFF  }
0xce: {  	[dreg:$0x0] =	wrdreg $0xFFFFFFFF;
	(pc) =	sbr.abs _section_cstart, $3  }
0xcf: {  	[dreg:$0x1] =	wrdreg $0xFFFFFFFF  }
0xd0: {  	_ =	task.clear_ibuf [dreg:s22], $0x2FFFF;
	_ =	strace $0x9FFFFFFF  }
0xd1: {  	(tm) =	ssettm $0x7FFFFFFF  }
tec
execute0_lowered:
.L_overlay_start_1:
0x0: {  	(tag) =	ssettag $0x1  }
0x1: {  	s1 =	stileid.u32  }
0x2: {  	s4 =	smul.u32 $0x28, s1  }
0x3: {  	s6 =	smul.u32 $0xA000, s1  }
0x4: {  	s8 =	sor.u32 $0x10, s1;
	s29 =	smul.u32 $0x500, s1  }
0x5: {  	s11 =	sor.u32 $0x20, s1;
	s10 =	smul.u32 $0xA000, s8  }
0x6: {  	s5 =	rddreg [dreg:$0x0];
	s13 =	sor.u32 $0x30, s1;
	s12 =	smul.u32 $0xA000, s11  }
0x7: {  	s2 =	rddreg [dreg:$0x1];
	s17 =	sor.u32 $0x40, s1;
	s16 =	smul.u32 $0xA000, s13  }
0x8: {  	s3 =	simm.s32 $0x0;
	s19 =	sor.u32 $0x50, s1;
	s18 =	smul.u32 $0xA000, s17  }
0x9: {  	[smem:$0x7FF] =	sst s3;
	s24 =	sor.u32 $0x60, s1;
	s20 =	smul.u32 $0xA000, s19  }
0xa: {  	s23 =	sadd.s32 $0x791C00, s5;
	s26 =	sor.u32 $0x70, s1;
	s25 =	smul.u32 $0xA000, s24  }
0xb: {  	s7 =	sadd.s32 $0x520C00, s5;
	s0 =	sadd.s32 $0x3200, s5;
	s28 =	smul.u32 $0xA000, s26  }
0xc: {  	s21 =	sadd.s32 $0x34C00, s5;
	s14 =	sadd.s32 $0x5BE00, s5;
	s19 =	smul.u32 $0x500, s19  }
0xd: {  	_ =	strace $0x8000004D;
	[dreg:$0x3] =	wrdreg s0;
	s24 =	smul.u32 $0x500, s24  }
0xe: {  	s26 =	smul.u32 $0x500, s26;
	s22 =	sadd.s32 s4, s5;
	s4 =	srdreg.scid  }
0xf: {  	s6 =	sshrl.u32 s6, $0x2;
	s9 =	sand.u32 $0x1, s4;
	s10 =	sshrl.u32 s10, $0x2  }
0x10: {  	s12 =	sshrl.u32 s12, $0x2;
	s30 =	sshrl.u32 s16, $0x2;
	s16 =	smul.u32 $0x500, s8  }
0x11: {  	s31 =	sshrl.u32 s18, $0x2;
	s0 =	sshrl.u32 s20, $0x2;
	s4 =	smul.u32 $0x500, s13  }
0x12: {  	s13 =	smul.u32 $0x500, s17;
	s17 =	sshrl.u32 s25, $0x2;
	s25 =	sshrl.u32 s28, $0x2  }
0x13: {  	s22 =	sadd.s32 $0x8A00, s22;
	s5 =	ssub.s32 $0x2, s9;
	p0 =	seq.s32 s9, $0x1  }
0x14: {  	s8 =	sadd.s32 s30, s2;
	s30 =	smul.u32 $0x500, s11;
	s9 =	sadd.s32 s31, s2  }
0x15: {  	s11 =	sadd.s32 s17, s2;
	s31 =	smul.u32 $0x1400, s1;
	s15 =	sshrl.u32 s5, $0x1  }
0x16: {  	s23 =	smov.u32 @p0 s7;
	s7 =	sadd.s32 s12, s2;
	s12 =	sadd.s32 s25, s2  }
0x17: {  	s21 =	smov.u32 @p0 s14;
	p0 =	sgt.u32 s1, $0xC;
	s25 =	simm.s32 $0x1  }
0x18: {  	s15 =	ssub.s32 s5, s15;
	s5 =	sadd.s32 s6, s2;
	s6 =	sadd.s32 s10, s2  }
0x19: {  	s10 =	sadd.s32 s0, s2;
	s29 =	sadd.s32 s21, s29;
	s17 =	sadd.s32 s21, s4  }
0x1a: {  	s18 =	sadd.s32 s21, s13;
	s19 =	sadd.s32 s21, s19;
	s20 =	sadd.s32 s21, s24  }
0x1b: {  	s23 =	sadd.s32 s31, s23;
	s24 =	simm.s32 $0x180;
	s28 =	smax.u32 s15, $0x1  }
0x1c: {  	[dreg:$0x5] =	wrdreg s29;
	s15 =	sadd.s32 s21, s16;
	s16 =	sadd.s32 s21, s30  }
0x1d: {  	s21 =	sadd.s32 s21, s26;
	s26 =	simm.s32 $0x0;
	[dreg:$0x4] =	wrdreg s28  }
.LBB2_1:
0x1e: {  	s0 =	rddreg [dreg:$0x3]  }
0x1f: {  	[tilespmem:s24], [sflag:$0x1] =	stream.linear.gather [hbm4b:s0+s3], $0x8000, $0x38;
	[tilespmem:$0x1DA00] =	vst v63  }
0x20: {  	_ =	swait.ge [sflag:s25], $0x8000  }
0x21: {  	[sflag:s25] =	ssyncset.done $0x0  }
0x22: {  	[sflag:s25] =	ssyncadd.s32 $0xFFFF8000  }
0x23: {  	[spmem:s5] =	stream.linear.scatter [tilespmem:s24], [sflag:$0x1], $0x2800, $0x38;
	[tilespmem:$0x1DA00] =	vst v63  }
0x24: {  	_ =	swait.ge [sflag:s25], $0x2800  }
0x25: {  	[sflag:s25] =	ssyncset.done $0x0  }
0x26: {  	[sflag:s25] =	ssyncadd.s32 $0xFFFFD800  }
0x27: {  	[spmem:s6] =	stream.linear.scatter [tilespmem:s24], [sflag:$0x1], $0x2800, $0x38;
	[tilespmem:$0x1DA00] =	vst v63  }
0x28: {  	_ =	swait.ge [sflag:s25], $0x2800  }
0x29: {  	[sflag:s25] =	ssyncset.done $0x0  }
0x2a: {  	[sflag:s25] =	ssyncadd.s32 $0xFFFFD800  }
0x2b: {  	[spmem:s7] =	stream.linear.scatter [tilespmem:s24], [sflag:$0x1], $0x2800, $0x38;
	[tilespmem:$0x1DA00] =	vst v63  }
0x2c: {  	_ =	swait.ge [sflag:s25], $0x2800  }
0x2d: {  	[sflag:s25] =	ssyncset.done $0x0  }
0x2e: {  	[sflag:s25] =	ssyncadd.s32 $0xFFFFD800  }
0x2f: {  	[spmem:s8] =	stream.linear.scatter [tilespmem:s24], [sflag:$0x1], $0x2800, $0x38;
	[tilespmem:$0x1DA00] =	vst v63  }
0x30: {  	_ =	swait.ge [sflag:s25], $0x2800  }
0x31: {  	[sflag:s25] =	ssyncset.done $0x0  }
0x32: {  	[sflag:s25] =	ssyncadd.s32 $0xFFFFD800  }
0x33: {  	[spmem:s9] =	stream.linear.scatter [tilespmem:s24], [sflag:$0x1], $0x2800, $0x38;
	[tilespmem:$0x1DA00] =	vst v63  }
0x34: {  	_ =	swait.ge [sflag:s25], $0x2800  }
0x35: {  	[sflag:s25] =	ssyncset.done $0x0  }
0x36: {  	[sflag:s25] =	ssyncadd.s32 $0xFFFFD800  }
0x37: {  	[spmem:s10] =	stream.linear.scatter [tilespmem:s24], [sflag:$0x1], $0x2800, $0x38;
	[tilespmem:$0x1DA00] =	vst v63  }
0x38: {  	_ =	swait.ge [sflag:s25], $0x2800  }
0x39: {  	[sflag:s25] =	ssyncset.done $0x0  }
0x3a: {  	[sflag:s25] =	ssyncadd.s32 $0xFFFFD800  }
0x3b: {  	[spmem:s11] =	stream.linear.scatter [tilespmem:s24], [sflag:$0x1], $0x2800, $0x38;
	[tilespmem:$0x1DA00] =	vst v63  }
0x3c: {  	_ =	swait.ge [sflag:s25], $0x2800  }
0x3d: {  	[sflag:s25] =	ssyncset.done $0x0  }
0x3e: {  	s28 =	simm.s32 @!p0 $0x180;
	[sflag:s25] =	ssyncadd.s32 $0xFFFFD800  }
0x3f: {  	[spmem:s12] =	stream.linear.scatter @!p0 [tilespmem:s28], [sflag:$0x1], $0x2800, $0x38;
	[tilespmem:$0x1DA00] =	vst v63  }
0x40: {  	s28 =	simm.s32 @!p0 $0x1  }
0x41: {  	_ =	swait.ge @!p0 [sflag:s28], $0x2800  }
0x42: {  	s29 =	sadd.s32 $0x0, s1;
	[sflag:s28] =	ssyncset.done @!p0 $0x0  }
0x43: {  	p1 =	sgt.u32 s29, $0x1F3;
	[sflag:s28] =	ssyncadd.s32 @!p0 $0xFFFFD800  }
0x44: {  	s30 =	simm.s32 @!p1 $0x2;
	s28 =	simm.s32 @!p1 $0x0;
	[bflag:$0x0] =	sbarrier.arrive $0xFFFF  }
0x45: {  	[tilespmem:s28], [sflag:$0x2] =	stream.linear.gather @!p1 [hbm4b:s22+s28], $0x140, $0x38;
	[tilespmem:$0x1DA00] =	vst v63  }
0x46: {  	_ =	swait.ge @!p1 [sflag:s30], $0x140  }
0x47: {  	[sflag:s30] =	ssyncset.done @!p1 $0x0;
	p1 =	por p1, p1  }
0x48: {  	[sflag:s30] =	ssyncadd.s32 @!p1 $0xFFFFFEC0;
	s0 =	simm.s32 @!p1 $0x180  }
0x49: {  	[tilespmem:s0], [sflag:$0x2] =	stream.linear.gather @!p1 [hbm4b:s23+s28], $0xA000, $0x38;
	[tilespmem:$0x1DA00] =	vst v63  }
0x4a: {  	_ =	swait.ge @!p1 [sflag:s30], $0xA000  }
0x4b: {  	s14 =	sadd.s32 $0x10, s1;
	[sflag:s30] =	ssyncset.done @!p1 $0x0  }
0x4c: {  	s31 =	simm.s32 @!p1 $0x1;
	[sflag:s30] =	ssyncadd.s32 @!p1 $0xFFFF6000;
	s30 =	simm.s32 @!p1 $0x140  }
0x4d: {  	[spmem:s2] =	stream.indirect.scatter.add.f32 @!p1 [tilespmem:s0], [sflag:$0x1], $0x80, s28, s30, $0xb8;
	[tilespmem:$0x1DA00] =	vst v63  }
0x4e: {  	s29 =	simm.s32 $0x20;
	p2 =	sgt.u32 s14, $0x1F3;
	_ =	swait.ge @!p1 [sflag:s31], $0xA000  }
0x4f: {  	s28 =	sadd.s32 $0x14000, s23;
	s30 =	sadd.s32 $0x280, s22;
	[sflag:s31] =	ssyncset.done @!p1 $0x0  }
.LBB2_2:
0x50: {  	s0 =	simm.s32 @!p2 $0x0;
	s4 =	simm.s32 @!p2 $0x2;
	[sflag:s31] =	ssyncadd.s32 @!p1 $0xFFFF6000  }
0x51: {  	[tilespmem:s0], [sflag:$0x2] =	stream.linear.gather @!p2 [hbm4b:s30+s0], $0x140, $0x38;
	[tilespmem:$0x1DA00] =	vst v63  }
0x52: {  	s13 =	smov.u32 s29;
	s29 =	sadd.s32 $0x10, s29;
	_ =	swait.ge @!p2 [sflag:s4], $0x140  }
0x53: {  	p1 =	por p2, p2;
	p3 =	sne.s32 s29, $0x200;
	[sflag:s4] =	ssyncset.done @!p2 $0x0  }
0x54: {  	s14 =	simm.s32 @!p1 $0x180;
	[sflag:s4] =	ssyncadd.s32 @!p1 $0xFFFFFEC0  }
0x55: {  	[tilespmem:s14], [sflag:$0x2] =	stream.linear.gather @!p1 [hbm4b:s28+s0], $0xA000, $0x38;
	[tilespmem:$0x1DA00] =	vst v63  }
0x56: {  	_ =	swait.ge @!p1 [sflag:s4], $0xA000  }
.Ltmp0:
0x57: {  	[sflag:s4] =	ssyncset.done @!p1 $0x0;
	(pc) =	sbr.rel @p3 .LBB2_2-.Ltmp0, $4  }
0x58: {  	s31 =	simm.s32 @!p1 $0x1;
	[sflag:s4] =	ssyncadd.s32 @!p1 $0xFFFF6000;
	s4 =	simm.s32 @!p1 $0x140  }
0x59: {  	[spmem:s2] =	stream.indirect.scatter.add.f32 @!p1 [tilespmem:s14], [sflag:$0x1], $0x80, s0, s4, $0xb8;
	[tilespmem:$0x1DA00] =	vst v63  }
0x5a: {  	s28 =	sadd.s32 $0x14000, s28;
	s0 =	sadd.s32 s13, s1;
	_ =	swait.ge @!p1 [sflag:s31], $0xA000  }
0x5b: {  	s30 =	sadd.s32 $0x280, s30;
	p2 =	sgt.u32 s0, $0x1F3;
	[sflag:s31] =	ssyncset.done @!p1 $0x0  }
0x5c: {  	s0 =	simm.s32 @!p2 $0x0;
	[sflag:s31] =	ssyncadd.s32 @!p1 $0xFFFF6000;
	s4 =	simm.s32 @!p2 $0x2  }
0x5d: {  	[tilespmem:s0], [sflag:$0x2] =	stream.linear.gather @!p2 [hbm4b:s30+s0], $0x140, $0x38;
	[tilespmem:$0x1DA00] =	vst v63  }
0x5e: {  	_ =	swait.ge @!p2 [sflag:s4], $0x140  }
0x5f: {  	p1 =	por p2, p2;
	[sflag:s4] =	ssyncset.done @!p2 $0x0  }
0x60: {  	s13 =	simm.s32 @!p1 $0x180;
	[sflag:s4] =	ssyncadd.s32 @!p1 $0xFFFFFEC0  }
0x61: {  	[tilespmem:s13], [sflag:$0x2] =	stream.linear.gather @!p1 [hbm4b:s28+s0], $0xA000, $0x38;
	[tilespmem:$0x1DA00] =	vst v63  }
0x62: {  	_ =	swait.ge @!p1 [sflag:s4], $0xA000  }
0x63: {  	[sflag:s4] =	ssyncset.done @!p1 $0x0  }
0x64: {  	[sflag:s4] =	ssyncadd.s32 @!p1 $0xFFFF6000;
	s4 =	simm.s32 @!p1 $0x140  }
0x65: {  	[spmem:s2] =	stream.indirect.scatter.add.f32 @!p1 [tilespmem:s13], [sflag:$0x1], $0x80, s0, s4, $0xb8;
	[tilespmem:$0x1DA00] =	vst v63  }
0x66: {  	s0 =	simm.s32 @!p1 $0x1  }
0x67: {  	_ =	swait.ge @!p1 [sflag:s0], $0xA000  }
0x68: {  	[sflag:s0] =	ssyncset.done @!p1 $0x0  }
0x69: {  	[sflag:s0] =	ssyncadd.s32 @!p1 $0xFFFF6000  }
0x6a: {  	[bflag:$0x0] =	sbarrier.arrive $0xFFFF  }
0x6b: {  	[tilespmem:s24], [sflag:$0x1] =	stream.linear.gather [spmem:s5], $0x2800, $0x38;
	[tilespmem:$0x1DA00] =	vst v63  }
0x6c: {  	_ =	swait.ge [sflag:s25], $0x2800  }
0x6d: {  	[sflag:s25] =	ssyncset.done $0x0  }
0x6e: {  	s30 =	rddreg [dreg:$0x5];
	[sflag:s25] =	ssyncadd.s32 $0xFFFFD800  }
0x6f: {  	[hbm4b:s30+s3] =	stream.linear.scatter [tilespmem:s24], [sflag:$0x1], $0x2800, $0x38;
	[tilespmem:$0x1DA00] =	vst v63  }
0x70: {  	_ =	swait.ge [sflag:s25], $0x2800  }
0x71: {  	[sflag:s25] =	ssyncset.done $0x0  }
0x72: {  	[sflag:s25] =	ssyncadd.s32 $0xFFFFD800  }
0x73: {  	[tilespmem:s24], [sflag:$0x1] =	stream.linear.gather [spmem:s6], $0x2800, $0x38;
	[tilespmem:$0x1DA00] =	vst v63  }
0x74: {  	_ =	swait.ge [sflag:s25], $0x2800  }
0x75: {  	[sflag:s25] =	ssyncset.done $0x0  }
0x76: {  	[sflag:s25] =	ssyncadd.s32 $0xFFFFD800  }
0x77: {  	[hbm4b:s15+s3] =	stream.linear.scatter [tilespmem:s24], [sflag:$0x1], $0x2800, $0x38;
	[tilespmem:$0x1DA00] =	vst v63  }
0x78: {  	_ =	swait.ge [sflag:s25], $0x2800  }
0x79: {  	[sflag:s25] =	ssyncset.done $0x0  }
0x7a: {  	[sflag:s25] =	ssyncadd.s32 $0xFFFFD800  }
0x7b: {  	[tilespmem:s24], [sflag:$0x1] =	stream.linear.gather [spmem:s7], $0x2800, $0x38;
	[tilespmem:$0x1DA00] =	vst v63  }
0x7c: {  	_ =	swait.ge [sflag:s25], $0x2800  }
0x7d: {  	[sflag:s25] =	ssyncset.done $0x0  }
0x7e: {  	[sflag:s25] =	ssyncadd.s32 $0xFFFFD800  }
0x7f: {  	[hbm4b:s16+s3] =	stream.linear.scatter [tilespmem:s24], [sflag:$0x1], $0x2800, $0x38;
	[tilespmem:$0x1DA00] =	vst v63  }
0x80: {  	_ =	swait.ge [sflag:s25], $0x2800  }
0x81: {  	[sflag:s25] =	ssyncset.done $0x0  }
0x82: {  	[sflag:s25] =	ssyncadd.s32 $0xFFFFD800  }
0x83: {  	[tilespmem:s24], [sflag:$0x1] =	stream.linear.gather [spmem:s8], $0x2800, $0x38;
	[tilespmem:$0x1DA00] =	vst v63  }
0x84: {  	_ =	swait.ge [sflag:s25], $0x2800  }
0x85: {  	[sflag:s25] =	ssyncset.done $0x0  }
0x86: {  	[sflag:s25] =	ssyncadd.s32 $0xFFFFD800  }
0x87: {  	[hbm4b:s17+s3] =	stream.linear.scatter [tilespmem:s24], [sflag:$0x1], $0x2800, $0x38;
	[tilespmem:$0x1DA00] =	vst v63  }
0x88: {  	_ =	swait.ge [sflag:s25], $0x2800  }
0x89: {  	[sflag:s25] =	ssyncset.done $0x0  }
0x8a: {  	[sflag:s25] =	ssyncadd.s32 $0xFFFFD800  }
0x8b: {  	[tilespmem:s24], [sflag:$0x1] =	stream.linear.gather [spmem:s9], $0x2800, $0x38;
	[tilespmem:$0x1DA00] =	vst v63  }
0x8c: {  	_ =	swait.ge [sflag:s25], $0x2800  }
0x8d: {  	[sflag:s25] =	ssyncset.done $0x0  }
0x8e: {  	[sflag:s25] =	ssyncadd.s32 $0xFFFFD800  }
0x8f: {  	[hbm4b:s18+s3] =	stream.linear.scatter [tilespmem:s24], [sflag:$0x1], $0x2800, $0x38;
	[tilespmem:$0x1DA00] =	vst v63  }
0x90: {  	_ =	swait.ge [sflag:s25], $0x2800  }
0x91: {  	[sflag:s25] =	ssyncset.done $0x0  }
0x92: {  	[sflag:s25] =	ssyncadd.s32 $0xFFFFD800  }
0x93: {  	[tilespmem:s24], [sflag:$0x1] =	stream.linear.gather [spmem:s10], $0x2800, $0x38;
	[tilespmem:$0x1DA00] =	vst v63  }
0x94: {  	_ =	swait.ge [sflag:s25], $0x2800  }
0x95: {  	[sflag:s25] =	ssyncset.done $0x0  }
0x96: {  	[sflag:s25] =	ssyncadd.s32 $0xFFFFD800  }
0x97: {  	[hbm4b:s19+s3] =	stream.linear.scatter [tilespmem:s24], [sflag:$0x1], $0x2800, $0x38;
	[tilespmem:$0x1DA00] =	vst v63  }
0x98: {  	_ =	swait.ge [sflag:s25], $0x2800  }
0x99: {  	[sflag:s25] =	ssyncset.done $0x0  }
0x9a: {  	[sflag:s25] =	ssyncadd.s32 $0xFFFFD800  }
0x9b: {  	[tilespmem:s24], [sflag:$0x1] =	stream.linear.gather [spmem:s11], $0x2800, $0x38;
	[tilespmem:$0x1DA00] =	vst v63  }
0x9c: {  	_ =	swait.ge [sflag:s25], $0x2800  }
0x9d: {  	[sflag:s25] =	ssyncset.done $0x0  }
0x9e: {  	[sflag:s25] =	ssyncadd.s32 $0xFFFFD800  }
0x9f: {  	[hbm4b:s20+s3] =	stream.linear.scatter [tilespmem:s24], [sflag:$0x1], $0x2800, $0x38;
	[tilespmem:$0x1DA00] =	vst v63  }
0xa0: {  	_ =	swait.ge [sflag:s25], $0x2800  }
0xa1: {  	[sflag:s25] =	ssyncset.done $0x0  }
0xa2: {  	s4 =	simm.s32 @!p0 $0x1;
	s0 =	simm.s32 @!p0 $0x180;
	[sflag:s25] =	ssyncadd.s32 $0xFFFFD800  }
0xa3: {  	[tilespmem:s0], [sflag:$0x1] =	stream.linear.gather @!p0 [spmem:s12], $0x2800, $0x38;
	[tilespmem:$0x1DA00] =	vst v63  }
0xa4: {  	_ =	swait.ge @!p0 [sflag:s4], $0x2800  }
0xa5: {  	[sflag:s4] =	ssyncset.done @!p0 $0x0  }
0xa6: {  	s13 =	simm.s32 @!p0 $0x0;
	[sflag:s4] =	ssyncadd.s32 @!p0 $0xFFFFD800  }
0xa7: {  	[hbm4b:s21+s13] =	stream.linear.scatter @!p0 [tilespmem:s0], [sflag:$0x1], $0x2800, $0x38;
	[tilespmem:$0x1DA00] =	vst v63  }
0xa8: {  	_ =	swait.ge @!p0 [sflag:s4], $0x2800  }
0xa9: {  	s26 =	sadd.s32 $0x1, s26;
	s31 =	rddreg [dreg:$0x4]  }
0xaa: {  	p1 =	sne.s32 s26, s31  }
.Ltmp1:
0xab: {  	_ = 	snop;
	(pc) =	sbr.rel @p1 .LBB2_1-.Ltmp1, $3  }
0xac: {  	_ =	sdelay $0x1  }
0xad: {  	[sflag:s4] =	ssyncset.done @!p0 $0x0  }
0xae: {  	[sflag:s4] =	ssyncadd.s32 @!p0 $0xFFFFD800  }
0xaf: {  	_ =	sfence.sel $0x180000  }
0xb0: {  	[bflag:$0x0] =	sbarrier.arrive $0xFFFF  }
0xb1: {  	_ =	strace $0x9000004D  }
0xb2: {  	[bflag:$0x2] =	sbarrier.arrive $0xFFFF  }
0xb3: {  	p0 =	sne.s32 s1, $0x0;
	s0 =	rddreg [dreg:$0x2]  }
0xb4: {  	s0 =	sadd.s32 @!p0 $0x100000, s0  }
0xb5: {  	[sflag:s0] =	ssyncadd.tile.s32 @!p0 $0x1;
	_ =	shalt  }
.Lfunc_end2:
_tile_overlayer_lowered:
.L_overlay_start_2:
0xb6: {  	(tag) =	ssettag $0x2  }
0xb7: {  	s0 =	rddreg [dreg:$0x0];
	s2 =	stileid.u32  }
0xb8: {  	s1 =	rddreg [dreg:$0x1];
	p0 =	sne.s32 s2, $0x0  }
0xb9: {  	s3 =	rddreg [dreg:$0x2];
	[bflag:$0x3] =	sbarrier.arrive $0xFFFF;
	s2 =	simm.s32 @!p0 $0x1C01  }
0xba: {  	[timem:s3], [sflag:s2] =	dma.local @!p0 [hbm:s0], s1  }
0xbb: {  	s0 =	simm.s32 @!p0 $0x1  }
0xbc: {  	_ =	swait.ge @!p0 [sflag:s0], s1  }
0xbd: {  	s1 =	ssub.s32 @!p0 $0x0, s1;
	[sflag:s0] =	ssyncset.done @!p0 $0x0  }
0xbe: {  	[sflag:s0] =	ssyncadd.s32 @!p0 s1  }
0xbf: {  	[bflag:$0x3] =	sbarrier.arrive $0xFFFF  }
0xc0: {  	_ =	shalt  }

// kernel: kernel.19.cloned.1.call-start
scs
__scs_entry_jumppad:
0x0: {  	(pc) =	sbr.rel $0x88, $3  }
0x1: {  	(tag) =	ssettag $0x0;
	lr =	simm.s32 $0x1  }
0x2: {  	[smem:$0x3F93] =	sst lr;
	_ =	strace $0xD0000000  }
0x3: {  	_ = 	snop  }
0x4: {  	_ = 	snop  }
0x5: {  	_ = 	snop  }
0x6: {  	_ = 	snop  }
0x7: {  	_ = 	snop  }
__scs_overlays_trampoline_lowered:
0x8: {  	[smem:$0x3FA2] =	sst s0  }
0x9: {  	[smem:$0x3FA3] =	sst s1  }
0xa: {  	[smem:$0x3FA4] =	sst s2  }
0xb: {  	[smem:$0x3FA5] =	sst s3  }
0xc: {  	[smem:$0x3FA6] =	sst s4  }
0xd: {  	[smem:$0x3FA7] =	sst s5  }
0xe: {  	[smem:$0x3FA8] =	sst s6  }
0xf: {  	[smem:$0x3FA9] =	sst s7  }
0x10: {  	[smem:$0x3FAA] =	sst s8  }
0x11: {  	[smem:$0x3FAB] =	sst s9;
	s0 =	simm.s32 @!p0 $0x0  }
0x12: {  	s1 =	sld [smem:$0x3F91];
	s0 =	simm.s32 @p0 $0x1  }
0x13: {  	[smem:$0x3FAC] =	sst s0;
	s0 =	simm.s32 @!p1 $0x0  }
0x14: {  	s2 =	sld [smem:$0x3F90];
	s0 =	simm.s32 @p1 $0x1  }
0x15: {  	[smem:$0x3FAD] =	sst s0;
	s0 =	simm.s32 @!p2 $0x0  }
0x16: {  	s3 =	sld [smem:$0x3FDB];
	s0 =	simm.s32 @p2 $0x1  }
0x17: {  	s4 =	simm.s32 $0x1BF5;
	[smem:$0x3FAF] =	sst s0  }
0x18: {  	s0 =	sld [smem:$0x3F92];
	_ =	swait.ge [sflag:s4], $0x0  }
0x19: {  	s7 =	sld [smem:$0x3F93]  }
0x1a: {  	s8 =	sadd.s32 $0xFFFFE003, lr  }
0x1b: {  	s9 =	sadd.s32 $0xFFFFFEF7, lr;
	s5 =	simm.s32 $0xFFFFFFFF;
	p2 =	slt.u32 s8, $0xFFFFF086  }
0x1c: {  	p1 =	slt.u32 s9, $0xF7A;
	s5 =	simm.s32 @!p2 $0x0  }
0x1d: {  	s5 =	simm.s32 @p1 $0x1;
	p0 =	seq.s32 s7, s2  }
0x1e: {  	s7 =	smul.u32 @!p0 $0xF7A, s2;
	p2 =	seq.s32 @!p0 s5, $0x0  }
0x1f: {  	s9 =	smul.u32 $0xF7A, s1;
	s8 =	simm.s32 @!p0 $0x1BF5;
	p2 =	por !p2, p0  }
0x20: {  	[sflag:s8] =	ssyncset.s32 @!p0 $0xFFFFF086;
	s6 =	sadd.s32 @!p0 s3, s7;
	s7 =	simm.s32 @!p0 $0x108  }
0x21: {  	s3 =	sadd.s32 s3, s9;
	s6 =	sadd.s32 @!p0 $0x88, s6;
	s7 =	simm.s32 @p2 $0x1082  }
0x22: {  	[simem:s7], [sflag:s8] =	dma.local @!p0 [hbm:s6], $0xF7A  }
0x23: {  	s9 =	sor.u32 $0xD0000000, s2;
	s6 =	simm.s32 $0x108;
	_ =	swait.ge @!p0 [sflag:s8], $0x0  }
0x24: {  	s3 =	sadd.s32 $0x88, s3;
	s6 =	simm.s32 @!p1 $0x1082;
	[sflag:s4] =	ssyncset.s32 $0xFFFFF086  }
0x25: {  	[simem:s6], [sflag:s4] =	dma.local [hbm:s3], $0xF7A  }
0x26: {  	[smem:$0x3F93] =	sst s1;
	(tag) =	ssettag s2;
	_ =	strace s9  }
0x27: {  	s1 =	sld [smem:$0x3FA3]  }
0x28: {  	s2 =	sld [smem:$0x3FA4]  }
0x29: {  	s4 =	sld [smem:$0x3FA6]  }
0x2a: {  	p0 =	seq.s32 s5, $0x0;
	s5 =	sld [smem:$0x3FA7]  }
0x2b: {  	s6 =	sld [smem:$0x3FA8]  }
0x2c: {  	s7 =	sld [smem:$0x3FA9]  }
0x2d: {  	s3 =	simm.s32 $0x108;
	s8 =	sld [smem:$0x3FAA]  }
0x2e: {  	s3 =	simm.s32 @!p0 $0x1082;
	s9 =	sld [smem:$0x3FAB]  }
0x2f: {  	lr =	sadd.s32 s0, s3;
	s0 =	sld [smem:$0x3FA2]  }
0x30: {  	s3 =	sld [smem:$0x3FA5]  }
0x31: {  	[smem:$0x3FAE] =	sst s10  }
0x32: {  	s10 =	sld [smem:$0x3FAC];
	_ =	sdelay $0x3  }
0x33: {  	p0 =	seq.s32 s10, $0x1;
	s10 =	sld [smem:$0x3FAE];
	_ =	sdelay $0x3  }
0x34: {  	[smem:$0x3FAE] =	sst s10  }
0x35: {  	s10 =	sld [smem:$0x3FAD];
	_ =	sdelay $0x3  }
0x36: {  	p1 =	seq.s32 s10, $0x1;
	s10 =	sld [smem:$0x3FAE];
	_ =	sdelay $0x3  }
0x37: {  	[smem:$0x3FAE] =	sst s10  }
0x38: {  	s10 =	sld [smem:$0x3FAF]  }
0x39: {  	_ = 	snop;
	(pc) =	sbr.ind lr, $3  }
0x3a: {  	_ = 	snop  }
0x3b: {  	_ = 	snop  }
0x3c: {  	p2 =	seq.s32 s10, $0x1;
	s10 =	sld [smem:$0x3FAE]  }
0x3d: {  	_ =	shalt  }
0x3e: {  	_ =	shalt  }
0x3f: {  	_ =	shalt  }
0x40: {  	_ =	shalt  }
0x41: {  	_ =	shalt  }
0x42: {  	_ =	shalt  }
0x43: {  	_ =	shalt  }
0x44: {  	_ =	shalt  }
0x45: {  	_ =	shalt  }
0x46: {  	_ =	shalt  }
0x47: {  	_ =	shalt  }
0x48: {  	_ =	shalt  }
0x49: {  	_ =	shalt  }
0x4a: {  	_ =	shalt  }
0x4b: {  	_ =	shalt  }
0x4c: {  	_ =	shalt  }
0x4d: {  	_ =	shalt  }
0x4e: {  	_ =	shalt  }
0x4f: {  	_ =	shalt  }
0x50: {  	_ =	shalt  }
0x51: {  	_ =	shalt  }
0x52: {  	_ =	shalt  }
0x53: {  	_ =	shalt  }
0x54: {  	_ =	shalt  }
0x55: {  	_ =	shalt  }
0x56: {  	_ =	shalt  }
0x57: {  	_ =	shalt  }
0x58: {  	_ =	shalt  }
0x59: {  	_ =	shalt  }
0x5a: {  	_ =	shalt  }
0x5b: {  	_ =	shalt  }
0x5c: {  	_ =	shalt  }
0x5d: {  	_ =	shalt  }
0x5e: {  	_ =	shalt  }
0x5f: {  	_ =	shalt  }
0x60: {  	_ =	shalt  }
0x61: {  	_ =	shalt  }
0x62: {  	_ =	shalt  }
0x63: {  	_ =	shalt  }
0x64: {  	_ =	shalt  }
0x65: {  	_ =	shalt  }
0x66: {  	_ =	shalt  }
0x67: {  	_ =	shalt  }
0x68: {  	_ =	shalt  }
0x69: {  	_ =	shalt  }
0x6a: {  	_ =	shalt  }
0x6b: {  	_ =	shalt  }
0x6c: {  	_ =	shalt  }
0x6d: {  	_ =	shalt  }
0x6e: {  	_ =	shalt  }
0x6f: {  	_ =	shalt  }
0x70: {  	_ =	shalt  }
0x71: {  	_ =	shalt  }
0x72: {  	_ =	shalt  }
0x73: {  	_ =	shalt  }
0x74: {  	_ =	shalt  }
0x75: {  	_ =	shalt  }
0x76: {  	_ =	shalt  }
0x77: {  	_ =	shalt  }
0x78: {  	_ =	shalt  }
0x79: {  	_ =	shalt  }
0x7a: {  	_ =	shalt  }
0x7b: {  	_ =	shalt  }
0x7c: {  	_ =	shalt  }
0x7d: {  	_ =	shalt  }
0x7e: {  	_ =	shalt  }
0x7f: {  	_ =	shalt  }
0x80: {  	_ =	shalt  }
0x81: {  	_ =	shalt  }
0x82: {  	_ =	shalt  }
0x83: {  	_ =	shalt  }
0x84: {  	_ =	shalt  }
0x85: {  	_ =	shalt  }
0x86: {  	_ =	shalt  }
0x87: {  	_ =	shalt  }
.Lfunc_end0:
.L_simem_size_0:
called_computation.3_lowered:
.L_overlay_start_0:
0x88: {  	s2 =	sld [smem:$0x3FD9]  }
0x89: {  	s3 =	sld [smem:$0x3FFE];
	_ =	sdelay $0x1  }
0x8a: {  	s1 =	srdreg.scid  }
0x8b: {  	s0 =	sand.u32 $0x1, s1  }
0x8c: {  	s17 =	sshll.u32 s0, $0xA;
	s2 =	sadd.s32 s3, s2  }
0x8d: {  	s2 =	sadd.s32 s2, s17  }
0x8e: {  	[smem:$0x3FBA] =	sst s2  }
0x8f: {  	_ = 	snop  }
0x90: {  	s2 =	sld [smem:$0x3FD0];
	(tm) =	ssettm $0x1  }
0x91: {  	s18 =	sld [smem:$0x3FFB];
	_ =	sdelay $0x3  }
0x92: {  	_ =	strace s18  }
0x93: {  	s3 =	sld [smem:$0x3FFC];
	_ =	sdelay $0x3  }
0x94: {  	_ =	strace s3  }
0x95: {  	s3 =	sld [smem:$0x3FFD];
	_ =	sdelay $0x3  }
0x96: {  	_ =	strace s3  }
0x97: {  	_ =	strace $0x8FFFFFFF  }
0x98: {  	s19 =	sld [smem:$0x3FDB];
	_ =	sdelay $0x1  }
0x99: {  	s4 =	simm.s32 $_scs_section_size  }
0x9a: {  	s5 =	simm.s32 $_size__tile_overlayer_lowered;
	s6 =	simm.s32 $_tile_overlayer_lowered  }
0x9b: {  	s22 =	simm.s32 $0x1BFF;
	s21 =	sshll.u32 s6, $0x1;
	s3 =	sadd.s32 s4, s19  }
0x9c: {  	s7 =	simm.s32 $0x0;
	s20 =	sshll.u32 s5, $0x1;
	s5 =	sadd.s32 s21, s3  }
0x9d: {  	[timem:s7], [sflag:s22] =	dma.local [hbm:s5], s20  }
0x9e: {  	_ =	swait.ge [sflag:s22], s20  }
0x9f: {  	s4 =	ssub.s32 $0x0, s20;
	[sflag:s22] =	ssyncset.done $0x0  }
0xa0: {  	[sflag:s22] =	ssyncadd.s32 s4;
	_ =	sdelay $0x1  }
0xa1: {  	s23 =	simm.s32 $0x1B8B  }
0xa2: {  	_ =	swait.ge [sflag:s23], $0x1  }
0xa3: {  	[sflag:s23] =	ssyncset.done $0x0  }
0xa4: {  	s25 =	simm.s32 $0x1B8E;
	s24 =	sld [smem:$0x3FFE];
	[sflag:s23] =	ssyncadd.s32 $0xFFFFFFFF  }
0xa5: {  	s26 =	simm.s32 $execute0_lowered;
	[smem:$0x3FD2] =	sst s25  }
0xa6: {  	s5 =	sshll.u32 s26, $0x1;
	_ =	strace $0x8000004F;
	[dreg:$0x1] =	wrdreg $0xFFFFFFFF  }
0xa7: {  	s28 =	simm.s32 $_size_execute0_lowered;
	s3 =	sadd.s32 s3, s5;
	[dreg:$0x0] =	wrdreg $0x0  }
0xa8: {  	s5 =	sshll.u32 s28, $0x1;
	[dreg:$0x2] =	wrdreg s3  }
0xa9: {  	[dreg:$0x3] =	wrdreg s5  }
0xaa: {  	[dreg:$0x4] =	wrdreg $0xC0  }
0xab: {  	_ =	task [dreg:s7], $0x5FFFF  }
0xac: {  	[dreg:$0x1] =	wrdreg $0xFFFFFFFF  }
0xad: {  	[dreg:$0x0] =	wrdreg $0x60  }
0xae: {  	[dreg:$0x2] =	wrdreg s24  }
0xaf: {  	[dreg:$0x3] =	wrdreg s2  }
0xb0: {  	[dreg:$0x4] =	wrdreg $0xA1800  }
0xb1: {  	[dreg:$0x5] =	wrdreg $0x9  }
0xb2: {  	_ =	task.clear_ibuf [dreg:s7], $0x6FFFF;
	_ =	strace $0x9000004F  }
0xb3: {  	s29 =	simm.s32 $0x9;
	_ =	strace $0x80000051  }
0xb4: {  	_ =	swait.ge [sflag:s29], $0x1  }
0xb5: {  	[sflag:s29] =	ssyncadd.s32 $0xFFFFFFFF  }
0xb6: {  	_ =	strace $0x90000051  }
0xb7: {  	_ =	sfence  }
0xb8: {  	s30 =	sld [smem:$0x0];
	_ =	sdelay $0x2  }
0xb9: {  	s31 =	sshll.u32 s1, $0xD;
	s1 =	sshrl.u32 s1, $0x2  }
0xba: {  	s3 =	sand.u32 $0x4000, s31;
	s1 =	sadd.s32 s1, s30  }
0xbb: {  	s0 =	sor.u32 s3, s0;
	s1 =	sshll.u32 s1, $0x11  }
0xbc: {  	s0 =	sor.u32 s1, s0  }
0xbd: {  	s0 =	sadd.s32 $0x8F2B, s0  }
0xbe: {  	[sflag:s0] =	ssyncadd.remote.s32 $0x1  }
0xbf: {  	_ =	sfence.sel $0xFFFF  }
0xc0: {  	[dreg:$0x0] =	wrdreg $0xFFFFFFFF;
	(pc) =	sbr.abs _section_cstart, $3  }
0xc1: {  	[dreg:$0x1] =	wrdreg $0xFFFFFFFF  }
0xc2: {  	_ =	task.clear_ibuf [dreg:s7], $0x2FFFF;
	_ =	strace $0x9FFFFFFF  }
0xc3: {  	(tm) =	ssettm $0x7FFFFFFF  }
tec
execute0_lowered:
.L_overlay_start_1:
0x0: {  	(tag) =	ssettag $0x1  }
0x1: {  	s0 =	stileid.u32  }
0x2: {  	s3 =	rddreg [dreg:$0x0];
	s2 =	smul.u32 $0x28, s0  }
0x3: {  	s4 =	rddreg [dreg:$0x1];
	s6 =	smul.u32 $0x500, s0;
	s7 =	sor.u32 $0x10, s0  }
0x4: {  	s1 =	simm.s32 $0x0;
	s14 =	srdreg.scid;
	s11 =	smul.u32 $0x500, s7  }
0x5: {  	s5 =	sadd.s32 $0xC73C00, s3;
	s10 =	sor.u32 $0x20, s0;
	s7 =	smul.u32 $0xA000, s7  }
0x6: {  	[smem:$0x7FF] =	sst s1;
	s8 =	sadd.s32 $0xA02C00, s3;
	s13 =	smul.u32 $0x500, s10  }
0x7: {  	s9 =	sadd.s32 $0x34C00, s3;
	s21 =	sor.u32 $0x30, s0;
	s17 =	smul.u32 $0xA000, s10  }
0x8: {  	s25 =	sand.u32 $0x1, s14;
	s22 =	sor.u32 $0x40, s0;
	s14 =	smul.u32 $0x500, s21  }
0x9: {  	s12 =	sadd.s32 $0x5BE00, s3;
	s23 =	sor.u32 $0x50, s0;
	s16 =	smul.u32 $0x500, s22  }
0xa: {  	s24 =	sor.u32 $0x60, s0;
	s15 =	ssub.s32 $0x2, s25;
	s19 =	smul.u32 $0x500, s23  }
0xb: {  	p0 =	seq.s32 s25, $0x1;
	s20 =	smul.u32 $0x500, s24;
	s25 =	sor.u32 $0x70, s0  }
0xc: {  	s2 =	sadd.s32 s2, s3;
	s3 =	sadd.s32 $0x3200, s3;
	s18 =	sshrl.u32 s15, $0x1  }
0xd: {  	s9 =	smov.u32 @p0 s12;
	s5 =	smov.u32 @p0 s8;
	s30 =	ssub.s32 s15, s18  }
0xe: {  	s18 =	smul.u32 $0x500, s25;
	s26 =	sadd.s32 s9, s6;
	s12 =	sadd.s32 s9, s11  }
0xf: {  	s15 =	sadd.s32 s9, s13;
	s4 =	smov.u32 @p0 s3;
	[dreg:$0x4] =	wrdreg s26  }
0x10: {  	s8 =	sadd.s32 s9, s16;
	s10 =	sadd.s32 s9, s19;
	[dreg:$0x5] =	wrdreg s12  }
0x11: {  	s31 =	sadd.s32 $0x2A5C00, s2;
	p0 =	sgt.u32 s0, $0xC;
	[dreg:$0x6] =	wrdreg s15  }
0x12: {  	s2 =	simm.s32 $0x1;
	s26 =	sadd.s32 s9, s14;
	[dreg:$0x8] =	wrdreg s8  }
0x13: {  	[dreg:$0x9] =	wrdreg s10;
	s12 =	sadd.s32 s9, s20;
	s8 =	smul.u32 $0x1400, s0  }
0x14: {  	s10 =	smul.u32 $0xA000, s21;
	s30 =	smax.u32 s30, $0x1;
	[dreg:$0x7] =	wrdreg s26  }
0x15: {  	[dreg:$0xa] =	wrdreg s12;
	s15 =	sadd.s32 s9, s18;
	s26 =	sadd.s32 s4, s6  }
0x16: {  	s6 =	sadd.s32 s4, s11;
	s12 =	sadd.s32 s4, s13;
	s13 =	sadd.s32 s4, s14  }
0x17: {  	s14 =	sadd.s32 s4, s16;
	s16 =	sadd.s32 s4, s20;
	s9 =	smul.u32 $0xA000, s0  }
0x18: {  	s18 =	sadd.s32 s4, s18;
	s11 =	smul.u32 $0xA000, s22;
	[dreg:$0xb] =	wrdreg s15  }
0x19: {  	s22 =	sshrl.u32 s7, $0x2;
	s7 =	sshrl.u32 s17, $0x2;
	[dreg:$0xc] =	wrdreg s26  }
0x1a: {  	[dreg:$0xd] =	wrdreg s6;
	s15 =	sadd.s32 s4, s19;
	s26 =	smul.u32 $0xA000, s23  }
0x1b: {  	s19 =	rddreg [dreg:$0x2];
	s20 =	sadd.s32 s8, s5;
	s8 =	smul.u32 $0xA000, s24  }
0x1c: {  	s3 =	sshrl.u32 s10, $0x2;
	_ =	strace $0x80000050;
	s4 =	sshrl.u32 s9, $0x2  }
0x1d: {  	s22 =	sadd.s32 s22, s19;
	s5 =	sshrl.u32 s11, $0x2;
	s9 =	smul.u32 $0xA000, s25  }
0x1e: {  	s23 =	sadd.s32 s7, s19;
	s24 =	sadd.s32 s3, s19;
	s3 =	simm.s32 $0x0  }
0x1f: {  	s21 =	sadd.s32 s4, s19;
	s25 =	sadd.s32 s5, s19;
	s10 =	sshrl.u32 s26, $0x2  }
0x20: {  	s11 =	sshrl.u32 s8, $0x2;
	s17 =	sshrl.u32 s9, $0x2;
	s26 =	sadd.s32 s10, s19  }
0x21: {  	s28 =	sadd.s32 s11, s19;
	s29 =	sadd.s32 s17, s19;
	s17 =	simm.s32 $0x180  }
.LBB2_1:
0x22: {  	s4 =	rddreg [dreg:$0x4]  }
0x23: {  	[tilespmem:s17], [sflag:$0x1] =	stream.linear.gather [hbm4b:s4+s1], $0x2800, $0x38;
	[tilespmem:$0x1DA00] =	vst v63  }
0x24: {  	_ =	swait.ge [sflag:s2], $0x2800  }
0x25: {  	[sflag:s2] =	ssyncset.done $0x0  }
0x26: {  	[sflag:s2] =	ssyncadd.s32 $0xFFFFD800  }
0x27: {  	[spmem:s21] =	stream.linear.scatter [tilespmem:s17], [sflag:$0x1], $0x2800, $0x38;
	[tilespmem:$0x1DA00] =	vst v63  }
0x28: {  	_ =	swait.ge [sflag:s2], $0x2800  }
0x29: {  	[sflag:s2] =	ssyncset.done $0x0  }
0x2a: {  	s11 =	rddreg [dreg:$0x5];
	[sflag:s2] =	ssyncadd.s32 $0xFFFFD800  }
0x2b: {  	[tilespmem:s17], [sflag:$0x1] =	stream.linear.gather [hbm4b:s11+s1], $0x2800, $0x38;
	[tilespmem:$0x1DA00] =	vst v63  }
0x2c: {  	_ =	swait.ge [sflag:s2], $0x2800  }
0x2d: {  	[sflag:s2] =	ssyncset.done $0x0  }
0x2e: {  	[sflag:s2] =	ssyncadd.s32 $0xFFFFD800  }
0x2f: {  	[spmem:s22] =	stream.linear.scatter [tilespmem:s17], [sflag:$0x1], $0x2800, $0x38;
	[tilespmem:$0x1DA00] =	vst v63  }
0x30: {  	_ =	swait.ge [sflag:s2], $0x2800  }
0x31: {  	[sflag:s2] =	ssyncset.done $0x0  }
0x32: {  	s5 =	rddreg [dreg:$0x6];
	[sflag:s2] =	ssyncadd.s32 $0xFFFFD800  }
0x33: {  	[tilespmem:s17], [sflag:$0x1] =	stream.linear.gather [hbm4b:s5+s1], $0x2800, $0x38;
	[tilespmem:$0x1DA00] =	vst v63  }
0x34: {  	_ =	swait.ge [sflag:s2], $0x2800  }
0x35: {  	[sflag:s2] =	ssyncset.done $0x0  }
0x36: {  	[sflag:s2] =	ssyncadd.s32 $0xFFFFD800  }
0x37: {  	[spmem:s23] =	stream.linear.scatter [tilespmem:s17], [sflag:$0x1], $0x2800, $0x38;
	[tilespmem:$0x1DA00] =	vst v63  }
0x38: {  	_ =	swait.ge [sflag:s2], $0x2800  }
0x39: {  	[sflag:s2] =	ssyncset.done $0x0  }
0x3a: {  	s6 =	rddreg [dreg:$0x7];
	[sflag:s2] =	ssyncadd.s32 $0xFFFFD800  }
0x3b: {  	[tilespmem:s17], [sflag:$0x1] =	stream.linear.gather [hbm4b:s6+s1], $0x2800, $0x38;
	[tilespmem:$0x1DA00] =	vst v63  }
0x3c: {  	_ =	swait.ge [sflag:s2], $0x2800  }
0x3d: {  	[sflag:s2] =	ssyncset.done $0x0  }
0x3e: {  	[sflag:s2] =	ssyncadd.s32 $0xFFFFD800  }
0x3f: {  	[spmem:s24] =	stream.linear.scatter [tilespmem:s17], [sflag:$0x1], $0x2800, $0x38;
	[tilespmem:$0x1DA00] =	vst v63  }
0x40: {  	_ =	swait.ge [sflag:s2], $0x2800  }
0x41: {  	[sflag:s2] =	ssyncset.done $0x0  }
0x42: {  	s7 =	rddreg [dreg:$0x8];
	[sflag:s2] =	ssyncadd.s32 $0xFFFFD800  }
0x43: {  	[tilespmem:s17], [sflag:$0x1] =	stream.linear.gather [hbm4b:s7+s1], $0x2800, $0x38;
	[tilespmem:$0x1DA00] =	vst v63  }
0x44: {  	_ =	swait.ge [sflag:s2], $0x2800  }
0x45: {  	[sflag:s2] =	ssyncset.done $0x0  }
0x46: {  	[sflag:s2] =	ssyncadd.s32 $0xFFFFD800  }
0x47: {  	[spmem:s25] =	stream.linear.scatter [tilespmem:s17], [sflag:$0x1], $0x2800, $0x38;
	[tilespmem:$0x1DA00] =	vst v63  }
0x48: {  	_ =	swait.ge [sflag:s2], $0x2800  }
0x49: {  	[sflag:s2] =	ssyncset.done $0x0  }
0x4a: {  	s8 =	rddreg [dreg:$0x9];
	[sflag:s2] =	ssyncadd.s32 $0xFFFFD800  }
0x4b: {  	[tilespmem:s17], [sflag:$0x1] =	stream.linear.gather [hbm4b:s8+s1], $0x2800, $0x38;
	[tilespmem:$0x1DA00] =	vst v63  }
0x4c: {  	_ =	swait.ge [sflag:s2], $0x2800  }
0x4d: {  	[sflag:s2] =	ssyncset.done $0x0  }
0x4e: {  	[sflag:s2] =	ssyncadd.s32 $0xFFFFD800  }
0x4f: {  	[spmem:s26] =	stream.linear.scatter [tilespmem:s17], [sflag:$0x1], $0x2800, $0x38;
	[tilespmem:$0x1DA00] =	vst v63  }
0x50: {  	_ =	swait.ge [sflag:s2], $0x2800  }
0x51: {  	[sflag:s2] =	ssyncset.done $0x0  }
0x52: {  	s9 =	rddreg [dreg:$0xa];
	[sflag:s2] =	ssyncadd.s32 $0xFFFFD800  }
0x53: {  	[tilespmem:s17], [sflag:$0x1] =	stream.linear.gather [hbm4b:s9+s1], $0x2800, $0x38;
	[tilespmem:$0x1DA00] =	vst v63  }
0x54: {  	_ =	swait.ge [sflag:s2], $0x2800  }
0x55: {  	[sflag:s2] =	ssyncset.done $0x0  }
0x56: {  	[sflag:s2] =	ssyncadd.s32 $0xFFFFD800  }
0x57: {  	[spmem:s28] =	stream.linear.scatter [tilespmem:s17], [sflag:$0x1], $0x2800, $0x38;
	[tilespmem:$0x1DA00] =	vst v63  }
0x58: {  	_ =	swait.ge [sflag:s2], $0x2800  }
0x59: {  	s4 =	simm.s32 @!p0 $0x0;
	[sflag:s2] =	ssyncset.done $0x0  }
0x5a: {  	s5 =	simm.s32 @!p0 $0x180;
	s6 =	rddreg [dreg:$0xb];
	[sflag:s2] =	ssyncadd.s32 $0xFFFFD800  }
0x5b: {  	[tilespmem:s5], [sflag:$0x1] =	stream.linear.gather @!p0 [hbm4b:s6+s4], $0x2800, $0x38;
	[tilespmem:$0x1DA00] =	vst v63  }
0x5c: {  	s4 =	simm.s32 @!p0 $0x1  }
0x5d: {  	_ =	swait.ge @!p0 [sflag:s4], $0x2800  }
0x5e: {  	[sflag:s4] =	ssyncset.done @!p0 $0x0  }
0x5f: {  	[sflag:s4] =	ssyncadd.s32 @!p0 $0xFFFFD800  }
0x60: {  	[spmem:s29] =	stream.linear.scatter @!p0 [tilespmem:s5], [sflag:$0x1], $0x2800, $0x38;
	[tilespmem:$0x1DA00] =	vst v63  }
0x61: {  	_ =	swait.ge @!p0 [sflag:s4], $0x2800  }
0x62: {  	s10 =	sadd.s32 $0x0, s0;
	[sflag:s4] =	ssyncset.done @!p0 $0x0  }
0x63: {  	p1 =	sgt.u32 s10, $0x1F3;
	[sflag:s4] =	ssyncadd.s32 @!p0 $0xFFFFD800  }
0x64: {  	s5 =	simm.s32 @!p1 $0x2;
	s4 =	simm.s32 @!p1 $0x0;
	[bflag:$0x0] =	sbarrier.arrive $0xFFFF  }
0x65: {  	[tilespmem:s4], [sflag:$0x2] =	stream.linear.gather @!p1 [hbm4b:s31+s4], $0x140, $0x38;
	[tilespmem:$0x1DA00] =	vst v63  }
0x66: {  	_ =	swait.ge @!p1 [sflag:s5], $0x140  }
0x67: {  	[sflag:s5] =	ssyncset.done @!p1 $0x0;
	p1 =	por p1, p1  }
0x68: {  	[sflag:s5] =	ssyncadd.s32 @!p1 $0xFFFFFEC0;
	s6 =	simm.s32 @!p1 $0x180  }
0x69: {  	[tilespmem:s6], [sflag:$0x2] =	stream.linear.gather @!p1 [hbm4b:s20+s4], $0xA000, $0x38;
	[tilespmem:$0x1DA00] =	vst v63  }
0x6a: {  	_ =	swait.ge @!p1 [sflag:s5], $0xA000  }
0x6b: {  	s11 =	sadd.s32 $0x10, s0;
	[sflag:s5] =	ssyncset.done @!p1 $0x0  }
0x6c: {  	s7 =	simm.s32 @!p1 $0x1;
	[sflag:s5] =	ssyncadd.s32 @!p1 $0xFFFF6000;
	s5 =	simm.s32 @!p1 $0x140  }
0x6d: {  	[spmem:s19] =	stream.indirect.scatter.add.f32 @!p1 [tilespmem:s6], [sflag:$0x1], $0x80, s4, s5, $0xb8;
	[tilespmem:$0x1DA00] =	vst v63  }
0x6e: {  	p2 =	sgt.u32 s11, $0x1F3;
	s5 =	simm.s32 $0x20;
	_ =	swait.ge @!p1 [sflag:s7], $0xA000  }
0x6f: {  	s4 =	sadd.s32 $0x14000, s20;
	s6 =	sadd.s32 $0x280, s31;
	[sflag:s7] =	ssyncset.done @!p1 $0x0  }
.LBB2_2:
0x70: {  	s8 =	simm.s32 @!p2 $0x0;
	s9 =	simm.s32 @!p2 $0x2;
	[sflag:s7] =	ssyncadd.s32 @!p1 $0xFFFF6000  }
0x71: {  	[tilespmem:s8], [sflag:$0x2] =	stream.linear.gather @!p2 [hbm4b:s6+s8], $0x140, $0x38;
	[tilespmem:$0x1DA00] =	vst v63  }
0x72: {  	s10 =	smov.u32 s5;
	s5 =	sadd.s32 $0x10, s5;
	_ =	swait.ge @!p2 [sflag:s9], $0x140  }
0x73: {  	p1 =	por p2, p2;
	p3 =	sne.s32 s5, $0x200;
	[sflag:s9] =	ssyncset.done @!p2 $0x0  }
0x74: {  	s11 =	simm.s32 @!p1 $0x180;
	[sflag:s9] =	ssyncadd.s32 @!p1 $0xFFFFFEC0  }
0x75: {  	[tilespmem:s11], [sflag:$0x2] =	stream.linear.gather @!p1 [hbm4b:s4+s8], $0xA000, $0x38;
	[tilespmem:$0x1DA00] =	vst v63  }
0x76: {  	_ =	swait.ge @!p1 [sflag:s9], $0xA000  }
.Ltmp0:
0x77: {  	[sflag:s9] =	ssyncset.done @!p1 $0x0;
	(pc) =	sbr.rel @p3 .LBB2_2-.Ltmp0, $4  }
0x78: {  	s7 =	simm.s32 @!p1 $0x1;
	[sflag:s9] =	ssyncadd.s32 @!p1 $0xFFFF6000;
	s9 =	simm.s32 @!p1 $0x140  }
0x79: {  	[spmem:s19] =	stream.indirect.scatter.add.f32 @!p1 [tilespmem:s11], [sflag:$0x1], $0x80, s8, s9, $0xb8;
	[tilespmem:$0x1DA00] =	vst v63  }
0x7a: {  	s4 =	sadd.s32 $0x14000, s4;
	s8 =	sadd.s32 s10, s0;
	_ =	swait.ge @!p1 [sflag:s7], $0xA000  }
0x7b: {  	s6 =	sadd.s32 $0x280, s6;
	p2 =	sgt.u32 s8, $0x1F3;
	[sflag:s7] =	ssyncset.done @!p1 $0x0  }
0x7c: {  	s5 =	simm.s32 @!p2 $0x0;
	[sflag:s7] =	ssyncadd.s32 @!p1 $0xFFFF6000;
	s7 =	simm.s32 @!p2 $0x2  }
0x7d: {  	[tilespmem:s5], [sflag:$0x2] =	stream.linear.gather @!p2 [hbm4b:s6+s5], $0x140, $0x38;
	[tilespmem:$0x1DA00] =	vst v63  }
0x7e: {  	_ =	swait.ge @!p2 [sflag:s7], $0x140  }
0x7f: {  	p1 =	por p2, p2;
	[sflag:s7] =	ssyncset.done @!p2 $0x0  }
0x80: {  	s6 =	simm.s32 @!p1 $0x180;
	[sflag:s7] =	ssyncadd.s32 @!p1 $0xFFFFFEC0  }
0x81: {  	[tilespmem:s6], [sflag:$0x2] =	stream.linear.gather @!p1 [hbm4b:s4+s5], $0xA000, $0x38;
	[tilespmem:$0x1DA00] =	vst v63  }
0x82: {  	_ =	swait.ge @!p1 [sflag:s7], $0xA000  }
0x83: {  	[sflag:s7] =	ssyncset.done @!p1 $0x0  }
0x84: {  	s4 =	simm.s32 @!p1 $0x140;
	[sflag:s7] =	ssyncadd.s32 @!p1 $0xFFFF6000  }
0x85: {  	[spmem:s19] =	stream.indirect.scatter.add.f32 @!p1 [tilespmem:s6], [sflag:$0x1], $0x80, s5, s4, $0xb8;
	[tilespmem:$0x1DA00] =	vst v63  }
0x86: {  	s4 =	simm.s32 @!p1 $0x1  }
0x87: {  	_ =	swait.ge @!p1 [sflag:s4], $0xA000  }
0x88: {  	[sflag:s4] =	ssyncset.done @!p1 $0x0  }
0x89: {  	[sflag:s4] =	ssyncadd.s32 @!p1 $0xFFFF6000  }
0x8a: {  	[bflag:$0x0] =	sbarrier.arrive $0xFFFF  }
0x8b: {  	[tilespmem:s17], [sflag:$0x1] =	stream.linear.gather [spmem:s21], $0x2800, $0x38;
	[tilespmem:$0x1DA00] =	vst v63  }
0x8c: {  	_ =	swait.ge [sflag:s2], $0x2800  }
0x8d: {  	[sflag:s2] =	ssyncset.done $0x0  }
0x8e: {  	s10 =	rddreg [dreg:$0xc];
	[sflag:s2] =	ssyncadd.s32 $0xFFFFD800  }
0x8f: {  	[hbm4b:s10+s1] =	stream.linear.scatter [tilespmem:s17], [sflag:$0x1], $0x2800, $0x38;
	[tilespmem:$0x1DA00] =	vst v63  }
0x90: {  	_ =	swait.ge [sflag:s2], $0x2800  }
0x91: {  	[sflag:s2] =	ssyncset.done $0x0  }
0x92: {  	[sflag:s2] =	ssyncadd.s32 $0xFFFFD800  }
0x93: {  	[tilespmem:s17], [sflag:$0x1] =	stream.linear.gather [spmem:s22], $0x2800, $0x38;
	[tilespmem:$0x1DA00] =	vst v63  }
0x94: {  	_ =	swait.ge [sflag:s2], $0x2800  }
0x95: {  	[sflag:s2] =	ssyncset.done $0x0  }
0x96: {  	s11 =	rddreg [dreg:$0xd];
	[sflag:s2] =	ssyncadd.s32 $0xFFFFD800  }
0x97: {  	[hbm4b:s11+s1] =	stream.linear.scatter [tilespmem:s17], [sflag:$0x1], $0x2800, $0x38;
	[tilespmem:$0x1DA00] =	vst v63  }
0x98: {  	_ =	swait.ge [sflag:s2], $0x2800  }
0x99: {  	[sflag:s2] =	ssyncset.done $0x0  }
0x9a: {  	[sflag:s2] =	ssyncadd.s32 $0xFFFFD800  }
0x9b: {  	[tilespmem:s17], [sflag:$0x1] =	stream.linear.gather [spmem:s23], $0x2800, $0x38;
	[tilespmem:$0x1DA00] =	vst v63  }
0x9c: {  	_ =	swait.ge [sflag:s2], $0x2800  }
0x9d: {  	[sflag:s2] =	ssyncset.done $0x0  }
0x9e: {  	[sflag:s2] =	ssyncadd.s32 $0xFFFFD800  }
0x9f: {  	[hbm4b:s12+s1] =	stream.linear.scatter [tilespmem:s17], [sflag:$0x1], $0x2800, $0x38;
	[tilespmem:$0x1DA00] =	vst v63  }
0xa0: {  	_ =	swait.ge [sflag:s2], $0x2800  }
0xa1: {  	[sflag:s2] =	ssyncset.done $0x0  }
0xa2: {  	[sflag:s2] =	ssyncadd.s32 $0xFFFFD800  }
0xa3: {  	[tilespmem:s17], [sflag:$0x1] =	stream.linear.gather [spmem:s24], $0x2800, $0x38;
	[tilespmem:$0x1DA00] =	vst v63  }
0xa4: {  	_ =	swait.ge [sflag:s2], $0x2800  }
0xa5: {  	[sflag:s2] =	ssyncset.done $0x0  }
0xa6: {  	[sflag:s2] =	ssyncadd.s32 $0xFFFFD800  }
0xa7: {  	[hbm4b:s13+s1] =	stream.linear.scatter [tilespmem:s17], [sflag:$0x1], $0x2800, $0x38;
	[tilespmem:$0x1DA00] =	vst v63  }
0xa8: {  	_ =	swait.ge [sflag:s2], $0x2800  }
0xa9: {  	[sflag:s2] =	ssyncset.done $0x0  }
0xaa: {  	[sflag:s2] =	ssyncadd.s32 $0xFFFFD800  }
0xab: {  	[tilespmem:s17], [sflag:$0x1] =	stream.linear.gather [spmem:s25], $0x2800, $0x38;
	[tilespmem:$0x1DA00] =	vst v63  }
0xac: {  	_ =	swait.ge [sflag:s2], $0x2800  }
0xad: {  	[sflag:s2] =	ssyncset.done $0x0  }
0xae: {  	[sflag:s2] =	ssyncadd.s32 $0xFFFFD800  }
0xaf: {  	[hbm4b:s14+s1] =	stream.linear.scatter [tilespmem:s17], [sflag:$0x1], $0x2800, $0x38;
	[tilespmem:$0x1DA00] =	vst v63  }
0xb0: {  	_ =	swait.ge [sflag:s2], $0x2800  }
0xb1: {  	[sflag:s2] =	ssyncset.done $0x0  }
0xb2: {  	[sflag:s2] =	ssyncadd.s32 $0xFFFFD800  }
0xb3: {  	[tilespmem:s17], [sflag:$0x1] =	stream.linear.gather [spmem:s26], $0x2800, $0x38;
	[tilespmem:$0x1DA00] =	vst v63  }
0xb4: {  	_ =	swait.ge [sflag:s2], $0x2800  }
0xb5: {  	[sflag:s2] =	ssyncset.done $0x0  }
0xb6: {  	[sflag:s2] =	ssyncadd.s32 $0xFFFFD800  }
0xb7: {  	[hbm4b:s15+s1] =	stream.linear.scatter [tilespmem:s17], [sflag:$0x1], $0x2800, $0x38;
	[tilespmem:$0x1DA00] =	vst v63  }
0xb8: {  	_ =	swait.ge [sflag:s2], $0x2800  }
0xb9: {  	[sflag:s2] =	ssyncset.done $0x0  }
0xba: {  	[sflag:s2] =	ssyncadd.s32 $0xFFFFD800  }
0xbb: {  	[tilespmem:s17], [sflag:$0x1] =	stream.linear.gather [spmem:s28], $0x2800, $0x38;
	[tilespmem:$0x1DA00] =	vst v63  }
0xbc: {  	_ =	swait.ge [sflag:s2], $0x2800  }
0xbd: {  	[sflag:s2] =	ssyncset.done $0x0  }
0xbe: {  	[sflag:s2] =	ssyncadd.s32 $0xFFFFD800  }
0xbf: {  	[hbm4b:s16+s1] =	stream.linear.scatter [tilespmem:s17], [sflag:$0x1], $0x2800, $0x38;
	[tilespmem:$0x1DA00] =	vst v63  }
0xc0: {  	_ =	swait.ge [sflag:s2], $0x2800  }
0xc1: {  	[sflag:s2] =	ssyncset.done $0x0  }
0xc2: {  	s5 =	simm.s32 @!p0 $0x1;
	s4 =	simm.s32 @!p0 $0x180;
	[sflag:s2] =	ssyncadd.s32 $0xFFFFD800  }
0xc3: {  	[tilespmem:s4], [sflag:$0x1] =	stream.linear.gather @!p0 [spmem:s29], $0x2800, $0x38;
	[tilespmem:$0x1DA00] =	vst v63  }
0xc4: {  	s3 =	sadd.s32 $0x1, s3;
	_ =	swait.ge @!p0 [sflag:s5], $0x2800  }
0xc5: {  	p1 =	sne.s32 s3, s30;
	[sflag:s5] =	ssyncset.done @!p0 $0x0  }
.Ltmp1:
0xc6: {  	s6 =	simm.s32 @!p0 $0x0;
	[sflag:s5] =	ssyncadd.s32 @!p0 $0xFFFFD800;
	(pc) =	sbr.rel @p1 .LBB2_1-.Ltmp1, $4  }
0xc7: {  	[hbm4b:s18+s6] =	stream.linear.scatter @!p0 [tilespmem:s4], [sflag:$0x1], $0x2800, $0x38;
	[tilespmem:$0x1DA00] =	vst v63  }
0xc8: {  	_ =	swait.ge @!p0 [sflag:s5], $0x2800  }
0xc9: {  	[sflag:s5] =	ssyncset.done @!p0 $0x0  }
0xca: {  	[sflag:s5] =	ssyncadd.s32 @!p0 $0xFFFFD800  }
0xcb: {  	_ =	sfence.sel $0x180000  }
0xcc: {  	[bflag:$0x0] =	sbarrier.arrive $0xFFFF  }
0xcd: {  	_ =	strace $0x90000050  }
0xce: {  	[bflag:$0x2] =	sbarrier.arrive $0xFFFF  }
0xcf: {  	p0 =	sne.s32 s0, $0x0;
	s0 =	rddreg [dreg:$0x3]  }
0xd0: {  	s0 =	sadd.s32 @!p0 $0x100000, s0  }
0xd1: {  	[sflag:s0] =	ssyncadd.tile.s32 @!p0 $0x1;
	_ =	shalt  }
.Lfunc_end2:
_tile_overlayer_lowered:
.L_overlay_start_2:
0xd2: {  	(tag) =	ssettag $0x2  }
0xd3: {  	s0 =	rddreg [dreg:$0x0];
	s2 =	stileid.u32  }
0xd4: {  	s1 =	rddreg [dreg:$0x1];
	p0 =	sne.s32 s2, $0x0  }
0xd5: {  	s3 =	rddreg [dreg:$0x2];
	[bflag:$0x3] =	sbarrier.arrive $0xFFFF;
	s2 =	simm.s32 @!p0 $0x1C01  }
0xd6: {  	[timem:s3], [sflag:s2] =	dma.local @!p0 [hbm:s0], s1  }
0xd7: {  	s0 =	simm.s32 @!p0 $0x1  }
0xd8: {  	_ =	swait.ge @!p0 [sflag:s0], s1  }
0xd9: {  	s1 =	ssub.s32 @!p0 $0x0, s1;
	[sflag:s0] =	ssyncset.done @!p0 $0x0  }
0xda: {  	[sflag:s0] =	ssyncadd.s32 @!p0 s1  }
0xdb: {  	[bflag:$0x3] =	sbarrier.arrive $0xFFFF  }
0xdc: {  	_ =	shalt  }

</sc_bundles>
